<compile_context>
chip_gen: v7x
topology: tpu7x:2x2x1
jax: 0.10.2.dev20260603
libtpu: 0.0.44.dev20260713+nightly
codegen_flags: <defaults>
</compile_context>

<pallas_src>
import functools

import jax
import jax.numpy as jnp
from jax import lax
from jax.experimental import pallas as pl
from jax.experimental.pallas import tpu as pltpu
from jax.experimental.pallas import tpu_sc as plsc

NUM_ENTITIES = 100000
NUM_RELATIONS = 1000
D = 128
B = 16384
L = 16

NC = 2
NS = 16
NW = NC * NS
RPW = B // NW
CHUNK = 128
NCHUNK = RPW // CHUNK
NBUF = 2


def _body(h_hbm, r_hbm, t_hbm, ent_hbm, rel_hbm, out_hbm,
          ihall, irall, itall,
          hrow0, rrow0, trow0, hrow1, rrow1, trow1,
          ih0, ir0, it0, ih1, ir1, it1,
          pacc, outbuf, sem0, sem1):
    wid = lax.axis_index("s") * NC + lax.axis_index("c")
    base = wid * RPW
    lane = lax.iota(jnp.int32, L)
    colbase = lane * L

    icps = []
    for c in range(NCHUNK):
        sl = pl.ds(base + c * CHUNK, CHUNK)
        icps += [pltpu.make_async_copy(h_hbm.at[sl], ihall.at[c], sem0),
                 pltpu.make_async_copy(r_hbm.at[sl], irall.at[c], sem0),
                 pltpu.make_async_copy(t_hbm.at[sl], itall.at[c], sem0)]
    for cp in icps:
        cp.start()
    for cp in icps:
        cp.wait()

    bufs = [(hrow0, rrow0, trow0), (hrow1, rrow1, trow1)]
    idxs = [(ih0, ir0, it0), (ih1, ir1, it1)]
    sems = [sem0, sem1]

    def fire(c, b):
        hb, rb, tb = bufs[b]
        ih, ir, it = idxs[b]
        s = sems[b]
        for k in range(CHUNK // L):
            kl = pl.ds(k * L, L)
            ih[kl] = ihall[c, kl]
            ir[kl] = irall[c, kl]
            it[kl] = itall[c, kl]
        for cp in (pltpu.make_async_copy(ent_hbm.at[ih], hb, s),
                   pltpu.make_async_copy(rel_hbm.at[ir], rb, s),
                   pltpu.make_async_copy(ent_hbm.at[it], tb, s)):
            cp.start()

    def wait_buf(b):
        hb, rb, tb = bufs[b]
        s = sems[b]
        for cp in (pltpu.make_async_copy(ent_hbm.at[ihall.at[0]], hb, s),
                   pltpu.make_async_copy(rel_hbm.at[irall.at[0]], rb, s),
                   pltpu.make_async_copy(ent_hbm.at[itall.at[0]], tb, s)):
            cp.wait()

    def compute(c, b):
        hb, rb, tb = bufs[b]
        off = c * CHUNK

        def group_body(g, _):
            rowbase = g * L
            for j in range(L):
                row = rowbase + j
                m = [hb[row, pl.ds(k * L, L)]
                     * rb[row, pl.ds(k * L, L)]
                     * tb[row, pl.ds(k * L, L)]
                     for k in range(D // L)]
                a0 = m[0] + m[1]
                a1 = m[2] + m[3]
                a2 = m[4] + m[5]
                a3 = m[6] + m[7]
                pacc[pl.ds(j * L, L)] = (a0 + a1) + (a2 + a3)
            s = plsc.load_gather(pacc, [colbase])
            for l in range(1, L):
                s = s + plsc.load_gather(pacc, [colbase + l])
            outbuf[pl.ds(off + rowbase, L)] = s
            return 0

        lax.fori_loop(0, CHUNK // L, group_body, 0)

    fire(0, 0)
    fire(1, 1)

    def pair_body(i, _):
        c0 = 2 * i
        wait_buf(0)
        compute(c0, 0)

        @pl.when(c0 + 2 < NCHUNK)
        def _():
            fire(c0 + 2, 0)

        wait_buf(1)
        compute(c0 + 1, 1)

        @pl.when(c0 + 3 < NCHUNK)
        def _():
            fire(c0 + 3, 1)

        return 0

    lax.fori_loop(0, NCHUNK // 2, pair_body, 0)

    pltpu.sync_copy(outbuf, out_hbm.at[pl.ds(base, RPW)])


def _distmult_sc(h, r, t, ent, rel):
    mesh = plsc.VectorSubcoreMesh(core_axis_name="c", subcore_axis_name="s")
    k = functools.partial(
        pl.kernel,
        out_type=jax.ShapeDtypeStruct((B,), jnp.float32),
        mesh=mesh,
        compiler_params=pltpu.CompilerParams(needs_layout_passes=False),
        scratch_types=[
            pltpu.VMEM((NCHUNK, CHUNK), jnp.int32),
            pltpu.VMEM((NCHUNK, CHUNK), jnp.int32),
            pltpu.VMEM((NCHUNK, CHUNK), jnp.int32),
            pltpu.VMEM((CHUNK, D), jnp.float32),
            pltpu.VMEM((CHUNK, D), jnp.float32),
            pltpu.VMEM((CHUNK, D), jnp.float32),
            pltpu.VMEM((CHUNK, D), jnp.float32),
            pltpu.VMEM((CHUNK, D), jnp.float32),
            pltpu.VMEM((CHUNK, D), jnp.float32),
            pltpu.VMEM((CHUNK,), jnp.int32),
            pltpu.VMEM((CHUNK,), jnp.int32),
            pltpu.VMEM((CHUNK,), jnp.int32),
            pltpu.VMEM((CHUNK,), jnp.int32),
            pltpu.VMEM((CHUNK,), jnp.int32),
            pltpu.VMEM((CHUNK,), jnp.int32),
            pltpu.VMEM((L * L,), jnp.float32),
            pltpu.VMEM((RPW,), jnp.float32),
            pltpu.SemaphoreType.DMA,
            pltpu.SemaphoreType.DMA,
        ],
    )(_body)
    return k(h, r, t, ent, rel)


def kernel(h, r, t, entity_embeddings, relation_embeddings):
    h = jnp.asarray(h, jnp.int32)
    r = jnp.asarray(r, jnp.int32)
    t = jnp.asarray(t, jnp.int32)
    return _distmult_sc(h, r, t, entity_embeddings, relation_embeddings)

# --- scband reference (transcript-rebuilt; emitter-appended) ---
"""Pipeline reference for scband-dist-mult-uncertainty-41652592837341 (READ-ONLY COPY).

The authoritative reference and input builder live on the scoring server;
editing this copy changes nothing except your own understanding.
"""

import jax, jax.numpy as jnp
import numpy as np

NUM_ENTITIES = 100000
NUM_RELATIONS = 1000
EMBED_DIM = 128
BATCH = 16384


def setup_inputs(seed: int = 0) -> dict:
    key = jax.random.key(seed)
    k1, k2, k3, k4, k5 = jax.random.split(key, 5)
    h = jax.random.randint(k1, (BATCH,), 0, NUM_ENTITIES, dtype=jnp.int64 if jax.config.jax_enable_x64 else jnp.int32)
    r = jax.random.randint(k2, (BATCH,), 0, NUM_RELATIONS, dtype=jnp.int64 if jax.config.jax_enable_x64 else jnp.int32)
    t = jax.random.randint(k3, (BATCH,), 0, NUM_ENTITIES, dtype=jnp.int64 if jax.config.jax_enable_x64 else jnp.int32)
    entity_embeddings = jax.random.normal(k4, (NUM_ENTITIES, EMBED_DIM), dtype=jnp.float32)
    relation_embeddings = jax.random.normal(k5, (NUM_RELATIONS, EMBED_DIM), dtype=jnp.float32)
    return {"h": h, "r": r, "t": t, "entity_embeddings": entity_embeddings, "relation_embeddings": relation_embeddings}


def reference(h, r, t, entity_embeddings, relation_embeddings):
    head_embedding = jnp.take(entity_embeddings, h, axis=0)
    relation_embedding = jnp.take(relation_embeddings, r, axis=0)
    tail_embedding = jnp.take(entity_embeddings, t, axis=0)
    return jnp.sum(head_embedding * relation_embedding * tail_embedding, axis=1)

if __name__ == "__main__":
    import jax
    _d = setup_inputs()
    print(jax.jit(kernel)(*tuple(_d.values())))

</pallas_src>

<mosaic_0001>
#map = affine_map<(d0, d1) -> (0)>
#map1 = affine_map<(d0, d1) -> (0, 0)>
module attributes {stable_mosaic.version = 14 : i64} {
  func.func @_body(%arg0: i32, %arg1: i32, %arg2: memref<16384xi32, #tpu.memory_space<hbm>>, %arg3: memref<16384xi32, #tpu.memory_space<hbm>>, %arg4: memref<16384xi32, #tpu.memory_space<hbm>>, %arg5: memref<100000x128xf32, #tpu.memory_space<hbm>>, %arg6: memref<1000x128xf32, #tpu.memory_space<hbm>>, %arg7: memref<16384xf32, #tpu.memory_space<hbm>>, %arg8: memref<4x128xi32, #tpu.memory_space<vmem>>, %arg9: memref<4x128xi32, #tpu.memory_space<vmem>>, %arg10: memref<4x128xi32, #tpu.memory_space<vmem>>, %arg11: memref<128x128xf32, #tpu.memory_space<vmem>>, %arg12: memref<128x128xf32, #tpu.memory_space<vmem>>, %arg13: memref<128x128xf32, #tpu.memory_space<vmem>>, %arg14: memref<128x128xf32, #tpu.memory_space<vmem>>, %arg15: memref<128x128xf32, #tpu.memory_space<vmem>>, %arg16: memref<128x128xf32, #tpu.memory_space<vmem>>, %arg17: memref<128xi32, #tpu.memory_space<vmem>>, %arg18: memref<128xi32, #tpu.memory_space<vmem>>, %arg19: memref<128xi32, #tpu.memory_space<vmem>>, %arg20: memref<128xi32, #tpu.memory_space<vmem>>, %arg21: memref<128xi32, #tpu.memory_space<vmem>>, %arg22: memref<128xi32, #tpu.memory_space<vmem>>, %arg23: memref<256xf32, #tpu.memory_space<vmem>>, %arg24: memref<512xf32, #tpu.memory_space<vmem>>, %arg25: memref<!tpu.dma_semaphore, #tpu.memory_space<semaphore_mem>>, %arg26: memref<!tpu.dma_semaphore, #tpu.memory_space<semaphore_mem>>) attributes {dimension_semantics = [#tpu.dimension_semantics<core_parallel>, #tpu.dimension_semantics<subcore_parallel>], iteration_bounds = array<i64: 2, 16>, scalar_prefetch = 0 : i64, scratch_operands = 19 : i64, tpu.core_type = #tpu.core_type<sc_vector_subcore>, window_params = [{transform_indices = #map}, {transform_indices = #map}, {transform_indices = #map}, {transform_indices = #map1}, {transform_indices = #map1}, {transform_indices = #map}]} {
    %mul3A = arith.constant 2 : i32
    %mul3A_0 = arith.muli %arg1, %mul3A : i32
    %add3A = arith.addi %mul3A_0, %arg0 : i32
    %mul3A_1 = arith.constant 512 : i32
    %mul3A_2 = arith.muli %add3A, %mul3A_1 : i32
    %iota3A = tpu.iota {dimensions = array<i32: 0>} : vector<16xi32>
    %mul3A_3 = arith.constant 16 : i32
    %mul3A_4 = vector.broadcast %mul3A_3 : i32 to vector<16xi32>
    %mul3A_5 = arith.muli %iota3A, %mul3A_4 : vector<16xi32>
    %add3A_6 = arith.constant 0 : i32
    %add3A_7 = arith.addi %mul3A_2, %add3A_6 : i32
    %add3A_8 = arith.constant 128 : i32
    %add3A_9 = arith.addi %mul3A_2, %add3A_8 : i32
    %add3A_10 = arith.constant 256 : i32
    %add3A_11 = arith.addi %mul3A_2, %add3A_10 : i32
    %add3A_12 = arith.constant 384 : i32
    %add3A_13 = arith.addi %mul3A_2, %add3A_12 : i32
    %dma_start3A = arith.constant 0 : i32
    %dma_start3A_14 = arith.constant 0 : i32
    %dma_start3A_15 = tpu.memref_slice %arg8[%dma_start3A, %dma_start3A_14] : memref<4x128xi32, #tpu.memory_space<vmem>> -> memref<1x128xi32, #tpu.memory_space<vmem>>
    %dma_start3A_16 = tpu.memref_squeeze %dma_start3A_15 : memref<1x128xi32, #tpu.memory_space<vmem>> -> memref<128xi32, #tpu.memory_space<vmem>>
    %dma_start3A_17 = tpu.memref_slice %arg2[%add3A_7] : memref<16384xi32, #tpu.memory_space<hbm>> -> memref<128xi32, #tpu.memory_space<hbm>>
    %dma_start3A_18 = arith.constant 0 : i32
    %dma_start3A_19 = tpu.memref_slice %arg8[%dma_start3A, %dma_start3A_18] : memref<4x128xi32, #tpu.memory_space<vmem>> -> memref<1x128xi32, #tpu.memory_space<vmem>>
    %dma_start3A_20 = tpu.memref_squeeze %dma_start3A_19 : memref<1x128xi32, #tpu.memory_space<vmem>> -> memref<128xi32, #tpu.memory_space<vmem>>
    %dma_start3A_21 = tpu.memref_slice %arg2[%add3A_7] : memref<16384xi32, #tpu.memory_space<hbm>> -> memref<128xi32, #tpu.memory_space<hbm>>
    tpu.enqueue_dma source(%dma_start3A_21 : memref<128xi32, #tpu.memory_space<hbm>>) target(%dma_start3A_20 : memref<128xi32, #tpu.memory_space<vmem>>) target_semaphore(%arg25 : memref<!tpu.dma_semaphore, #tpu.memory_space<semaphore_mem>>)
    %dma_start3A_22 = arith.constant 0 : i32
    %dma_start3A_23 = arith.constant 0 : i32
    %dma_start3A_24 = tpu.memref_slice %arg9[%dma_start3A_22, %dma_start3A_23] : memref<4x128xi32, #tpu.memory_space<vmem>> -> memref<1x128xi32, #tpu.memory_space<vmem>>
    %dma_start3A_25 = tpu.memref_squeeze %dma_start3A_24 : memref<1x128xi32, #tpu.memory_space<vmem>> -> memref<128xi32, #tpu.memory_space<vmem>>
    %dma_start3A_26 = tpu.memref_slice %arg3[%add3A_7] : memref<16384xi32, #tpu.memory_space<hbm>> -> memref<128xi32, #tpu.memory_space<hbm>>
    %dma_start3A_27 = arith.constant 0 : i32
    %dma_start3A_28 = tpu.memref_slice %arg9[%dma_start3A_22, %dma_start3A_27] : memref<4x128xi32, #tpu.memory_space<vmem>> -> memref<1x128xi32, #tpu.memory_space<vmem>>
    %dma_start3A_29 = tpu.memref_squeeze %dma_start3A_28 : memref<1x128xi32, #tpu.memory_space<vmem>> -> memref<128xi32, #tpu.memory_space<vmem>>
    %dma_start3A_30 = tpu.memref_slice %arg3[%add3A_7] : memref<16384xi32, #tpu.memory_space<hbm>> -> memref<128xi32, #tpu.memory_space<hbm>>
    tpu.enqueue_dma source(%dma_start3A_30 : memref<128xi32, #tpu.memory_space<hbm>>) target(%dma_start3A_29 : memref<128xi32, #tpu.memory_space<vmem>>) target_semaphore(%arg25 : memref<!tpu.dma_semaphore, #tpu.memory_space<semaphore_mem>>)
    %dma_start3A_31 = arith.constant 0 : i32
    %dma_start3A_32 = arith.constant 0 : i32
    %dma_start3A_33 = tpu.memref_slice %arg10[%dma_start3A_31, %dma_start3A_32] : memref<4x128xi32, #tpu.memory_space<vmem>> -> memref<1x128xi32, #tpu.memory_space<vmem>>
    %dma_start3A_34 = tpu.memref_squeeze %dma_start3A_33 : memref<1x128xi32, #tpu.memory_space<vmem>> -> memref<128xi32, #tpu.memory_space<vmem>>
    %dma_start3A_35 = tpu.memref_slice %arg4[%add3A_7] : memref<16384xi32, #tpu.memory_space<hbm>> -> memref<128xi32, #tpu.memory_space<hbm>>
    %dma_start3A_36 = arith.constant 0 : i32
    %dma_start3A_37 = tpu.memref_slice %arg10[%dma_start3A_31, %dma_start3A_36] : memref<4x128xi32, #tpu.memory_space<vmem>> -> memref<1x128xi32, #tpu.memory_space<vmem>>
    %dma_start3A_38 = tpu.memref_squeeze %dma_start3A_37 : memref<1x128xi32, #tpu.memory_space<vmem>> -> memref<128xi32, #tpu.memory_space<vmem>>
    %dma_start3A_39 = tpu.memref_slice %arg4[%add3A_7] : memref<16384xi32, #tpu.memory_space<hbm>> -> memref<128xi32, #tpu.memory_space<hbm>>
    tpu.enqueue_dma source(%dma_start3A_39 : memref<128xi32, #tpu.memory_space<hbm>>) target(%dma_start3A_38 : memref<128xi32, #tpu.memory_space<vmem>>) target_semaphore(%arg25 : memref<!tpu.dma_semaphore, #tpu.memory_space<semaphore_mem>>)
    %dma_start3A_40 = arith.constant 1 : i32
    %dma_start3A_41 = arith.constant 0 : i32
    %dma_start3A_42 = tpu.memref_slice %arg8[%dma_start3A_40, %dma_start3A_41] : memref<4x128xi32, #tpu.memory_space<vmem>> -> memref<1x128xi32, #tpu.memory_space<vmem>>
    %dma_start3A_43 = tpu.memref_squeeze %dma_start3A_42 : memref<1x128xi32, #tpu.memory_space<vmem>> -> memref<128xi32, #tpu.memory_space<vmem>>
    %dma_start3A_44 = tpu.memref_slice %arg2[%add3A_9] : memref<16384xi32, #tpu.memory_space<hbm>> -> memref<128xi32, #tpu.memory_space<hbm>>
    %dma_start3A_45 = arith.constant 0 : i32
    %dma_start3A_46 = tpu.memref_slice %arg8[%dma_start3A_40, %dma_start3A_45] : memref<4x128xi32, #tpu.memory_space<vmem>> -> memref<1x128xi32, #tpu.memory_space<vmem>>
    %dma_start3A_47 = tpu.memref_squeeze %dma_start3A_46 : memref<1x128xi32, #tpu.memory_space<vmem>> -> memref<128xi32, #tpu.memory_space<vmem>>
    %dma_start3A_48 = tpu.memref_slice %arg2[%add3A_9] : memref<16384xi32, #tpu.memory_space<hbm>> -> memref<128xi32, #tpu.memory_space<hbm>>
    tpu.enqueue_dma source(%dma_start3A_48 : memref<128xi32, #tpu.memory_space<hbm>>) target(%dma_start3A_47 : memref<128xi32, #tpu.memory_space<vmem>>) target_semaphore(%arg25 : memref<!tpu.dma_semaphore, #tpu.memory_space<semaphore_mem>>)
    %dma_start3A_49 = arith.constant 1 : i32
    %dma_start3A_50 = arith.constant 0 : i32
    %dma_start3A_51 = tpu.memref_slice %arg9[%dma_start3A_49, %dma_start3A_50] : memref<4x128xi32, #tpu.memory_space<vmem>> -> memref<1x128xi32, #tpu.memory_space<vmem>>
    %dma_start3A_52 = tpu.memref_squeeze %dma_start3A_51 : memref<1x128xi32, #tpu.memory_space<vmem>> -> memref<128xi32, #tpu.memory_space<vmem>>
    %dma_start3A_53 = tpu.memref_slice %arg3[%add3A_9] : memref<16384xi32, #tpu.memory_space<hbm>> -> memref<128xi32, #tpu.memory_space<hbm>>
    %dma_start3A_54 = arith.constant 0 : i32
    %dma_start3A_55 = tpu.memref_slice %arg9[%dma_start3A_49, %dma_start3A_54] : memref<4x128xi32, #tpu.memory_space<vmem>> -> memref<1x128xi32, #tpu.memory_space<vmem>>
    %dma_start3A_56 = tpu.memref_squeeze %dma_start3A_55 : memref<1x128xi32, #tpu.memory_space<vmem>> -> memref<128xi32, #tpu.memory_space<vmem>>
    %dma_start3A_57 = tpu.memref_slice %arg3[%add3A_9] : memref<16384xi32, #tpu.memory_space<hbm>> -> memref<128xi32, #tpu.memory_space<hbm>>
    tpu.enqueue_dma source(%dma_start3A_57 : memref<128xi32, #tpu.memory_space<hbm>>) target(%dma_start3A_56 : memref<128xi32, #tpu.memory_space<vmem>>) target_semaphore(%arg25 : memref<!tpu.dma_semaphore, #tpu.memory_space<semaphore_mem>>)
    %dma_start3A_58 = arith.constant 1 : i32
    %dma_start3A_59 = arith.constant 0 : i32
    %dma_start3A_60 = tpu.memref_slice %arg10[%dma_start3A_58, %dma_start3A_59] : memref<4x128xi32, #tpu.memory_space<vmem>> -> memref<1x128xi32, #tpu.memory_space<vmem>>
    %dma_start3A_61 = tpu.memref_squeeze %dma_start3A_60 : memref<1x128xi32, #tpu.memory_space<vmem>> -> memref<128xi32, #tpu.memory_space<vmem>>
    %dma_start3A_62 = tpu.memref_slice %arg4[%add3A_9] : memref<16384xi32, #tpu.memory_space<hbm>> -> memref<128xi32, #tpu.memory_space<hbm>>
    %dma_start3A_63 = arith.constant 0 : i32
    %dma_start3A_64 = tpu.memref_slice %arg10[%dma_start3A_58, %dma_start3A_63] : memref<4x128xi32, #tpu.memory_space<vmem>> -> memref<1x128xi32, #tpu.memory_space<vmem>>
    %dma_start3A_65 = tpu.memref_squeeze %dma_start3A_64 : memref<1x128xi32, #tpu.memory_space<vmem>> -> memref<128xi32, #tpu.memory_space<vmem>>
    %dma_start3A_66 = tpu.memref_slice %arg4[%add3A_9] : memref<16384xi32, #tpu.memory_space<hbm>> -> memref<128xi32, #tpu.memory_space<hbm>>
    tpu.enqueue_dma source(%dma_start3A_66 : memref<128xi32, #tpu.memory_space<hbm>>) target(%dma_start3A_65 : memref<128xi32, #tpu.memory_space<vmem>>) target_semaphore(%arg25 : memref<!tpu.dma_semaphore, #tpu.memory_space<semaphore_mem>>)
    %dma_start3A_67 = arith.constant 2 : i32
    %dma_start3A_68 = arith.constant 0 : i32
    %dma_start3A_69 = tpu.memref_slice %arg8[%dma_start3A_67, %dma_start3A_68] : memref<4x128xi32, #tpu.memory_space<vmem>> -> memref<1x128xi32, #tpu.memory_space<vmem>>
    %dma_start3A_70 = tpu.memref_squeeze %dma_start3A_69 : memref<1x128xi32, #tpu.memory_space<vmem>> -> memref<128xi32, #tpu.memory_space<vmem>>
    %dma_start3A_71 = tpu.memref_slice %arg2[%add3A_11] : memref<16384xi32, #tpu.memory_space<hbm>> -> memref<128xi32, #tpu.memory_space<hbm>>
    %dma_start3A_72 = arith.constant 0 : i32
    %dma_start3A_73 = tpu.memref_slice %arg8[%dma_start3A_67, %dma_start3A_72] : memref<4x128xi32, #tpu.memory_space<vmem>> -> memref<1x128xi32, #tpu.memory_space<vmem>>
    %dma_start3A_74 = tpu.memref_squeeze %dma_start3A_73 : memref<1x128xi32, #tpu.memory_space<vmem>> -> memref<128xi32, #tpu.memory_space<vmem>>
    %dma_start3A_75 = tpu.memref_slice %arg2[%add3A_11] : memref<16384xi32, #tpu.memory_space<hbm>> -> memref<128xi32, #tpu.memory_space<hbm>>
    tpu.enqueue_dma source(%dma_start3A_75 : memref<128xi32, #tpu.memory_space<hbm>>) target(%dma_start3A_74 : memref<128xi32, #tpu.memory_space<vmem>>) target_semaphore(%arg25 : memref<!tpu.dma_semaphore, #tpu.memory_space<semaphore_mem>>)
    %dma_start3A_76 = arith.constant 2 : i32
    %dma_start3A_77 = arith.constant 0 : i32
    %dma_start3A_78 = tpu.memref_slice %arg9[%dma_start3A_76, %dma_start3A_77] : memref<4x128xi32, #tpu.memory_space<vmem>> -> memref<1x128xi32, #tpu.memory_space<vmem>>
    %dma_start3A_79 = tpu.memref_squeeze %dma_start3A_78 : memref<1x128xi32, #tpu.memory_space<vmem>> -> memref<128xi32, #tpu.memory_space<vmem>>
    %dma_start3A_80 = tpu.memref_slice %arg3[%add3A_11] : memref<16384xi32, #tpu.memory_space<hbm>> -> memref<128xi32, #tpu.memory_space<hbm>>
    %dma_start3A_81 = arith.constant 0 : i32
    %dma_start3A_82 = tpu.memref_slice %arg9[%dma_start3A_76, %dma_start3A_81] : memref<4x128xi32, #tpu.memory_space<vmem>> -> memref<1x128xi32, #tpu.memory_space<vmem>>
    %dma_start3A_83 = tpu.memref_squeeze %dma_start3A_82 : memref<1x128xi32, #tpu.memory_space<vmem>> -> memref<128xi32, #tpu.memory_space<vmem>>
    %dma_start3A_84 = tpu.memref_slice %arg3[%add3A_11] : memref<16384xi32, #tpu.memory_space<hbm>> -> memref<128xi32, #tpu.memory_space<hbm>>
    tpu.enqueue_dma source(%dma_start3A_84 : memref<128xi32, #tpu.memory_space<hbm>>) target(%dma_start3A_83 : memref<128xi32, #tpu.memory_space<vmem>>) target_semaphore(%arg25 : memref<!tpu.dma_semaphore, #tpu.memory_space<semaphore_mem>>)
    %dma_start3A_85 = arith.constant 2 : i32
    %dma_start3A_86 = arith.constant 0 : i32
    %dma_start3A_87 = tpu.memref_slice %arg10[%dma_start3A_85, %dma_start3A_86] : memref<4x128xi32, #tpu.memory_space<vmem>> -> memref<1x128xi32, #tpu.memory_space<vmem>>
    %dma_start3A_88 = tpu.memref_squeeze %dma_start3A_87 : memref<1x128xi32, #tpu.memory_space<vmem>> -> memref<128xi32, #tpu.memory_space<vmem>>
    %dma_start3A_89 = tpu.memref_slice %arg4[%add3A_11] : memref<16384xi32, #tpu.memory_space<hbm>> -> memref<128xi32, #tpu.memory_space<hbm>>
    %dma_start3A_90 = arith.constant 0 : i32
    %dma_start3A_91 = tpu.memref_slice %arg10[%dma_start3A_85, %dma_start3A_90] : memref<4x128xi32, #tpu.memory_space<vmem>> -> memref<1x128xi32, #tpu.memory_space<vmem>>
    %dma_start3A_92 = tpu.memref_squeeze %dma_start3A_91 : memref<1x128xi32, #tpu.memory_space<vmem>> -> memref<128xi32, #tpu.memory_space<vmem>>
    %dma_start3A_93 = tpu.memref_slice %arg4[%add3A_11] : memref<16384xi32, #tpu.memory_space<hbm>> -> memref<128xi32, #tpu.memory_space<hbm>>
    tpu.enqueue_dma source(%dma_start3A_93 : memref<128xi32, #tpu.memory_space<hbm>>) target(%dma_start3A_92 : memref<128xi32, #tpu.memory_space<vmem>>) target_semaphore(%arg25 : memref<!tpu.dma_semaphore, #tpu.memory_space<semaphore_mem>>)
    %dma_start3A_94 = arith.constant 3 : i32
    %dma_start3A_95 = arith.constant 0 : i32
    %dma_start3A_96 = tpu.memref_slice %arg8[%dma_start3A_94, %dma_start3A_95] : memref<4x128xi32, #tpu.memory_space<vmem>> -> memref<1x128xi32, #tpu.memory_space<vmem>>
    %dma_start3A_97 = tpu.memref_squeeze %dma_start3A_96 : memref<1x128xi32, #tpu.memory_space<vmem>> -> memref<128xi32, #tpu.memory_space<vmem>>
    %dma_start3A_98 = tpu.memref_slice %arg2[%add3A_13] : memref<16384xi32, #tpu.memory_space<hbm>> -> memref<128xi32, #tpu.memory_space<hbm>>
    %dma_start3A_99 = arith.constant 0 : i32
    %dma_start3A_100 = tpu.memref_slice %arg8[%dma_start3A_94, %dma_start3A_99] : memref<4x128xi32, #tpu.memory_space<vmem>> -> memref<1x128xi32, #tpu.memory_space<vmem>>
    %dma_start3A_101 = tpu.memref_squeeze %dma_start3A_100 : memref<1x128xi32, #tpu.memory_space<vmem>> -> memref<128xi32, #tpu.memory_space<vmem>>
    %dma_start3A_102 = tpu.memref_slice %arg2[%add3A_13] : memref<16384xi32, #tpu.memory_space<hbm>> -> memref<128xi32, #tpu.memory_space<hbm>>
    tpu.enqueue_dma source(%dma_start3A_102 : memref<128xi32, #tpu.memory_space<hbm>>) target(%dma_start3A_101 : memref<128xi32, #tpu.memory_space<vmem>>) target_semaphore(%arg25 : memref<!tpu.dma_semaphore, #tpu.memory_space<semaphore_mem>>)
    %dma_start3A_103 = arith.constant 3 : i32
    %dma_start3A_104 = arith.constant 0 : i32
    %dma_start3A_105 = tpu.memref_slice %arg9[%dma_start3A_103, %dma_start3A_104] : memref<4x128xi32, #tpu.memory_space<vmem>> -> memref<1x128xi32, #tpu.memory_space<vmem>>
    %dma_start3A_106 = tpu.memref_squeeze %dma_start3A_105 : memref<1x128xi32, #tpu.memory_space<vmem>> -> memref<128xi32, #tpu.memory_space<vmem>>
    %dma_start3A_107 = tpu.memref_slice %arg3[%add3A_13] : memref<16384xi32, #tpu.memory_space<hbm>> -> memref<128xi32, #tpu.memory_space<hbm>>
    %dma_start3A_108 = arith.constant 0 : i32
    %dma_start3A_109 = tpu.memref_slice %arg9[%dma_start3A_103, %dma_start3A_108] : memref<4x128xi32, #tpu.memory_space<vmem>> -> memref<1x128xi32, #tpu.memory_space<vmem>>
    %dma_start3A_110 = tpu.memref_squeeze %dma_start3A_109 : memref<1x128xi32, #tpu.memory_space<vmem>> -> memref<128xi32, #tpu.memory_space<vmem>>
    %dma_start3A_111 = tpu.memref_slice %arg3[%add3A_13] : memref<16384xi32, #tpu.memory_space<hbm>> -> memref<128xi32, #tpu.memory_space<hbm>>
    tpu.enqueue_dma source(%dma_start3A_111 : memref<128xi32, #tpu.memory_space<hbm>>) target(%dma_start3A_110 : memref<128xi32, #tpu.memory_space<vmem>>) target_semaphore(%arg25 : memref<!tpu.dma_semaphore, #tpu.memory_space<semaphore_mem>>)
    %dma_start3A_112 = arith.constant 3 : i32
    %dma_start3A_113 = arith.constant 0 : i32
    %dma_start3A_114 = tpu.memref_slice %arg10[%dma_start3A_112, %dma_start3A_113] : memref<4x128xi32, #tpu.memory_space<vmem>> -> memref<1x128xi32, #tpu.memory_space<vmem>>
    %dma_start3A_115 = tpu.memref_squeeze %dma_start3A_114 : memref<1x128xi32, #tpu.memory_space<vmem>> -> memref<128xi32, #tpu.memory_space<vmem>>
    %dma_start3A_116 = tpu.memref_slice %arg4[%add3A_13] : memref<16384xi32, #tpu.memory_space<hbm>> -> memref<128xi32, #tpu.memory_space<hbm>>
    %dma_start3A_117 = arith.constant 0 : i32
    %dma_start3A_118 = tpu.memref_slice %arg10[%dma_start3A_112, %dma_start3A_117] : memref<4x128xi32, #tpu.memory_space<vmem>> -> memref<1x128xi32, #tpu.memory_space<vmem>>
    %dma_start3A_119 = tpu.memref_squeeze %dma_start3A_118 : memref<1x128xi32, #tpu.memory_space<vmem>> -> memref<128xi32, #tpu.memory_space<vmem>>
    %dma_start3A_120 = tpu.memref_slice %arg4[%add3A_13] : memref<16384xi32, #tpu.memory_space<hbm>> -> memref<128xi32, #tpu.memory_space<hbm>>
    tpu.enqueue_dma source(%dma_start3A_120 : memref<128xi32, #tpu.memory_space<hbm>>) target(%dma_start3A_119 : memref<128xi32, #tpu.memory_space<vmem>>) target_semaphore(%arg25 : memref<!tpu.dma_semaphore, #tpu.memory_space<semaphore_mem>>)
    %dma_wait3A = arith.constant 0 : i32
    %dma_wait3A_121 = arith.constant 0 : i32
    %dma_wait3A_122 = tpu.memref_slice %arg8[%dma_wait3A, %dma_wait3A_121] : memref<4x128xi32, #tpu.memory_space<vmem>> -> memref<1x128xi32, #tpu.memory_space<vmem>>
    %dma_wait3A_123 = tpu.memref_squeeze %dma_wait3A_122 : memref<1x128xi32, #tpu.memory_space<vmem>> -> memref<128xi32, #tpu.memory_space<vmem>>
    %dma_wait3A_124 = tpu.memref_slice %arg2[%add3A_7] : memref<16384xi32, #tpu.memory_space<hbm>> -> memref<128xi32, #tpu.memory_space<hbm>>
    %dma_wait3A_125 = arith.constant 0 : i32
    %dma_wait3A_126 = tpu.memref_slice %arg8[%dma_wait3A, %dma_wait3A_125] : memref<4x128xi32, #tpu.memory_space<vmem>> -> memref<1x128xi32, #tpu.memory_space<vmem>>
    %dma_wait3A_127 = tpu.memref_squeeze %dma_wait3A_126 : memref<1x128xi32, #tpu.memory_space<vmem>> -> memref<128xi32, #tpu.memory_space<vmem>>
    %dma_wait3A_128 = tpu.memref_slice %arg2[%add3A_7] : memref<16384xi32, #tpu.memory_space<hbm>> -> memref<128xi32, #tpu.memory_space<hbm>>
    tpu.wait_dma2 semaphore(%arg25 : memref<!tpu.dma_semaphore, #tpu.memory_space<semaphore_mem>>) src(%dma_wait3A_128 : memref<128xi32, #tpu.memory_space<hbm>>) dst(%dma_wait3A_127 : memref<128xi32, #tpu.memory_space<vmem>>)
    %dma_wait3A_129 = arith.constant 0 : i32
    %dma_wait3A_130 = arith.constant 0 : i32
    %dma_wait3A_131 = tpu.memref_slice %arg9[%dma_wait3A_129, %dma_wait3A_130] : memref<4x128xi32, #tpu.memory_space<vmem>> -> memref<1x128xi32, #tpu.memory_space<vmem>>
    %dma_wait3A_132 = tpu.memref_squeeze %dma_wait3A_131 : memref<1x128xi32, #tpu.memory_space<vmem>> -> memref<128xi32, #tpu.memory_space<vmem>>
    %dma_wait3A_133 = tpu.memref_slice %arg3[%add3A_7] : memref<16384xi32, #tpu.memory_space<hbm>> -> memref<128xi32, #tpu.memory_space<hbm>>
    %dma_wait3A_134 = arith.constant 0 : i32
    %dma_wait3A_135 = tpu.memref_slice %arg9[%dma_wait3A_129, %dma_wait3A_134] : memref<4x128xi32, #tpu.memory_space<vmem>> -> memref<1x128xi32, #tpu.memory_space<vmem>>
    %dma_wait3A_136 = tpu.memref_squeeze %dma_wait3A_135 : memref<1x128xi32, #tpu.memory_space<vmem>> -> memref<128xi32, #tpu.memory_space<vmem>>
    %dma_wait3A_137 = tpu.memref_slice %arg3[%add3A_7] : memref<16384xi32, #tpu.memory_space<hbm>> -> memref<128xi32, #tpu.memory_space<hbm>>
    tpu.wait_dma2 semaphore(%arg25 : memref<!tpu.dma_semaphore, #tpu.memory_space<semaphore_mem>>) src(%dma_wait3A_137 : memref<128xi32, #tpu.memory_space<hbm>>) dst(%dma_wait3A_136 : memref<128xi32, #tpu.memory_space<vmem>>)
    %dma_wait3A_138 = arith.constant 0 : i32
    %dma_wait3A_139 = arith.constant 0 : i32
    %dma_wait3A_140 = tpu.memref_slice %arg10[%dma_wait3A_138, %dma_wait3A_139] : memref<4x128xi32, #tpu.memory_space<vmem>> -> memref<1x128xi32, #tpu.memory_space<vmem>>
    %dma_wait3A_141 = tpu.memref_squeeze %dma_wait3A_140 : memref<1x128xi32, #tpu.memory_space<vmem>> -> memref<128xi32, #tpu.memory_space<vmem>>
    %dma_wait3A_142 = tpu.memref_slice %arg4[%add3A_7] : memref<16384xi32, #tpu.memory_space<hbm>> -> memref<128xi32, #tpu.memory_space<hbm>>
    %dma_wait3A_143 = arith.constant 0 : i32
    %dma_wait3A_144 = tpu.memref_slice %arg10[%dma_wait3A_138, %dma_wait3A_143] : memref<4x128xi32, #tpu.memory_space<vmem>> -> memref<1x128xi32, #tpu.memory_space<vmem>>
    %dma_wait3A_145 = tpu.memref_squeeze %dma_wait3A_144 : memref<1x128xi32, #tpu.memory_space<vmem>> -> memref<128xi32, #tpu.memory_space<vmem>>
    %dma_wait3A_146 = tpu.memref_slice %arg4[%add3A_7] : memref<16384xi32, #tpu.memory_space<hbm>> -> memref<128xi32, #tpu.memory_space<hbm>>
    tpu.wait_dma2 semaphore(%arg25 : memref<!tpu.dma_semaphore, #tpu.memory_space<semaphore_mem>>) src(%dma_wait3A_146 : memref<128xi32, #tpu.memory_space<hbm>>) dst(%dma_wait3A_145 : memref<128xi32, #tpu.memory_space<vmem>>)
    %dma_wait3A_147 = arith.constant 1 : i32
    %dma_wait3A_148 = arith.constant 0 : i32
    %dma_wait3A_149 = tpu.memref_slice %arg8[%dma_wait3A_147, %dma_wait3A_148] : memref<4x128xi32, #tpu.memory_space<vmem>> -> memref<1x128xi32, #tpu.memory_space<vmem>>
    %dma_wait3A_150 = tpu.memref_squeeze %dma_wait3A_149 : memref<1x128xi32, #tpu.memory_space<vmem>> -> memref<128xi32, #tpu.memory_space<vmem>>
    %dma_wait3A_151 = tpu.memref_slice %arg2[%add3A_9] : memref<16384xi32, #tpu.memory_space<hbm>> -> memref<128xi32, #tpu.memory_space<hbm>>
    %dma_wait3A_152 = arith.constant 0 : i32
    %dma_wait3A_153 = tpu.memref_slice %arg8[%dma_wait3A_147, %dma_wait3A_152] : memref<4x128xi32, #tpu.memory_space<vmem>> -> memref<1x128xi32, #tpu.memory_space<vmem>>
    %dma_wait3A_154 = tpu.memref_squeeze %dma_wait3A_153 : memref<1x128xi32, #tpu.memory_space<vmem>> -> memref<128xi32, #tpu.memory_space<vmem>>
    %dma_wait3A_155 = tpu.memref_slice %arg2[%add3A_9] : memref<16384xi32, #tpu.memory_space<hbm>> -> memref<128xi32, #tpu.memory_space<hbm>>
    tpu.wait_dma2 semaphore(%arg25 : memref<!tpu.dma_semaphore, #tpu.memory_space<semaphore_mem>>) src(%dma_wait3A_155 : memref<128xi32, #tpu.memory_space<hbm>>) dst(%dma_wait3A_154 : memref<128xi32, #tpu.memory_space<vmem>>)
    %dma_wait3A_156 = arith.constant 1 : i32
    %dma_wait3A_157 = arith.constant 0 : i32
    %dma_wait3A_158 = tpu.memref_slice %arg9[%dma_wait3A_156, %dma_wait3A_157] : memref<4x128xi32, #tpu.memory_space<vmem>> -> memref<1x128xi32, #tpu.memory_space<vmem>>
    %dma_wait3A_159 = tpu.memref_squeeze %dma_wait3A_158 : memref<1x128xi32, #tpu.memory_space<vmem>> -> memref<128xi32, #tpu.memory_space<vmem>>
    %dma_wait3A_160 = tpu.memref_slice %arg3[%add3A_9] : memref<16384xi32, #tpu.memory_space<hbm>> -> memref<128xi32, #tpu.memory_space<hbm>>
    %dma_wait3A_161 = arith.constant 0 : i32
    %dma_wait3A_162 = tpu.memref_slice %arg9[%dma_wait3A_156, %dma_wait3A_161] : memref<4x128xi32, #tpu.memory_space<vmem>> -> memref<1x128xi32, #tpu.memory_space<vmem>>
    %dma_wait3A_163 = tpu.memref_squeeze %dma_wait3A_162 : memref<1x128xi32, #tpu.memory_space<vmem>> -> memref<128xi32, #tpu.memory_space<vmem>>
    %dma_wait3A_164 = tpu.memref_slice %arg3[%add3A_9] : memref<16384xi32, #tpu.memory_space<hbm>> -> memref<128xi32, #tpu.memory_space<hbm>>
    tpu.wait_dma2 semaphore(%arg25 : memref<!tpu.dma_semaphore, #tpu.memory_space<semaphore_mem>>) src(%dma_wait3A_164 : memref<128xi32, #tpu.memory_space<hbm>>) dst(%dma_wait3A_163 : memref<128xi32, #tpu.memory_space<vmem>>)
    %dma_wait3A_165 = arith.constant 1 : i32
    %dma_wait3A_166 = arith.constant 0 : i32
    %dma_wait3A_167 = tpu.memref_slice %arg10[%dma_wait3A_165, %dma_wait3A_166] : memref<4x128xi32, #tpu.memory_space<vmem>> -> memref<1x128xi32, #tpu.memory_space<vmem>>
    %dma_wait3A_168 = tpu.memref_squeeze %dma_wait3A_167 : memref<1x128xi32, #tpu.memory_space<vmem>> -> memref<128xi32, #tpu.memory_space<vmem>>
    %dma_wait3A_169 = tpu.memref_slice %arg4[%add3A_9] : memref<16384xi32, #tpu.memory_space<hbm>> -> memref<128xi32, #tpu.memory_space<hbm>>
    %dma_wait3A_170 = arith.constant 0 : i32
    %dma_wait3A_171 = tpu.memref_slice %arg10[%dma_wait3A_165, %dma_wait3A_170] : memref<4x128xi32, #tpu.memory_space<vmem>> -> memref<1x128xi32, #tpu.memory_space<vmem>>
    %dma_wait3A_172 = tpu.memref_squeeze %dma_wait3A_171 : memref<1x128xi32, #tpu.memory_space<vmem>> -> memref<128xi32, #tpu.memory_space<vmem>>
    %dma_wait3A_173 = tpu.memref_slice %arg4[%add3A_9] : memref<16384xi32, #tpu.memory_space<hbm>> -> memref<128xi32, #tpu.memory_space<hbm>>
    tpu.wait_dma2 semaphore(%arg25 : memref<!tpu.dma_semaphore, #tpu.memory_space<semaphore_mem>>) src(%dma_wait3A_173 : memref<128xi32, #tpu.memory_space<hbm>>) dst(%dma_wait3A_172 : memref<128xi32, #tpu.memory_space<vmem>>)
    %dma_wait3A_174 = arith.constant 2 : i32
    %dma_wait3A_175 = arith.constant 0 : i32
    %dma_wait3A_176 = tpu.memref_slice %arg8[%dma_wait3A_174, %dma_wait3A_175] : memref<4x128xi32, #tpu.memory_space<vmem>> -> memref<1x128xi32, #tpu.memory_space<vmem>>
    %dma_wait3A_177 = tpu.memref_squeeze %dma_wait3A_176 : memref<1x128xi32, #tpu.memory_space<vmem>> -> memref<128xi32, #tpu.memory_space<vmem>>
    %dma_wait3A_178 = tpu.memref_slice %arg2[%add3A_11] : memref<16384xi32, #tpu.memory_space<hbm>> -> memref<128xi32, #tpu.memory_space<hbm>>
    %dma_wait3A_179 = arith.constant 0 : i32
    %dma_wait3A_180 = tpu.memref_slice %arg8[%dma_wait3A_174, %dma_wait3A_179] : memref<4x128xi32, #tpu.memory_space<vmem>> -> memref<1x128xi32, #tpu.memory_space<vmem>>
    %dma_wait3A_181 = tpu.memref_squeeze %dma_wait3A_180 : memref<1x128xi32, #tpu.memory_space<vmem>> -> memref<128xi32, #tpu.memory_space<vmem>>
    %dma_wait3A_182 = tpu.memref_slice %arg2[%add3A_11] : memref<16384xi32, #tpu.memory_space<hbm>> -> memref<128xi32, #tpu.memory_space<hbm>>
    tpu.wait_dma2 semaphore(%arg25 : memref<!tpu.dma_semaphore, #tpu.memory_space<semaphore_mem>>) src(%dma_wait3A_182 : memref<128xi32, #tpu.memory_space<hbm>>) dst(%dma_wait3A_181 : memref<128xi32, #tpu.memory_space<vmem>>)
    %dma_wait3A_183 = arith.constant 2 : i32
    %dma_wait3A_184 = arith.constant 0 : i32
    %dma_wait3A_185 = tpu.memref_slice %arg9[%dma_wait3A_183, %dma_wait3A_184] : memref<4x128xi32, #tpu.memory_space<vmem>> -> memref<1x128xi32, #tpu.memory_space<vmem>>
    %dma_wait3A_186 = tpu.memref_squeeze %dma_wait3A_185 : memref<1x128xi32, #tpu.memory_space<vmem>> -> memref<128xi32, #tpu.memory_space<vmem>>
    %dma_wait3A_187 = tpu.memref_slice %arg3[%add3A_11] : memref<16384xi32, #tpu.memory_space<hbm>> -> memref<128xi32, #tpu.memory_space<hbm>>
    %dma_wait3A_188 = arith.constant 0 : i32
    %dma_wait3A_189 = tpu.memref_slice %arg9[%dma_wait3A_183, %dma_wait3A_188] : memref<4x128xi32, #tpu.memory_space<vmem>> -> memref<1x128xi32, #tpu.memory_space<vmem>>
    %dma_wait3A_190 = tpu.memref_squeeze %dma_wait3A_189 : memref<1x128xi32, #tpu.memory_space<vmem>> -> memref<128xi32, #tpu.memory_space<vmem>>
    %dma_wait3A_191 = tpu.memref_slice %arg3[%add3A_11] : memref<16384xi32, #tpu.memory_space<hbm>> -> memref<128xi32, #tpu.memory_space<hbm>>
    tpu.wait_dma2 semaphore(%arg25 : memref<!tpu.dma_semaphore, #tpu.memory_space<semaphore_mem>>) src(%dma_wait3A_191 : memref<128xi32, #tpu.memory_space<hbm>>) dst(%dma_wait3A_190 : memref<128xi32, #tpu.memory_space<vmem>>)
    %dma_wait3A_192 = arith.constant 2 : i32
    %dma_wait3A_193 = arith.constant 0 : i32
    %dma_wait3A_194 = tpu.memref_slice %arg10[%dma_wait3A_192, %dma_wait3A_193] : memref<4x128xi32, #tpu.memory_space<vmem>> -> memref<1x128xi32, #tpu.memory_space<vmem>>
    %dma_wait3A_195 = tpu.memref_squeeze %dma_wait3A_194 : memref<1x128xi32, #tpu.memory_space<vmem>> -> memref<128xi32, #tpu.memory_space<vmem>>
    %dma_wait3A_196 = tpu.memref_slice %arg4[%add3A_11] : memref<16384xi32, #tpu.memory_space<hbm>> -> memref<128xi32, #tpu.memory_space<hbm>>
    %dma_wait3A_197 = arith.constant 0 : i32
    %dma_wait3A_198 = tpu.memref_slice %arg10[%dma_wait3A_192, %dma_wait3A_197] : memref<4x128xi32, #tpu.memory_space<vmem>> -> memref<1x128xi32, #tpu.memory_space<vmem>>
    %dma_wait3A_199 = tpu.memref_squeeze %dma_wait3A_198 : memref<1x128xi32, #tpu.memory_space<vmem>> -> memref<128xi32, #tpu.memory_space<vmem>>
    %dma_wait3A_200 = tpu.memref_slice %arg4[%add3A_11] : memref<16384xi32, #tpu.memory_space<hbm>> -> memref<128xi32, #tpu.memory_space<hbm>>
    tpu.wait_dma2 semaphore(%arg25 : memref<!tpu.dma_semaphore, #tpu.memory_space<semaphore_mem>>) src(%dma_wait3A_200 : memref<128xi32, #tpu.memory_space<hbm>>) dst(%dma_wait3A_199 : memref<128xi32, #tpu.memory_space<vmem>>)
    %dma_wait3A_201 = arith.constant 3 : i32
    %dma_wait3A_202 = arith.constant 0 : i32
    %dma_wait3A_203 = tpu.memref_slice %arg8[%dma_wait3A_201, %dma_wait3A_202] : memref<4x128xi32, #tpu.memory_space<vmem>> -> memref<1x128xi32, #tpu.memory_space<vmem>>
    %dma_wait3A_204 = tpu.memref_squeeze %dma_wait3A_203 : memref<1x128xi32, #tpu.memory_space<vmem>> -> memref<128xi32, #tpu.memory_space<vmem>>
    %dma_wait3A_205 = tpu.memref_slice %arg2[%add3A_13] : memref<16384xi32, #tpu.memory_space<hbm>> -> memref<128xi32, #tpu.memory_space<hbm>>
    %dma_wait3A_206 = arith.constant 0 : i32
    %dma_wait3A_207 = tpu.memref_slice %arg8[%dma_wait3A_201, %dma_wait3A_206] : memref<4x128xi32, #tpu.memory_space<vmem>> -> memref<1x128xi32, #tpu.memory_space<vmem>>
    %dma_wait3A_208 = tpu.memref_squeeze %dma_wait3A_207 : memref<1x128xi32, #tpu.memory_space<vmem>> -> memref<128xi32, #tpu.memory_space<vmem>>
    %dma_wait3A_209 = tpu.memref_slice %arg2[%add3A_13] : memref<16384xi32, #tpu.memory_space<hbm>> -> memref<128xi32, #tpu.memory_space<hbm>>
    tpu.wait_dma2 semaphore(%arg25 : memref<!tpu.dma_semaphore, #tpu.memory_space<semaphore_mem>>) src(%dma_wait3A_209 : memref<128xi32, #tpu.memory_space<hbm>>) dst(%dma_wait3A_208 : memref<128xi32, #tpu.memory_space<vmem>>)
    %dma_wait3A_210 = arith.constant 3 : i32
    %dma_wait3A_211 = arith.constant 0 : i32
    %dma_wait3A_212 = tpu.memref_slice %arg9[%dma_wait3A_210, %dma_wait3A_211] : memref<4x128xi32, #tpu.memory_space<vmem>> -> memref<1x128xi32, #tpu.memory_space<vmem>>
    %dma_wait3A_213 = tpu.memref_squeeze %dma_wait3A_212 : memref<1x128xi32, #tpu.memory_space<vmem>> -> memref<128xi32, #tpu.memory_space<vmem>>
    %dma_wait3A_214 = tpu.memref_slice %arg3[%add3A_13] : memref<16384xi32, #tpu.memory_space<hbm>> -> memref<128xi32, #tpu.memory_space<hbm>>
    %dma_wait3A_215 = arith.constant 0 : i32
    %dma_wait3A_216 = tpu.memref_slice %arg9[%dma_wait3A_210, %dma_wait3A_215] : memref<4x128xi32, #tpu.memory_space<vmem>> -> memref<1x128xi32, #tpu.memory_space<vmem>>
    %dma_wait3A_217 = tpu.memref_squeeze %dma_wait3A_216 : memref<1x128xi32, #tpu.memory_space<vmem>> -> memref<128xi32, #tpu.memory_space<vmem>>
    %dma_wait3A_218 = tpu.memref_slice %arg3[%add3A_13] : memref<16384xi32, #tpu.memory_space<hbm>> -> memref<128xi32, #tpu.memory_space<hbm>>
    tpu.wait_dma2 semaphore(%arg25 : memref<!tpu.dma_semaphore, #tpu.memory_space<semaphore_mem>>) src(%dma_wait3A_218 : memref<128xi32, #tpu.memory_space<hbm>>) dst(%dma_wait3A_217 : memref<128xi32, #tpu.memory_space<vmem>>)
    %dma_wait3A_219 = arith.constant 3 : i32
    %dma_wait3A_220 = arith.constant 0 : i32
    %dma_wait3A_221 = tpu.memref_slice %arg10[%dma_wait3A_219, %dma_wait3A_220] : memref<4x128xi32, #tpu.memory_space<vmem>> -> memref<1x128xi32, #tpu.memory_space<vmem>>
    %dma_wait3A_222 = tpu.memref_squeeze %dma_wait3A_221 : memref<1x128xi32, #tpu.memory_space<vmem>> -> memref<128xi32, #tpu.memory_space<vmem>>
    %dma_wait3A_223 = tpu.memref_slice %arg4[%add3A_13] : memref<16384xi32, #tpu.memory_space<hbm>> -> memref<128xi32, #tpu.memory_space<hbm>>
    %dma_wait3A_224 = arith.constant 0 : i32
    %dma_wait3A_225 = tpu.memref_slice %arg10[%dma_wait3A_219, %dma_wait3A_224] : memref<4x128xi32, #tpu.memory_space<vmem>> -> memref<1x128xi32, #tpu.memory_space<vmem>>
    %dma_wait3A_226 = tpu.memref_squeeze %dma_wait3A_225 : memref<1x128xi32, #tpu.memory_space<vmem>> -> memref<128xi32, #tpu.memory_space<vmem>>
    %dma_wait3A_227 = tpu.memref_slice %arg4[%add3A_13] : memref<16384xi32, #tpu.memory_space<hbm>> -> memref<128xi32, #tpu.memory_space<hbm>>
    tpu.wait_dma2 semaphore(%arg25 : memref<!tpu.dma_semaphore, #tpu.memory_space<semaphore_mem>>) src(%dma_wait3A_227 : memref<128xi32, #tpu.memory_space<hbm>>) dst(%dma_wait3A_226 : memref<128xi32, #tpu.memory_space<vmem>>)
    %get3A = arith.constant 0 : i32
    %get3A_228 = arith.index_cast %get3A : i32 to index
    %get3A_229 = arith.constant 0 : index
    %get3A_230 = tpu.vector_load %arg8[%get3A_228, %get3A_229] {strides = array<i32>} : memref<4x128xi32, #tpu.memory_space<vmem>>, vector<16xi32>,
    %swap3A = arith.constant 0 : index
    %swap3A_231 = tpu.vector_load %arg17[%swap3A] {strides = array<i32>} : memref<128xi32, #tpu.memory_space<vmem>>, vector<16xi32>,
    tpu.vector_store %arg17[%swap3A], %get3A_230 {strides = array<i32>} : memref<128xi32, #tpu.memory_space<vmem>>, vector<16xi32>,
    %get3A_232 = arith.constant 0 : i32
    %get3A_233 = arith.index_cast %get3A_232 : i32 to index
    %get3A_234 = arith.constant 0 : index
    %get3A_235 = tpu.vector_load %arg9[%get3A_233, %get3A_234] {strides = array<i32>} : memref<4x128xi32, #tpu.memory_space<vmem>>, vector<16xi32>,
    %swap3A_236 = arith.constant 0 : index
    %swap3A_237 = tpu.vector_load %arg18[%swap3A_236] {strides = array<i32>} : memref<128xi32, #tpu.memory_space<vmem>>, vector<16xi32>,
    tpu.vector_store %arg18[%swap3A_236], %get3A_235 {strides = array<i32>} : memref<128xi32, #tpu.memory_space<vmem>>, vector<16xi32>,
    %get3A_238 = arith.constant 0 : i32
    %get3A_239 = arith.index_cast %get3A_238 : i32 to index
    %get3A_240 = arith.constant 0 : index
    %get3A_241 = tpu.vector_load %arg10[%get3A_239, %get3A_240] {strides = array<i32>} : memref<4x128xi32, #tpu.memory_space<vmem>>, vector<16xi32>,
    %swap3A_242 = arith.constant 0 : index
    %swap3A_243 = tpu.vector_load %arg19[%swap3A_242] {strides = array<i32>} : memref<128xi32, #tpu.memory_space<vmem>>, vector<16xi32>,
    tpu.vector_store %arg19[%swap3A_242], %get3A_241 {strides = array<i32>} : memref<128xi32, #tpu.memory_space<vmem>>, vector<16xi32>,
    %get3A_244 = arith.constant 0 : i32
    %get3A_245 = arith.index_cast %get3A_244 : i32 to index
    %get3A_246 = arith.constant 16 : index
    %get3A_247 = tpu.vector_load %arg8[%get3A_245, %get3A_246] {strides = array<i32>} : memref<4x128xi32, #tpu.memory_space<vmem>>, vector<16xi32>,
    %swap3A_248 = arith.constant 16 : index
    %swap3A_249 = tpu.vector_load %arg17[%swap3A_248] {strides = array<i32>} : memref<128xi32, #tpu.memory_space<vmem>>, vector<16xi32>,
    tpu.vector_store %arg17[%swap3A_248], %get3A_247 {strides = array<i32>} : memref<128xi32, #tpu.memory_space<vmem>>, vector<16xi32>,
    %get3A_250 = arith.constant 0 : i32
    %get3A_251 = arith.index_cast %get3A_250 : i32 to index
    %get3A_252 = arith.constant 16 : index
    %get3A_253 = tpu.vector_load %arg9[%get3A_251, %get3A_252] {strides = array<i32>} : memref<4x128xi32, #tpu.memory_space<vmem>>, vector<16xi32>,
    %swap3A_254 = arith.constant 16 : index
    %swap3A_255 = tpu.vector_load %arg18[%swap3A_254] {strides = array<i32>} : memref<128xi32, #tpu.memory_space<vmem>>, vector<16xi32>,
    tpu.vector_store %arg18[%swap3A_254], %get3A_253 {strides = array<i32>} : memref<128xi32, #tpu.memory_space<vmem>>, vector<16xi32>,
    %get3A_256 = arith.constant 0 : i32
    %get3A_257 = arith.index_cast %get3A_256 : i32 to index
    %get3A_258 = arith.constant 16 : index
    %get3A_259 = tpu.vector_load %arg10[%get3A_257, %get3A_258] {strides = array<i32>} : memref<4x128xi32, #tpu.memory_space<vmem>>, vector<16xi32>,
    %swap3A_260 = arith.constant 16 : index
    %swap3A_261 = tpu.vector_load %arg19[%swap3A_260] {strides = array<i32>} : memref<128xi32, #tpu.memory_space<vmem>>, vector<16xi32>,
    tpu.vector_store %arg19[%swap3A_260], %get3A_259 {strides = array<i32>} : memref<128xi32, #tpu.memory_space<vmem>>, vector<16xi32>,
    %get3A_262 = arith.constant 0 : i32
    %get3A_263 = arith.index_cast %get3A_262 : i32 to index
    %get3A_264 = arith.constant 32 : index
    %get3A_265 = tpu.vector_load %arg8[%get3A_263, %get3A_264] {strides = array<i32>} : memref<4x128xi32, #tpu.memory_space<vmem>>, vector<16xi32>,
    %swap3A_266 = arith.constant 32 : index
    %swap3A_267 = tpu.vector_load %arg17[%swap3A_266] {strides = array<i32>} : memref<128xi32, #tpu.memory_space<vmem>>, vector<16xi32>,
    tpu.vector_store %arg17[%swap3A_266], %get3A_265 {strides = array<i32>} : memref<128xi32, #tpu.memory_space<vmem>>, vector<16xi32>,
    %get3A_268 = arith.constant 0 : i32
    %get3A_269 = arith.index_cast %get3A_268 : i32 to index
    %get3A_270 = arith.constant 32 : index
    %get3A_271 = tpu.vector_load %arg9[%get3A_269, %get3A_270] {strides = array<i32>} : memref<4x128xi32, #tpu.memory_space<vmem>>, vector<16xi32>,
    %swap3A_272 = arith.constant 32 : index
    %swap3A_273 = tpu.vector_load %arg18[%swap3A_272] {strides = array<i32>} : memref<128xi32, #tpu.memory_space<vmem>>, vector<16xi32>,
    tpu.vector_store %arg18[%swap3A_272], %get3A_271 {strides = array<i32>} : memref<128xi32, #tpu.memory_space<vmem>>, vector<16xi32>,
    %get3A_274 = arith.constant 0 : i32
    %get3A_275 = arith.index_cast %get3A_274 : i32 to index
    %get3A_276 = arith.constant 32 : index
    %get3A_277 = tpu.vector_load %arg10[%get3A_275, %get3A_276] {strides = array<i32>} : memref<4x128xi32, #tpu.memory_space<vmem>>, vector<16xi32>,
    %swap3A_278 = arith.constant 32 : index
    %swap3A_279 = tpu.vector_load %arg19[%swap3A_278] {strides = array<i32>} : memref<128xi32, #tpu.memory_space<vmem>>, vector<16xi32>,
    tpu.vector_store %arg19[%swap3A_278], %get3A_277 {strides = array<i32>} : memref<128xi32, #tpu.memory_space<vmem>>, vector<16xi32>,
    %get3A_280 = arith.constant 0 : i32
    %get3A_281 = arith.index_cast %get3A_280 : i32 to index
    %get3A_282 = arith.constant 48 : index
    %get3A_283 = tpu.vector_load %arg8[%get3A_281, %get3A_282] {strides = array<i32>} : memref<4x128xi32, #tpu.memory_space<vmem>>, vector<16xi32>,
    %swap3A_284 = arith.constant 48 : index
    %swap3A_285 = tpu.vector_load %arg17[%swap3A_284] {strides = array<i32>} : memref<128xi32, #tpu.memory_space<vmem>>, vector<16xi32>,
    tpu.vector_store %arg17[%swap3A_284], %get3A_283 {strides = array<i32>} : memref<128xi32, #tpu.memory_space<vmem>>, vector<16xi32>,
    %get3A_286 = arith.constant 0 : i32
    %get3A_287 = arith.index_cast %get3A_286 : i32 to index
    %get3A_288 = arith.constant 48 : index
    %get3A_289 = tpu.vector_load %arg9[%get3A_287, %get3A_288] {strides = array<i32>} : memref<4x128xi32, #tpu.memory_space<vmem>>, vector<16xi32>,
    %swap3A_290 = arith.constant 48 : index
    %swap3A_291 = tpu.vector_load %arg18[%swap3A_290] {strides = array<i32>} : memref<128xi32, #tpu.memory_space<vmem>>, vector<16xi32>,
    tpu.vector_store %arg18[%swap3A_290], %get3A_289 {strides = array<i32>} : memref<128xi32, #tpu.memory_space<vmem>>, vector<16xi32>,
    %get3A_292 = arith.constant 0 : i32
    %get3A_293 = arith.index_cast %get3A_292 : i32 to index
    %get3A_294 = arith.constant 48 : index
    %get3A_295 = tpu.vector_load %arg10[%get3A_293, %get3A_294] {strides = array<i32>} : memref<4x128xi32, #tpu.memory_space<vmem>>, vector<16xi32>,
    %swap3A_296 = arith.constant 48 : index
    %swap3A_297 = tpu.vector_load %arg19[%swap3A_296] {strides = array<i32>} : memref<128xi32, #tpu.memory_space<vmem>>, vector<16xi32>,
    tpu.vector_store %arg19[%swap3A_296], %get3A_295 {strides = array<i32>} : memref<128xi32, #tpu.memory_space<vmem>>, vector<16xi32>,
    %get3A_298 = arith.constant 0 : i32
    %get3A_299 = arith.index_cast %get3A_298 : i32 to index
    %get3A_300 = arith.constant 64 : index
    %get3A_301 = tpu.vector_load %arg8[%get3A_299, %get3A_300] {strides = array<i32>} : memref<4x128xi32, #tpu.memory_space<vmem>>, vector<16xi32>,
    %swap3A_302 = arith.constant 64 : index
    %swap3A_303 = tpu.vector_load %arg17[%swap3A_302] {strides = array<i32>} : memref<128xi32, #tpu.memory_space<vmem>>, vector<16xi32>,
    tpu.vector_store %arg17[%swap3A_302], %get3A_301 {strides = array<i32>} : memref<128xi32, #tpu.memory_space<vmem>>, vector<16xi32>,
    %get3A_304 = arith.constant 0 : i32
    %get3A_305 = arith.index_cast %get3A_304 : i32 to index
    %get3A_306 = arith.constant 64 : index
    %get3A_307 = tpu.vector_load %arg9[%get3A_305, %get3A_306] {strides = array<i32>} : memref<4x128xi32, #tpu.memory_space<vmem>>, vector<16xi32>,
    %swap3A_308 = arith.constant 64 : index
    %swap3A_309 = tpu.vector_load %arg18[%swap3A_308] {strides = array<i32>} : memref<128xi32, #tpu.memory_space<vmem>>, vector<16xi32>,
    tpu.vector_store %arg18[%swap3A_308], %get3A_307 {strides = array<i32>} : memref<128xi32, #tpu.memory_space<vmem>>, vector<16xi32>,
    %get3A_310 = arith.constant 0 : i32
    %get3A_311 = arith.index_cast %get3A_310 : i32 to index
    %get3A_312 = arith.constant 64 : index
    %get3A_313 = tpu.vector_load %arg10[%get3A_311, %get3A_312] {strides = array<i32>} : memref<4x128xi32, #tpu.memory_space<vmem>>, vector<16xi32>,
    %swap3A_314 = arith.constant 64 : index
    %swap3A_315 = tpu.vector_load %arg19[%swap3A_314] {strides = array<i32>} : memref<128xi32, #tpu.memory_space<vmem>>, vector<16xi32>,
    tpu.vector_store %arg19[%swap3A_314], %get3A_313 {strides = array<i32>} : memref<128xi32, #tpu.memory_space<vmem>>, vector<16xi32>,
    %get3A_316 = arith.constant 0 : i32
    %get3A_317 = arith.index_cast %get3A_316 : i32 to index
    %get3A_318 = arith.constant 80 : index
    %get3A_319 = tpu.vector_load %arg8[%get3A_317, %get3A_318] {strides = array<i32>} : memref<4x128xi32, #tpu.memory_space<vmem>>, vector<16xi32>,
    %swap3A_320 = arith.constant 80 : index
    %swap3A_321 = tpu.vector_load %arg17[%swap3A_320] {strides = array<i32>} : memref<128xi32, #tpu.memory_space<vmem>>, vector<16xi32>,
    tpu.vector_store %arg17[%swap3A_320], %get3A_319 {strides = array<i32>} : memref<128xi32, #tpu.memory_space<vmem>>, vector<16xi32>,
    %get3A_322 = arith.constant 0 : i32
    %get3A_323 = arith.index_cast %get3A_322 : i32 to index
    %get3A_324 = arith.constant 80 : index
    %get3A_325 = tpu.vector_load %arg9[%get3A_323, %get3A_324] {strides = array<i32>} : memref<4x128xi32, #tpu.memory_space<vmem>>, vector<16xi32>,
    %swap3A_326 = arith.constant 80 : index
    %swap3A_327 = tpu.vector_load %arg18[%swap3A_326] {strides = array<i32>} : memref<128xi32, #tpu.memory_space<vmem>>, vector<16xi32>,
    tpu.vector_store %arg18[%swap3A_326], %get3A_325 {strides = array<i32>} : memref<128xi32, #tpu.memory_space<vmem>>, vector<16xi32>,
    %get3A_328 = arith.constant 0 : i32
    %get3A_329 = arith.index_cast %get3A_328 : i32 to index
    %get3A_330 = arith.constant 80 : index
    %get3A_331 = tpu.vector_load %arg10[%get3A_329, %get3A_330] {strides = array<i32>} : memref<4x128xi32, #tpu.memory_space<vmem>>, vector<16xi32>,
    %swap3A_332 = arith.constant 80 : index
    %swap3A_333 = tpu.vector_load %arg19[%swap3A_332] {strides = array<i32>} : memref<128xi32, #tpu.memory_space<vmem>>, vector<16xi32>,
    tpu.vector_store %arg19[%swap3A_332], %get3A_331 {strides = array<i32>} : memref<128xi32, #tpu.memory_space<vmem>>, vector<16xi32>,
    %get3A_334 = arith.constant 0 : i32
    %get3A_335 = arith.index_cast %get3A_334 : i32 to index
    %get3A_336 = arith.constant 96 : index
    %get3A_337 = tpu.vector_load %arg8[%get3A_335, %get3A_336] {strides = array<i32>} : memref<4x128xi32, #tpu.memory_space<vmem>>, vector<16xi32>,
    %swap3A_338 = arith.constant 96 : index
    %swap3A_339 = tpu.vector_load %arg17[%swap3A_338] {strides = array<i32>} : memref<128xi32, #tpu.memory_space<vmem>>, vector<16xi32>,
    tpu.vector_store %arg17[%swap3A_338], %get3A_337 {strides = array<i32>} : memref<128xi32, #tpu.memory_space<vmem>>, vector<16xi32>,
    %get3A_340 = arith.constant 0 : i32
    %get3A_341 = arith.index_cast %get3A_340 : i32 to index
    %get3A_342 = arith.constant 96 : index
    %get3A_343 = tpu.vector_load %arg9[%get3A_341, %get3A_342] {strides = array<i32>} : memref<4x128xi32, #tpu.memory_space<vmem>>, vector<16xi32>,
    %swap3A_344 = arith.constant 96 : index
    %swap3A_345 = tpu.vector_load %arg18[%swap3A_344] {strides = array<i32>} : memref<128xi32, #tpu.memory_space<vmem>>, vector<16xi32>,
    tpu.vector_store %arg18[%swap3A_344], %get3A_343 {strides = array<i32>} : memref<128xi32, #tpu.memory_space<vmem>>, vector<16xi32>,
    %get3A_346 = arith.constant 0 : i32
    %get3A_347 = arith.index_cast %get3A_346 : i32 to index
    %get3A_348 = arith.constant 96 : index
    %get3A_349 = tpu.vector_load %arg10[%get3A_347, %get3A_348] {strides = array<i32>} : memref<4x128xi32, #tpu.memory_space<vmem>>, vector<16xi32>,
    %swap3A_350 = arith.constant 96 : index
    %swap3A_351 = tpu.vector_load %arg19[%swap3A_350] {strides = array<i32>} : memref<128xi32, #tpu.memory_space<vmem>>, vector<16xi32>,
    tpu.vector_store %arg19[%swap3A_350], %get3A_349 {strides = array<i32>} : memref<128xi32, #tpu.memory_space<vmem>>, vector<16xi32>,
    %get3A_352 = arith.constant 0 : i32
    %get3A_353 = arith.index_cast %get3A_352 : i32 to index
    %get3A_354 = arith.constant 112 : index
    %get3A_355 = tpu.vector_load %arg8[%get3A_353, %get3A_354] {strides = array<i32>} : memref<4x128xi32, #tpu.memory_space<vmem>>, vector<16xi32>,
    %swap3A_356 = arith.constant 112 : index
    %swap3A_357 = tpu.vector_load %arg17[%swap3A_356] {strides = array<i32>} : memref<128xi32, #tpu.memory_space<vmem>>, vector<16xi32>,
    tpu.vector_store %arg17[%swap3A_356], %get3A_355 {strides = array<i32>} : memref<128xi32, #tpu.memory_space<vmem>>, vector<16xi32>,
    %get3A_358 = arith.constant 0 : i32
    %get3A_359 = arith.index_cast %get3A_358 : i32 to index
    %get3A_360 = arith.constant 112 : index
    %get3A_361 = tpu.vector_load %arg9[%get3A_359, %get3A_360] {strides = array<i32>} : memref<4x128xi32, #tpu.memory_space<vmem>>, vector<16xi32>,
    %swap3A_362 = arith.constant 112 : index
    %swap3A_363 = tpu.vector_load %arg18[%swap3A_362] {strides = array<i32>} : memref<128xi32, #tpu.memory_space<vmem>>, vector<16xi32>,
    tpu.vector_store %arg18[%swap3A_362], %get3A_361 {strides = array<i32>} : memref<128xi32, #tpu.memory_space<vmem>>, vector<16xi32>,
    %get3A_364 = arith.constant 0 : i32
    %get3A_365 = arith.index_cast %get3A_364 : i32 to index
    %get3A_366 = arith.constant 112 : index
    %get3A_367 = tpu.vector_load %arg10[%get3A_365, %get3A_366] {strides = array<i32>} : memref<4x128xi32, #tpu.memory_space<vmem>>, vector<16xi32>,
    %swap3A_368 = arith.constant 112 : index
    %swap3A_369 = tpu.vector_load %arg19[%swap3A_368] {strides = array<i32>} : memref<128xi32, #tpu.memory_space<vmem>>, vector<16xi32>,
    tpu.vector_store %arg19[%swap3A_368], %get3A_367 {strides = array<i32>} : memref<128xi32, #tpu.memory_space<vmem>>, vector<16xi32>,
    %dma_start3A_370 = arith.constant 0 : i32
    %dma_start3A_371 = arith.constant 0 : i32
    %dma_start3A_372 = tpu.memref_slice %arg5[%dma_start3A_370, %dma_start3A_371] : memref<100000x128xf32, #tpu.memory_space<hbm>> -> memref<100000x128xf32, #tpu.memory_space<hbm>>
    tpu.enqueue_indirect_dma source(%dma_start3A_372 : memref<100000x128xf32, #tpu.memory_space<hbm>>) target(%arg11 : memref<128x128xf32, #tpu.memory_space<vmem>>) offsets(%arg17 : memref<128xi32, #tpu.memory_space<vmem>>) semaphore(%arg25 : memref<!tpu.dma_semaphore, #tpu.memory_space<semaphore_mem>>)
    %dma_start3A_373 = arith.constant 0 : i32
    %dma_start3A_374 = arith.constant 0 : i32
    %dma_start3A_375 = tpu.memref_slice %arg6[%dma_start3A_373, %dma_start3A_374] : memref<1000x128xf32, #tpu.memory_space<hbm>> -> memref<1000x128xf32, #tpu.memory_space<hbm>>
    tpu.enqueue_indirect_dma source(%dma_start3A_375 : memref<1000x128xf32, #tpu.memory_space<hbm>>) target(%arg12 : memref<128x128xf32, #tpu.memory_space<vmem>>) offsets(%arg18 : memref<128xi32, #tpu.memory_space<vmem>>) semaphore(%arg25 : memref<!tpu.dma_semaphore, #tpu.memory_space<semaphore_mem>>)
    %dma_start3A_376 = arith.constant 0 : i32
    %dma_start3A_377 = arith.constant 0 : i32
    %dma_start3A_378 = tpu.memref_slice %arg5[%dma_start3A_376, %dma_start3A_377] : memref<100000x128xf32, #tpu.memory_space<hbm>> -> memref<100000x128xf32, #tpu.memory_space<hbm>>
    tpu.enqueue_indirect_dma source(%dma_start3A_378 : memref<100000x128xf32, #tpu.memory_space<hbm>>) target(%arg13 : memref<128x128xf32, #tpu.memory_space<vmem>>) offsets(%arg19 : memref<128xi32, #tpu.memory_space<vmem>>) semaphore(%arg25 : memref<!tpu.dma_semaphore, #tpu.memory_space<semaphore_mem>>)
    %get3A_379 = arith.constant 1 : i32
    %get3A_380 = arith.index_cast %get3A_379 : i32 to index
    %get3A_381 = arith.constant 0 : index
    %get3A_382 = tpu.vector_load %arg8[%get3A_380, %get3A_381] {strides = array<i32>} : memref<4x128xi32, #tpu.memory_space<vmem>>, vector<16xi32>,
    %swap3A_383 = arith.constant 0 : index
    %swap3A_384 = tpu.vector_load %arg20[%swap3A_383] {strides = array<i32>} : memref<128xi32, #tpu.memory_space<vmem>>, vector<16xi32>,
    tpu.vector_store %arg20[%swap3A_383], %get3A_382 {strides = array<i32>} : memref<128xi32, #tpu.memory_space<vmem>>, vector<16xi32>,
    %get3A_385 = arith.constant 1 : i32
    %get3A_386 = arith.index_cast %get3A_385 : i32 to index
    %get3A_387 = arith.constant 0 : index
    %get3A_388 = tpu.vector_load %arg9[%get3A_386, %get3A_387] {strides = array<i32>} : memref<4x128xi32, #tpu.memory_space<vmem>>, vector<16xi32>,
    %swap3A_389 = arith.constant 0 : index
    %swap3A_390 = tpu.vector_load %arg21[%swap3A_389] {strides = array<i32>} : memref<128xi32, #tpu.memory_space<vmem>>, vector<16xi32>,
    tpu.vector_store %arg21[%swap3A_389], %get3A_388 {strides = array<i32>} : memref<128xi32, #tpu.memory_space<vmem>>, vector<16xi32>,
    %get3A_391 = arith.constant 1 : i32
    %get3A_392 = arith.index_cast %get3A_391 : i32 to index
    %get3A_393 = arith.constant 0 : index
    %get3A_394 = tpu.vector_load %arg10[%get3A_392, %get3A_393] {strides = array<i32>} : memref<4x128xi32, #tpu.memory_space<vmem>>, vector<16xi32>,
    %swap3A_395 = arith.constant 0 : index
    %swap3A_396 = tpu.vector_load %arg22[%swap3A_395] {strides = array<i32>} : memref<128xi32, #tpu.memory_space<vmem>>, vector<16xi32>,
    tpu.vector_store %arg22[%swap3A_395], %get3A_394 {strides = array<i32>} : memref<128xi32, #tpu.memory_space<vmem>>, vector<16xi32>,
    %get3A_397 = arith.constant 1 : i32
    %get3A_398 = arith.index_cast %get3A_397 : i32 to index
    %get3A_399 = arith.constant 16 : index
    %get3A_400 = tpu.vector_load %arg8[%get3A_398, %get3A_399] {strides = array<i32>} : memref<4x128xi32, #tpu.memory_space<vmem>>, vector<16xi32>,
    %swap3A_401 = arith.constant 16 : index
    %swap3A_402 = tpu.vector_load %arg20[%swap3A_401] {strides = array<i32>} : memref<128xi32, #tpu.memory_space<vmem>>, vector<16xi32>,
    tpu.vector_store %arg20[%swap3A_401], %get3A_400 {strides = array<i32>} : memref<128xi32, #tpu.memory_space<vmem>>, vector<16xi32>,
    %get3A_403 = arith.constant 1 : i32
    %get3A_404 = arith.index_cast %get3A_403 : i32 to index
    %get3A_405 = arith.constant 16 : index
    %get3A_406 = tpu.vector_load %arg9[%get3A_404, %get3A_405] {strides = array<i32>} : memref<4x128xi32, #tpu.memory_space<vmem>>, vector<16xi32>,
    %swap3A_407 = arith.constant 16 : index
    %swap3A_408 = tpu.vector_load %arg21[%swap3A_407] {strides = array<i32>} : memref<128xi32, #tpu.memory_space<vmem>>, vector<16xi32>,
    tpu.vector_store %arg21[%swap3A_407], %get3A_406 {strides = array<i32>} : memref<128xi32, #tpu.memory_space<vmem>>, vector<16xi32>,
    %get3A_409 = arith.constant 1 : i32
    %get3A_410 = arith.index_cast %get3A_409 : i32 to index
    %get3A_411 = arith.constant 16 : index
    %get3A_412 = tpu.vector_load %arg10[%get3A_410, %get3A_411] {strides = array<i32>} : memref<4x128xi32, #tpu.memory_space<vmem>>, vector<16xi32>,
    %swap3A_413 = arith.constant 16 : index
    %swap3A_414 = tpu.vector_load %arg22[%swap3A_413] {strides = array<i32>} : memref<128xi32, #tpu.memory_space<vmem>>, vector<16xi32>,
    tpu.vector_store %arg22[%swap3A_413], %get3A_412 {strides = array<i32>} : memref<128xi32, #tpu.memory_space<vmem>>, vector<16xi32>,
    %get3A_415 = arith.constant 1 : i32
    %get3A_416 = arith.index_cast %get3A_415 : i32 to index
    %get3A_417 = arith.constant 32 : index
    %get3A_418 = tpu.vector_load %arg8[%get3A_416, %get3A_417] {strides = array<i32>} : memref<4x128xi32, #tpu.memory_space<vmem>>, vector<16xi32>,
    %swap3A_419 = arith.constant 32 : index
    %swap3A_420 = tpu.vector_load %arg20[%swap3A_419] {strides = array<i32>} : memref<128xi32, #tpu.memory_space<vmem>>, vector<16xi32>,
    tpu.vector_store %arg20[%swap3A_419], %get3A_418 {strides = array<i32>} : memref<128xi32, #tpu.memory_space<vmem>>, vector<16xi32>,
    %get3A_421 = arith.constant 1 : i32
    %get3A_422 = arith.index_cast %get3A_421 : i32 to index
    %get3A_423 = arith.constant 32 : index
    %get3A_424 = tpu.vector_load %arg9[%get3A_422, %get3A_423] {strides = array<i32>} : memref<4x128xi32, #tpu.memory_space<vmem>>, vector<16xi32>,
    %swap3A_425 = arith.constant 32 : index
    %swap3A_426 = tpu.vector_load %arg21[%swap3A_425] {strides = array<i32>} : memref<128xi32, #tpu.memory_space<vmem>>, vector<16xi32>,
    tpu.vector_store %arg21[%swap3A_425], %get3A_424 {strides = array<i32>} : memref<128xi32, #tpu.memory_space<vmem>>, vector<16xi32>,
    %get3A_427 = arith.constant 1 : i32
    %get3A_428 = arith.index_cast %get3A_427 : i32 to index
    %get3A_429 = arith.constant 32 : index
    %get3A_430 = tpu.vector_load %arg10[%get3A_428, %get3A_429] {strides = array<i32>} : memref<4x128xi32, #tpu.memory_space<vmem>>, vector<16xi32>,
    %swap3A_431 = arith.constant 32 : index
    %swap3A_432 = tpu.vector_load %arg22[%swap3A_431] {strides = array<i32>} : memref<128xi32, #tpu.memory_space<vmem>>, vector<16xi32>,
    tpu.vector_store %arg22[%swap3A_431], %get3A_430 {strides = array<i32>} : memref<128xi32, #tpu.memory_space<vmem>>, vector<16xi32>,
    %get3A_433 = arith.constant 1 : i32
    %get3A_434 = arith.index_cast %get3A_433 : i32 to index
    %get3A_435 = arith.constant 48 : index
    %get3A_436 = tpu.vector_load %arg8[%get3A_434, %get3A_435] {strides = array<i32>} : memref<4x128xi32, #tpu.memory_space<vmem>>, vector<16xi32>,
    %swap3A_437 = arith.constant 48 : index
    %swap3A_438 = tpu.vector_load %arg20[%swap3A_437] {strides = array<i32>} : memref<128xi32, #tpu.memory_space<vmem>>, vector<16xi32>,
    tpu.vector_store %arg20[%swap3A_437], %get3A_436 {strides = array<i32>} : memref<128xi32, #tpu.memory_space<vmem>>, vector<16xi32>,
    %get3A_439 = arith.constant 1 : i32
    %get3A_440 = arith.index_cast %get3A_439 : i32 to index
    %get3A_441 = arith.constant 48 : index
    %get3A_442 = tpu.vector_load %arg9[%get3A_440, %get3A_441] {strides = array<i32>} : memref<4x128xi32, #tpu.memory_space<vmem>>, vector<16xi32>,
    %swap3A_443 = arith.constant 48 : index
    %swap3A_444 = tpu.vector_load %arg21[%swap3A_443] {strides = array<i32>} : memref<128xi32, #tpu.memory_space<vmem>>, vector<16xi32>,
    tpu.vector_store %arg21[%swap3A_443], %get3A_442 {strides = array<i32>} : memref<128xi32, #tpu.memory_space<vmem>>, vector<16xi32>,
    %get3A_445 = arith.constant 1 : i32
    %get3A_446 = arith.index_cast %get3A_445 : i32 to index
    %get3A_447 = arith.constant 48 : index
    %get3A_448 = tpu.vector_load %arg10[%get3A_446, %get3A_447] {strides = array<i32>} : memref<4x128xi32, #tpu.memory_space<vmem>>, vector<16xi32>,
    %swap3A_449 = arith.constant 48 : index
    %swap3A_450 = tpu.vector_load %arg22[%swap3A_449] {strides = array<i32>} : memref<128xi32, #tpu.memory_space<vmem>>, vector<16xi32>,
    tpu.vector_store %arg22[%swap3A_449], %get3A_448 {strides = array<i32>} : memref<128xi32, #tpu.memory_space<vmem>>, vector<16xi32>,
    %get3A_451 = arith.constant 1 : i32
    %get3A_452 = arith.index_cast %get3A_451 : i32 to index
    %get3A_453 = arith.constant 64 : index
    %get3A_454 = tpu.vector_load %arg8[%get3A_452, %get3A_453] {strides = array<i32>} : memref<4x128xi32, #tpu.memory_space<vmem>>, vector<16xi32>,
    %swap3A_455 = arith.constant 64 : index
    %swap3A_456 = tpu.vector_load %arg20[%swap3A_455] {strides = array<i32>} : memref<128xi32, #tpu.memory_space<vmem>>, vector<16xi32>,
    tpu.vector_store %arg20[%swap3A_455], %get3A_454 {strides = array<i32>} : memref<128xi32, #tpu.memory_space<vmem>>, vector<16xi32>,
    %get3A_457 = arith.constant 1 : i32
    %get3A_458 = arith.index_cast %get3A_457 : i32 to index
    %get3A_459 = arith.constant 64 : index
    %get3A_460 = tpu.vector_load %arg9[%get3A_458, %get3A_459] {strides = array<i32>} : memref<4x128xi32, #tpu.memory_space<vmem>>, vector<16xi32>,
    %swap3A_461 = arith.constant 64 : index
    %swap3A_462 = tpu.vector_load %arg21[%swap3A_461] {strides = array<i32>} : memref<128xi32, #tpu.memory_space<vmem>>, vector<16xi32>,
    tpu.vector_store %arg21[%swap3A_461], %get3A_460 {strides = array<i32>} : memref<128xi32, #tpu.memory_space<vmem>>, vector<16xi32>,
    %get3A_463 = arith.constant 1 : i32
    %get3A_464 = arith.index_cast %get3A_463 : i32 to index
    %get3A_465 = arith.constant 64 : index
    %get3A_466 = tpu.vector_load %arg10[%get3A_464, %get3A_465] {strides = array<i32>} : memref<4x128xi32, #tpu.memory_space<vmem>>, vector<16xi32>,
    %swap3A_467 = arith.constant 64 : index
    %swap3A_468 = tpu.vector_load %arg22[%swap3A_467] {strides = array<i32>} : memref<128xi32, #tpu.memory_space<vmem>>, vector<16xi32>,
    tpu.vector_store %arg22[%swap3A_467], %get3A_466 {strides = array<i32>} : memref<128xi32, #tpu.memory_space<vmem>>, vector<16xi32>,
    %get3A_469 = arith.constant 1 : i32
    %get3A_470 = arith.index_cast %get3A_469 : i32 to index
    %get3A_471 = arith.constant 80 : index
    %get3A_472 = tpu.vector_load %arg8[%get3A_470, %get3A_471] {strides = array<i32>} : memref<4x128xi32, #tpu.memory_space<vmem>>, vector<16xi32>,
    %swap3A_473 = arith.constant 80 : index
    %swap3A_474 = tpu.vector_load %arg20[%swap3A_473] {strides = array<i32>} : memref<128xi32, #tpu.memory_space<vmem>>, vector<16xi32>,
    tpu.vector_store %arg20[%swap3A_473], %get3A_472 {strides = array<i32>} : memref<128xi32, #tpu.memory_space<vmem>>, vector<16xi32>,
    %get3A_475 = arith.constant 1 : i32
    %get3A_476 = arith.index_cast %get3A_475 : i32 to index
    %get3A_477 = arith.constant 80 : index
    %get3A_478 = tpu.vector_load %arg9[%get3A_476, %get3A_477] {strides = array<i32>} : memref<4x128xi32, #tpu.memory_space<vmem>>, vector<16xi32>,
    %swap3A_479 = arith.constant 80 : index
    %swap3A_480 = tpu.vector_load %arg21[%swap3A_479] {strides = array<i32>} : memref<128xi32, #tpu.memory_space<vmem>>, vector<16xi32>,
    tpu.vector_store %arg21[%swap3A_479], %get3A_478 {strides = array<i32>} : memref<128xi32, #tpu.memory_space<vmem>>, vector<16xi32>,
    %get3A_481 = arith.constant 1 : i32
    %get3A_482 = arith.index_cast %get3A_481 : i32 to index
    %get3A_483 = arith.constant 80 : index
    %get3A_484 = tpu.vector_load %arg10[%get3A_482, %get3A_483] {strides = array<i32>} : memref<4x128xi32, #tpu.memory_space<vmem>>, vector<16xi32>,
    %swap3A_485 = arith.constant 80 : index
    %swap3A_486 = tpu.vector_load %arg22[%swap3A_485] {strides = array<i32>} : memref<128xi32, #tpu.memory_space<vmem>>, vector<16xi32>,
    tpu.vector_store %arg22[%swap3A_485], %get3A_484 {strides = array<i32>} : memref<128xi32, #tpu.memory_space<vmem>>, vector<16xi32>,
    %get3A_487 = arith.constant 1 : i32
    %get3A_488 = arith.index_cast %get3A_487 : i32 to index
    %get3A_489 = arith.constant 96 : index
    %get3A_490 = tpu.vector_load %arg8[%get3A_488, %get3A_489] {strides = array<i32>} : memref<4x128xi32, #tpu.memory_space<vmem>>, vector<16xi32>,
    %swap3A_491 = arith.constant 96 : index
    %swap3A_492 = tpu.vector_load %arg20[%swap3A_491] {strides = array<i32>} : memref<128xi32, #tpu.memory_space<vmem>>, vector<16xi32>,
    tpu.vector_store %arg20[%swap3A_491], %get3A_490 {strides = array<i32>} : memref<128xi32, #tpu.memory_space<vmem>>, vector<16xi32>,
    %get3A_493 = arith.constant 1 : i32
    %get3A_494 = arith.index_cast %get3A_493 : i32 to index
    %get3A_495 = arith.constant 96 : index
    %get3A_496 = tpu.vector_load %arg9[%get3A_494, %get3A_495] {strides = array<i32>} : memref<4x128xi32, #tpu.memory_space<vmem>>, vector<16xi32>,
    %swap3A_497 = arith.constant 96 : index
    %swap3A_498 = tpu.vector_load %arg21[%swap3A_497] {strides = array<i32>} : memref<128xi32, #tpu.memory_space<vmem>>, vector<16xi32>,
    tpu.vector_store %arg21[%swap3A_497], %get3A_496 {strides = array<i32>} : memref<128xi32, #tpu.memory_space<vmem>>, vector<16xi32>,
    %get3A_499 = arith.constant 1 : i32
    %get3A_500 = arith.index_cast %get3A_499 : i32 to index
    %get3A_501 = arith.constant 96 : index
    %get3A_502 = tpu.vector_load %arg10[%get3A_500, %get3A_501] {strides = array<i32>} : memref<4x128xi32, #tpu.memory_space<vmem>>, vector<16xi32>,
    %swap3A_503 = arith.constant 96 : index
    %swap3A_504 = tpu.vector_load %arg22[%swap3A_503] {strides = array<i32>} : memref<128xi32, #tpu.memory_space<vmem>>, vector<16xi32>,
    tpu.vector_store %arg22[%swap3A_503], %get3A_502 {strides = array<i32>} : memref<128xi32, #tpu.memory_space<vmem>>, vector<16xi32>,
    %get3A_505 = arith.constant 1 : i32
    %get3A_506 = arith.index_cast %get3A_505 : i32 to index
    %get3A_507 = arith.constant 112 : index
    %get3A_508 = tpu.vector_load %arg8[%get3A_506, %get3A_507] {strides = array<i32>} : memref<4x128xi32, #tpu.memory_space<vmem>>, vector<16xi32>,
    %swap3A_509 = arith.constant 112 : index
    %swap3A_510 = tpu.vector_load %arg20[%swap3A_509] {strides = array<i32>} : memref<128xi32, #tpu.memory_space<vmem>>, vector<16xi32>,
    tpu.vector_store %arg20[%swap3A_509], %get3A_508 {strides = array<i32>} : memref<128xi32, #tpu.memory_space<vmem>>, vector<16xi32>,
    %get3A_511 = arith.constant 1 : i32
    %get3A_512 = arith.index_cast %get3A_511 : i32 to index
    %get3A_513 = arith.constant 112 : index
    %get3A_514 = tpu.vector_load %arg9[%get3A_512, %get3A_513] {strides = array<i32>} : memref<4x128xi32, #tpu.memory_space<vmem>>, vector<16xi32>,
    %swap3A_515 = arith.constant 112 : index
    %swap3A_516 = tpu.vector_load %arg21[%swap3A_515] {strides = array<i32>} : memref<128xi32, #tpu.memory_space<vmem>>, vector<16xi32>,
    tpu.vector_store %arg21[%swap3A_515], %get3A_514 {strides = array<i32>} : memref<128xi32, #tpu.memory_space<vmem>>, vector<16xi32>,
    %get3A_517 = arith.constant 1 : i32
    %get3A_518 = arith.index_cast %get3A_517 : i32 to index
    %get3A_519 = arith.constant 112 : index
    %get3A_520 = tpu.vector_load %arg10[%get3A_518, %get3A_519] {strides = array<i32>} : memref<4x128xi32, #tpu.memory_space<vmem>>, vector<16xi32>,
    %swap3A_521 = arith.constant 112 : index
    %swap3A_522 = tpu.vector_load %arg22[%swap3A_521] {strides = array<i32>} : memref<128xi32, #tpu.memory_space<vmem>>, vector<16xi32>,
    tpu.vector_store %arg22[%swap3A_521], %get3A_520 {strides = array<i32>} : memref<128xi32, #tpu.memory_space<vmem>>, vector<16xi32>,
    %dma_start3A_523 = arith.constant 0 : i32
    %dma_start3A_524 = arith.constant 0 : i32
    %dma_start3A_525 = tpu.memref_slice %arg5[%dma_start3A_523, %dma_start3A_524] : memref<100000x128xf32, #tpu.memory_space<hbm>> -> memref<100000x128xf32, #tpu.memory_space<hbm>>
    tpu.enqueue_indirect_dma source(%dma_start3A_525 : memref<100000x128xf32, #tpu.memory_space<hbm>>) target(%arg14 : memref<128x128xf32, #tpu.memory_space<vmem>>) offsets(%arg20 : memref<128xi32, #tpu.memory_space<vmem>>) semaphore(%arg26 : memref<!tpu.dma_semaphore, #tpu.memory_space<semaphore_mem>>)
    %dma_start3A_526 = arith.constant 0 : i32
    %dma_start3A_527 = arith.constant 0 : i32
    %dma_start3A_528 = tpu.memref_slice %arg6[%dma_start3A_526, %dma_start3A_527] : memref<1000x128xf32, #tpu.memory_space<hbm>> -> memref<1000x128xf32, #tpu.memory_space<hbm>>
    tpu.enqueue_indirect_dma source(%dma_start3A_528 : memref<1000x128xf32, #tpu.memory_space<hbm>>) target(%arg15 : memref<128x128xf32, #tpu.memory_space<vmem>>) offsets(%arg21 : memref<128xi32, #tpu.memory_space<vmem>>) semaphore(%arg26 : memref<!tpu.dma_semaphore, #tpu.memory_space<semaphore_mem>>)
    %dma_start3A_529 = arith.constant 0 : i32
    %dma_start3A_530 = arith.constant 0 : i32
    %dma_start3A_531 = tpu.memref_slice %arg5[%dma_start3A_529, %dma_start3A_530] : memref<100000x128xf32, #tpu.memory_space<hbm>> -> memref<100000x128xf32, #tpu.memory_space<hbm>>
    tpu.enqueue_indirect_dma source(%dma_start3A_531 : memref<100000x128xf32, #tpu.memory_space<hbm>>) target(%arg16 : memref<128x128xf32, #tpu.memory_space<vmem>>) offsets(%arg22 : memref<128xi32, #tpu.memory_space<vmem>>) semaphore(%arg26 : memref<!tpu.dma_semaphore, #tpu.memory_space<semaphore_mem>>)
    %scan3A = arith.constant 0 : i32
    %scan3A_532 = arith.constant 0 : i32
    %scan3A_533 = arith.constant 2 : i32
    %scan3A_534 = arith.addi %scan3A_532, %scan3A_533 : i32
    %scan3A_535 = arith.constant 1 : i32
    %scan3A_536 = scf.for %scan3A_538 = %scan3A_532 to %scan3A_534 step %scan3A_535 iter_args(%scan3A_539 = %scan3A) -> (i32)  : i32 {
      %mul3A_540 = arith.constant 2 : i32
      %mul3A_541 = arith.muli %mul3A_540, %scan3A_538 : i32
      %dma_wait3A_542 = arith.constant 0 : i32
      %dma_wait3A_543 = arith.constant 0 : i32
      %dma_wait3A_544 = tpu.memref_slice %arg8[%dma_wait3A_542, %dma_wait3A_543] : memref<4x128xi32, #tpu.memory_space<vmem>> -> memref<1x128xi32, #tpu.memory_space<vmem>>
      %dma_wait3A_545 = tpu.memref_squeeze %dma_wait3A_544 : memref<1x128xi32, #tpu.memory_space<vmem>> -> memref<128xi32, #tpu.memory_space<vmem>>
      %dma_wait3A_546 = arith.constant 0 : i32
      %dma_wait3A_547 = arith.constant 0 : i32
      %dma_wait3A_548 = tpu.memref_slice %arg5[%dma_wait3A_546, %dma_wait3A_547] : memref<100000x128xf32, #tpu.memory_space<hbm>> -> memref<100000x128xf32, #tpu.memory_space<hbm>>
      tpu.wait_indirect_dma semaphore(%arg25 : memref<!tpu.dma_semaphore, #tpu.memory_space<semaphore_mem>>) src(%dma_wait3A_548 : memref<100000x128xf32, #tpu.memory_space<hbm>>) dst(%arg11 : memref<128x128xf32, #tpu.memory_space<vmem>>)
      %dma_wait3A_549 = arith.constant 0 : i32
      %dma_wait3A_550 = arith.constant 0 : i32
      %dma_wait3A_551 = tpu.memref_slice %arg9[%dma_wait3A_549, %dma_wait3A_550] : memref<4x128xi32, #tpu.memory_space<vmem>> -> memref<1x128xi32, #tpu.memory_space<vmem>>
      %dma_wait3A_552 = tpu.memref_squeeze %dma_wait3A_551 : memref<1x128xi32, #tpu.memory_space<vmem>> -> memref<128xi32, #tpu.memory_space<vmem>>
      %dma_wait3A_553 = arith.constant 0 : i32
      %dma_wait3A_554 = arith.constant 0 : i32
      %dma_wait3A_555 = tpu.memref_slice %arg6[%dma_wait3A_553, %dma_wait3A_554] : memref<1000x128xf32, #tpu.memory_space<hbm>> -> memref<1000x128xf32, #tpu.memory_space<hbm>>
      tpu.wait_indirect_dma semaphore(%arg25 : memref<!tpu.dma_semaphore, #tpu.memory_space<semaphore_mem>>) src(%dma_wait3A_555 : memref<1000x128xf32, #tpu.memory_space<hbm>>) dst(%arg12 : memref<128x128xf32, #tpu.memory_space<vmem>>)
      %dma_wait3A_556 = arith.constant 0 : i32
      %dma_wait3A_557 = arith.constant 0 : i32
      %dma_wait3A_558 = tpu.memref_slice %arg10[%dma_wait3A_556, %dma_wait3A_557] : memref<4x128xi32, #tpu.memory_space<vmem>> -> memref<1x128xi32, #tpu.memory_space<vmem>>
      %dma_wait3A_559 = tpu.memref_squeeze %dma_wait3A_558 : memref<1x128xi32, #tpu.memory_space<vmem>> -> memref<128xi32, #tpu.memory_space<vmem>>
      %dma_wait3A_560 = arith.constant 0 : i32
      %dma_wait3A_561 = arith.constant 0 : i32
      %dma_wait3A_562 = tpu.memref_slice %arg5[%dma_wait3A_560, %dma_wait3A_561] : memref<100000x128xf32, #tpu.memory_space<hbm>> -> memref<100000x128xf32, #tpu.memory_space<hbm>>
      tpu.wait_indirect_dma semaphore(%arg25 : memref<!tpu.dma_semaphore, #tpu.memory_space<semaphore_mem>>) src(%dma_wait3A_562 : memref<100000x128xf32, #tpu.memory_space<hbm>>) dst(%arg13 : memref<128x128xf32, #tpu.memory_space<vmem>>)
      %mul3A_563 = arith.constant 128 : i32
      %mul3A_564 = arith.muli %mul3A_541, %mul3A_563 : i32
      %scan3A_565 = arith.constant 0 : i32
      %scan3A_566 = arith.constant 0 : i32
      %scan3A_567 = arith.constant 8 : i32
      %scan3A_568 = arith.addi %scan3A_566, %scan3A_567 : i32
      %scan3A_569 = arith.constant 1 : i32
      %scan3A_570 = scf.for %scan3A_616 = %scan3A_566 to %scan3A_568 step %scan3A_569 iter_args(%scan3A_617 = %scan3A_565) -> (i32)  : i32 {
        %mul3A_618 = arith.constant 16 : i32
        %mul3A_619 = arith.muli %scan3A_616, %mul3A_618 : i32
        %add3A_620 = arith.constant 0 : i32
        %add3A_621 = arith.addi %mul3A_619, %add3A_620 : i32
        %get3A_622 = arith.index_cast %add3A_621 : i32 to index
        %get3A_623 = arith.constant 0 : index
        %get3A_624 = tpu.vector_load %arg11[%get3A_622, %get3A_623] {strides = array<i32>} : memref<128x128xf32, #tpu.memory_space<vmem>>, vector<16xf32>,
        %get3A_625 = arith.index_cast %add3A_621 : i32 to index
        %get3A_626 = arith.constant 0 : index
        %get3A_627 = tpu.vector_load %arg12[%get3A_625, %get3A_626] {strides = array<i32>} : memref<128x128xf32, #tpu.memory_space<vmem>>, vector<16xf32>,
        %mul3A_628 = arith.mulf %get3A_624, %get3A_627 : vector<16xf32>
        %get3A_629 = arith.index_cast %add3A_621 : i32 to index
        %get3A_630 = arith.constant 0 : index
        %get3A_631 = tpu.vector_load %arg13[%get3A_629, %get3A_630] {strides = array<i32>} : memref<128x128xf32, #tpu.memory_space<vmem>>, vector<16xf32>,
        %mul3A_632 = arith.mulf %mul3A_628, %get3A_631 : vector<16xf32>
        %get3A_633 = arith.index_cast %add3A_621 : i32 to index
        %get3A_634 = arith.constant 16 : index
        %get3A_635 = tpu.vector_load %arg11[%get3A_633, %get3A_634] {strides = array<i32>} : memref<128x128xf32, #tpu.memory_space<vmem>>, vector<16xf32>,
        %get3A_636 = arith.index_cast %add3A_621 : i32 to index
        %get3A_637 = arith.constant 16 : index
        %get3A_638 = tpu.vector_load %arg12[%get3A_636, %get3A_637] {strides = array<i32>} : memref<128x128xf32, #tpu.memory_space<vmem>>, vector<16xf32>,
        %mul3A_639 = arith.mulf %get3A_635, %get3A_638 : vector<16xf32>
        %get3A_640 = arith.index_cast %add3A_621 : i32 to index
        %get3A_641 = arith.constant 16 : index
        %get3A_642 = tpu.vector_load %arg13[%get3A_640, %get3A_641] {strides = array<i32>} : memref<128x128xf32, #tpu.memory_space<vmem>>, vector<16xf32>,
        %mul3A_643 = arith.mulf %mul3A_639, %get3A_642 : vector<16xf32>
        %get3A_644 = arith.index_cast %add3A_621 : i32 to index
        %get3A_645 = arith.constant 32 : index
        %get3A_646 = tpu.vector_load %arg11[%get3A_644, %get3A_645] {strides = array<i32>} : memref<128x128xf32, #tpu.memory_space<vmem>>, vector<16xf32>,
        %get3A_647 = arith.index_cast %add3A_621 : i32 to index
        %get3A_648 = arith.constant 32 : index
        %get3A_649 = tpu.vector_load %arg12[%get3A_647, %get3A_648] {strides = array<i32>} : memref<128x128xf32, #tpu.memory_space<vmem>>, vector<16xf32>,
        %mul3A_650 = arith.mulf %get3A_646, %get3A_649 : vector<16xf32>
        %get3A_651 = arith.index_cast %add3A_621 : i32 to index
        %get3A_652 = arith.constant 32 : index
        %get3A_653 = tpu.vector_load %arg13[%get3A_651, %get3A_652] {strides = array<i32>} : memref<128x128xf32, #tpu.memory_space<vmem>>, vector<16xf32>,
        %mul3A_654 = arith.mulf %mul3A_650, %get3A_653 : vector<16xf32>
        %get3A_655 = arith.index_cast %add3A_621 : i32 to index
        %get3A_656 = arith.constant 48 : index
        %get3A_657 = tpu.vector_load %arg11[%get3A_655, %get3A_656] {strides = array<i32>} : memref<128x128xf32, #tpu.memory_space<vmem>>, vector<16xf32>,
        %get3A_658 = arith.index_cast %add3A_621 : i32 to index
        %get3A_659 = arith.constant 48 : index
        %get3A_660 = tpu.vector_load %arg12[%get3A_658, %get3A_659] {strides = array<i32>} : memref<128x128xf32, #tpu.memory_space<vmem>>, vector<16xf32>,
        %mul3A_661 = arith.mulf %get3A_657, %get3A_660 : vector<16xf32>
        %get3A_662 = arith.index_cast %add3A_621 : i32 to index
        %get3A_663 = arith.constant 48 : index
        %get3A_664 = tpu.vector_load %arg13[%get3A_662, %get3A_663] {strides = array<i32>} : memref<128x128xf32, #tpu.memory_space<vmem>>, vector<16xf32>,
        %mul3A_665 = arith.mulf %mul3A_661, %get3A_664 : vector<16xf32>
        %get3A_666 = arith.index_cast %add3A_621 : i32 to index
        %get3A_667 = arith.constant 64 : index
        %get3A_668 = tpu.vector_load %arg11[%get3A_666, %get3A_667] {strides = array<i32>} : memref<128x128xf32, #tpu.memory_space<vmem>>, vector<16xf32>,
        %get3A_669 = arith.index_cast %add3A_621 : i32 to index
        %get3A_670 = arith.constant 64 : index
        %get3A_671 = tpu.vector_load %arg12[%get3A_669, %get3A_670] {strides = array<i32>} : memref<128x128xf32, #tpu.memory_space<vmem>>, vector<16xf32>,
        %mul3A_672 = arith.mulf %get3A_668, %get3A_671 : vector<16xf32>
        %get3A_673 = arith.index_cast %add3A_621 : i32 to index
        %get3A_674 = arith.constant 64 : index
        %get3A_675 = tpu.vector_load %arg13[%get3A_673, %get3A_674] {strides = array<i32>} : memref<128x128xf32, #tpu.memory_space<vmem>>, vector<16xf32>,
        %mul3A_676 = arith.mulf %mul3A_672, %get3A_675 : vector<16xf32>
        %get3A_677 = arith.index_cast %add3A_621 : i32 to index
        %get3A_678 = arith.constant 80 : index
        %get3A_679 = tpu.vector_load %arg11[%get3A_677, %get3A_678] {strides = array<i32>} : memref<128x128xf32, #tpu.memory_space<vmem>>, vector<16xf32>,
        %get3A_680 = arith.index_cast %add3A_621 : i32 to index
        %get3A_681 = arith.constant 80 : index
        %get3A_682 = tpu.vector_load %arg12[%get3A_680, %get3A_681] {strides = array<i32>} : memref<128x128xf32, #tpu.memory_space<vmem>>, vector<16xf32>,
        %mul3A_683 = arith.mulf %get3A_679, %get3A_682 : vector<16xf32>
        %get3A_684 = arith.index_cast %add3A_621 : i32 to index
        %get3A_685 = arith.constant 80 : index
        %get3A_686 = tpu.vector_load %arg13[%get3A_684, %get3A_685] {strides = array<i32>} : memref<128x128xf32, #tpu.memory_space<vmem>>, vector<16xf32>,
        %mul3A_687 = arith.mulf %mul3A_683, %get3A_686 : vector<16xf32>
        %get3A_688 = arith.index_cast %add3A_621 : i32 to index
        %get3A_689 = arith.constant 96 : index
        %get3A_690 = tpu.vector_load %arg11[%get3A_688, %get3A_689] {strides = array<i32>} : memref<128x128xf32, #tpu.memory_space<vmem>>, vector<16xf32>,
        %get3A_691 = arith.index_cast %add3A_621 : i32 to index
        %get3A_692 = arith.constant 96 : index
        %get3A_693 = tpu.vector_load %arg12[%get3A_691, %get3A_692] {strides = array<i32>} : memref<128x128xf32, #tpu.memory_space<vmem>>, vector<16xf32>,
        %mul3A_694 = arith.mulf %get3A_690, %get3A_693 : vector<16xf32>
        %get3A_695 = arith.index_cast %add3A_621 : i32 to index
        %get3A_696 = arith.constant 96 : index
        %get3A_697 = tpu.vector_load %arg13[%get3A_695, %get3A_696] {strides = array<i32>} : memref<128x128xf32, #tpu.memory_space<vmem>>, vector<16xf32>,
        %mul3A_698 = arith.mulf %mul3A_694, %get3A_697 : vector<16xf32>
        %get3A_699 = arith.index_cast %add3A_621 : i32 to index
        %get3A_700 = arith.constant 112 : index
        %get3A_701 = tpu.vector_load %arg11[%get3A_699, %get3A_700] {strides = array<i32>} : memref<128x128xf32, #tpu.memory_space<vmem>>, vector<16xf32>,
        %get3A_702 = arith.index_cast %add3A_621 : i32 to index
        %get3A_703 = arith.constant 112 : index
        %get3A_704 = tpu.vector_load %arg12[%get3A_702, %get3A_703] {strides = array<i32>} : memref<128x128xf32, #tpu.memory_space<vmem>>, vector<16xf32>,
        %mul3A_705 = arith.mulf %get3A_701, %get3A_704 : vector<16xf32>
        %get3A_706 = arith.index_cast %add3A_621 : i32 to index
        %get3A_707 = arith.constant 112 : index
        %get3A_708 = tpu.vector_load %arg13[%get3A_706, %get3A_707] {strides = array<i32>} : memref<128x128xf32, #tpu.memory_space<vmem>>, vector<16xf32>,
        %mul3A_709 = arith.mulf %mul3A_705, %get3A_708 : vector<16xf32>
        %add3A_710 = arith.addf %mul3A_632, %mul3A_643 : vector<16xf32>
        %add3A_711 = arith.addf %mul3A_654, %mul3A_665 : vector<16xf32>
        %add3A_712 = arith.addf %mul3A_676, %mul3A_687 : vector<16xf32>
        %add3A_713 = arith.addf %mul3A_698, %mul3A_709 : vector<16xf32>
        %add3A_714 = arith.addf %add3A_710, %add3A_711 : vector<16xf32>
        %add3A_715 = arith.addf %add3A_712, %add3A_713 : vector<16xf32>
        %add3A_716 = arith.addf %add3A_714, %add3A_715 : vector<16xf32>
        %swap3A_717 = arith.constant 0 : index
        %swap3A_718 = tpu.vector_load %arg23[%swap3A_717] {strides = array<i32>} : memref<256xf32, #tpu.memory_space<vmem>>, vector<16xf32>,
        tpu.vector_store %arg23[%swap3A_717], %add3A_716 {strides = array<i32>} : memref<256xf32, #tpu.memory_space<vmem>>, vector<16xf32>,
        %add3A_719 = arith.constant 1 : i32
        %add3A_720 = arith.addi %mul3A_619, %add3A_719 : i32
        %get3A_721 = arith.index_cast %add3A_720 : i32 to index
        %get3A_722 = arith.constant 0 : index
        %get3A_723 = tpu.vector_load %arg11[%get3A_721, %get3A_722] {strides = array<i32>} : memref<128x128xf32, #tpu.memory_space<vmem>>, vector<16xf32>,
        %get3A_724 = arith.index_cast %add3A_720 : i32 to index
        %get3A_725 = arith.constant 0 : index
        %get3A_726 = tpu.vector_load %arg12[%get3A_724, %get3A_725] {strides = array<i32>} : memref<128x128xf32, #tpu.memory_space<vmem>>, vector<16xf32>,
        %mul3A_727 = arith.mulf %get3A_723, %get3A_726 : vector<16xf32>
        %get3A_728 = arith.index_cast %add3A_720 : i32 to index
        %get3A_729 = arith.constant 0 : index
        %get3A_730 = tpu.vector_load %arg13[%get3A_728, %get3A_729] {strides = array<i32>} : memref<128x128xf32, #tpu.memory_space<vmem>>, vector<16xf32>,
        %mul3A_731 = arith.mulf %mul3A_727, %get3A_730 : vector<16xf32>
        %get3A_732 = arith.index_cast %add3A_720 : i32 to index
        %get3A_733 = arith.constant 16 : index
        %get3A_734 = tpu.vector_load %arg11[%get3A_732, %get3A_733] {strides = array<i32>} : memref<128x128xf32, #tpu.memory_space<vmem>>, vector<16xf32>,
        %get3A_735 = arith.index_cast %add3A_720 : i32 to index
        %get3A_736 = arith.constant 16 : index
        %get3A_737 = tpu.vector_load %arg12[%get3A_735, %get3A_736] {strides = array<i32>} : memref<128x128xf32, #tpu.memory_space<vmem>>, vector<16xf32>,
        %mul3A_738 = arith.mulf %get3A_734, %get3A_737 : vector<16xf32>
        %get3A_739 = arith.index_cast %add3A_720 : i32 to index
        %get3A_740 = arith.constant 16 : index
        %get3A_741 = tpu.vector_load %arg13[%get3A_739, %get3A_740] {strides = array<i32>} : memref<128x128xf32, #tpu.memory_space<vmem>>, vector<16xf32>,
        %mul3A_742 = arith.mulf %mul3A_738, %get3A_741 : vector<16xf32>
        %get3A_743 = arith.index_cast %add3A_720 : i32 to index
        %get3A_744 = arith.constant 32 : index
        %get3A_745 = tpu.vector_load %arg11[%get3A_743, %get3A_744] {strides = array<i32>} : memref<128x128xf32, #tpu.memory_space<vmem>>, vector<16xf32>,
        %get3A_746 = arith.index_cast %add3A_720 : i32 to index
        %get3A_747 = arith.constant 32 : index
        %get3A_748 = tpu.vector_load %arg12[%get3A_746, %get3A_747] {strides = array<i32>} : memref<128x128xf32, #tpu.memory_space<vmem>>, vector<16xf32>,
        %mul3A_749 = arith.mulf %get3A_745, %get3A_748 : vector<16xf32>
        %get3A_750 = arith.index_cast %add3A_720 : i32 to index
        %get3A_751 = arith.constant 32 : index
        %get3A_752 = tpu.vector_load %arg13[%get3A_750, %get3A_751] {strides = array<i32>} : memref<128x128xf32, #tpu.memory_space<vmem>>, vector<16xf32>,
        %mul3A_753 = arith.mulf %mul3A_749, %get3A_752 : vector<16xf32>
        %get3A_754 = arith.index_cast %add3A_720 : i32 to index
        %get3A_755 = arith.constant 48 : index
        %get3A_756 = tpu.vector_load %arg11[%get3A_754, %get3A_755] {strides = array<i32>} : memref<128x128xf32, #tpu.memory_space<vmem>>, vector<16xf32>,
        %get3A_757 = arith.index_cast %add3A_720 : i32 to index
        %get3A_758 = arith.constant 48 : index
        %get3A_759 = tpu.vector_load %arg12[%get3A_757, %get3A_758] {strides = array<i32>} : memref<128x128xf32, #tpu.memory_space<vmem>>, vector<16xf32>,
        %mul3A_760 = arith.mulf %get3A_756, %get3A_759 : vector<16xf32>
        %get3A_761 = arith.index_cast %add3A_720 : i32 to index
        %get3A_762 = arith.constant 48 : index
        %get3A_763 = tpu.vector_load %arg13[%get3A_761, %get3A_762] {strides = array<i32>} : memref<128x128xf32, #tpu.memory_space<vmem>>, vector<16xf32>,
        %mul3A_764 = arith.mulf %mul3A_760, %get3A_763 : vector<16xf32>
        %get3A_765 = arith.index_cast %add3A_720 : i32 to index
        %get3A_766 = arith.constant 64 : index
        %get3A_767 = tpu.vector_load %arg11[%get3A_765, %get3A_766] {strides = array<i32>} : memref<128x128xf32, #tpu.memory_space<vmem>>, vector<16xf32>,
        %get3A_768 = arith.index_cast %add3A_720 : i32 to index
        %get3A_769 = arith.constant 64 : index
        %get3A_770 = tpu.vector_load %arg12[%get3A_768, %get3A_769] {strides = array<i32>} : memref<128x128xf32, #tpu.memory_space<vmem>>, vector<16xf32>,
        %mul3A_771 = arith.mulf %get3A_767, %get3A_770 : vector<16xf32>
        %get3A_772 = arith.index_cast %add3A_720 : i32 to index
        %get3A_773 = arith.constant 64 : index
        %get3A_774 = tpu.vector_load %arg13[%get3A_772, %get3A_773] {strides = array<i32>} : memref<128x128xf32, #tpu.memory_space<vmem>>, vector<16xf32>,
        %mul3A_775 = arith.mulf %mul3A_771, %get3A_774 : vector<16xf32>
        %get3A_776 = arith.index_cast %add3A_720 : i32 to index
        %get3A_777 = arith.constant 80 : index
        %get3A_778 = tpu.vector_load %arg11[%get3A_776, %get3A_777] {strides = array<i32>} : memref<128x128xf32, #tpu.memory_space<vmem>>, vector<16xf32>,
        %get3A_779 = arith.index_cast %add3A_720 : i32 to index
        %get3A_780 = arith.constant 80 : index
        %get3A_781 = tpu.vector_load %arg12[%get3A_779, %get3A_780] {strides = array<i32>} : memref<128x128xf32, #tpu.memory_space<vmem>>, vector<16xf32>,
        %mul3A_782 = arith.mulf %get3A_778, %get3A_781 : vector<16xf32>
        %get3A_783 = arith.index_cast %add3A_720 : i32 to index
        %get3A_784 = arith.constant 80 : index
        %get3A_785 = tpu.vector_load %arg13[%get3A_783, %get3A_784] {strides = array<i32>} : memref<128x128xf32, #tpu.memory_space<vmem>>, vector<16xf32>,
        %mul3A_786 = arith.mulf %mul3A_782, %get3A_785 : vector<16xf32>
        %get3A_787 = arith.index_cast %add3A_720 : i32 to index
        %get3A_788 = arith.constant 96 : index
        %get3A_789 = tpu.vector_load %arg11[%get3A_787, %get3A_788] {strides = array<i32>} : memref<128x128xf32, #tpu.memory_space<vmem>>, vector<16xf32>,
        %get3A_790 = arith.index_cast %add3A_720 : i32 to index
        %get3A_791 = arith.constant 96 : index
        %get3A_792 = tpu.vector_load %arg12[%get3A_790, %get3A_791] {strides = array<i32>} : memref<128x128xf32, #tpu.memory_space<vmem>>, vector<16xf32>,
        %mul3A_793 = arith.mulf %get3A_789, %get3A_792 : vector<16xf32>
        %get3A_794 = arith.index_cast %add3A_720 : i32 to index
        %get3A_795 = arith.constant 96 : index
        %get3A_796 = tpu.vector_load %arg13[%get3A_794, %get3A_795] {strides = array<i32>} : memref<128x128xf32, #tpu.memory_space<vmem>>, vector<16xf32>,
        %mul3A_797 = arith.mulf %mul3A_793, %get3A_796 : vector<16xf32>
        %get3A_798 = arith.index_cast %add3A_720 : i32 to index
        %get3A_799 = arith.constant 112 : index
        %get3A_800 = tpu.vector_load %arg11[%get3A_798, %get3A_799] {strides = array<i32>} : memref<128x128xf32, #tpu.memory_space<vmem>>, vector<16xf32>,
        %get3A_801 = arith.index_cast %add3A_720 : i32 to index
        %get3A_802 = arith.constant 112 : index
        %get3A_803 = tpu.vector_load %arg12[%get3A_801, %get3A_802] {strides = array<i32>} : memref<128x128xf32, #tpu.memory_space<vmem>>, vector<16xf32>,
        %mul3A_804 = arith.mulf %get3A_800, %get3A_803 : vector<16xf32>
        %get3A_805 = arith.index_cast %add3A_720 : i32 to index
        %get3A_806 = arith.constant 112 : index
        %get3A_807 = tpu.vector_load %arg13[%get3A_805, %get3A_806] {strides = array<i32>} : memref<128x128xf32, #tpu.memory_space<vmem>>, vector<16xf32>,
        %mul3A_808 = arith.mulf %mul3A_804, %get3A_807 : vector<16xf32>
        %add3A_809 = arith.addf %mul3A_731, %mul3A_742 : vector<16xf32>
        %add3A_810 = arith.addf %mul3A_753, %mul3A_764 : vector<16xf32>
        %add3A_811 = arith.addf %mul3A_775, %mul3A_786 : vector<16xf32>
        %add3A_812 = arith.addf %mul3A_797, %mul3A_808 : vector<16xf32>
        %add3A_813 = arith.addf %add3A_809, %add3A_810 : vector<16xf32>
        %add3A_814 = arith.addf %add3A_811, %add3A_812 : vector<16xf32>
        %add3A_815 = arith.addf %add3A_813, %add3A_814 : vector<16xf32>
        %swap3A_816 = arith.constant 16 : index
        %swap3A_817 = tpu.vector_load %arg23[%swap3A_816] {strides = array<i32>} : memref<256xf32, #tpu.memory_space<vmem>>, vector<16xf32>,
        tpu.vector_store %arg23[%swap3A_816], %add3A_815 {strides = array<i32>} : memref<256xf32, #tpu.memory_space<vmem>>, vector<16xf32>,
        %add3A_818 = arith.constant 2 : i32
        %add3A_819 = arith.addi %mul3A_619, %add3A_818 : i32
        %get3A_820 = arith.index_cast %add3A_819 : i32 to index
        %get3A_821 = arith.constant 0 : index
        %get3A_822 = tpu.vector_load %arg11[%get3A_820, %get3A_821] {strides = array<i32>} : memref<128x128xf32, #tpu.memory_space<vmem>>, vector<16xf32>,
        %get3A_823 = arith.index_cast %add3A_819 : i32 to index
        %get3A_824 = arith.constant 0 : index
        %get3A_825 = tpu.vector_load %arg12[%get3A_823, %get3A_824] {strides = array<i32>} : memref<128x128xf32, #tpu.memory_space<vmem>>, vector<16xf32>,
        %mul3A_826 = arith.mulf %get3A_822, %get3A_825 : vector<16xf32>
        %get3A_827 = arith.index_cast %add3A_819 : i32 to index
        %get3A_828 = arith.constant 0 : index
        %get3A_829 = tpu.vector_load %arg13[%get3A_827, %get3A_828] {strides = array<i32>} : memref<128x128xf32, #tpu.memory_space<vmem>>, vector<16xf32>,
        %mul3A_830 = arith.mulf %mul3A_826, %get3A_829 : vector<16xf32>
        %get3A_831 = arith.index_cast %add3A_819 : i32 to index
        %get3A_832 = arith.constant 16 : index
        %get3A_833 = tpu.vector_load %arg11[%get3A_831, %get3A_832] {strides = array<i32>} : memref<128x128xf32, #tpu.memory_space<vmem>>, vector<16xf32>,
        %get3A_834 = arith.index_cast %add3A_819 : i32 to index
        %get3A_835 = arith.constant 16 : index
        %get3A_836 = tpu.vector_load %arg12[%get3A_834, %get3A_835] {strides = array<i32>} : memref<128x128xf32, #tpu.memory_space<vmem>>, vector<16xf32>,
        %mul3A_837 = arith.mulf %get3A_833, %get3A_836 : vector<16xf32>
        %get3A_838 = arith.index_cast %add3A_819 : i32 to index
        %get3A_839 = arith.constant 16 : index
        %get3A_840 = tpu.vector_load %arg13[%get3A_838, %get3A_839] {strides = array<i32>} : memref<128x128xf32, #tpu.memory_space<vmem>>, vector<16xf32>,
        %mul3A_841 = arith.mulf %mul3A_837, %get3A_840 : vector<16xf32>
        %get3A_842 = arith.index_cast %add3A_819 : i32 to index
        %get3A_843 = arith.constant 32 : index
        %get3A_844 = tpu.vector_load %arg11[%get3A_842, %get3A_843] {strides = array<i32>} : memref<128x128xf32, #tpu.memory_space<vmem>>, vector<16xf32>,
        %get3A_845 = arith.index_cast %add3A_819 : i32 to index
        %get3A_846 = arith.constant 32 : index
        %get3A_847 = tpu.vector_load %arg12[%get3A_845, %get3A_846] {strides = array<i32>} : memref<128x128xf32, #tpu.memory_space<vmem>>, vector<16xf32>,
        %mul3A_848 = arith.mulf %get3A_844, %get3A_847 : vector<16xf32>
        %get3A_849 = arith.index_cast %add3A_819 : i32 to index
        %get3A_850 = arith.constant 32 : index
        %get3A_851 = tpu.vector_load %arg13[%get3A_849, %get3A_850] {strides = array<i32>} : memref<128x128xf32, #tpu.memory_space<vmem>>, vector<16xf32>,
        %mul3A_852 = arith.mulf %mul3A_848, %get3A_851 : vector<16xf32>
        %get3A_853 = arith.index_cast %add3A_819 : i32 to index
        %get3A_854 = arith.constant 48 : index
        %get3A_855 = tpu.vector_load %arg11[%get3A_853, %get3A_854] {strides = array<i32>} : memref<128x128xf32, #tpu.memory_space<vmem>>, vector<16xf32>,
        %get3A_856 = arith.index_cast %add3A_819 : i32 to index
        %get3A_857 = arith.constant 48 : index
        %get3A_858 = tpu.vector_load %arg12[%get3A_856, %get3A_857] {strides = array<i32>} : memref<128x128xf32, #tpu.memory_space<vmem>>, vector<16xf32>,
        %mul3A_859 = arith.mulf %get3A_855, %get3A_858 : vector<16xf32>
        %get3A_860 = arith.index_cast %add3A_819 : i32 to index
        %get3A_861 = arith.constant 48 : index
        %get3A_862 = tpu.vector_load %arg13[%get3A_860, %get3A_861] {strides = array<i32>} : memref<128x128xf32, #tpu.memory_space<vmem>>, vector<16xf32>,
        %mul3A_863 = arith.mulf %mul3A_859, %get3A_862 : vector<16xf32>
        %get3A_864 = arith.index_cast %add3A_819 : i32 to index
        %get3A_865 = arith.constant 64 : index
        %get3A_866 = tpu.vector_load %arg11[%get3A_864, %get3A_865] {strides = array<i32>} : memref<128x128xf32, #tpu.memory_space<vmem>>, vector<16xf32>,
        %get3A_867 = arith.index_cast %add3A_819 : i32 to index
        %get3A_868 = arith.constant 64 : index
        %get3A_869 = tpu.vector_load %arg12[%get3A_867, %get3A_868] {strides = array<i32>} : memref<128x128xf32, #tpu.memory_space<vmem>>, vector<16xf32>,
        %mul3A_870 = arith.mulf %get3A_866, %get3A_869 : vector<16xf32>
        %get3A_871 = arith.index_cast %add3A_819 : i32 to index
        %get3A_872 = arith.constant 64 : index
        %get3A_873 = tpu.vector_load %arg13[%get3A_871, %get3A_872] {strides = array<i32>} : memref<128x128xf32, #tpu.memory_space<vmem>>, vector<16xf32>,
        %mul3A_874 = arith.mulf %mul3A_870, %get3A_873 : vector<16xf32>
        %get3A_875 = arith.index_cast %add3A_819 : i32 to index
        %get3A_876 = arith.constant 80 : index
        %get3A_877 = tpu.vector_load %arg11[%get3A_875, %get3A_876] {strides = array<i32>} : memref<128x128xf32, #tpu.memory_space<vmem>>, vector<16xf32>,
        %get3A_878 = arith.index_cast %add3A_819 : i32 to index
        %get3A_879 = arith.constant 80 : index
        %get3A_880 = tpu.vector_load %arg12[%get3A_878, %get3A_879] {strides = array<i32>} : memref<128x128xf32, #tpu.memory_space<vmem>>, vector<16xf32>,
        %mul3A_881 = arith.mulf %get3A_877, %get3A_880 : vector<16xf32>
        %get3A_882 = arith.index_cast %add3A_819 : i32 to index
        %get3A_883 = arith.constant 80 : index
        %get3A_884 = tpu.vector_load %arg13[%get3A_882, %get3A_883] {strides = array<i32>} : memref<128x128xf32, #tpu.memory_space<vmem>>, vector<16xf32>,
        %mul3A_885 = arith.mulf %mul3A_881, %get3A_884 : vector<16xf32>
        %get3A_886 = arith.index_cast %add3A_819 : i32 to index
        %get3A_887 = arith.constant 96 : index
        %get3A_888 = tpu.vector_load %arg11[%get3A_886, %get3A_887] {strides = array<i32>} : memref<128x128xf32, #tpu.memory_space<vmem>>, vector<16xf32>,
        %get3A_889 = arith.index_cast %add3A_819 : i32 to index
        %get3A_890 = arith.constant 96 : index
        %get3A_891 = tpu.vector_load %arg12[%get3A_889, %get3A_890] {strides = array<i32>} : memref<128x128xf32, #tpu.memory_space<vmem>>, vector<16xf32>,
        %mul3A_892 = arith.mulf %get3A_888, %get3A_891 : vector<16xf32>
        %get3A_893 = arith.index_cast %add3A_819 : i32 to index
        %get3A_894 = arith.constant 96 : index
        %get3A_895 = tpu.vector_load %arg13[%get3A_893, %get3A_894] {strides = array<i32>} : memref<128x128xf32, #tpu.memory_space<vmem>>, vector<16xf32>,
        %mul3A_896 = arith.mulf %mul3A_892, %get3A_895 : vector<16xf32>
        %get3A_897 = arith.index_cast %add3A_819 : i32 to index
        %get3A_898 = arith.constant 112 : index
        %get3A_899 = tpu.vector_load %arg11[%get3A_897, %get3A_898] {strides = array<i32>} : memref<128x128xf32, #tpu.memory_space<vmem>>, vector<16xf32>,
        %get3A_900 = arith.index_cast %add3A_819 : i32 to index
        %get3A_901 = arith.constant 112 : index
        %get3A_902 = tpu.vector_load %arg12[%get3A_900, %get3A_901] {strides = array<i32>} : memref<128x128xf32, #tpu.memory_space<vmem>>, vector<16xf32>,
        %mul3A_903 = arith.mulf %get3A_899, %get3A_902 : vector<16xf32>
        %get3A_904 = arith.index_cast %add3A_819 : i32 to index
        %get3A_905 = arith.constant 112 : index
        %get3A_906 = tpu.vector_load %arg13[%get3A_904, %get3A_905] {strides = array<i32>} : memref<128x128xf32, #tpu.memory_space<vmem>>, vector<16xf32>,
        %mul3A_907 = arith.mulf %mul3A_903, %get3A_906 : vector<16xf32>
        %add3A_908 = arith.addf %mul3A_830, %mul3A_841 : vector<16xf32>
        %add3A_909 = arith.addf %mul3A_852, %mul3A_863 : vector<16xf32>
        %add3A_910 = arith.addf %mul3A_874, %mul3A_885 : vector<16xf32>
        %add3A_911 = arith.addf %mul3A_896, %mul3A_907 : vector<16xf32>
        %add3A_912 = arith.addf %add3A_908, %add3A_909 : vector<16xf32>
        %add3A_913 = arith.addf %add3A_910, %add3A_911 : vector<16xf32>
        %add3A_914 = arith.addf %add3A_912, %add3A_913 : vector<16xf32>
        %swap3A_915 = arith.constant 32 : index
        %swap3A_916 = tpu.vector_load %arg23[%swap3A_915] {strides = array<i32>} : memref<256xf32, #tpu.memory_space<vmem>>, vector<16xf32>,
        tpu.vector_store %arg23[%swap3A_915], %add3A_914 {strides = array<i32>} : memref<256xf32, #tpu.memory_space<vmem>>, vector<16xf32>,
        %add3A_917 = arith.constant 3 : i32
        %add3A_918 = arith.addi %mul3A_619, %add3A_917 : i32
        %get3A_919 = arith.index_cast %add3A_918 : i32 to index
        %get3A_920 = arith.constant 0 : index
        %get3A_921 = tpu.vector_load %arg11[%get3A_919, %get3A_920] {strides = array<i32>} : memref<128x128xf32, #tpu.memory_space<vmem>>, vector<16xf32>,
        %get3A_922 = arith.index_cast %add3A_918 : i32 to index
        %get3A_923 = arith.constant 0 : index
        %get3A_924 = tpu.vector_load %arg12[%get3A_922, %get3A_923] {strides = array<i32>} : memref<128x128xf32, #tpu.memory_space<vmem>>, vector<16xf32>,
        %mul3A_925 = arith.mulf %get3A_921, %get3A_924 : vector<16xf32>
        %get3A_926 = arith.index_cast %add3A_918 : i32 to index
        %get3A_927 = arith.constant 0 : index
        %get3A_928 = tpu.vector_load %arg13[%get3A_926, %get3A_927] {strides = array<i32>} : memref<128x128xf32, #tpu.memory_space<vmem>>, vector<16xf32>,
        %mul3A_929 = arith.mulf %mul3A_925, %get3A_928 : vector<16xf32>
        %get3A_930 = arith.index_cast %add3A_918 : i32 to index
        %get3A_931 = arith.constant 16 : index
        %get3A_932 = tpu.vector_load %arg11[%get3A_930, %get3A_931] {strides = array<i32>} : memref<128x128xf32, #tpu.memory_space<vmem>>, vector<16xf32>,
        %get3A_933 = arith.index_cast %add3A_918 : i32 to index
        %get3A_934 = arith.constant 16 : index
        %get3A_935 = tpu.vector_load %arg12[%get3A_933, %get3A_934] {strides = array<i32>} : memref<128x128xf32, #tpu.memory_space<vmem>>, vector<16xf32>,
        %mul3A_936 = arith.mulf %get3A_932, %get3A_935 : vector<16xf32>
        %get3A_937 = arith.index_cast %add3A_918 : i32 to index
        %get3A_938 = arith.constant 16 : index
        %get3A_939 = tpu.vector_load %arg13[%get3A_937, %get3A_938] {strides = array<i32>} : memref<128x128xf32, #tpu.memory_space<vmem>>, vector<16xf32>,
        %mul3A_940 = arith.mulf %mul3A_936, %get3A_939 : vector<16xf32>
        %get3A_941 = arith.index_cast %add3A_918 : i32 to index
        %get3A_942 = arith.constant 32 : index
        %get3A_943 = tpu.vector_load %arg11[%get3A_941, %get3A_942] {strides = array<i32>} : memref<128x128xf32, #tpu.memory_space<vmem>>, vector<16xf32>,
        %get3A_944 = arith.index_cast %add3A_918 : i32 to index
        %get3A_945 = arith.constant 32 : index
        %get3A_946 = tpu.vector_load %arg12[%get3A_944, %get3A_945] {strides = array<i32>} : memref<128x128xf32, #tpu.memory_space<vmem>>, vector<16xf32>,
        %mul3A_947 = arith.mulf %get3A_943, %get3A_946 : vector<16xf32>
        %get3A_948 = arith.index_cast %add3A_918 : i32 to index
        %get3A_949 = arith.constant 32 : index
        %get3A_950 = tpu.vector_load %arg13[%get3A_948, %get3A_949] {strides = array<i32>} : memref<128x128xf32, #tpu.memory_space<vmem>>, vector<16xf32>,
        %mul3A_951 = arith.mulf %mul3A_947, %get3A_950 : vector<16xf32>
        %get3A_952 = arith.index_cast %add3A_918 : i32 to index
        %get3A_953 = arith.constant 48 : index
        %get3A_954 = tpu.vector_load %arg11[%get3A_952, %get3A_953] {strides = array<i32>} : memref<128x128xf32, #tpu.memory_space<vmem>>, vector<16xf32>,
        %get3A_955 = arith.index_cast %add3A_918 : i32 to index
        %get3A_956 = arith.constant 48 : index
        %get3A_957 = tpu.vector_load %arg12[%get3A_955, %get3A_956] {strides = array<i32>} : memref<128x128xf32, #tpu.memory_space<vmem>>, vector<16xf32>,
        %mul3A_958 = arith.mulf %get3A_954, %get3A_957 : vector<16xf32>
        %get3A_959 = arith.index_cast %add3A_918 : i32 to index
        %get3A_960 = arith.constant 48 : index
        %get3A_961 = tpu.vector_load %arg13[%get3A_959, %get3A_960] {strides = array<i32>} : memref<128x128xf32, #tpu.memory_space<vmem>>, vector<16xf32>,
        %mul3A_962 = arith.mulf %mul3A_958, %get3A_961 : vector<16xf32>
        %get3A_963 = arith.index_cast %add3A_918 : i32 to index
        %get3A_964 = arith.constant 64 : index
        %get3A_965 = tpu.vector_load %arg11[%get3A_963, %get3A_964] {strides = array<i32>} : memref<128x128xf32, #tpu.memory_space<vmem>>, vector<16xf32>,
        %get3A_966 = arith.index_cast %add3A_918 : i32 to index
        %get3A_967 = arith.constant 64 : index
        %get3A_968 = tpu.vector_load %arg12[%get3A_966, %get3A_967] {strides = array<i32>} : memref<128x128xf32, #tpu.memory_space<vmem>>, vector<16xf32>,
        %mul3A_969 = arith.mulf %get3A_965, %get3A_968 : vector<16xf32>
        %get3A_970 = arith.index_cast %add3A_918 : i32 to index
        %get3A_971 = arith.constant 64 : index
        %get3A_972 = tpu.vector_load %arg13[%get3A_970, %get3A_971] {strides = array<i32>} : memref<128x128xf32, #tpu.memory_space<vmem>>, vector<16xf32>,
        %mul3A_973 = arith.mulf %mul3A_969, %get3A_972 : vector<16xf32>
        %get3A_974 = arith.index_cast %add3A_918 : i32 to index
        %get3A_975 = arith.constant 80 : index
        %get3A_976 = tpu.vector_load %arg11[%get3A_974, %get3A_975] {strides = array<i32>} : memref<128x128xf32, #tpu.memory_space<vmem>>, vector<16xf32>,
        %get3A_977 = arith.index_cast %add3A_918 : i32 to index
        %get3A_978 = arith.constant 80 : index
        %get3A_979 = tpu.vector_load %arg12[%get3A_977, %get3A_978] {strides = array<i32>} : memref<128x128xf32, #tpu.memory_space<vmem>>, vector<16xf32>,
        %mul3A_980 = arith.mulf %get3A_976, %get3A_979 : vector<16xf32>
        %get3A_981 = arith.index_cast %add3A_918 : i32 to index
        %get3A_982 = arith.constant 80 : index
        %get3A_983 = tpu.vector_load %arg13[%get3A_981, %get3A_982] {strides = array<i32>} : memref<128x128xf32, #tpu.memory_space<vmem>>, vector<16xf32>,
        %mul3A_984 = arith.mulf %mul3A_980, %get3A_983 : vector<16xf32>
        %get3A_985 = arith.index_cast %add3A_918 : i32 to index
        %get3A_986 = arith.constant 96 : index
        %get3A_987 = tpu.vector_load %arg11[%get3A_985, %get3A_986] {strides = array<i32>} : memref<128x128xf32, #tpu.memory_space<vmem>>, vector<16xf32>,
        %get3A_988 = arith.index_cast %add3A_918 : i32 to index
        %get3A_989 = arith.constant 96 : index
        %get3A_990 = tpu.vector_load %arg12[%get3A_988, %get3A_989] {strides = array<i32>} : memref<128x128xf32, #tpu.memory_space<vmem>>, vector<16xf32>,
        %mul3A_991 = arith.mulf %get3A_987, %get3A_990 : vector<16xf32>
        %get3A_992 = arith.index_cast %add3A_918 : i32 to index
        %get3A_993 = arith.constant 96 : index
        %get3A_994 = tpu.vector_load %arg13[%get3A_992, %get3A_993] {strides = array<i32>} : memref<128x128xf32, #tpu.memory_space<vmem>>, vector<16xf32>,
        %mul3A_995 = arith.mulf %mul3A_991, %get3A_994 : vector<16xf32>
        %get3A_996 = arith.index_cast %add3A_918 : i32 to index
        %get3A_997 = arith.constant 112 : index
        %get3A_998 = tpu.vector_load %arg11[%get3A_996, %get3A_997] {strides = array<i32>} : memref<128x128xf32, #tpu.memory_space<vmem>>, vector<16xf32>,
        %get3A_999 = arith.index_cast %add3A_918 : i32 to index
        %get3A_1000 = arith.constant 112 : index
        %get3A_1001 = tpu.vector_load %arg12[%get3A_999, %get3A_1000] {strides = array<i32>} : memref<128x128xf32, #tpu.memory_space<vmem>>, vector<16xf32>,
        %mul3A_1002 = arith.mulf %get3A_998, %get3A_1001 : vector<16xf32>
        %get3A_1003 = arith.index_cast %add3A_918 : i32 to index
        %get3A_1004 = arith.constant 112 : index
        %get3A_1005 = tpu.vector_load %arg13[%get3A_1003, %get3A_1004] {strides = array<i32>} : memref<128x128xf32, #tpu.memory_space<vmem>>, vector<16xf32>,
        %mul3A_1006 = arith.mulf %mul3A_1002, %get3A_1005 : vector<16xf32>
        %add3A_1007 = arith.addf %mul3A_929, %mul3A_940 : vector<16xf32>
        %add3A_1008 = arith.addf %mul3A_951, %mul3A_962 : vector<16xf32>
        %add3A_1009 = arith.addf %mul3A_973, %mul3A_984 : vector<16xf32>
        %add3A_1010 = arith.addf %mul3A_995, %mul3A_1006 : vector<16xf32>
        %add3A_1011 = arith.addf %add3A_1007, %add3A_1008 : vector<16xf32>
        %add3A_1012 = arith.addf %add3A_1009, %add3A_1010 : vector<16xf32>
        %add3A_1013 = arith.addf %add3A_1011, %add3A_1012 : vector<16xf32>
        %swap3A_1014 = arith.constant 48 : index
        %swap3A_1015 = tpu.vector_load %arg23[%swap3A_1014] {strides = array<i32>} : memref<256xf32, #tpu.memory_space<vmem>>, vector<16xf32>,
        tpu.vector_store %arg23[%swap3A_1014], %add3A_1013 {strides = array<i32>} : memref<256xf32, #tpu.memory_space<vmem>>, vector<16xf32>,
        %add3A_1016 = arith.constant 4 : i32
        %add3A_1017 = arith.addi %mul3A_619, %add3A_1016 : i32
        %get3A_1018 = arith.index_cast %add3A_1017 : i32 to index
        %get3A_1019 = arith.constant 0 : index
        %get3A_1020 = tpu.vector_load %arg11[%get3A_1018, %get3A_1019] {strides = array<i32>} : memref<128x128xf32, #tpu.memory_space<vmem>>, vector<16xf32>,
        %get3A_1021 = arith.index_cast %add3A_1017 : i32 to index
        %get3A_1022 = arith.constant 0 : index
        %get3A_1023 = tpu.vector_load %arg12[%get3A_1021, %get3A_1022] {strides = array<i32>} : memref<128x128xf32, #tpu.memory_space<vmem>>, vector<16xf32>,
        %mul3A_1024 = arith.mulf %get3A_1020, %get3A_1023 : vector<16xf32>
        %get3A_1025 = arith.index_cast %add3A_1017 : i32 to index
        %get3A_1026 = arith.constant 0 : index
        %get3A_1027 = tpu.vector_load %arg13[%get3A_1025, %get3A_1026] {strides = array<i32>} : memref<128x128xf32, #tpu.memory_space<vmem>>, vector<16xf32>,
        %mul3A_1028 = arith.mulf %mul3A_1024, %get3A_1027 : vector<16xf32>
        %get3A_1029 = arith.index_cast %add3A_1017 : i32 to index
        %get3A_1030 = arith.constant 16 : index
        %get3A_1031 = tpu.vector_load %arg11[%get3A_1029, %get3A_1030] {strides = array<i32>} : memref<128x128xf32, #tpu.memory_space<vmem>>, vector<16xf32>,
        %get3A_1032 = arith.index_cast %add3A_1017 : i32 to index
        %get3A_1033 = arith.constant 16 : index
        %get3A_1034 = tpu.vector_load %arg12[%get3A_1032, %get3A_1033] {strides = array<i32>} : memref<128x128xf32, #tpu.memory_space<vmem>>, vector<16xf32>,
        %mul3A_1035 = arith.mulf %get3A_1031, %get3A_1034 : vector<16xf32>
        %get3A_1036 = arith.index_cast %add3A_1017 : i32 to index
        %get3A_1037 = arith.constant 16 : index
        %get3A_1038 = tpu.vector_load %arg13[%get3A_1036, %get3A_1037] {strides = array<i32>} : memref<128x128xf32, #tpu.memory_space<vmem>>, vector<16xf32>,
        %mul3A_1039 = arith.mulf %mul3A_1035, %get3A_1038 : vector<16xf32>
        %get3A_1040 = arith.index_cast %add3A_1017 : i32 to index
        %get3A_1041 = arith.constant 32 : index
        %get3A_1042 = tpu.vector_load %arg11[%get3A_1040, %get3A_1041] {strides = array<i32>} : memref<128x128xf32, #tpu.memory_space<vmem>>, vector<16xf32>,
        %get3A_1043 = arith.index_cast %add3A_1017 : i32 to index
        %get3A_1044 = arith.constant 32 : index
        %get3A_1045 = tpu.vector_load %arg12[%get3A_1043, %get3A_1044] {strides = array<i32>} : memref<128x128xf32, #tpu.memory_space<vmem>>, vector<16xf32>,
        %mul3A_1046 = arith.mulf %get3A_1042, %get3A_1045 : vector<16xf32>
        %get3A_1047 = arith.index_cast %add3A_1017 : i32 to index
        %get3A_1048 = arith.constant 32 : index
        %get3A_1049 = tpu.vector_load %arg13[%get3A_1047, %get3A_1048] {strides = array<i32>} : memref<128x128xf32, #tpu.memory_space<vmem>>, vector<16xf32>,
        %mul3A_1050 = arith.mulf %mul3A_1046, %get3A_1049 : vector<16xf32>
        %get3A_1051 = arith.index_cast %add3A_1017 : i32 to index
        %get3A_1052 = arith.constant 48 : index
        %get3A_1053 = tpu.vector_load %arg11[%get3A_1051, %get3A_1052] {strides = array<i32>} : memref<128x128xf32, #tpu.memory_space<vmem>>, vector<16xf32>,
        %get3A_1054 = arith.index_cast %add3A_1017 : i32 to index
        %get3A_1055 = arith.constant 48 : index
        %get3A_1056 = tpu.vector_load %arg12[%get3A_1054, %get3A_1055] {strides = array<i32>} : memref<128x128xf32, #tpu.memory_space<vmem>>, vector<16xf32>,
        %mul3A_1057 = arith.mulf %get3A_1053, %get3A_1056 : vector<16xf32>
        %get3A_1058 = arith.index_cast %add3A_1017 : i32 to index
        %get3A_1059 = arith.constant 48 : index
        %get3A_1060 = tpu.vector_load %arg13[%get3A_1058, %get3A_1059] {strides = array<i32>} : memref<128x128xf32, #tpu.memory_space<vmem>>, vector<16xf32>,
        %mul3A_1061 = arith.mulf %mul3A_1057, %get3A_1060 : vector<16xf32>
        %get3A_1062 = arith.index_cast %add3A_1017 : i32 to index
        %get3A_1063 = arith.constant 64 : index
        %get3A_1064 = tpu.vector_load %arg11[%get3A_1062, %get3A_1063] {strides = array<i32>} : memref<128x128xf32, #tpu.memory_space<vmem>>, vector<16xf32>,
        %get3A_1065 = arith.index_cast %add3A_1017 : i32 to index
        %get3A_1066 = arith.constant 64 : index
        %get3A_1067 = tpu.vector_load %arg12[%get3A_1065, %get3A_1066] {strides = array<i32>} : memref<128x128xf32, #tpu.memory_space<vmem>>, vector<16xf32>,
        %mul3A_1068 = arith.mulf %get3A_1064, %get3A_1067 : vector<16xf32>
        %get3A_1069 = arith.index_cast %add3A_1017 : i32 to index
        %get3A_1070 = arith.constant 64 : index
        %get3A_1071 = tpu.vector_load %arg13[%get3A_1069, %get3A_1070] {strides = array<i32>} : memref<128x128xf32, #tpu.memory_space<vmem>>, vector<16xf32>,
        %mul3A_1072 = arith.mulf %mul3A_1068, %get3A_1071 : vector<16xf32>
        %get3A_1073 = arith.index_cast %add3A_1017 : i32 to index
        %get3A_1074 = arith.constant 80 : index
        %get3A_1075 = tpu.vector_load %arg11[%get3A_1073, %get3A_1074] {strides = array<i32>} : memref<128x128xf32, #tpu.memory_space<vmem>>, vector<16xf32>,
        %get3A_1076 = arith.index_cast %add3A_1017 : i32 to index
        %get3A_1077 = arith.constant 80 : index
        %get3A_1078 = tpu.vector_load %arg12[%get3A_1076, %get3A_1077] {strides = array<i32>} : memref<128x128xf32, #tpu.memory_space<vmem>>, vector<16xf32>,
        %mul3A_1079 = arith.mulf %get3A_1075, %get3A_1078 : vector<16xf32>
        %get3A_1080 = arith.index_cast %add3A_1017 : i32 to index
        %get3A_1081 = arith.constant 80 : index
        %get3A_1082 = tpu.vector_load %arg13[%get3A_1080, %get3A_1081] {strides = array<i32>} : memref<128x128xf32, #tpu.memory_space<vmem>>, vector<16xf32>,
        %mul3A_1083 = arith.mulf %mul3A_1079, %get3A_1082 : vector<16xf32>
        %get3A_1084 = arith.index_cast %add3A_1017 : i32 to index
        %get3A_1085 = arith.constant 96 : index
        %get3A_1086 = tpu.vector_load %arg11[%get3A_1084, %get3A_1085] {strides = array<i32>} : memref<128x128xf32, #tpu.memory_space<vmem>>, vector<16xf32>,
        %get3A_1087 = arith.index_cast %add3A_1017 : i32 to index
        %get3A_1088 = arith.constant 96 : index
        %get3A_1089 = tpu.vector_load %arg12[%get3A_1087, %get3A_1088] {strides = array<i32>} : memref<128x128xf32, #tpu.memory_space<vmem>>, vector<16xf32>,
        %mul3A_1090 = arith.mulf %get3A_1086, %get3A_1089 : vector<16xf32>
        %get3A_1091 = arith.index_cast %add3A_1017 : i32 to index
        %get3A_1092 = arith.constant 96 : index
        %get3A_1093 = tpu.vector_load %arg13[%get3A_1091, %get3A_1092] {strides = array<i32>} : memref<128x128xf32, #tpu.memory_space<vmem>>, vector<16xf32>,
        %mul3A_1094 = arith.mulf %mul3A_1090, %get3A_1093 : vector<16xf32>
        %get3A_1095 = arith.index_cast %add3A_1017 : i32 to index
        %get3A_1096 = arith.constant 112 : index
        %get3A_1097 = tpu.vector_load %arg11[%get3A_1095, %get3A_1096] {strides = array<i32>} : memref<128x128xf32, #tpu.memory_space<vmem>>, vector<16xf32>,
        %get3A_1098 = arith.index_cast %add3A_1017 : i32 to index
        %get3A_1099 = arith.constant 112 : index
        %get3A_1100 = tpu.vector_load %arg12[%get3A_1098, %get3A_1099] {strides = array<i32>} : memref<128x128xf32, #tpu.memory_space<vmem>>, vector<16xf32>,
        %mul3A_1101 = arith.mulf %get3A_1097, %get3A_1100 : vector<16xf32>
        %get3A_1102 = arith.index_cast %add3A_1017 : i32 to index
        %get3A_1103 = arith.constant 112 : index
        %get3A_1104 = tpu.vector_load %arg13[%get3A_1102, %get3A_1103] {strides = array<i32>} : memref<128x128xf32, #tpu.memory_space<vmem>>, vector<16xf32>,
        %mul3A_1105 = arith.mulf %mul3A_1101, %get3A_1104 : vector<16xf32>
        %add3A_1106 = arith.addf %mul3A_1028, %mul3A_1039 : vector<16xf32>
        %add3A_1107 = arith.addf %mul3A_1050, %mul3A_1061 : vector<16xf32>
        %add3A_1108 = arith.addf %mul3A_1072, %mul3A_1083 : vector<16xf32>
        %add3A_1109 = arith.addf %mul3A_1094, %mul3A_1105 : vector<16xf32>
        %add3A_1110 = arith.addf %add3A_1106, %add3A_1107 : vector<16xf32>
        %add3A_1111 = arith.addf %add3A_1108, %add3A_1109 : vector<16xf32>
        %add3A_1112 = arith.addf %add3A_1110, %add3A_1111 : vector<16xf32>
        %swap3A_1113 = arith.constant 64 : index
        %swap3A_1114 = tpu.vector_load %arg23[%swap3A_1113] {strides = array<i32>} : memref<256xf32, #tpu.memory_space<vmem>>, vector<16xf32>,
        tpu.vector_store %arg23[%swap3A_1113], %add3A_1112 {strides = array<i32>} : memref<256xf32, #tpu.memory_space<vmem>>, vector<16xf32>,
        %add3A_1115 = arith.constant 5 : i32
        %add3A_1116 = arith.addi %mul3A_619, %add3A_1115 : i32
        %get3A_1117 = arith.index_cast %add3A_1116 : i32 to index
        %get3A_1118 = arith.constant 0 : index
        %get3A_1119 = tpu.vector_load %arg11[%get3A_1117, %get3A_1118] {strides = array<i32>} : memref<128x128xf32, #tpu.memory_space<vmem>>, vector<16xf32>,
        %get3A_1120 = arith.index_cast %add3A_1116 : i32 to index
        %get3A_1121 = arith.constant 0 : index
        %get3A_1122 = tpu.vector_load %arg12[%get3A_1120, %get3A_1121] {strides = array<i32>} : memref<128x128xf32, #tpu.memory_space<vmem>>, vector<16xf32>,
        %mul3A_1123 = arith.mulf %get3A_1119, %get3A_1122 : vector<16xf32>
        %get3A_1124 = arith.index_cast %add3A_1116 : i32 to index
        %get3A_1125 = arith.constant 0 : index
        %get3A_1126 = tpu.vector_load %arg13[%get3A_1124, %get3A_1125] {strides = array<i32>} : memref<128x128xf32, #tpu.memory_space<vmem>>, vector<16xf32>,
        %mul3A_1127 = arith.mulf %mul3A_1123, %get3A_1126 : vector<16xf32>
        %get3A_1128 = arith.index_cast %add3A_1116 : i32 to index
        %get3A_1129 = arith.constant 16 : index
        %get3A_1130 = tpu.vector_load %arg11[%get3A_1128, %get3A_1129] {strides = array<i32>} : memref<128x128xf32, #tpu.memory_space<vmem>>, vector<16xf32>,
        %get3A_1131 = arith.index_cast %add3A_1116 : i32 to index
        %get3A_1132 = arith.constant 16 : index
        %get3A_1133 = tpu.vector_load %arg12[%get3A_1131, %get3A_1132] {strides = array<i32>} : memref<128x128xf32, #tpu.memory_space<vmem>>, vector<16xf32>,
        %mul3A_1134 = arith.mulf %get3A_1130, %get3A_1133 : vector<16xf32>
        %get3A_1135 = arith.index_cast %add3A_1116 : i32 to index
        %get3A_1136 = arith.constant 16 : index
        %get3A_1137 = tpu.vector_load %arg13[%get3A_1135, %get3A_1136] {strides = array<i32>} : memref<128x128xf32, #tpu.memory_space<vmem>>, vector<16xf32>,
        %mul3A_1138 = arith.mulf %mul3A_1134, %get3A_1137 : vector<16xf32>
        %get3A_1139 = arith.index_cast %add3A_1116 : i32 to index
        %get3A_1140 = arith.constant 32 : index
        %get3A_1141 = tpu.vector_load %arg11[%get3A_1139, %get3A_1140] {strides = array<i32>} : memref<128x128xf32, #tpu.memory_space<vmem>>, vector<16xf32>,
        %get3A_1142 = arith.index_cast %add3A_1116 : i32 to index
        %get3A_1143 = arith.constant 32 : index
        %get3A_1144 = tpu.vector_load %arg12[%get3A_1142, %get3A_1143] {strides = array<i32>} : memref<128x128xf32, #tpu.memory_space<vmem>>, vector<16xf32>,
        %mul3A_1145 = arith.mulf %get3A_1141, %get3A_1144 : vector<16xf32>
        %get3A_1146 = arith.index_cast %add3A_1116 : i32 to index
        %get3A_1147 = arith.constant 32 : index
        %get3A_1148 = tpu.vector_load %arg13[%get3A_1146, %get3A_1147] {strides = array<i32>} : memref<128x128xf32, #tpu.memory_space<vmem>>, vector<16xf32>,
        %mul3A_1149 = arith.mulf %mul3A_1145, %get3A_1148 : vector<16xf32>
        %get3A_1150 = arith.index_cast %add3A_1116 : i32 to index
        %get3A_1151 = arith.constant 48 : index
        %get3A_1152 = tpu.vector_load %arg11[%get3A_1150, %get3A_1151] {strides = array<i32>} : memref<128x128xf32, #tpu.memory_space<vmem>>, vector<16xf32>,
        %get3A_1153 = arith.index_cast %add3A_1116 : i32 to index
        %get3A_1154 = arith.constant 48 : index
        %get3A_1155 = tpu.vector_load %arg12[%get3A_1153, %get3A_1154] {strides = array<i32>} : memref<128x128xf32, #tpu.memory_space<vmem>>, vector<16xf32>,
        %mul3A_1156 = arith.mulf %get3A_1152, %get3A_1155 : vector<16xf32>
        %get3A_1157 = arith.index_cast %add3A_1116 : i32 to index
        %get3A_1158 = arith.constant 48 : index
        %get3A_1159 = tpu.vector_load %arg13[%get3A_1157, %get3A_1158] {strides = array<i32>} : memref<128x128xf32, #tpu.memory_space<vmem>>, vector<16xf32>,
        %mul3A_1160 = arith.mulf %mul3A_1156, %get3A_1159 : vector<16xf32>
        %get3A_1161 = arith.index_cast %add3A_1116 : i32 to index
        %get3A_1162 = arith.constant 64 : index
        %get3A_1163 = tpu.vector_load %arg11[%get3A_1161, %get3A_1162] {strides = array<i32>} : memref<128x128xf32, #tpu.memory_space<vmem>>, vector<16xf32>,
        %get3A_1164 = arith.index_cast %add3A_1116 : i32 to index
        %get3A_1165 = arith.constant 64 : index
        %get3A_1166 = tpu.vector_load %arg12[%get3A_1164, %get3A_1165] {strides = array<i32>} : memref<128x128xf32, #tpu.memory_space<vmem>>, vector<16xf32>,
        %mul3A_1167 = arith.mulf %get3A_1163, %get3A_1166 : vector<16xf32>
        %get3A_1168 = arith.index_cast %add3A_1116 : i32 to index
        %get3A_1169 = arith.constant 64 : index
        %get3A_1170 = tpu.vector_load %arg13[%get3A_1168, %get3A_1169] {strides = array<i32>} : memref<128x128xf32, #tpu.memory_space<vmem>>, vector<16xf32>,
        %mul3A_1171 = arith.mulf %mul3A_1167, %get3A_1170 : vector<16xf32>
        %get3A_1172 = arith.index_cast %add3A_1116 : i32 to index
        %get3A_1173 = arith.constant 80 : index
        %get3A_1174 = tpu.vector_load %arg11[%get3A_1172, %get3A_1173] {strides = array<i32>} : memref<128x128xf32, #tpu.memory_space<vmem>>, vector<16xf32>,
        %get3A_1175 = arith.index_cast %add3A_1116 : i32 to index
        %get3A_1176 = arith.constant 80 : index
        %get3A_1177 = tpu.vector_load %arg12[%get3A_1175, %get3A_1176] {strides = array<i32>} : memref<128x128xf32, #tpu.memory_space<vmem>>, vector<16xf32>,
        %mul3A_1178 = arith.mulf %get3A_1174, %get3A_1177 : vector<16xf32>
        %get3A_1179 = arith.index_cast %add3A_1116 : i32 to index
        %get3A_1180 = arith.constant 80 : index
        %get3A_1181 = tpu.vector_load %arg13[%get3A_1179, %get3A_1180] {strides = array<i32>} : memref<128x128xf32, #tpu.memory_space<vmem>>, vector<16xf32>,
        %mul3A_1182 = arith.mulf %mul3A_1178, %get3A_1181 : vector<16xf32>
        %get3A_1183 = arith.index_cast %add3A_1116 : i32 to index
        %get3A_1184 = arith.constant 96 : index
        %get3A_1185 = tpu.vector_load %arg11[%get3A_1183, %get3A_1184] {strides = array<i32>} : memref<128x128xf32, #tpu.memory_space<vmem>>, vector<16xf32>,
        %get3A_1186 = arith.index_cast %add3A_1116 : i32 to index
        %get3A_1187 = arith.constant 96 : index
        %get3A_1188 = tpu.vector_load %arg12[%get3A_1186, %get3A_1187] {strides = array<i32>} : memref<128x128xf32, #tpu.memory_space<vmem>>, vector<16xf32>,
        %mul3A_1189 = arith.mulf %get3A_1185, %get3A_1188 : vector<16xf32>
        %get3A_1190 = arith.index_cast %add3A_1116 : i32 to index
        %get3A_1191 = arith.constant 96 : index
        %get3A_1192 = tpu.vector_load %arg13[%get3A_1190, %get3A_1191] {strides = array<i32>} : memref<128x128xf32, #tpu.memory_space<vmem>>, vector<16xf32>,
        %mul3A_1193 = arith.mulf %mul3A_1189, %get3A_1192 : vector<16xf32>
        %get3A_1194 = arith.index_cast %add3A_1116 : i32 to index
        %get3A_1195 = arith.constant 112 : index
        %get3A_1196 = tpu.vector_load %arg11[%get3A_1194, %get3A_1195] {strides = array<i32>} : memref<128x128xf32, #tpu.memory_space<vmem>>, vector<16xf32>,
        %get3A_1197 = arith.index_cast %add3A_1116 : i32 to index
        %get3A_1198 = arith.constant 112 : index
        %get3A_1199 = tpu.vector_load %arg12[%get3A_1197, %get3A_1198] {strides = array<i32>} : memref<128x128xf32, #tpu.memory_space<vmem>>, vector<16xf32>,
        %mul3A_1200 = arith.mulf %get3A_1196, %get3A_1199 : vector<16xf32>
        %get3A_1201 = arith.index_cast %add3A_1116 : i32 to index
        %get3A_1202 = arith.constant 112 : index
        %get3A_1203 = tpu.vector_load %arg13[%get3A_1201, %get3A_1202] {strides = array<i32>} : memref<128x128xf32, #tpu.memory_space<vmem>>, vector<16xf32>,
        %mul3A_1204 = arith.mulf %mul3A_1200, %get3A_1203 : vector<16xf32>
        %add3A_1205 = arith.addf %mul3A_1127, %mul3A_1138 : vector<16xf32>
        %add3A_1206 = arith.addf %mul3A_1149, %mul3A_1160 : vector<16xf32>
        %add3A_1207 = arith.addf %mul3A_1171, %mul3A_1182 : vector<16xf32>
        %add3A_1208 = arith.addf %mul3A_1193, %mul3A_1204 : vector<16xf32>
        %add3A_1209 = arith.addf %add3A_1205, %add3A_1206 : vector<16xf32>
        %add3A_1210 = arith.addf %add3A_1207, %add3A_1208 : vector<16xf32>
        %add3A_1211 = arith.addf %add3A_1209, %add3A_1210 : vector<16xf32>
        %swap3A_1212 = arith.constant 80 : index
        %swap3A_1213 = tpu.vector_load %arg23[%swap3A_1212] {strides = array<i32>} : memref<256xf32, #tpu.memory_space<vmem>>, vector<16xf32>,
        tpu.vector_store %arg23[%swap3A_1212], %add3A_1211 {strides = array<i32>} : memref<256xf32, #tpu.memory_space<vmem>>, vector<16xf32>,
        %add3A_1214 = arith.constant 6 : i32
        %add3A_1215 = arith.addi %mul3A_619, %add3A_1214 : i32
        %get3A_1216 = arith.index_cast %add3A_1215 : i32 to index
        %get3A_1217 = arith.constant 0 : index
        %get3A_1218 = tpu.vector_load %arg11[%get3A_1216, %get3A_1217] {strides = array<i32>} : memref<128x128xf32, #tpu.memory_space<vmem>>, vector<16xf32>,
        %get3A_1219 = arith.index_cast %add3A_1215 : i32 to index
        %get3A_1220 = arith.constant 0 : index
        %get3A_1221 = tpu.vector_load %arg12[%get3A_1219, %get3A_1220] {strides = array<i32>} : memref<128x128xf32, #tpu.memory_space<vmem>>, vector<16xf32>,
        %mul3A_1222 = arith.mulf %get3A_1218, %get3A_1221 : vector<16xf32>
        %get3A_1223 = arith.index_cast %add3A_1215 : i32 to index
        %get3A_1224 = arith.constant 0 : index
        %get3A_1225 = tpu.vector_load %arg13[%get3A_1223, %get3A_1224] {strides = array<i32>} : memref<128x128xf32, #tpu.memory_space<vmem>>, vector<16xf32>,
        %mul3A_1226 = arith.mulf %mul3A_1222, %get3A_1225 : vector<16xf32>
        %get3A_1227 = arith.index_cast %add3A_1215 : i32 to index
        %get3A_1228 = arith.constant 16 : index
        %get3A_1229 = tpu.vector_load %arg11[%get3A_1227, %get3A_1228] {strides = array<i32>} : memref<128x128xf32, #tpu.memory_space<vmem>>, vector<16xf32>,
        %get3A_1230 = arith.index_cast %add3A_1215 : i32 to index
        %get3A_1231 = arith.constant 16 : index
        %get3A_1232 = tpu.vector_load %arg12[%get3A_1230, %get3A_1231] {strides = array<i32>} : memref<128x128xf32, #tpu.memory_space<vmem>>, vector<16xf32>,
        %mul3A_1233 = arith.mulf %get3A_1229, %get3A_1232 : vector<16xf32>
        %get3A_1234 = arith.index_cast %add3A_1215 : i32 to index
        %get3A_1235 = arith.constant 16 : index
        %get3A_1236 = tpu.vector_load %arg13[%get3A_1234, %get3A_1235] {strides = array<i32>} : memref<128x128xf32, #tpu.memory_space<vmem>>, vector<16xf32>,
        %mul3A_1237 = arith.mulf %mul3A_1233, %get3A_1236 : vector<16xf32>
        %get3A_1238 = arith.index_cast %add3A_1215 : i32 to index
        %get3A_1239 = arith.constant 32 : index
        %get3A_1240 = tpu.vector_load %arg11[%get3A_1238, %get3A_1239] {strides = array<i32>} : memref<128x128xf32, #tpu.memory_space<vmem>>, vector<16xf32>,
        %get3A_1241 = arith.index_cast %add3A_1215 : i32 to index
        %get3A_1242 = arith.constant 32 : index
        %get3A_1243 = tpu.vector_load %arg12[%get3A_1241, %get3A_1242] {strides = array<i32>} : memref<128x128xf32, #tpu.memory_space<vmem>>, vector<16xf32>,
        %mul3A_1244 = arith.mulf %get3A_1240, %get3A_1243 : vector<16xf32>
        %get3A_1245 = arith.index_cast %add3A_1215 : i32 to index
        %get3A_1246 = arith.constant 32 : index
        %get3A_1247 = tpu.vector_load %arg13[%get3A_1245, %get3A_1246] {strides = array<i32>} : memref<128x128xf32, #tpu.memory_space<vmem>>, vector<16xf32>,
        %mul3A_1248 = arith.mulf %mul3A_1244, %get3A_1247 : vector<16xf32>
        %get3A_1249 = arith.index_cast %add3A_1215 : i32 to index
        %get3A_1250 = arith.constant 48 : index
        %get3A_1251 = tpu.vector_load %arg11[%get3A_1249, %get3A_1250] {strides = array<i32>} : memref<128x128xf32, #tpu.memory_space<vmem>>, vector<16xf32>,
        %get3A_1252 = arith.index_cast %add3A_1215 : i32 to index
        %get3A_1253 = arith.constant 48 : index
        %get3A_1254 = tpu.vector_load %arg12[%get3A_1252, %get3A_1253] {strides = array<i32>} : memref<128x128xf32, #tpu.memory_space<vmem>>, vector<16xf32>,
        %mul3A_1255 = arith.mulf %get3A_1251, %get3A_1254 : vector<16xf32>
        %get3A_1256 = arith.index_cast %add3A_1215 : i32 to index
        %get3A_1257 = arith.constant 48 : index
        %get3A_1258 = tpu.vector_load %arg13[%get3A_1256, %get3A_1257] {strides = array<i32>} : memref<128x128xf32, #tpu.memory_space<vmem>>, vector<16xf32>,
        %mul3A_1259 = arith.mulf %mul3A_1255, %get3A_1258 : vector<16xf32>
        %get3A_1260 = arith.index_cast %add3A_1215 : i32 to index
        %get3A_1261 = arith.constant 64 : index
        %get3A_1262 = tpu.vector_load %arg11[%get3A_1260, %get3A_1261] {strides = array<i32>} : memref<128x128xf32, #tpu.memory_space<vmem>>, vector<16xf32>,
        %get3A_1263 = arith.index_cast %add3A_1215 : i32 to index
        %get3A_1264 = arith.constant 64 : index
        %get3A_1265 = tpu.vector_load %arg12[%get3A_1263, %get3A_1264] {strides = array<i32>} : memref<128x128xf32, #tpu.memory_space<vmem>>, vector<16xf32>,
        %mul3A_1266 = arith.mulf %get3A_1262, %get3A_1265 : vector<16xf32>
        %get3A_1267 = arith.index_cast %add3A_1215 : i32 to index
        %get3A_1268 = arith.constant 64 : index
        %get3A_1269 = tpu.vector_load %arg13[%get3A_1267, %get3A_1268] {strides = array<i32>} : memref<128x128xf32, #tpu.memory_space<vmem>>, vector<16xf32>,
        %mul3A_1270 = arith.mulf %mul3A_1266, %get3A_1269 : vector<16xf32>
        %get3A_1271 = arith.index_cast %add3A_1215 : i32 to index
        %get3A_1272 = arith.constant 80 : index
        %get3A_1273 = tpu.vector_load %arg11[%get3A_1271, %get3A_1272] {strides = array<i32>} : memref<128x128xf32, #tpu.memory_space<vmem>>, vector<16xf32>,
        %get3A_1274 = arith.index_cast %add3A_1215 : i32 to index
        %get3A_1275 = arith.constant 80 : index
        %get3A_1276 = tpu.vector_load %arg12[%get3A_1274, %get3A_1275] {strides = array<i32>} : memref<128x128xf32, #tpu.memory_space<vmem>>, vector<16xf32>,
        %mul3A_1277 = arith.mulf %get3A_1273, %get3A_1276 : vector<16xf32>
        %get3A_1278 = arith.index_cast %add3A_1215 : i32 to index
        %get3A_1279 = arith.constant 80 : index
        %get3A_1280 = tpu.vector_load %arg13[%get3A_1278, %get3A_1279] {strides = array<i32>} : memref<128x128xf32, #tpu.memory_space<vmem>>, vector<16xf32>,
        %mul3A_1281 = arith.mulf %mul3A_1277, %get3A_1280 : vector<16xf32>
        %get3A_1282 = arith.index_cast %add3A_1215 : i32 to index
        %get3A_1283 = arith.constant 96 : index
        %get3A_1284 = tpu.vector_load %arg11[%get3A_1282, %get3A_1283] {strides = array<i32>} : memref<128x128xf32, #tpu.memory_space<vmem>>, vector<16xf32>,
        %get3A_1285 = arith.index_cast %add3A_1215 : i32 to index
        %get3A_1286 = arith.constant 96 : index
        %get3A_1287 = tpu.vector_load %arg12[%get3A_1285, %get3A_1286] {strides = array<i32>} : memref<128x128xf32, #tpu.memory_space<vmem>>, vector<16xf32>,
        %mul3A_1288 = arith.mulf %get3A_1284, %get3A_1287 : vector<16xf32>
        %get3A_1289 = arith.index_cast %add3A_1215 : i32 to index
        %get3A_1290 = arith.constant 96 : index
        %get3A_1291 = tpu.vector_load %arg13[%get3A_1289, %get3A_1290] {strides = array<i32>} : memref<128x128xf32, #tpu.memory_space<vmem>>, vector<16xf32>,
        %mul3A_1292 = arith.mulf %mul3A_1288, %get3A_1291 : vector<16xf32>
        %get3A_1293 = arith.index_cast %add3A_1215 : i32 to index
        %get3A_1294 = arith.constant 112 : index
        %get3A_1295 = tpu.vector_load %arg11[%get3A_1293, %get3A_1294] {strides = array<i32>} : memref<128x128xf32, #tpu.memory_space<vmem>>, vector<16xf32>,
        %get3A_1296 = arith.index_cast %add3A_1215 : i32 to index
        %get3A_1297 = arith.constant 112 : index
        %get3A_1298 = tpu.vector_load %arg12[%get3A_1296, %get3A_1297] {strides = array<i32>} : memref<128x128xf32, #tpu.memory_space<vmem>>, vector<16xf32>,
        %mul3A_1299 = arith.mulf %get3A_1295, %get3A_1298 : vector<16xf32>
        %get3A_1300 = arith.index_cast %add3A_1215 : i32 to index
        %get3A_1301 = arith.constant 112 : index
        %get3A_1302 = tpu.vector_load %arg13[%get3A_1300, %get3A_1301] {strides = array<i32>} : memref<128x128xf32, #tpu.memory_space<vmem>>, vector<16xf32>,
        %mul3A_1303 = arith.mulf %mul3A_1299, %get3A_1302 : vector<16xf32>
        %add3A_1304 = arith.addf %mul3A_1226, %mul3A_1237 : vector<16xf32>
        %add3A_1305 = arith.addf %mul3A_1248, %mul3A_1259 : vector<16xf32>
        %add3A_1306 = arith.addf %mul3A_1270, %mul3A_1281 : vector<16xf32>
        %add3A_1307 = arith.addf %mul3A_1292, %mul3A_1303 : vector<16xf32>
        %add3A_1308 = arith.addf %add3A_1304, %add3A_1305 : vector<16xf32>
        %add3A_1309 = arith.addf %add3A_1306, %add3A_1307 : vector<16xf32>
        %add3A_1310 = arith.addf %add3A_1308, %add3A_1309 : vector<16xf32>
        %swap3A_1311 = arith.constant 96 : index
        %swap3A_1312 = tpu.vector_load %arg23[%swap3A_1311] {strides = array<i32>} : memref<256xf32, #tpu.memory_space<vmem>>, vector<16xf32>,
        tpu.vector_store %arg23[%swap3A_1311], %add3A_1310 {strides = array<i32>} : memref<256xf32, #tpu.memory_space<vmem>>, vector<16xf32>,
        %add3A_1313 = arith.constant 7 : i32
        %add3A_1314 = arith.addi %mul3A_619, %add3A_1313 : i32
        %get3A_1315 = arith.index_cast %add3A_1314 : i32 to index
        %get3A_1316 = arith.constant 0 : index
        %get3A_1317 = tpu.vector_load %arg11[%get3A_1315, %get3A_1316] {strides = array<i32>} : memref<128x128xf32, #tpu.memory_space<vmem>>, vector<16xf32>,
        %get3A_1318 = arith.index_cast %add3A_1314 : i32 to index
        %get3A_1319 = arith.constant 0 : index
        %get3A_1320 = tpu.vector_load %arg12[%get3A_1318, %get3A_1319] {strides = array<i32>} : memref<128x128xf32, #tpu.memory_space<vmem>>, vector<16xf32>,
        %mul3A_1321 = arith.mulf %get3A_1317, %get3A_1320 : vector<16xf32>
        %get3A_1322 = arith.index_cast %add3A_1314 : i32 to index
        %get3A_1323 = arith.constant 0 : index
        %get3A_1324 = tpu.vector_load %arg13[%get3A_1322, %get3A_1323] {strides = array<i32>} : memref<128x128xf32, #tpu.memory_space<vmem>>, vector<16xf32>,
        %mul3A_1325 = arith.mulf %mul3A_1321, %get3A_1324 : vector<16xf32>
        %get3A_1326 = arith.index_cast %add3A_1314 : i32 to index
        %get3A_1327 = arith.constant 16 : index
        %get3A_1328 = tpu.vector_load %arg11[%get3A_1326, %get3A_1327] {strides = array<i32>} : memref<128x128xf32, #tpu.memory_space<vmem>>, vector<16xf32>,
        %get3A_1329 = arith.index_cast %add3A_1314 : i32 to index
        %get3A_1330 = arith.constant 16 : index
        %get3A_1331 = tpu.vector_load %arg12[%get3A_1329, %get3A_1330] {strides = array<i32>} : memref<128x128xf32, #tpu.memory_space<vmem>>, vector<16xf32>,
        %mul3A_1332 = arith.mulf %get3A_1328, %get3A_1331 : vector<16xf32>
        %get3A_1333 = arith.index_cast %add3A_1314 : i32 to index
        %get3A_1334 = arith.constant 16 : index
        %get3A_1335 = tpu.vector_load %arg13[%get3A_1333, %get3A_1334] {strides = array<i32>} : memref<128x128xf32, #tpu.memory_space<vmem>>, vector<16xf32>,
        %mul3A_1336 = arith.mulf %mul3A_1332, %get3A_1335 : vector<16xf32>
        %get3A_1337 = arith.index_cast %add3A_1314 : i32 to index
        %get3A_1338 = arith.constant 32 : index
        %get3A_1339 = tpu.vector_load %arg11[%get3A_1337, %get3A_1338] {strides = array<i32>} : memref<128x128xf32, #tpu.memory_space<vmem>>, vector<16xf32>,
        %get3A_1340 = arith.index_cast %add3A_1314 : i32 to index
        %get3A_1341 = arith.constant 32 : index
        %get3A_1342 = tpu.vector_load %arg12[%get3A_1340, %get3A_1341] {strides = array<i32>} : memref<128x128xf32, #tpu.memory_space<vmem>>, vector<16xf32>,
        %mul3A_1343 = arith.mulf %get3A_1339, %get3A_1342 : vector<16xf32>
        %get3A_1344 = arith.index_cast %add3A_1314 : i32 to index
        %get3A_1345 = arith.constant 32 : index
        %get3A_1346 = tpu.vector_load %arg13[%get3A_1344, %get3A_1345] {strides = array<i32>} : memref<128x128xf32, #tpu.memory_space<vmem>>, vector<16xf32>,
        %mul3A_1347 = arith.mulf %mul3A_1343, %get3A_1346 : vector<16xf32>
        %get3A_1348 = arith.index_cast %add3A_1314 : i32 to index
        %get3A_1349 = arith.constant 48 : index
        %get3A_1350 = tpu.vector_load %arg11[%get3A_1348, %get3A_1349] {strides = array<i32>} : memref<128x128xf32, #tpu.memory_space<vmem>>, vector<16xf32>,
        %get3A_1351 = arith.index_cast %add3A_1314 : i32 to index
        %get3A_1352 = arith.constant 48 : index
        %get3A_1353 = tpu.vector_load %arg12[%get3A_1351, %get3A_1352] {strides = array<i32>} : memref<128x128xf32, #tpu.memory_space<vmem>>, vector<16xf32>,
        %mul3A_1354 = arith.mulf %get3A_1350, %get3A_1353 : vector<16xf32>
        %get3A_1355 = arith.index_cast %add3A_1314 : i32 to index
        %get3A_1356 = arith.constant 48 : index
        %get3A_1357 = tpu.vector_load %arg13[%get3A_1355, %get3A_1356] {strides = array<i32>} : memref<128x128xf32, #tpu.memory_space<vmem>>, vector<16xf32>,
        %mul3A_1358 = arith.mulf %mul3A_1354, %get3A_1357 : vector<16xf32>
        %get3A_1359 = arith.index_cast %add3A_1314 : i32 to index
        %get3A_1360 = arith.constant 64 : index
        %get3A_1361 = tpu.vector_load %arg11[%get3A_1359, %get3A_1360] {strides = array<i32>} : memref<128x128xf32, #tpu.memory_space<vmem>>, vector<16xf32>,
        %get3A_1362 = arith.index_cast %add3A_1314 : i32 to index
        %get3A_1363 = arith.constant 64 : index
        %get3A_1364 = tpu.vector_load %arg12[%get3A_1362, %get3A_1363] {strides = array<i32>} : memref<128x128xf32, #tpu.memory_space<vmem>>, vector<16xf32>,
        %mul3A_1365 = arith.mulf %get3A_1361, %get3A_1364 : vector<16xf32>
        %get3A_1366 = arith.index_cast %add3A_1314 : i32 to index
        %get3A_1367 = arith.constant 64 : index
        %get3A_1368 = tpu.vector_load %arg13[%get3A_1366, %get3A_1367] {strides = array<i32>} : memref<128x128xf32, #tpu.memory_space<vmem>>, vector<16xf32>,
        %mul3A_1369 = arith.mulf %mul3A_1365, %get3A_1368 : vector<16xf32>
        %get3A_1370 = arith.index_cast %add3A_1314 : i32 to index
        %get3A_1371 = arith.constant 80 : index
        %get3A_1372 = tpu.vector_load %arg11[%get3A_1370, %get3A_1371] {strides = array<i32>} : memref<128x128xf32, #tpu.memory_space<vmem>>, vector<16xf32>,
        %get3A_1373 = arith.index_cast %add3A_1314 : i32 to index
        %get3A_1374 = arith.constant 80 : index
        %get3A_1375 = tpu.vector_load %arg12[%get3A_1373, %get3A_1374] {strides = array<i32>} : memref<128x128xf32, #tpu.memory_space<vmem>>, vector<16xf32>,
        %mul3A_1376 = arith.mulf %get3A_1372, %get3A_1375 : vector<16xf32>
        %get3A_1377 = arith.index_cast %add3A_1314 : i32 to index
        %get3A_1378 = arith.constant 80 : index
        %get3A_1379 = tpu.vector_load %arg13[%get3A_1377, %get3A_1378] {strides = array<i32>} : memref<128x128xf32, #tpu.memory_space<vmem>>, vector<16xf32>,
        %mul3A_1380 = arith.mulf %mul3A_1376, %get3A_1379 : vector<16xf32>
        %get3A_1381 = arith.index_cast %add3A_1314 : i32 to index
        %get3A_1382 = arith.constant 96 : index
        %get3A_1383 = tpu.vector_load %arg11[%get3A_1381, %get3A_1382] {strides = array<i32>} : memref<128x128xf32, #tpu.memory_space<vmem>>, vector<16xf32>,
        %get3A_1384 = arith.index_cast %add3A_1314 : i32 to index
        %get3A_1385 = arith.constant 96 : index
        %get3A_1386 = tpu.vector_load %arg12[%get3A_1384, %get3A_1385] {strides = array<i32>} : memref<128x128xf32, #tpu.memory_space<vmem>>, vector<16xf32>,
        %mul3A_1387 = arith.mulf %get3A_1383, %get3A_1386 : vector<16xf32>
        %get3A_1388 = arith.index_cast %add3A_1314 : i32 to index
        %get3A_1389 = arith.constant 96 : index
        %get3A_1390 = tpu.vector_load %arg13[%get3A_1388, %get3A_1389] {strides = array<i32>} : memref<128x128xf32, #tpu.memory_space<vmem>>, vector<16xf32>,
        %mul3A_1391 = arith.mulf %mul3A_1387, %get3A_1390 : vector<16xf32>
        %get3A_1392 = arith.index_cast %add3A_1314 : i32 to index
        %get3A_1393 = arith.constant 112 : index
        %get3A_1394 = tpu.vector_load %arg11[%get3A_1392, %get3A_1393] {strides = array<i32>} : memref<128x128xf32, #tpu.memory_space<vmem>>, vector<16xf32>,
        %get3A_1395 = arith.index_cast %add3A_1314 : i32 to index
        %get3A_1396 = arith.constant 112 : index
        %get3A_1397 = tpu.vector_load %arg12[%get3A_1395, %get3A_1396] {strides = array<i32>} : memref<128x128xf32, #tpu.memory_space<vmem>>, vector<16xf32>,
        %mul3A_1398 = arith.mulf %get3A_1394, %get3A_1397 : vector<16xf32>
        %get3A_1399 = arith.index_cast %add3A_1314 : i32 to index
        %get3A_1400 = arith.constant 112 : index
        %get3A_1401 = tpu.vector_load %arg13[%get3A_1399, %get3A_1400] {strides = array<i32>} : memref<128x128xf32, #tpu.memory_space<vmem>>, vector<16xf32>,
        %mul3A_1402 = arith.mulf %mul3A_1398, %get3A_1401 : vector<16xf32>
        %add3A_1403 = arith.addf %mul3A_1325, %mul3A_1336 : vector<16xf32>
        %add3A_1404 = arith.addf %mul3A_1347, %mul3A_1358 : vector<16xf32>
        %add3A_1405 = arith.addf %mul3A_1369, %mul3A_1380 : vector<16xf32>
        %add3A_1406 = arith.addf %mul3A_1391, %mul3A_1402 : vector<16xf32>
        %add3A_1407 = arith.addf %add3A_1403, %add3A_1404 : vector<16xf32>
        %add3A_1408 = arith.addf %add3A_1405, %add3A_1406 : vector<16xf32>
        %add3A_1409 = arith.addf %add3A_1407, %add3A_1408 : vector<16xf32>
        %swap3A_1410 = arith.constant 112 : index
        %swap3A_1411 = tpu.vector_load %arg23[%swap3A_1410] {strides = array<i32>} : memref<256xf32, #tpu.memory_space<vmem>>, vector<16xf32>,
        tpu.vector_store %arg23[%swap3A_1410], %add3A_1409 {strides = array<i32>} : memref<256xf32, #tpu.memory_space<vmem>>, vector<16xf32>,
        %add3A_1412 = arith.constant 8 : i32
        %add3A_1413 = arith.addi %mul3A_619, %add3A_1412 : i32
        %get3A_1414 = arith.index_cast %add3A_1413 : i32 to index
        %get3A_1415 = arith.constant 0 : index
        %get3A_1416 = tpu.vector_load %arg11[%get3A_1414, %get3A_1415] {strides = array<i32>} : memref<128x128xf32, #tpu.memory_space<vmem>>, vector<16xf32>,
        %get3A_1417 = arith.index_cast %add3A_1413 : i32 to index
        %get3A_1418 = arith.constant 0 : index
        %get3A_1419 = tpu.vector_load %arg12[%get3A_1417, %get3A_1418] {strides = array<i32>} : memref<128x128xf32, #tpu.memory_space<vmem>>, vector<16xf32>,
        %mul3A_1420 = arith.mulf %get3A_1416, %get3A_1419 : vector<16xf32>
        %get3A_1421 = arith.index_cast %add3A_1413 : i32 to index
        %get3A_1422 = arith.constant 0 : index
        %get3A_1423 = tpu.vector_load %arg13[%get3A_1421, %get3A_1422] {strides = array<i32>} : memref<128x128xf32, #tpu.memory_space<vmem>>, vector<16xf32>,
        %mul3A_1424 = arith.mulf %mul3A_1420, %get3A_1423 : vector<16xf32>
        %get3A_1425 = arith.index_cast %add3A_1413 : i32 to index
        %get3A_1426 = arith.constant 16 : index
        %get3A_1427 = tpu.vector_load %arg11[%get3A_1425, %get3A_1426] {strides = array<i32>} : memref<128x128xf32, #tpu.memory_space<vmem>>, vector<16xf32>,
        %get3A_1428 = arith.index_cast %add3A_1413 : i32 to index
        %get3A_1429 = arith.constant 16 : index
        %get3A_1430 = tpu.vector_load %arg12[%get3A_1428, %get3A_1429] {strides = array<i32>} : memref<128x128xf32, #tpu.memory_space<vmem>>, vector<16xf32>,
        %mul3A_1431 = arith.mulf %get3A_1427, %get3A_1430 : vector<16xf32>
        %get3A_1432 = arith.index_cast %add3A_1413 : i32 to index
        %get3A_1433 = arith.constant 16 : index
        %get3A_1434 = tpu.vector_load %arg13[%get3A_1432, %get3A_1433] {strides = array<i32>} : memref<128x128xf32, #tpu.memory_space<vmem>>, vector<16xf32>,
        %mul3A_1435 = arith.mulf %mul3A_1431, %get3A_1434 : vector<16xf32>
        %get3A_1436 = arith.index_cast %add3A_1413 : i32 to index
        %get3A_1437 = arith.constant 32 : index
        %get3A_1438 = tpu.vector_load %arg11[%get3A_1436, %get3A_1437] {strides = array<i32>} : memref<128x128xf32, #tpu.memory_space<vmem>>, vector<16xf32>,
        %get3A_1439 = arith.index_cast %add3A_1413 : i32 to index
        %get3A_1440 = arith.constant 32 : index
        %get3A_1441 = tpu.vector_load %arg12[%get3A_1439, %get3A_1440] {strides = array<i32>} : memref<128x128xf32, #tpu.memory_space<vmem>>, vector<16xf32>,
        %mul3A_1442 = arith.mulf %get3A_1438, %get3A_1441 : vector<16xf32>
        %get3A_1443 = arith.index_cast %add3A_1413 : i32 to index
        %get3A_1444 = arith.constant 32 : index
        %get3A_1445 = tpu.vector_load %arg13[%get3A_1443, %get3A_1444] {strides = array<i32>} : memref<128x128xf32, #tpu.memory_space<vmem>>, vector<16xf32>,
        %mul3A_1446 = arith.mulf %mul3A_1442, %get3A_1445 : vector<16xf32>
        %get3A_1447 = arith.index_cast %add3A_1413 : i32 to index
        %get3A_1448 = arith.constant 48 : index
        %get3A_1449 = tpu.vector_load %arg11[%get3A_1447, %get3A_1448] {strides = array<i32>} : memref<128x128xf32, #tpu.memory_space<vmem>>, vector<16xf32>,
        %get3A_1450 = arith.index_cast %add3A_1413 : i32 to index
        %get3A_1451 = arith.constant 48 : index
        %get3A_1452 = tpu.vector_load %arg12[%get3A_1450, %get3A_1451] {strides = array<i32>} : memref<128x128xf32, #tpu.memory_space<vmem>>, vector<16xf32>,
        %mul3A_1453 = arith.mulf %get3A_1449, %get3A_1452 : vector<16xf32>
        %get3A_1454 = arith.index_cast %add3A_1413 : i32 to index
        %get3A_1455 = arith.constant 48 : index
        %get3A_1456 = tpu.vector_load %arg13[%get3A_1454, %get3A_1455] {strides = array<i32>} : memref<128x128xf32, #tpu.memory_space<vmem>>, vector<16xf32>,
        %mul3A_1457 = arith.mulf %mul3A_1453, %get3A_1456 : vector<16xf32>
        %get3A_1458 = arith.index_cast %add3A_1413 : i32 to index
        %get3A_1459 = arith.constant 64 : index
        %get3A_1460 = tpu.vector_load %arg11[%get3A_1458, %get3A_1459] {strides = array<i32>} : memref<128x128xf32, #tpu.memory_space<vmem>>, vector<16xf32>,
        %get3A_1461 = arith.index_cast %add3A_1413 : i32 to index
        %get3A_1462 = arith.constant 64 : index
        %get3A_1463 = tpu.vector_load %arg12[%get3A_1461, %get3A_1462] {strides = array<i32>} : memref<128x128xf32, #tpu.memory_space<vmem>>, vector<16xf32>,
        %mul3A_1464 = arith.mulf %get3A_1460, %get3A_1463 : vector<16xf32>
        %get3A_1465 = arith.index_cast %add3A_1413 : i32 to index
        %get3A_1466 = arith.constant 64 : index
        %get3A_1467 = tpu.vector_load %arg13[%get3A_1465, %get3A_1466] {strides = array<i32>} : memref<128x128xf32, #tpu.memory_space<vmem>>, vector<16xf32>,
        %mul3A_1468 = arith.mulf %mul3A_1464, %get3A_1467 : vector<16xf32>
        %get3A_1469 = arith.index_cast %add3A_1413 : i32 to index
        %get3A_1470 = arith.constant 80 : index
        %get3A_1471 = tpu.vector_load %arg11[%get3A_1469, %get3A_1470] {strides = array<i32>} : memref<128x128xf32, #tpu.memory_space<vmem>>, vector<16xf32>,
        %get3A_1472 = arith.index_cast %add3A_1413 : i32 to index
        %get3A_1473 = arith.constant 80 : index
        %get3A_1474 = tpu.vector_load %arg12[%get3A_1472, %get3A_1473] {strides = array<i32>} : memref<128x128xf32, #tpu.memory_space<vmem>>, vector<16xf32>,
        %mul3A_1475 = arith.mulf %get3A_1471, %get3A_1474 : vector<16xf32>
        %get3A_1476 = arith.index_cast %add3A_1413 : i32 to index
        %get3A_1477 = arith.constant 80 : index
        %get3A_1478 = tpu.vector_load %arg13[%get3A_1476, %get3A_1477] {strides = array<i32>} : memref<128x128xf32, #tpu.memory_space<vmem>>, vector<16xf32>,
        %mul3A_1479 = arith.mulf %mul3A_1475, %get3A_1478 : vector<16xf32>
        %get3A_1480 = arith.index_cast %add3A_1413 : i32 to index
        %get3A_1481 = arith.constant 96 : index
        %get3A_1482 = tpu.vector_load %arg11[%get3A_1480, %get3A_1481] {strides = array<i32>} : memref<128x128xf32, #tpu.memory_space<vmem>>, vector<16xf32>,
        %get3A_1483 = arith.index_cast %add3A_1413 : i32 to index
        %get3A_1484 = arith.constant 96 : index
        %get3A_1485 = tpu.vector_load %arg12[%get3A_1483, %get3A_1484] {strides = array<i32>} : memref<128x128xf32, #tpu.memory_space<vmem>>, vector<16xf32>,
        %mul3A_1486 = arith.mulf %get3A_1482, %get3A_1485 : vector<16xf32>
        %get3A_1487 = arith.index_cast %add3A_1413 : i32 to index
        %get3A_1488 = arith.constant 96 : index
        %get3A_1489 = tpu.vector_load %arg13[%get3A_1487, %get3A_1488] {strides = array<i32>} : memref<128x128xf32, #tpu.memory_space<vmem>>, vector<16xf32>,
        %mul3A_1490 = arith.mulf %mul3A_1486, %get3A_1489 : vector<16xf32>
        %get3A_1491 = arith.index_cast %add3A_1413 : i32 to index
        %get3A_1492 = arith.constant 112 : index
        %get3A_1493 = tpu.vector_load %arg11[%get3A_1491, %get3A_1492] {strides = array<i32>} : memref<128x128xf32, #tpu.memory_space<vmem>>, vector<16xf32>,
        %get3A_1494 = arith.index_cast %add3A_1413 : i32 to index
        %get3A_1495 = arith.constant 112 : index
        %get3A_1496 = tpu.vector_load %arg12[%get3A_1494, %get3A_1495] {strides = array<i32>} : memref<128x128xf32, #tpu.memory_space<vmem>>, vector<16xf32>,
        %mul3A_1497 = arith.mulf %get3A_1493, %get3A_1496 : vector<16xf32>
        %get3A_1498 = arith.index_cast %add3A_1413 : i32 to index
        %get3A_1499 = arith.constant 112 : index
        %get3A_1500 = tpu.vector_load %arg13[%get3A_1498, %get3A_1499] {strides = array<i32>} : memref<128x128xf32, #tpu.memory_space<vmem>>, vector<16xf32>,
        %mul3A_1501 = arith.mulf %mul3A_1497, %get3A_1500 : vector<16xf32>
        %add3A_1502 = arith.addf %mul3A_1424, %mul3A_1435 : vector<16xf32>
        %add3A_1503 = arith.addf %mul3A_1446, %mul3A_1457 : vector<16xf32>
        %add3A_1504 = arith.addf %mul3A_1468, %mul3A_1479 : vector<16xf32>
        %add3A_1505 = arith.addf %mul3A_1490, %mul3A_1501 : vector<16xf32>
        %add3A_1506 = arith.addf %add3A_1502, %add3A_1503 : vector<16xf32>
        %add3A_1507 = arith.addf %add3A_1504, %add3A_1505 : vector<16xf32>
        %add3A_1508 = arith.addf %add3A_1506, %add3A_1507 : vector<16xf32>
        %swap3A_1509 = arith.constant 128 : index
        %swap3A_1510 = tpu.vector_load %arg23[%swap3A_1509] {strides = array<i32>} : memref<256xf32, #tpu.memory_space<vmem>>, vector<16xf32>,
        tpu.vector_store %arg23[%swap3A_1509], %add3A_1508 {strides = array<i32>} : memref<256xf32, #tpu.memory_space<vmem>>, vector<16xf32>,
        %add3A_1511 = arith.constant 9 : i32
        %add3A_1512 = arith.addi %mul3A_619, %add3A_1511 : i32
        %get3A_1513 = arith.index_cast %add3A_1512 : i32 to index
        %get3A_1514 = arith.constant 0 : index
        %get3A_1515 = tpu.vector_load %arg11[%get3A_1513, %get3A_1514] {strides = array<i32>} : memref<128x128xf32, #tpu.memory_space<vmem>>, vector<16xf32>,
        %get3A_1516 = arith.index_cast %add3A_1512 : i32 to index
        %get3A_1517 = arith.constant 0 : index
        %get3A_1518 = tpu.vector_load %arg12[%get3A_1516, %get3A_1517] {strides = array<i32>} : memref<128x128xf32, #tpu.memory_space<vmem>>, vector<16xf32>,
        %mul3A_1519 = arith.mulf %get3A_1515, %get3A_1518 : vector<16xf32>
        %get3A_1520 = arith.index_cast %add3A_1512 : i32 to index
        %get3A_1521 = arith.constant 0 : index
        %get3A_1522 = tpu.vector_load %arg13[%get3A_1520, %get3A_1521] {strides = array<i32>} : memref<128x128xf32, #tpu.memory_space<vmem>>, vector<16xf32>,
        %mul3A_1523 = arith.mulf %mul3A_1519, %get3A_1522 : vector<16xf32>
        %get3A_1524 = arith.index_cast %add3A_1512 : i32 to index
        %get3A_1525 = arith.constant 16 : index
        %get3A_1526 = tpu.vector_load %arg11[%get3A_1524, %get3A_1525] {strides = array<i32>} : memref<128x128xf32, #tpu.memory_space<vmem>>, vector<16xf32>,
        %get3A_1527 = arith.index_cast %add3A_1512 : i32 to index
        %get3A_1528 = arith.constant 16 : index
        %get3A_1529 = tpu.vector_load %arg12[%get3A_1527, %get3A_1528] {strides = array<i32>} : memref<128x128xf32, #tpu.memory_space<vmem>>, vector<16xf32>,
        %mul3A_1530 = arith.mulf %get3A_1526, %get3A_1529 : vector<16xf32>
        %get3A_1531 = arith.index_cast %add3A_1512 : i32 to index
        %get3A_1532 = arith.constant 16 : index
        %get3A_1533 = tpu.vector_load %arg13[%get3A_1531, %get3A_1532] {strides = array<i32>} : memref<128x128xf32, #tpu.memory_space<vmem>>, vector<16xf32>,
        %mul3A_1534 = arith.mulf %mul3A_1530, %get3A_1533 : vector<16xf32>
        %get3A_1535 = arith.index_cast %add3A_1512 : i32 to index
        %get3A_1536 = arith.constant 32 : index
        %get3A_1537 = tpu.vector_load %arg11[%get3A_1535, %get3A_1536] {strides = array<i32>} : memref<128x128xf32, #tpu.memory_space<vmem>>, vector<16xf32>,
        %get3A_1538 = arith.index_cast %add3A_1512 : i32 to index
        %get3A_1539 = arith.constant 32 : index
        %get3A_1540 = tpu.vector_load %arg12[%get3A_1538, %get3A_1539] {strides = array<i32>} : memref<128x128xf32, #tpu.memory_space<vmem>>, vector<16xf32>,
        %mul3A_1541 = arith.mulf %get3A_1537, %get3A_1540 : vector<16xf32>
        %get3A_1542 = arith.index_cast %add3A_1512 : i32 to index
        %get3A_1543 = arith.constant 32 : index
        %get3A_1544 = tpu.vector_load %arg13[%get3A_1542, %get3A_1543] {strides = array<i32>} : memref<128x128xf32, #tpu.memory_space<vmem>>, vector<16xf32>,
        %mul3A_1545 = arith.mulf %mul3A_1541, %get3A_1544 : vector<16xf32>
        %get3A_1546 = arith.index_cast %add3A_1512 : i32 to index
        %get3A_1547 = arith.constant 48 : index
        %get3A_1548 = tpu.vector_load %arg11[%get3A_1546, %get3A_1547] {strides = array<i32>} : memref<128x128xf32, #tpu.memory_space<vmem>>, vector<16xf32>,
        %get3A_1549 = arith.index_cast %add3A_1512 : i32 to index
        %get3A_1550 = arith.constant 48 : index
        %get3A_1551 = tpu.vector_load %arg12[%get3A_1549, %get3A_1550] {strides = array<i32>} : memref<128x128xf32, #tpu.memory_space<vmem>>, vector<16xf32>,
        %mul3A_1552 = arith.mulf %get3A_1548, %get3A_1551 : vector<16xf32>
        %get3A_1553 = arith.index_cast %add3A_1512 : i32 to index
        %get3A_1554 = arith.constant 48 : index
        %get3A_1555 = tpu.vector_load %arg13[%get3A_1553, %get3A_1554] {strides = array<i32>} : memref<128x128xf32, #tpu.memory_space<vmem>>, vector<16xf32>,
        %mul3A_1556 = arith.mulf %mul3A_1552, %get3A_1555 : vector<16xf32>
        %get3A_1557 = arith.index_cast %add3A_1512 : i32 to index
        %get3A_1558 = arith.constant 64 : index
        %get3A_1559 = tpu.vector_load %arg11[%get3A_1557, %get3A_1558] {strides = array<i32>} : memref<128x128xf32, #tpu.memory_space<vmem>>, vector<16xf32>,
        %get3A_1560 = arith.index_cast %add3A_1512 : i32 to index
        %get3A_1561 = arith.constant 64 : index
        %get3A_1562 = tpu.vector_load %arg12[%get3A_1560, %get3A_1561] {strides = array<i32>} : memref<128x128xf32, #tpu.memory_space<vmem>>, vector<16xf32>,
        %mul3A_1563 = arith.mulf %get3A_1559, %get3A_1562 : vector<16xf32>
        %get3A_1564 = arith.index_cast %add3A_1512 : i32 to index
        %get3A_1565 = arith.constant 64 : index
        %get3A_1566 = tpu.vector_load %arg13[%get3A_1564, %get3A_1565] {strides = array<i32>} : memref<128x128xf32, #tpu.memory_space<vmem>>, vector<16xf32>,
        %mul3A_1567 = arith.mulf %mul3A_1563, %get3A_1566 : vector<16xf32>
        %get3A_1568 = arith.index_cast %add3A_1512 : i32 to index
        %get3A_1569 = arith.constant 80 : index
        %get3A_1570 = tpu.vector_load %arg11[%get3A_1568, %get3A_1569] {strides = array<i32>} : memref<128x128xf32, #tpu.memory_space<vmem>>, vector<16xf32>,
        %get3A_1571 = arith.index_cast %add3A_1512 : i32 to index
        %get3A_1572 = arith.constant 80 : index
        %get3A_1573 = tpu.vector_load %arg12[%get3A_1571, %get3A_1572] {strides = array<i32>} : memref<128x128xf32, #tpu.memory_space<vmem>>, vector<16xf32>,
        %mul3A_1574 = arith.mulf %get3A_1570, %get3A_1573 : vector<16xf32>
        %get3A_1575 = arith.index_cast %add3A_1512 : i32 to index
        %get3A_1576 = arith.constant 80 : index
        %get3A_1577 = tpu.vector_load %arg13[%get3A_1575, %get3A_1576] {strides = array<i32>} : memref<128x128xf32, #tpu.memory_space<vmem>>, vector<16xf32>,
        %mul3A_1578 = arith.mulf %mul3A_1574, %get3A_1577 : vector<16xf32>
        %get3A_1579 = arith.index_cast %add3A_1512 : i32 to index
        %get3A_1580 = arith.constant 96 : index
        %get3A_1581 = tpu.vector_load %arg11[%get3A_1579, %get3A_1580] {strides = array<i32>} : memref<128x128xf32, #tpu.memory_space<vmem>>, vector<16xf32>,
        %get3A_1582 = arith.index_cast %add3A_1512 : i32 to index
        %get3A_1583 = arith.constant 96 : index
        %get3A_1584 = tpu.vector_load %arg12[%get3A_1582, %get3A_1583] {strides = array<i32>} : memref<128x128xf32, #tpu.memory_space<vmem>>, vector<16xf32>,
        %mul3A_1585 = arith.mulf %get3A_1581, %get3A_1584 : vector<16xf32>
        %get3A_1586 = arith.index_cast %add3A_1512 : i32 to index
        %get3A_1587 = arith.constant 96 : index
        %get3A_1588 = tpu.vector_load %arg13[%get3A_1586, %get3A_1587] {strides = array<i32>} : memref<128x128xf32, #tpu.memory_space<vmem>>, vector<16xf32>,
        %mul3A_1589 = arith.mulf %mul3A_1585, %get3A_1588 : vector<16xf32>
        %get3A_1590 = arith.index_cast %add3A_1512 : i32 to index
        %get3A_1591 = arith.constant 112 : index
        %get3A_1592 = tpu.vector_load %arg11[%get3A_1590, %get3A_1591] {strides = array<i32>} : memref<128x128xf32, #tpu.memory_space<vmem>>, vector<16xf32>,
        %get3A_1593 = arith.index_cast %add3A_1512 : i32 to index
        %get3A_1594 = arith.constant 112 : index
        %get3A_1595 = tpu.vector_load %arg12[%get3A_1593, %get3A_1594] {strides = array<i32>} : memref<128x128xf32, #tpu.memory_space<vmem>>, vector<16xf32>,
        %mul3A_1596 = arith.mulf %get3A_1592, %get3A_1595 : vector<16xf32>
        %get3A_1597 = arith.index_cast %add3A_1512 : i32 to index
        %get3A_1598 = arith.constant 112 : index
        %get3A_1599 = tpu.vector_load %arg13[%get3A_1597, %get3A_1598] {strides = array<i32>} : memref<128x128xf32, #tpu.memory_space<vmem>>, vector<16xf32>,
        %mul3A_1600 = arith.mulf %mul3A_1596, %get3A_1599 : vector<16xf32>
        %add3A_1601 = arith.addf %mul3A_1523, %mul3A_1534 : vector<16xf32>
        %add3A_1602 = arith.addf %mul3A_1545, %mul3A_1556 : vector<16xf32>
        %add3A_1603 = arith.addf %mul3A_1567, %mul3A_1578 : vector<16xf32>
        %add3A_1604 = arith.addf %mul3A_1589, %mul3A_1600 : vector<16xf32>
        %add3A_1605 = arith.addf %add3A_1601, %add3A_1602 : vector<16xf32>
        %add3A_1606 = arith.addf %add3A_1603, %add3A_1604 : vector<16xf32>
        %add3A_1607 = arith.addf %add3A_1605, %add3A_1606 : vector<16xf32>
        %swap3A_1608 = arith.constant 144 : index
        %swap3A_1609 = tpu.vector_load %arg23[%swap3A_1608] {strides = array<i32>} : memref<256xf32, #tpu.memory_space<vmem>>, vector<16xf32>,
        tpu.vector_store %arg23[%swap3A_1608], %add3A_1607 {strides = array<i32>} : memref<256xf32, #tpu.memory_space<vmem>>, vector<16xf32>,
        %add3A_1610 = arith.constant 10 : i32
        %add3A_1611 = arith.addi %mul3A_619, %add3A_1610 : i32
        %get3A_1612 = arith.index_cast %add3A_1611 : i32 to index
        %get3A_1613 = arith.constant 0 : index
        %get3A_1614 = tpu.vector_load %arg11[%get3A_1612, %get3A_1613] {strides = array<i32>} : memref<128x128xf32, #tpu.memory_space<vmem>>, vector<16xf32>,
        %get3A_1615 = arith.index_cast %add3A_1611 : i32 to index
        %get3A_1616 = arith.constant 0 : index
        %get3A_1617 = tpu.vector_load %arg12[%get3A_1615, %get3A_1616] {strides = array<i32>} : memref<128x128xf32, #tpu.memory_space<vmem>>, vector<16xf32>,
        %mul3A_1618 = arith.mulf %get3A_1614, %get3A_1617 : vector<16xf32>
        %get3A_1619 = arith.index_cast %add3A_1611 : i32 to index
        %get3A_1620 = arith.constant 0 : index
        %get3A_1621 = tpu.vector_load %arg13[%get3A_1619, %get3A_1620] {strides = array<i32>} : memref<128x128xf32, #tpu.memory_space<vmem>>, vector<16xf32>,
        %mul3A_1622 = arith.mulf %mul3A_1618, %get3A_1621 : vector<16xf32>
        %get3A_1623 = arith.index_cast %add3A_1611 : i32 to index
        %get3A_1624 = arith.constant 16 : index
        %get3A_1625 = tpu.vector_load %arg11[%get3A_1623, %get3A_1624] {strides = array<i32>} : memref<128x128xf32, #tpu.memory_space<vmem>>, vector<16xf32>,
        %get3A_1626 = arith.index_cast %add3A_1611 : i32 to index
        %get3A_1627 = arith.constant 16 : index
        %get3A_1628 = tpu.vector_load %arg12[%get3A_1626, %get3A_1627] {strides = array<i32>} : memref<128x128xf32, #tpu.memory_space<vmem>>, vector<16xf32>,
        %mul3A_1629 = arith.mulf %get3A_1625, %get3A_1628 : vector<16xf32>
        %get3A_1630 = arith.index_cast %add3A_1611 : i32 to index
        %get3A_1631 = arith.constant 16 : index
        %get3A_1632 = tpu.vector_load %arg13[%get3A_1630, %get3A_1631] {strides = array<i32>} : memref<128x128xf32, #tpu.memory_space<vmem>>, vector<16xf32>,
        %mul3A_1633 = arith.mulf %mul3A_1629, %get3A_1632 : vector<16xf32>
        %get3A_1634 = arith.index_cast %add3A_1611 : i32 to index
        %get3A_1635 = arith.constant 32 : index
        %get3A_1636 = tpu.vector_load %arg11[%get3A_1634, %get3A_1635] {strides = array<i32>} : memref<128x128xf32, #tpu.memory_space<vmem>>, vector<16xf32>,
        %get3A_1637 = arith.index_cast %add3A_1611 : i32 to index
        %get3A_1638 = arith.constant 32 : index
        %get3A_1639 = tpu.vector_load %arg12[%get3A_1637, %get3A_1638] {strides = array<i32>} : memref<128x128xf32, #tpu.memory_space<vmem>>, vector<16xf32>,
        %mul3A_1640 = arith.mulf %get3A_1636, %get3A_1639 : vector<16xf32>
        %get3A_1641 = arith.index_cast %add3A_1611 : i32 to index
        %get3A_1642 = arith.constant 32 : index
        %get3A_1643 = tpu.vector_load %arg13[%get3A_1641, %get3A_1642] {strides = array<i32>} : memref<128x128xf32, #tpu.memory_space<vmem>>, vector<16xf32>,
        %mul3A_1644 = arith.mulf %mul3A_1640, %get3A_1643 : vector<16xf32>
        %get3A_1645 = arith.index_cast %add3A_1611 : i32 to index
        %get3A_1646 = arith.constant 48 : index
        %get3A_1647 = tpu.vector_load %arg11[%get3A_1645, %get3A_1646] {strides = array<i32>} : memref<128x128xf32, #tpu.memory_space<vmem>>, vector<16xf32>,
        %get3A_1648 = arith.index_cast %add3A_1611 : i32 to index
        %get3A_1649 = arith.constant 48 : index
        %get3A_1650 = tpu.vector_load %arg12[%get3A_1648, %get3A_1649] {strides = array<i32>} : memref<128x128xf32, #tpu.memory_space<vmem>>, vector<16xf32>,
        %mul3A_1651 = arith.mulf %get3A_1647, %get3A_1650 : vector<16xf32>
        %get3A_1652 = arith.index_cast %add3A_1611 : i32 to index
        %get3A_1653 = arith.constant 48 : index
        %get3A_1654 = tpu.vector_load %arg13[%get3A_1652, %get3A_1653] {strides = array<i32>} : memref<128x128xf32, #tpu.memory_space<vmem>>, vector<16xf32>,
        %mul3A_1655 = arith.mulf %mul3A_1651, %get3A_1654 : vector<16xf32>
        %get3A_1656 = arith.index_cast %add3A_1611 : i32 to index
        %get3A_1657 = arith.constant 64 : index
        %get3A_1658 = tpu.vector_load %arg11[%get3A_1656, %get3A_1657] {strides = array<i32>} : memref<128x128xf32, #tpu.memory_space<vmem>>, vector<16xf32>,
        %get3A_1659 = arith.index_cast %add3A_1611 : i32 to index
        %get3A_1660 = arith.constant 64 : index
        %get3A_1661 = tpu.vector_load %arg12[%get3A_1659, %get3A_1660] {strides = array<i32>} : memref<128x128xf32, #tpu.memory_space<vmem>>, vector<16xf32>,
        %mul3A_1662 = arith.mulf %get3A_1658, %get3A_1661 : vector<16xf32>
        %get3A_1663 = arith.index_cast %add3A_1611 : i32 to index
        %get3A_1664 = arith.constant 64 : index
        %get3A_1665 = tpu.vector_load %arg13[%get3A_1663, %get3A_1664] {strides = array<i32>} : memref<128x128xf32, #tpu.memory_space<vmem>>, vector<16xf32>,
        %mul3A_1666 = arith.mulf %mul3A_1662, %get3A_1665 : vector<16xf32>
        %get3A_1667 = arith.index_cast %add3A_1611 : i32 to index
        %get3A_1668 = arith.constant 80 : index
        %get3A_1669 = tpu.vector_load %arg11[%get3A_1667, %get3A_1668] {strides = array<i32>} : memref<128x128xf32, #tpu.memory_space<vmem>>, vector<16xf32>,
        %get3A_1670 = arith.index_cast %add3A_1611 : i32 to index
        %get3A_1671 = arith.constant 80 : index
        %get3A_1672 = tpu.vector_load %arg12[%get3A_1670, %get3A_1671] {strides = array<i32>} : memref<128x128xf32, #tpu.memory_space<vmem>>, vector<16xf32>,
        %mul3A_1673 = arith.mulf %get3A_1669, %get3A_1672 : vector<16xf32>
        %get3A_1674 = arith.index_cast %add3A_1611 : i32 to index
        %get3A_1675 = arith.constant 80 : index
        %get3A_1676 = tpu.vector_load %arg13[%get3A_1674, %get3A_1675] {strides = array<i32>} : memref<128x128xf32, #tpu.memory_space<vmem>>, vector<16xf32>,
        %mul3A_1677 = arith.mulf %mul3A_1673, %get3A_1676 : vector<16xf32>
        %get3A_1678 = arith.index_cast %add3A_1611 : i32 to index
        %get3A_1679 = arith.constant 96 : index
        %get3A_1680 = tpu.vector_load %arg11[%get3A_1678, %get3A_1679] {strides = array<i32>} : memref<128x128xf32, #tpu.memory_space<vmem>>, vector<16xf32>,
        %get3A_1681 = arith.index_cast %add3A_1611 : i32 to index
        %get3A_1682 = arith.constant 96 : index
        %get3A_1683 = tpu.vector_load %arg12[%get3A_1681, %get3A_1682] {strides = array<i32>} : memref<128x128xf32, #tpu.memory_space<vmem>>, vector<16xf32>,
        %mul3A_1684 = arith.mulf %get3A_1680, %get3A_1683 : vector<16xf32>
        %get3A_1685 = arith.index_cast %add3A_1611 : i32 to index
        %get3A_1686 = arith.constant 96 : index
        %get3A_1687 = tpu.vector_load %arg13[%get3A_1685, %get3A_1686] {strides = array<i32>} : memref<128x128xf32, #tpu.memory_space<vmem>>, vector<16xf32>,
        %mul3A_1688 = arith.mulf %mul3A_1684, %get3A_1687 : vector<16xf32>
        %get3A_1689 = arith.index_cast %add3A_1611 : i32 to index
        %get3A_1690 = arith.constant 112 : index
        %get3A_1691 = tpu.vector_load %arg11[%get3A_1689, %get3A_1690] {strides = array<i32>} : memref<128x128xf32, #tpu.memory_space<vmem>>, vector<16xf32>,
        %get3A_1692 = arith.index_cast %add3A_1611 : i32 to index
        %get3A_1693 = arith.constant 112 : index
        %get3A_1694 = tpu.vector_load %arg12[%get3A_1692, %get3A_1693] {strides = array<i32>} : memref<128x128xf32, #tpu.memory_space<vmem>>, vector<16xf32>,
        %mul3A_1695 = arith.mulf %get3A_1691, %get3A_1694 : vector<16xf32>
        %get3A_1696 = arith.index_cast %add3A_1611 : i32 to index
        %get3A_1697 = arith.constant 112 : index
        %get3A_1698 = tpu.vector_load %arg13[%get3A_1696, %get3A_1697] {strides = array<i32>} : memref<128x128xf32, #tpu.memory_space<vmem>>, vector<16xf32>,
        %mul3A_1699 = arith.mulf %mul3A_1695, %get3A_1698 : vector<16xf32>
        %add3A_1700 = arith.addf %mul3A_1622, %mul3A_1633 : vector<16xf32>
        %add3A_1701 = arith.addf %mul3A_1644, %mul3A_1655 : vector<16xf32>
        %add3A_1702 = arith.addf %mul3A_1666, %mul3A_1677 : vector<16xf32>
        %add3A_1703 = arith.addf %mul3A_1688, %mul3A_1699 : vector<16xf32>
        %add3A_1704 = arith.addf %add3A_1700, %add3A_1701 : vector<16xf32>
        %add3A_1705 = arith.addf %add3A_1702, %add3A_1703 : vector<16xf32>
        %add3A_1706 = arith.addf %add3A_1704, %add3A_1705 : vector<16xf32>
        %swap3A_1707 = arith.constant 160 : index
        %swap3A_1708 = tpu.vector_load %arg23[%swap3A_1707] {strides = array<i32>} : memref<256xf32, #tpu.memory_space<vmem>>, vector<16xf32>,
        tpu.vector_store %arg23[%swap3A_1707], %add3A_1706 {strides = array<i32>} : memref<256xf32, #tpu.memory_space<vmem>>, vector<16xf32>,
        %add3A_1709 = arith.constant 11 : i32
        %add3A_1710 = arith.addi %mul3A_619, %add3A_1709 : i32
        %get3A_1711 = arith.index_cast %add3A_1710 : i32 to index
        %get3A_1712 = arith.constant 0 : index
        %get3A_1713 = tpu.vector_load %arg11[%get3A_1711, %get3A_1712] {strides = array<i32>} : memref<128x128xf32, #tpu.memory_space<vmem>>, vector<16xf32>,
        %get3A_1714 = arith.index_cast %add3A_1710 : i32 to index
        %get3A_1715 = arith.constant 0 : index
        %get3A_1716 = tpu.vector_load %arg12[%get3A_1714, %get3A_1715] {strides = array<i32>} : memref<128x128xf32, #tpu.memory_space<vmem>>, vector<16xf32>,
        %mul3A_1717 = arith.mulf %get3A_1713, %get3A_1716 : vector<16xf32>
        %get3A_1718 = arith.index_cast %add3A_1710 : i32 to index
        %get3A_1719 = arith.constant 0 : index
        %get3A_1720 = tpu.vector_load %arg13[%get3A_1718, %get3A_1719] {strides = array<i32>} : memref<128x128xf32, #tpu.memory_space<vmem>>, vector<16xf32>,
        %mul3A_1721 = arith.mulf %mul3A_1717, %get3A_1720 : vector<16xf32>
        %get3A_1722 = arith.index_cast %add3A_1710 : i32 to index
        %get3A_1723 = arith.constant 16 : index
        %get3A_1724 = tpu.vector_load %arg11[%get3A_1722, %get3A_1723] {strides = array<i32>} : memref<128x128xf32, #tpu.memory_space<vmem>>, vector<16xf32>,
        %get3A_1725 = arith.index_cast %add3A_1710 : i32 to index
        %get3A_1726 = arith.constant 16 : index
        %get3A_1727 = tpu.vector_load %arg12[%get3A_1725, %get3A_1726] {strides = array<i32>} : memref<128x128xf32, #tpu.memory_space<vmem>>, vector<16xf32>,
        %mul3A_1728 = arith.mulf %get3A_1724, %get3A_1727 : vector<16xf32>
        %get3A_1729 = arith.index_cast %add3A_1710 : i32 to index
        %get3A_1730 = arith.constant 16 : index
        %get3A_1731 = tpu.vector_load %arg13[%get3A_1729, %get3A_1730] {strides = array<i32>} : memref<128x128xf32, #tpu.memory_space<vmem>>, vector<16xf32>,
        %mul3A_1732 = arith.mulf %mul3A_1728, %get3A_1731 : vector<16xf32>
        %get3A_1733 = arith.index_cast %add3A_1710 : i32 to index
        %get3A_1734 = arith.constant 32 : index
        %get3A_1735 = tpu.vector_load %arg11[%get3A_1733, %get3A_1734] {strides = array<i32>} : memref<128x128xf32, #tpu.memory_space<vmem>>, vector<16xf32>,
        %get3A_1736 = arith.index_cast %add3A_1710 : i32 to index
        %get3A_1737 = arith.constant 32 : index
        %get3A_1738 = tpu.vector_load %arg12[%get3A_1736, %get3A_1737] {strides = array<i32>} : memref<128x128xf32, #tpu.memory_space<vmem>>, vector<16xf32>,
        %mul3A_1739 = arith.mulf %get3A_1735, %get3A_1738 : vector<16xf32>
        %get3A_1740 = arith.index_cast %add3A_1710 : i32 to index
        %get3A_1741 = arith.constant 32 : index
        %get3A_1742 = tpu.vector_load %arg13[%get3A_1740, %get3A_1741] {strides = array<i32>} : memref<128x128xf32, #tpu.memory_space<vmem>>, vector<16xf32>,
        %mul3A_1743 = arith.mulf %mul3A_1739, %get3A_1742 : vector<16xf32>
        %get3A_1744 = arith.index_cast %add3A_1710 : i32 to index
        %get3A_1745 = arith.constant 48 : index
        %get3A_1746 = tpu.vector_load %arg11[%get3A_1744, %get3A_1745] {strides = array<i32>} : memref<128x128xf32, #tpu.memory_space<vmem>>, vector<16xf32>,
        %get3A_1747 = arith.index_cast %add3A_1710 : i32 to index
        %get3A_1748 = arith.constant 48 : index
        %get3A_1749 = tpu.vector_load %arg12[%get3A_1747, %get3A_1748] {strides = array<i32>} : memref<128x128xf32, #tpu.memory_space<vmem>>, vector<16xf32>,
        %mul3A_1750 = arith.mulf %get3A_1746, %get3A_1749 : vector<16xf32>
        %get3A_1751 = arith.index_cast %add3A_1710 : i32 to index
        %get3A_1752 = arith.constant 48 : index
        %get3A_1753 = tpu.vector_load %arg13[%get3A_1751, %get3A_1752] {strides = array<i32>} : memref<128x128xf32, #tpu.memory_space<vmem>>, vector<16xf32>,
        %mul3A_1754 = arith.mulf %mul3A_1750, %get3A_1753 : vector<16xf32>
        %get3A_1755 = arith.index_cast %add3A_1710 : i32 to index
        %get3A_1756 = arith.constant 64 : index
        %get3A_1757 = tpu.vector_load %arg11[%get3A_1755, %get3A_1756] {strides = array<i32>} : memref<128x128xf32, #tpu.memory_space<vmem>>, vector<16xf32>,
        %get3A_1758 = arith.index_cast %add3A_1710 : i32 to index
        %get3A_1759 = arith.constant 64 : index
        %get3A_1760 = tpu.vector_load %arg12[%get3A_1758, %get3A_1759] {strides = array<i32>} : memref<128x128xf32, #tpu.memory_space<vmem>>, vector<16xf32>,
        %mul3A_1761 = arith.mulf %get3A_1757, %get3A_1760 : vector<16xf32>
        %get3A_1762 = arith.index_cast %add3A_1710 : i32 to index
        %get3A_1763 = arith.constant 64 : index
        %get3A_1764 = tpu.vector_load %arg13[%get3A_1762, %get3A_1763] {strides = array<i32>} : memref<128x128xf32, #tpu.memory_space<vmem>>, vector<16xf32>,
        %mul3A_1765 = arith.mulf %mul3A_1761, %get3A_1764 : vector<16xf32>
        %get3A_1766 = arith.index_cast %add3A_1710 : i32 to index
        %get3A_1767 = arith.constant 80 : index
        %get3A_1768 = tpu.vector_load %arg11[%get3A_1766, %get3A_1767] {strides = array<i32>} : memref<128x128xf32, #tpu.memory_space<vmem>>, vector<16xf32>,
        %get3A_1769 = arith.index_cast %add3A_1710 : i32 to index
        %get3A_1770 = arith.constant 80 : index
        %get3A_1771 = tpu.vector_load %arg12[%get3A_1769, %get3A_1770] {strides = array<i32>} : memref<128x128xf32, #tpu.memory_space<vmem>>, vector<16xf32>,
        %mul3A_1772 = arith.mulf %get3A_1768, %get3A_1771 : vector<16xf32>
        %get3A_1773 = arith.index_cast %add3A_1710 : i32 to index
        %get3A_1774 = arith.constant 80 : index
        %get3A_1775 = tpu.vector_load %arg13[%get3A_1773, %get3A_1774] {strides = array<i32>} : memref<128x128xf32, #tpu.memory_space<vmem>>, vector<16xf32>,
        %mul3A_1776 = arith.mulf %mul3A_1772, %get3A_1775 : vector<16xf32>
        %get3A_1777 = arith.index_cast %add3A_1710 : i32 to index
        %get3A_1778 = arith.constant 96 : index
        %get3A_1779 = tpu.vector_load %arg11[%get3A_1777, %get3A_1778] {strides = array<i32>} : memref<128x128xf32, #tpu.memory_space<vmem>>, vector<16xf32>,
        %get3A_1780 = arith.index_cast %add3A_1710 : i32 to index
        %get3A_1781 = arith.constant 96 : index
        %get3A_1782 = tpu.vector_load %arg12[%get3A_1780, %get3A_1781] {strides = array<i32>} : memref<128x128xf32, #tpu.memory_space<vmem>>, vector<16xf32>,
        %mul3A_1783 = arith.mulf %get3A_1779, %get3A_1782 : vector<16xf32>
        %get3A_1784 = arith.index_cast %add3A_1710 : i32 to index
        %get3A_1785 = arith.constant 96 : index
        %get3A_1786 = tpu.vector_load %arg13[%get3A_1784, %get3A_1785] {strides = array<i32>} : memref<128x128xf32, #tpu.memory_space<vmem>>, vector<16xf32>,
        %mul3A_1787 = arith.mulf %mul3A_1783, %get3A_1786 : vector<16xf32>
        %get3A_1788 = arith.index_cast %add3A_1710 : i32 to index
        %get3A_1789 = arith.constant 112 : index
        %get3A_1790 = tpu.vector_load %arg11[%get3A_1788, %get3A_1789] {strides = array<i32>} : memref<128x128xf32, #tpu.memory_space<vmem>>, vector<16xf32>,
        %get3A_1791 = arith.index_cast %add3A_1710 : i32 to index
        %get3A_1792 = arith.constant 112 : index
        %get3A_1793 = tpu.vector_load %arg12[%get3A_1791, %get3A_1792] {strides = array<i32>} : memref<128x128xf32, #tpu.memory_space<vmem>>, vector<16xf32>,
        %mul3A_1794 = arith.mulf %get3A_1790, %get3A_1793 : vector<16xf32>
        %get3A_1795 = arith.index_cast %add3A_1710 : i32 to index
        %get3A_1796 = arith.constant 112 : index
        %get3A_1797 = tpu.vector_load %arg13[%get3A_1795, %get3A_1796] {strides = array<i32>} : memref<128x128xf32, #tpu.memory_space<vmem>>, vector<16xf32>,
        %mul3A_1798 = arith.mulf %mul3A_1794, %get3A_1797 : vector<16xf32>
        %add3A_1799 = arith.addf %mul3A_1721, %mul3A_1732 : vector<16xf32>
        %add3A_1800 = arith.addf %mul3A_1743, %mul3A_1754 : vector<16xf32>
        %add3A_1801 = arith.addf %mul3A_1765, %mul3A_1776 : vector<16xf32>
        %add3A_1802 = arith.addf %mul3A_1787, %mul3A_1798 : vector<16xf32>
        %add3A_1803 = arith.addf %add3A_1799, %add3A_1800 : vector<16xf32>
        %add3A_1804 = arith.addf %add3A_1801, %add3A_1802 : vector<16xf32>
        %add3A_1805 = arith.addf %add3A_1803, %add3A_1804 : vector<16xf32>
        %swap3A_1806 = arith.constant 176 : index
        %swap3A_1807 = tpu.vector_load %arg23[%swap3A_1806] {strides = array<i32>} : memref<256xf32, #tpu.memory_space<vmem>>, vector<16xf32>,
        tpu.vector_store %arg23[%swap3A_1806], %add3A_1805 {strides = array<i32>} : memref<256xf32, #tpu.memory_space<vmem>>, vector<16xf32>,
        %add3A_1808 = arith.constant 12 : i32
        %add3A_1809 = arith.addi %mul3A_619, %add3A_1808 : i32
        %get3A_1810 = arith.index_cast %add3A_1809 : i32 to index
        %get3A_1811 = arith.constant 0 : index
        %get3A_1812 = tpu.vector_load %arg11[%get3A_1810, %get3A_1811] {strides = array<i32>} : memref<128x128xf32, #tpu.memory_space<vmem>>, vector<16xf32>,
        %get3A_1813 = arith.index_cast %add3A_1809 : i32 to index
        %get3A_1814 = arith.constant 0 : index
        %get3A_1815 = tpu.vector_load %arg12[%get3A_1813, %get3A_1814] {strides = array<i32>} : memref<128x128xf32, #tpu.memory_space<vmem>>, vector<16xf32>,
        %mul3A_1816 = arith.mulf %get3A_1812, %get3A_1815 : vector<16xf32>
        %get3A_1817 = arith.index_cast %add3A_1809 : i32 to index
        %get3A_1818 = arith.constant 0 : index
        %get3A_1819 = tpu.vector_load %arg13[%get3A_1817, %get3A_1818] {strides = array<i32>} : memref<128x128xf32, #tpu.memory_space<vmem>>, vector<16xf32>,
        %mul3A_1820 = arith.mulf %mul3A_1816, %get3A_1819 : vector<16xf32>
        %get3A_1821 = arith.index_cast %add3A_1809 : i32 to index
        %get3A_1822 = arith.constant 16 : index
        %get3A_1823 = tpu.vector_load %arg11[%get3A_1821, %get3A_1822] {strides = array<i32>} : memref<128x128xf32, #tpu.memory_space<vmem>>, vector<16xf32>,
        %get3A_1824 = arith.index_cast %add3A_1809 : i32 to index
        %get3A_1825 = arith.constant 16 : index
        %get3A_1826 = tpu.vector_load %arg12[%get3A_1824, %get3A_1825] {strides = array<i32>} : memref<128x128xf32, #tpu.memory_space<vmem>>, vector<16xf32>,
        %mul3A_1827 = arith.mulf %get3A_1823, %get3A_1826 : vector<16xf32>
        %get3A_1828 = arith.index_cast %add3A_1809 : i32 to index
        %get3A_1829 = arith.constant 16 : index
        %get3A_1830 = tpu.vector_load %arg13[%get3A_1828, %get3A_1829] {strides = array<i32>} : memref<128x128xf32, #tpu.memory_space<vmem>>, vector<16xf32>,
        %mul3A_1831 = arith.mulf %mul3A_1827, %get3A_1830 : vector<16xf32>
        %get3A_1832 = arith.index_cast %add3A_1809 : i32 to index
        %get3A_1833 = arith.constant 32 : index
        %get3A_1834 = tpu.vector_load %arg11[%get3A_1832, %get3A_1833] {strides = array<i32>} : memref<128x128xf32, #tpu.memory_space<vmem>>, vector<16xf32>,
        %get3A_1835 = arith.index_cast %add3A_1809 : i32 to index
        %get3A_1836 = arith.constant 32 : index
        %get3A_1837 = tpu.vector_load %arg12[%get3A_1835, %get3A_1836] {strides = array<i32>} : memref<128x128xf32, #tpu.memory_space<vmem>>, vector<16xf32>,
        %mul3A_1838 = arith.mulf %get3A_1834, %get3A_1837 : vector<16xf32>
        %get3A_1839 = arith.index_cast %add3A_1809 : i32 to index
        %get3A_1840 = arith.constant 32 : index
        %get3A_1841 = tpu.vector_load %arg13[%get3A_1839, %get3A_1840] {strides = array<i32>} : memref<128x128xf32, #tpu.memory_space<vmem>>, vector<16xf32>,
        %mul3A_1842 = arith.mulf %mul3A_1838, %get3A_1841 : vector<16xf32>
        %get3A_1843 = arith.index_cast %add3A_1809 : i32 to index
        %get3A_1844 = arith.constant 48 : index
        %get3A_1845 = tpu.vector_load %arg11[%get3A_1843, %get3A_1844] {strides = array<i32>} : memref<128x128xf32, #tpu.memory_space<vmem>>, vector<16xf32>,
        %get3A_1846 = arith.index_cast %add3A_1809 : i32 to index
        %get3A_1847 = arith.constant 48 : index
        %get3A_1848 = tpu.vector_load %arg12[%get3A_1846, %get3A_1847] {strides = array<i32>} : memref<128x128xf32, #tpu.memory_space<vmem>>, vector<16xf32>,
        %mul3A_1849 = arith.mulf %get3A_1845, %get3A_1848 : vector<16xf32>
        %get3A_1850 = arith.index_cast %add3A_1809 : i32 to index
        %get3A_1851 = arith.constant 48 : index
        %get3A_1852 = tpu.vector_load %arg13[%get3A_1850, %get3A_1851] {strides = array<i32>} : memref<128x128xf32, #tpu.memory_space<vmem>>, vector<16xf32>,
        %mul3A_1853 = arith.mulf %mul3A_1849, %get3A_1852 : vector<16xf32>
        %get3A_1854 = arith.index_cast %add3A_1809 : i32 to index
        %get3A_1855 = arith.constant 64 : index
        %get3A_1856 = tpu.vector_load %arg11[%get3A_1854, %get3A_1855] {strides = array<i32>} : memref<128x128xf32, #tpu.memory_space<vmem>>, vector<16xf32>,
        %get3A_1857 = arith.index_cast %add3A_1809 : i32 to index
        %get3A_1858 = arith.constant 64 : index
        %get3A_1859 = tpu.vector_load %arg12[%get3A_1857, %get3A_1858] {strides = array<i32>} : memref<128x128xf32, #tpu.memory_space<vmem>>, vector<16xf32>,
        %mul3A_1860 = arith.mulf %get3A_1856, %get3A_1859 : vector<16xf32>
        %get3A_1861 = arith.index_cast %add3A_1809 : i32 to index
        %get3A_1862 = arith.constant 64 : index
        %get3A_1863 = tpu.vector_load %arg13[%get3A_1861, %get3A_1862] {strides = array<i32>} : memref<128x128xf32, #tpu.memory_space<vmem>>, vector<16xf32>,
        %mul3A_1864 = arith.mulf %mul3A_1860, %get3A_1863 : vector<16xf32>
        %get3A_1865 = arith.index_cast %add3A_1809 : i32 to index
        %get3A_1866 = arith.constant 80 : index
        %get3A_1867 = tpu.vector_load %arg11[%get3A_1865, %get3A_1866] {strides = array<i32>} : memref<128x128xf32, #tpu.memory_space<vmem>>, vector<16xf32>,
        %get3A_1868 = arith.index_cast %add3A_1809 : i32 to index
        %get3A_1869 = arith.constant 80 : index
        %get3A_1870 = tpu.vector_load %arg12[%get3A_1868, %get3A_1869] {strides = array<i32>} : memref<128x128xf32, #tpu.memory_space<vmem>>, vector<16xf32>,
        %mul3A_1871 = arith.mulf %get3A_1867, %get3A_1870 : vector<16xf32>
        %get3A_1872 = arith.index_cast %add3A_1809 : i32 to index
        %get3A_1873 = arith.constant 80 : index
        %get3A_1874 = tpu.vector_load %arg13[%get3A_1872, %get3A_1873] {strides = array<i32>} : memref<128x128xf32, #tpu.memory_space<vmem>>, vector<16xf32>,
        %mul3A_1875 = arith.mulf %mul3A_1871, %get3A_1874 : vector<16xf32>
        %get3A_1876 = arith.index_cast %add3A_1809 : i32 to index
        %get3A_1877 = arith.constant 96 : index
        %get3A_1878 = tpu.vector_load %arg11[%get3A_1876, %get3A_1877] {strides = array<i32>} : memref<128x128xf32, #tpu.memory_space<vmem>>, vector<16xf32>,
        %get3A_1879 = arith.index_cast %add3A_1809 : i32 to index
        %get3A_1880 = arith.constant 96 : index
        %get3A_1881 = tpu.vector_load %arg12[%get3A_1879, %get3A_1880] {strides = array<i32>} : memref<128x128xf32, #tpu.memory_space<vmem>>, vector<16xf32>,
        %mul3A_1882 = arith.mulf %get3A_1878, %get3A_1881 : vector<16xf32>
        %get3A_1883 = arith.index_cast %add3A_1809 : i32 to index
        %get3A_1884 = arith.constant 96 : index
        %get3A_1885 = tpu.vector_load %arg13[%get3A_1883, %get3A_1884] {strides = array<i32>} : memref<128x128xf32, #tpu.memory_space<vmem>>, vector<16xf32>,
        %mul3A_1886 = arith.mulf %mul3A_1882, %get3A_1885 : vector<16xf32>
        %get3A_1887 = arith.index_cast %add3A_1809 : i32 to index
        %get3A_1888 = arith.constant 112 : index
        %get3A_1889 = tpu.vector_load %arg11[%get3A_1887, %get3A_1888] {strides = array<i32>} : memref<128x128xf32, #tpu.memory_space<vmem>>, vector<16xf32>,
        %get3A_1890 = arith.index_cast %add3A_1809 : i32 to index
        %get3A_1891 = arith.constant 112 : index
        %get3A_1892 = tpu.vector_load %arg12[%get3A_1890, %get3A_1891] {strides = array<i32>} : memref<128x128xf32, #tpu.memory_space<vmem>>, vector<16xf32>,
        %mul3A_1893 = arith.mulf %get3A_1889, %get3A_1892 : vector<16xf32>
        %get3A_1894 = arith.index_cast %add3A_1809 : i32 to index
        %get3A_1895 = arith.constant 112 : index
        %get3A_1896 = tpu.vector_load %arg13[%get3A_1894, %get3A_1895] {strides = array<i32>} : memref<128x128xf32, #tpu.memory_space<vmem>>, vector<16xf32>,
        %mul3A_1897 = arith.mulf %mul3A_1893, %get3A_1896 : vector<16xf32>
        %add3A_1898 = arith.addf %mul3A_1820, %mul3A_1831 : vector<16xf32>
        %add3A_1899 = arith.addf %mul3A_1842, %mul3A_1853 : vector<16xf32>
        %add3A_1900 = arith.addf %mul3A_1864, %mul3A_1875 : vector<16xf32>
        %add3A_1901 = arith.addf %mul3A_1886, %mul3A_1897 : vector<16xf32>
        %add3A_1902 = arith.addf %add3A_1898, %add3A_1899 : vector<16xf32>
        %add3A_1903 = arith.addf %add3A_1900, %add3A_1901 : vector<16xf32>
        %add3A_1904 = arith.addf %add3A_1902, %add3A_1903 : vector<16xf32>
        %swap3A_1905 = arith.constant 192 : index
        %swap3A_1906 = tpu.vector_load %arg23[%swap3A_1905] {strides = array<i32>} : memref<256xf32, #tpu.memory_space<vmem>>, vector<16xf32>,
        tpu.vector_store %arg23[%swap3A_1905], %add3A_1904 {strides = array<i32>} : memref<256xf32, #tpu.memory_space<vmem>>, vector<16xf32>,
        %add3A_1907 = arith.constant 13 : i32
        %add3A_1908 = arith.addi %mul3A_619, %add3A_1907 : i32
        %get3A_1909 = arith.index_cast %add3A_1908 : i32 to index
        %get3A_1910 = arith.constant 0 : index
        %get3A_1911 = tpu.vector_load %arg11[%get3A_1909, %get3A_1910] {strides = array<i32>} : memref<128x128xf32, #tpu.memory_space<vmem>>, vector<16xf32>,
        %get3A_1912 = arith.index_cast %add3A_1908 : i32 to index
        %get3A_1913 = arith.constant 0 : index
        %get3A_1914 = tpu.vector_load %arg12[%get3A_1912, %get3A_1913] {strides = array<i32>} : memref<128x128xf32, #tpu.memory_space<vmem>>, vector<16xf32>,
        %mul3A_1915 = arith.mulf %get3A_1911, %get3A_1914 : vector<16xf32>
        %get3A_1916 = arith.index_cast %add3A_1908 : i32 to index
        %get3A_1917 = arith.constant 0 : index
        %get3A_1918 = tpu.vector_load %arg13[%get3A_1916, %get3A_1917] {strides = array<i32>} : memref<128x128xf32, #tpu.memory_space<vmem>>, vector<16xf32>,
        %mul3A_1919 = arith.mulf %mul3A_1915, %get3A_1918 : vector<16xf32>
        %get3A_1920 = arith.index_cast %add3A_1908 : i32 to index
        %get3A_1921 = arith.constant 16 : index
        %get3A_1922 = tpu.vector_load %arg11[%get3A_1920, %get3A_1921] {strides = array<i32>} : memref<128x128xf32, #tpu.memory_space<vmem>>, vector<16xf32>,
        %get3A_1923 = arith.index_cast %add3A_1908 : i32 to index
        %get3A_1924 = arith.constant 16 : index
        %get3A_1925 = tpu.vector_load %arg12[%get3A_1923, %get3A_1924] {strides = array<i32>} : memref<128x128xf32, #tpu.memory_space<vmem>>, vector<16xf32>,
        %mul3A_1926 = arith.mulf %get3A_1922, %get3A_1925 : vector<16xf32>
        %get3A_1927 = arith.index_cast %add3A_1908 : i32 to index
        %get3A_1928 = arith.constant 16 : index
        %get3A_1929 = tpu.vector_load %arg13[%get3A_1927, %get3A_1928] {strides = array<i32>} : memref<128x128xf32, #tpu.memory_space<vmem>>, vector<16xf32>,
        %mul3A_1930 = arith.mulf %mul3A_1926, %get3A_1929 : vector<16xf32>
        %get3A_1931 = arith.index_cast %add3A_1908 : i32 to index
        %get3A_1932 = arith.constant 32 : index
        %get3A_1933 = tpu.vector_load %arg11[%get3A_1931, %get3A_1932] {strides = array<i32>} : memref<128x128xf32, #tpu.memory_space<vmem>>, vector<16xf32>,
        %get3A_1934 = arith.index_cast %add3A_1908 : i32 to index
        %get3A_1935 = arith.constant 32 : index
        %get3A_1936 = tpu.vector_load %arg12[%get3A_1934, %get3A_1935] {strides = array<i32>} : memref<128x128xf32, #tpu.memory_space<vmem>>, vector<16xf32>,
        %mul3A_1937 = arith.mulf %get3A_1933, %get3A_1936 : vector<16xf32>
        %get3A_1938 = arith.index_cast %add3A_1908 : i32 to index
        %get3A_1939 = arith.constant 32 : index
        %get3A_1940 = tpu.vector_load %arg13[%get3A_1938, %get3A_1939] {strides = array<i32>} : memref<128x128xf32, #tpu.memory_space<vmem>>, vector<16xf32>,
        %mul3A_1941 = arith.mulf %mul3A_1937, %get3A_1940 : vector<16xf32>
        %get3A_1942 = arith.index_cast %add3A_1908 : i32 to index
        %get3A_1943 = arith.constant 48 : index
        %get3A_1944 = tpu.vector_load %arg11[%get3A_1942, %get3A_1943] {strides = array<i32>} : memref<128x128xf32, #tpu.memory_space<vmem>>, vector<16xf32>,
        %get3A_1945 = arith.index_cast %add3A_1908 : i32 to index
        %get3A_1946 = arith.constant 48 : index
        %get3A_1947 = tpu.vector_load %arg12[%get3A_1945, %get3A_1946] {strides = array<i32>} : memref<128x128xf32, #tpu.memory_space<vmem>>, vector<16xf32>,
        %mul3A_1948 = arith.mulf %get3A_1944, %get3A_1947 : vector<16xf32>
        %get3A_1949 = arith.index_cast %add3A_1908 : i32 to index
        %get3A_1950 = arith.constant 48 : index
        %get3A_1951 = tpu.vector_load %arg13[%get3A_1949, %get3A_1950] {strides = array<i32>} : memref<128x128xf32, #tpu.memory_space<vmem>>, vector<16xf32>,
        %mul3A_1952 = arith.mulf %mul3A_1948, %get3A_1951 : vector<16xf32>
        %get3A_1953 = arith.index_cast %add3A_1908 : i32 to index
        %get3A_1954 = arith.constant 64 : index
        %get3A_1955 = tpu.vector_load %arg11[%get3A_1953, %get3A_1954] {strides = array<i32>} : memref<128x128xf32, #tpu.memory_space<vmem>>, vector<16xf32>,
        %get3A_1956 = arith.index_cast %add3A_1908 : i32 to index
        %get3A_1957 = arith.constant 64 : index
        %get3A_1958 = tpu.vector_load %arg12[%get3A_1956, %get3A_1957] {strides = array<i32>} : memref<128x128xf32, #tpu.memory_space<vmem>>, vector<16xf32>,
        %mul3A_1959 = arith.mulf %get3A_1955, %get3A_1958 : vector<16xf32>
        %get3A_1960 = arith.index_cast %add3A_1908 : i32 to index
        %get3A_1961 = arith.constant 64 : index
        %get3A_1962 = tpu.vector_load %arg13[%get3A_1960, %get3A_1961] {strides = array<i32>} : memref<128x128xf32, #tpu.memory_space<vmem>>, vector<16xf32>,
        %mul3A_1963 = arith.mulf %mul3A_1959, %get3A_1962 : vector<16xf32>
        %get3A_1964 = arith.index_cast %add3A_1908 : i32 to index
        %get3A_1965 = arith.constant 80 : index
        %get3A_1966 = tpu.vector_load %arg11[%get3A_1964, %get3A_1965] {strides = array<i32>} : memref<128x128xf32, #tpu.memory_space<vmem>>, vector<16xf32>,
        %get3A_1967 = arith.index_cast %add3A_1908 : i32 to index
        %get3A_1968 = arith.constant 80 : index
        %get3A_1969 = tpu.vector_load %arg12[%get3A_1967, %get3A_1968] {strides = array<i32>} : memref<128x128xf32, #tpu.memory_space<vmem>>, vector<16xf32>,
        %mul3A_1970 = arith.mulf %get3A_1966, %get3A_1969 : vector<16xf32>
        %get3A_1971 = arith.index_cast %add3A_1908 : i32 to index
        %get3A_1972 = arith.constant 80 : index
        %get3A_1973 = tpu.vector_load %arg13[%get3A_1971, %get3A_1972] {strides = array<i32>} : memref<128x128xf32, #tpu.memory_space<vmem>>, vector<16xf32>,
        %mul3A_1974 = arith.mulf %mul3A_1970, %get3A_1973 : vector<16xf32>
        %get3A_1975 = arith.index_cast %add3A_1908 : i32 to index
        %get3A_1976 = arith.constant 96 : index
        %get3A_1977 = tpu.vector_load %arg11[%get3A_1975, %get3A_1976] {strides = array<i32>} : memref<128x128xf32, #tpu.memory_space<vmem>>, vector<16xf32>,
        %get3A_1978 = arith.index_cast %add3A_1908 : i32 to index
        %get3A_1979 = arith.constant 96 : index
        %get3A_1980 = tpu.vector_load %arg12[%get3A_1978, %get3A_1979] {strides = array<i32>} : memref<128x128xf32, #tpu.memory_space<vmem>>, vector<16xf32>,
        %mul3A_1981 = arith.mulf %get3A_1977, %get3A_1980 : vector<16xf32>
        %get3A_1982 = arith.index_cast %add3A_1908 : i32 to index
        %get3A_1983 = arith.constant 96 : index
        %get3A_1984 = tpu.vector_load %arg13[%get3A_1982, %get3A_1983] {strides = array<i32>} : memref<128x128xf32, #tpu.memory_space<vmem>>, vector<16xf32>,
        %mul3A_1985 = arith.mulf %mul3A_1981, %get3A_1984 : vector<16xf32>
        %get3A_1986 = arith.index_cast %add3A_1908 : i32 to index
        %get3A_1987 = arith.constant 112 : index
        %get3A_1988 = tpu.vector_load %arg11[%get3A_1986, %get3A_1987] {strides = array<i32>} : memref<128x128xf32, #tpu.memory_space<vmem>>, vector<16xf32>,
        %get3A_1989 = arith.index_cast %add3A_1908 : i32 to index
        %get3A_1990 = arith.constant 112 : index
        %get3A_1991 = tpu.vector_load %arg12[%get3A_1989, %get3A_1990] {strides = array<i32>} : memref<128x128xf32, #tpu.memory_space<vmem>>, vector<16xf32>,
        %mul3A_1992 = arith.mulf %get3A_1988, %get3A_1991 : vector<16xf32>
        %get3A_1993 = arith.index_cast %add3A_1908 : i32 to index
        %get3A_1994 = arith.constant 112 : index
        %get3A_1995 = tpu.vector_load %arg13[%get3A_1993, %get3A_1994] {strides = array<i32>} : memref<128x128xf32, #tpu.memory_space<vmem>>, vector<16xf32>,
        %mul3A_1996 = arith.mulf %mul3A_1992, %get3A_1995 : vector<16xf32>
        %add3A_1997 = arith.addf %mul3A_1919, %mul3A_1930 : vector<16xf32>
        %add3A_1998 = arith.addf %mul3A_1941, %mul3A_1952 : vector<16xf32>
        %add3A_1999 = arith.addf %mul3A_1963, %mul3A_1974 : vector<16xf32>
        %add3A_2000 = arith.addf %mul3A_1985, %mul3A_1996 : vector<16xf32>
        %add3A_2001 = arith.addf %add3A_1997, %add3A_1998 : vector<16xf32>
        %add3A_2002 = arith.addf %add3A_1999, %add3A_2000 : vector<16xf32>
        %add3A_2003 = arith.addf %add3A_2001, %add3A_2002 : vector<16xf32>
        %swap3A_2004 = arith.constant 208 : index
        %swap3A_2005 = tpu.vector_load %arg23[%swap3A_2004] {strides = array<i32>} : memref<256xf32, #tpu.memory_space<vmem>>, vector<16xf32>,
        tpu.vector_store %arg23[%swap3A_2004], %add3A_2003 {strides = array<i32>} : memref<256xf32, #tpu.memory_space<vmem>>, vector<16xf32>,
        %add3A_2006 = arith.constant 14 : i32
        %add3A_2007 = arith.addi %mul3A_619, %add3A_2006 : i32
        %get3A_2008 = arith.index_cast %add3A_2007 : i32 to index
        %get3A_2009 = arith.constant 0 : index
        %get3A_2010 = tpu.vector_load %arg11[%get3A_2008, %get3A_2009] {strides = array<i32>} : memref<128x128xf32, #tpu.memory_space<vmem>>, vector<16xf32>,
        %get3A_2011 = arith.index_cast %add3A_2007 : i32 to index
        %get3A_2012 = arith.constant 0 : index
        %get3A_2013 = tpu.vector_load %arg12[%get3A_2011, %get3A_2012] {strides = array<i32>} : memref<128x128xf32, #tpu.memory_space<vmem>>, vector<16xf32>,
        %mul3A_2014 = arith.mulf %get3A_2010, %get3A_2013 : vector<16xf32>
        %get3A_2015 = arith.index_cast %add3A_2007 : i32 to index
        %get3A_2016 = arith.constant 0 : index
        %get3A_2017 = tpu.vector_load %arg13[%get3A_2015, %get3A_2016] {strides = array<i32>} : memref<128x128xf32, #tpu.memory_space<vmem>>, vector<16xf32>,
        %mul3A_2018 = arith.mulf %mul3A_2014, %get3A_2017 : vector<16xf32>
        %get3A_2019 = arith.index_cast %add3A_2007 : i32 to index
        %get3A_2020 = arith.constant 16 : index
        %get3A_2021 = tpu.vector_load %arg11[%get3A_2019, %get3A_2020] {strides = array<i32>} : memref<128x128xf32, #tpu.memory_space<vmem>>, vector<16xf32>,
        %get3A_2022 = arith.index_cast %add3A_2007 : i32 to index
        %get3A_2023 = arith.constant 16 : index
        %get3A_2024 = tpu.vector_load %arg12[%get3A_2022, %get3A_2023] {strides = array<i32>} : memref<128x128xf32, #tpu.memory_space<vmem>>, vector<16xf32>,
        %mul3A_2025 = arith.mulf %get3A_2021, %get3A_2024 : vector<16xf32>
        %get3A_2026 = arith.index_cast %add3A_2007 : i32 to index
        %get3A_2027 = arith.constant 16 : index
        %get3A_2028 = tpu.vector_load %arg13[%get3A_2026, %get3A_2027] {strides = array<i32>} : memref<128x128xf32, #tpu.memory_space<vmem>>, vector<16xf32>,
        %mul3A_2029 = arith.mulf %mul3A_2025, %get3A_2028 : vector<16xf32>
        %get3A_2030 = arith.index_cast %add3A_2007 : i32 to index
        %get3A_2031 = arith.constant 32 : index
        %get3A_2032 = tpu.vector_load %arg11[%get3A_2030, %get3A_2031] {strides = array<i32>} : memref<128x128xf32, #tpu.memory_space<vmem>>, vector<16xf32>,
        %get3A_2033 = arith.index_cast %add3A_2007 : i32 to index
        %get3A_2034 = arith.constant 32 : index
        %get3A_2035 = tpu.vector_load %arg12[%get3A_2033, %get3A_2034] {strides = array<i32>} : memref<128x128xf32, #tpu.memory_space<vmem>>, vector<16xf32>,
        %mul3A_2036 = arith.mulf %get3A_2032, %get3A_2035 : vector<16xf32>
        %get3A_2037 = arith.index_cast %add3A_2007 : i32 to index
        %get3A_2038 = arith.constant 32 : index
        %get3A_2039 = tpu.vector_load %arg13[%get3A_2037, %get3A_2038] {strides = array<i32>} : memref<128x128xf32, #tpu.memory_space<vmem>>, vector<16xf32>,
        %mul3A_2040 = arith.mulf %mul3A_2036, %get3A_2039 : vector<16xf32>
        %get3A_2041 = arith.index_cast %add3A_2007 : i32 to index
        %get3A_2042 = arith.constant 48 : index
        %get3A_2043 = tpu.vector_load %arg11[%get3A_2041, %get3A_2042] {strides = array<i32>} : memref<128x128xf32, #tpu.memory_space<vmem>>, vector<16xf32>,
        %get3A_2044 = arith.index_cast %add3A_2007 : i32 to index
        %get3A_2045 = arith.constant 48 : index
        %get3A_2046 = tpu.vector_load %arg12[%get3A_2044, %get3A_2045] {strides = array<i32>} : memref<128x128xf32, #tpu.memory_space<vmem>>, vector<16xf32>,
        %mul3A_2047 = arith.mulf %get3A_2043, %get3A_2046 : vector<16xf32>
        %get3A_2048 = arith.index_cast %add3A_2007 : i32 to index
        %get3A_2049 = arith.constant 48 : index
        %get3A_2050 = tpu.vector_load %arg13[%get3A_2048, %get3A_2049] {strides = array<i32>} : memref<128x128xf32, #tpu.memory_space<vmem>>, vector<16xf32>,
        %mul3A_2051 = arith.mulf %mul3A_2047, %get3A_2050 : vector<16xf32>
        %get3A_2052 = arith.index_cast %add3A_2007 : i32 to index
        %get3A_2053 = arith.constant 64 : index
        %get3A_2054 = tpu.vector_load %arg11[%get3A_2052, %get3A_2053] {strides = array<i32>} : memref<128x128xf32, #tpu.memory_space<vmem>>, vector<16xf32>,
        %get3A_2055 = arith.index_cast %add3A_2007 : i32 to index
        %get3A_2056 = arith.constant 64 : index
        %get3A_2057 = tpu.vector_load %arg12[%get3A_2055, %get3A_2056] {strides = array<i32>} : memref<128x128xf32, #tpu.memory_space<vmem>>, vector<16xf32>,
        %mul3A_2058 = arith.mulf %get3A_2054, %get3A_2057 : vector<16xf32>
        %get3A_2059 = arith.index_cast %add3A_2007 : i32 to index
        %get3A_2060 = arith.constant 64 : index
        %get3A_2061 = tpu.vector_load %arg13[%get3A_2059, %get3A_2060] {strides = array<i32>} : memref<128x128xf32, #tpu.memory_space<vmem>>, vector<16xf32>,
        %mul3A_2062 = arith.mulf %mul3A_2058, %get3A_2061 : vector<16xf32>
        %get3A_2063 = arith.index_cast %add3A_2007 : i32 to index
        %get3A_2064 = arith.constant 80 : index
        %get3A_2065 = tpu.vector_load %arg11[%get3A_2063, %get3A_2064] {strides = array<i32>} : memref<128x128xf32, #tpu.memory_space<vmem>>, vector<16xf32>,
        %get3A_2066 = arith.index_cast %add3A_2007 : i32 to index
        %get3A_2067 = arith.constant 80 : index
        %get3A_2068 = tpu.vector_load %arg12[%get3A_2066, %get3A_2067] {strides = array<i32>} : memref<128x128xf32, #tpu.memory_space<vmem>>, vector<16xf32>,
        %mul3A_2069 = arith.mulf %get3A_2065, %get3A_2068 : vector<16xf32>
        %get3A_2070 = arith.index_cast %add3A_2007 : i32 to index
        %get3A_2071 = arith.constant 80 : index
        %get3A_2072 = tpu.vector_load %arg13[%get3A_2070, %get3A_2071] {strides = array<i32>} : memref<128x128xf32, #tpu.memory_space<vmem>>, vector<16xf32>,
        %mul3A_2073 = arith.mulf %mul3A_2069, %get3A_2072 : vector<16xf32>
        %get3A_2074 = arith.index_cast %add3A_2007 : i32 to index
        %get3A_2075 = arith.constant 96 : index
        %get3A_2076 = tpu.vector_load %arg11[%get3A_2074, %get3A_2075] {strides = array<i32>} : memref<128x128xf32, #tpu.memory_space<vmem>>, vector<16xf32>,
        %get3A_2077 = arith.index_cast %add3A_2007 : i32 to index
        %get3A_2078 = arith.constant 96 : index
        %get3A_2079 = tpu.vector_load %arg12[%get3A_2077, %get3A_2078] {strides = array<i32>} : memref<128x128xf32, #tpu.memory_space<vmem>>, vector<16xf32>,
        %mul3A_2080 = arith.mulf %get3A_2076, %get3A_2079 : vector<16xf32>
        %get3A_2081 = arith.index_cast %add3A_2007 : i32 to index
        %get3A_2082 = arith.constant 96 : index
        %get3A_2083 = tpu.vector_load %arg13[%get3A_2081, %get3A_2082] {strides = array<i32>} : memref<128x128xf32, #tpu.memory_space<vmem>>, vector<16xf32>,
        %mul3A_2084 = arith.mulf %mul3A_2080, %get3A_2083 : vector<16xf32>
        %get3A_2085 = arith.index_cast %add3A_2007 : i32 to index
        %get3A_2086 = arith.constant 112 : index
        %get3A_2087 = tpu.vector_load %arg11[%get3A_2085, %get3A_2086] {strides = array<i32>} : memref<128x128xf32, #tpu.memory_space<vmem>>, vector<16xf32>,
        %get3A_2088 = arith.index_cast %add3A_2007 : i32 to index
        %get3A_2089 = arith.constant 112 : index
        %get3A_2090 = tpu.vector_load %arg12[%get3A_2088, %get3A_2089] {strides = array<i32>} : memref<128x128xf32, #tpu.memory_space<vmem>>, vector<16xf32>,
        %mul3A_2091 = arith.mulf %get3A_2087, %get3A_2090 : vector<16xf32>
        %get3A_2092 = arith.index_cast %add3A_2007 : i32 to index
        %get3A_2093 = arith.constant 112 : index
        %get3A_2094 = tpu.vector_load %arg13[%get3A_2092, %get3A_2093] {strides = array<i32>} : memref<128x128xf32, #tpu.memory_space<vmem>>, vector<16xf32>,
        %mul3A_2095 = arith.mulf %mul3A_2091, %get3A_2094 : vector<16xf32>
        %add3A_2096 = arith.addf %mul3A_2018, %mul3A_2029 : vector<16xf32>
        %add3A_2097 = arith.addf %mul3A_2040, %mul3A_2051 : vector<16xf32>
        %add3A_2098 = arith.addf %mul3A_2062, %mul3A_2073 : vector<16xf32>
        %add3A_2099 = arith.addf %mul3A_2084, %mul3A_2095 : vector<16xf32>
        %add3A_2100 = arith.addf %add3A_2096, %add3A_2097 : vector<16xf32>
        %add3A_2101 = arith.addf %add3A_2098, %add3A_2099 : vector<16xf32>
        %add3A_2102 = arith.addf %add3A_2100, %add3A_2101 : vector<16xf32>
        %swap3A_2103 = arith.constant 224 : index
        %swap3A_2104 = tpu.vector_load %arg23[%swap3A_2103] {strides = array<i32>} : memref<256xf32, #tpu.memory_space<vmem>>, vector<16xf32>,
        tpu.vector_store %arg23[%swap3A_2103], %add3A_2102 {strides = array<i32>} : memref<256xf32, #tpu.memory_space<vmem>>, vector<16xf32>,
        %add3A_2105 = arith.constant 15 : i32
        %add3A_2106 = arith.addi %mul3A_619, %add3A_2105 : i32
        %get3A_2107 = arith.index_cast %add3A_2106 : i32 to index
        %get3A_2108 = arith.constant 0 : index
        %get3A_2109 = tpu.vector_load %arg11[%get3A_2107, %get3A_2108] {strides = array<i32>} : memref<128x128xf32, #tpu.memory_space<vmem>>, vector<16xf32>,
        %get3A_2110 = arith.index_cast %add3A_2106 : i32 to index
        %get3A_2111 = arith.constant 0 : index
        %get3A_2112 = tpu.vector_load %arg12[%get3A_2110, %get3A_2111] {strides = array<i32>} : memref<128x128xf32, #tpu.memory_space<vmem>>, vector<16xf32>,
        %mul3A_2113 = arith.mulf %get3A_2109, %get3A_2112 : vector<16xf32>
        %get3A_2114 = arith.index_cast %add3A_2106 : i32 to index
        %get3A_2115 = arith.constant 0 : index
        %get3A_2116 = tpu.vector_load %arg13[%get3A_2114, %get3A_2115] {strides = array<i32>} : memref<128x128xf32, #tpu.memory_space<vmem>>, vector<16xf32>,
        %mul3A_2117 = arith.mulf %mul3A_2113, %get3A_2116 : vector<16xf32>
        %get3A_2118 = arith.index_cast %add3A_2106 : i32 to index
        %get3A_2119 = arith.constant 16 : index
        %get3A_2120 = tpu.vector_load %arg11[%get3A_2118, %get3A_2119] {strides = array<i32>} : memref<128x128xf32, #tpu.memory_space<vmem>>, vector<16xf32>,
        %get3A_2121 = arith.index_cast %add3A_2106 : i32 to index
        %get3A_2122 = arith.constant 16 : index
        %get3A_2123 = tpu.vector_load %arg12[%get3A_2121, %get3A_2122] {strides = array<i32>} : memref<128x128xf32, #tpu.memory_space<vmem>>, vector<16xf32>,
        %mul3A_2124 = arith.mulf %get3A_2120, %get3A_2123 : vector<16xf32>
        %get3A_2125 = arith.index_cast %add3A_2106 : i32 to index
        %get3A_2126 = arith.constant 16 : index
        %get3A_2127 = tpu.vector_load %arg13[%get3A_2125, %get3A_2126] {strides = array<i32>} : memref<128x128xf32, #tpu.memory_space<vmem>>, vector<16xf32>,
        %mul3A_2128 = arith.mulf %mul3A_2124, %get3A_2127 : vector<16xf32>
        %get3A_2129 = arith.index_cast %add3A_2106 : i32 to index
        %get3A_2130 = arith.constant 32 : index
        %get3A_2131 = tpu.vector_load %arg11[%get3A_2129, %get3A_2130] {strides = array<i32>} : memref<128x128xf32, #tpu.memory_space<vmem>>, vector<16xf32>,
        %get3A_2132 = arith.index_cast %add3A_2106 : i32 to index
        %get3A_2133 = arith.constant 32 : index
        %get3A_2134 = tpu.vector_load %arg12[%get3A_2132, %get3A_2133] {strides = array<i32>} : memref<128x128xf32, #tpu.memory_space<vmem>>, vector<16xf32>,
        %mul3A_2135 = arith.mulf %get3A_2131, %get3A_2134 : vector<16xf32>
        %get3A_2136 = arith.index_cast %add3A_2106 : i32 to index
        %get3A_2137 = arith.constant 32 : index
        %get3A_2138 = tpu.vector_load %arg13[%get3A_2136, %get3A_2137] {strides = array<i32>} : memref<128x128xf32, #tpu.memory_space<vmem>>, vector<16xf32>,
        %mul3A_2139 = arith.mulf %mul3A_2135, %get3A_2138 : vector<16xf32>
        %get3A_2140 = arith.index_cast %add3A_2106 : i32 to index
        %get3A_2141 = arith.constant 48 : index
        %get3A_2142 = tpu.vector_load %arg11[%get3A_2140, %get3A_2141] {strides = array<i32>} : memref<128x128xf32, #tpu.memory_space<vmem>>, vector<16xf32>,
        %get3A_2143 = arith.index_cast %add3A_2106 : i32 to index
        %get3A_2144 = arith.constant 48 : index
        %get3A_2145 = tpu.vector_load %arg12[%get3A_2143, %get3A_2144] {strides = array<i32>} : memref<128x128xf32, #tpu.memory_space<vmem>>, vector<16xf32>,
        %mul3A_2146 = arith.mulf %get3A_2142, %get3A_2145 : vector<16xf32>
        %get3A_2147 = arith.index_cast %add3A_2106 : i32 to index
        %get3A_2148 = arith.constant 48 : index
        %get3A_2149 = tpu.vector_load %arg13[%get3A_2147, %get3A_2148] {strides = array<i32>} : memref<128x128xf32, #tpu.memory_space<vmem>>, vector<16xf32>,
        %mul3A_2150 = arith.mulf %mul3A_2146, %get3A_2149 : vector<16xf32>
        %get3A_2151 = arith.index_cast %add3A_2106 : i32 to index
        %get3A_2152 = arith.constant 64 : index
        %get3A_2153 = tpu.vector_load %arg11[%get3A_2151, %get3A_2152] {strides = array<i32>} : memref<128x128xf32, #tpu.memory_space<vmem>>, vector<16xf32>,
        %get3A_2154 = arith.index_cast %add3A_2106 : i32 to index
        %get3A_2155 = arith.constant 64 : index
        %get3A_2156 = tpu.vector_load %arg12[%get3A_2154, %get3A_2155] {strides = array<i32>} : memref<128x128xf32, #tpu.memory_space<vmem>>, vector<16xf32>,
        %mul3A_2157 = arith.mulf %get3A_2153, %get3A_2156 : vector<16xf32>
        %get3A_2158 = arith.index_cast %add3A_2106 : i32 to index
        %get3A_2159 = arith.constant 64 : index
        %get3A_2160 = tpu.vector_load %arg13[%get3A_2158, %get3A_2159] {strides = array<i32>} : memref<128x128xf32, #tpu.memory_space<vmem>>, vector<16xf32>,
        %mul3A_2161 = arith.mulf %mul3A_2157, %get3A_2160 : vector<16xf32>
        %get3A_2162 = arith.index_cast %add3A_2106 : i32 to index
        %get3A_2163 = arith.constant 80 : index
        %get3A_2164 = tpu.vector_load %arg11[%get3A_2162, %get3A_2163] {strides = array<i32>} : memref<128x128xf32, #tpu.memory_space<vmem>>, vector<16xf32>,
        %get3A_2165 = arith.index_cast %add3A_2106 : i32 to index
        %get3A_2166 = arith.constant 80 : index
        %get3A_2167 = tpu.vector_load %arg12[%get3A_2165, %get3A_2166] {strides = array<i32>} : memref<128x128xf32, #tpu.memory_space<vmem>>, vector<16xf32>,
        %mul3A_2168 = arith.mulf %get3A_2164, %get3A_2167 : vector<16xf32>
        %get3A_2169 = arith.index_cast %add3A_2106 : i32 to index
        %get3A_2170 = arith.constant 80 : index
        %get3A_2171 = tpu.vector_load %arg13[%get3A_2169, %get3A_2170] {strides = array<i32>} : memref<128x128xf32, #tpu.memory_space<vmem>>, vector<16xf32>,
        %mul3A_2172 = arith.mulf %mul3A_2168, %get3A_2171 : vector<16xf32>
        %get3A_2173 = arith.index_cast %add3A_2106 : i32 to index
        %get3A_2174 = arith.constant 96 : index
        %get3A_2175 = tpu.vector_load %arg11[%get3A_2173, %get3A_2174] {strides = array<i32>} : memref<128x128xf32, #tpu.memory_space<vmem>>, vector<16xf32>,
        %get3A_2176 = arith.index_cast %add3A_2106 : i32 to index
        %get3A_2177 = arith.constant 96 : index
        %get3A_2178 = tpu.vector_load %arg12[%get3A_2176, %get3A_2177] {strides = array<i32>} : memref<128x128xf32, #tpu.memory_space<vmem>>, vector<16xf32>,
        %mul3A_2179 = arith.mulf %get3A_2175, %get3A_2178 : vector<16xf32>
        %get3A_2180 = arith.index_cast %add3A_2106 : i32 to index
        %get3A_2181 = arith.constant 96 : index
        %get3A_2182 = tpu.vector_load %arg13[%get3A_2180, %get3A_2181] {strides = array<i32>} : memref<128x128xf32, #tpu.memory_space<vmem>>, vector<16xf32>,
        %mul3A_2183 = arith.mulf %mul3A_2179, %get3A_2182 : vector<16xf32>
        %get3A_2184 = arith.index_cast %add3A_2106 : i32 to index
        %get3A_2185 = arith.constant 112 : index
        %get3A_2186 = tpu.vector_load %arg11[%get3A_2184, %get3A_2185] {strides = array<i32>} : memref<128x128xf32, #tpu.memory_space<vmem>>, vector<16xf32>,
        %get3A_2187 = arith.index_cast %add3A_2106 : i32 to index
        %get3A_2188 = arith.constant 112 : index
        %get3A_2189 = tpu.vector_load %arg12[%get3A_2187, %get3A_2188] {strides = array<i32>} : memref<128x128xf32, #tpu.memory_space<vmem>>, vector<16xf32>,
        %mul3A_2190 = arith.mulf %get3A_2186, %get3A_2189 : vector<16xf32>
        %get3A_2191 = arith.index_cast %add3A_2106 : i32 to index
        %get3A_2192 = arith.constant 112 : index
        %get3A_2193 = tpu.vector_load %arg13[%get3A_2191, %get3A_2192] {strides = array<i32>} : memref<128x128xf32, #tpu.memory_space<vmem>>, vector<16xf32>,
        %mul3A_2194 = arith.mulf %mul3A_2190, %get3A_2193 : vector<16xf32>
        %add3A_2195 = arith.addf %mul3A_2117, %mul3A_2128 : vector<16xf32>
        %add3A_2196 = arith.addf %mul3A_2139, %mul3A_2150 : vector<16xf32>
        %add3A_2197 = arith.addf %mul3A_2161, %mul3A_2172 : vector<16xf32>
        %add3A_2198 = arith.addf %mul3A_2183, %mul3A_2194 : vector<16xf32>
        %add3A_2199 = arith.addf %add3A_2195, %add3A_2196 : vector<16xf32>
        %add3A_2200 = arith.addf %add3A_2197, %add3A_2198 : vector<16xf32>
        %add3A_2201 = arith.addf %add3A_2199, %add3A_2200 : vector<16xf32>
        %swap3A_2202 = arith.constant 240 : index
        %swap3A_2203 = tpu.vector_load %arg23[%swap3A_2202] {strides = array<i32>} : memref<256xf32, #tpu.memory_space<vmem>>, vector<16xf32>,
        tpu.vector_store %arg23[%swap3A_2202], %add3A_2201 {strides = array<i32>} : memref<256xf32, #tpu.memory_space<vmem>>, vector<16xf32>,
        %gather3A = tpu.vector_load_idx %arg23[%mul3A_5] : memref<256xf32, #tpu.memory_space<vmem>>[vector<16xi32>], vector<16xf32>,
        %add3A_2204 = arith.constant 1 : i32
        %add3A_2205 = vector.broadcast %add3A_2204 : i32 to vector<16xi32>
        %add3A_2206 = arith.addi %mul3A_5, %add3A_2205 : vector<16xi32>
        %gather3A_2207 = tpu.vector_load_idx %arg23[%add3A_2206] : memref<256xf32, #tpu.memory_space<vmem>>[vector<16xi32>], vector<16xf32>,
        %add3A_2208 = arith.addf %gather3A, %gather3A_2207 : vector<16xf32>
        %add3A_2209 = arith.constant 2 : i32
        %add3A_2210 = vector.broadcast %add3A_2209 : i32 to vector<16xi32>
        %add3A_2211 = arith.addi %mul3A_5, %add3A_2210 : vector<16xi32>
        %gather3A_2212 = tpu.vector_load_idx %arg23[%add3A_2211] : memref<256xf32, #tpu.memory_space<vmem>>[vector<16xi32>], vector<16xf32>,
        %add3A_2213 = arith.addf %add3A_2208, %gather3A_2212 : vector<16xf32>
        %add3A_2214 = arith.constant 3 : i32
        %add3A_2215 = vector.broadcast %add3A_2214 : i32 to vector<16xi32>
        %add3A_2216 = arith.addi %mul3A_5, %add3A_2215 : vector<16xi32>
        %gather3A_2217 = tpu.vector_load_idx %arg23[%add3A_2216] : memref<256xf32, #tpu.memory_space<vmem>>[vector<16xi32>], vector<16xf32>,
        %add3A_2218 = arith.addf %add3A_2213, %gather3A_2217 : vector<16xf32>
        %add3A_2219 = arith.constant 4 : i32
        %add3A_2220 = vector.broadcast %add3A_2219 : i32 to vector<16xi32>
        %add3A_2221 = arith.addi %mul3A_5, %add3A_2220 : vector<16xi32>
        %gather3A_2222 = tpu.vector_load_idx %arg23[%add3A_2221] : memref<256xf32, #tpu.memory_space<vmem>>[vector<16xi32>], vector<16xf32>,
        %add3A_2223 = arith.addf %add3A_2218, %gather3A_2222 : vector<16xf32>
        %add3A_2224 = arith.constant 5 : i32
        %add3A_2225 = vector.broadcast %add3A_2224 : i32 to vector<16xi32>
        %add3A_2226 = arith.addi %mul3A_5, %add3A_2225 : vector<16xi32>
        %gather3A_2227 = tpu.vector_load_idx %arg23[%add3A_2226] : memref<256xf32, #tpu.memory_space<vmem>>[vector<16xi32>], vector<16xf32>,
        %add3A_2228 = arith.addf %add3A_2223, %gather3A_2227 : vector<16xf32>
        %add3A_2229 = arith.constant 6 : i32
        %add3A_2230 = vector.broadcast %add3A_2229 : i32 to vector<16xi32>
        %add3A_2231 = arith.addi %mul3A_5, %add3A_2230 : vector<16xi32>
        %gather3A_2232 = tpu.vector_load_idx %arg23[%add3A_2231] : memref<256xf32, #tpu.memory_space<vmem>>[vector<16xi32>], vector<16xf32>,
        %add3A_2233 = arith.addf %add3A_2228, %gather3A_2232 : vector<16xf32>
        %add3A_2234 = arith.constant 7 : i32
        %add3A_2235 = vector.broadcast %add3A_2234 : i32 to vector<16xi32>
        %add3A_2236 = arith.addi %mul3A_5, %add3A_2235 : vector<16xi32>
        %gather3A_2237 = tpu.vector_load_idx %arg23[%add3A_2236] : memref<256xf32, #tpu.memory_space<vmem>>[vector<16xi32>], vector<16xf32>,
        %add3A_2238 = arith.addf %add3A_2233, %gather3A_2237 : vector<16xf32>
        %add3A_2239 = arith.constant 8 : i32
        %add3A_2240 = vector.broadcast %add3A_2239 : i32 to vector<16xi32>
        %add3A_2241 = arith.addi %mul3A_5, %add3A_2240 : vector<16xi32>
        %gather3A_2242 = tpu.vector_load_idx %arg23[%add3A_2241] : memref<256xf32, #tpu.memory_space<vmem>>[vector<16xi32>], vector<16xf32>,
        %add3A_2243 = arith.addf %add3A_2238, %gather3A_2242 : vector<16xf32>
        %add3A_2244 = arith.constant 9 : i32
        %add3A_2245 = vector.broadcast %add3A_2244 : i32 to vector<16xi32>
        %add3A_2246 = arith.addi %mul3A_5, %add3A_2245 : vector<16xi32>
        %gather3A_2247 = tpu.vector_load_idx %arg23[%add3A_2246] : memref<256xf32, #tpu.memory_space<vmem>>[vector<16xi32>], vector<16xf32>,
        %add3A_2248 = arith.addf %add3A_2243, %gather3A_2247 : vector<16xf32>
        %add3A_2249 = arith.constant 10 : i32
        %add3A_2250 = vector.broadcast %add3A_2249 : i32 to vector<16xi32>
        %add3A_2251 = arith.addi %mul3A_5, %add3A_2250 : vector<16xi32>
        %gather3A_2252 = tpu.vector_load_idx %arg23[%add3A_2251] : memref<256xf32, #tpu.memory_space<vmem>>[vector<16xi32>], vector<16xf32>,
        %add3A_2253 = arith.addf %add3A_2248, %gather3A_2252 : vector<16xf32>
        %add3A_2254 = arith.constant 11 : i32
        %add3A_2255 = vector.broadcast %add3A_2254 : i32 to vector<16xi32>
        %add3A_2256 = arith.addi %mul3A_5, %add3A_2255 : vector<16xi32>
        %gather3A_2257 = tpu.vector_load_idx %arg23[%add3A_2256] : memref<256xf32, #tpu.memory_space<vmem>>[vector<16xi32>], vector<16xf32>,
        %add3A_2258 = arith.addf %add3A_2253, %gather3A_2257 : vector<16xf32>
        %add3A_2259 = arith.constant 12 : i32
        %add3A_2260 = vector.broadcast %add3A_2259 : i32 to vector<16xi32>
        %add3A_2261 = arith.addi %mul3A_5, %add3A_2260 : vector<16xi32>
        %gather3A_2262 = tpu.vector_load_idx %arg23[%add3A_2261] : memref<256xf32, #tpu.memory_space<vmem>>[vector<16xi32>], vector<16xf32>,
        %add3A_2263 = arith.addf %add3A_2258, %gather3A_2262 : vector<16xf32>
        %add3A_2264 = arith.constant 13 : i32
        %add3A_2265 = vector.broadcast %add3A_2264 : i32 to vector<16xi32>
        %add3A_2266 = arith.addi %mul3A_5, %add3A_2265 : vector<16xi32>
        %gather3A_2267 = tpu.vector_load_idx %arg23[%add3A_2266] : memref<256xf32, #tpu.memory_space<vmem>>[vector<16xi32>], vector<16xf32>,
        %add3A_2268 = arith.addf %add3A_2263, %gather3A_2267 : vector<16xf32>
        %add3A_2269 = arith.constant 14 : i32
        %add3A_2270 = vector.broadcast %add3A_2269 : i32 to vector<16xi32>
        %add3A_2271 = arith.addi %mul3A_5, %add3A_2270 : vector<16xi32>
        %gather3A_2272 = tpu.vector_load_idx %arg23[%add3A_2271] : memref<256xf32, #tpu.memory_space<vmem>>[vector<16xi32>], vector<16xf32>,
        %add3A_2273 = arith.addf %add3A_2268, %gather3A_2272 : vector<16xf32>
        %add3A_2274 = arith.constant 15 : i32
        %add3A_2275 = vector.broadcast %add3A_2274 : i32 to vector<16xi32>
        %add3A_2276 = arith.addi %mul3A_5, %add3A_2275 : vector<16xi32>
        %gather3A_2277 = tpu.vector_load_idx %arg23[%add3A_2276] : memref<256xf32, #tpu.memory_space<vmem>>[vector<16xi32>], vector<16xf32>,
        %add3A_2278 = arith.addf %add3A_2273, %gather3A_2277 : vector<16xf32>
        %add3A_2279 = arith.addi %mul3A_564, %mul3A_619 : i32
        %swap3A_2280 = arith.index_cast %add3A_2279 : i32 to index
        %swap3A_2281 = tpu.vector_load %arg24[%swap3A_2280] {strides = array<i32>} : memref<512xf32, #tpu.memory_space<vmem>>, vector<16xf32>,
        tpu.vector_store %arg24[%swap3A_2280], %add3A_2278 {strides = array<i32>} : memref<512xf32, #tpu.memory_space<vmem>>, vector<16xf32>,
        %scan3A_2282 = arith.constant 0 : i32
        scf.yield %scan3A_2282 : i32
      }
      %scan3A_571 = arith.constant 8 : i32
      %add3A_572 = arith.constant 2 : i32
      %add3A_573 = arith.addi %mul3A_541, %add3A_572 : i32
      %lt3A = arith.constant 4 : i32
      %lt3A_574 = arith.cmpi slt, %add3A_573, %lt3A : i32
      %convert_element_type3A = arith.extui %lt3A_574 : i1 to i32
      %cond3A = arith.constant 0 : i32
      %cond3A_575 = arith.cmpi ne, %convert_element_type3A, %cond3A : i32
      scf.if %cond3A_575 {
        %add3A_616 = arith.constant 2 : i32
        %add3A_617 = arith.addi %mul3A_541, %add3A_616 : i32
        %get3A_618 = arith.index_cast %add3A_617 : i32 to index
        %get3A_619 = arith.constant 0 : index
        %get3A_620 = tpu.vector_load %arg8[%get3A_618, %get3A_619] {strides = array<i32>} : memref<4x128xi32, #tpu.memory_space<vmem>>, vector<16xi32>,
        %swap3A_621 = arith.constant 0 : index
        %swap3A_622 = tpu.vector_load %arg17[%swap3A_621] {strides = array<i32>} : memref<128xi32, #tpu.memory_space<vmem>>, vector<16xi32>,
        tpu.vector_store %arg17[%swap3A_621], %get3A_620 {strides = array<i32>} : memref<128xi32, #tpu.memory_space<vmem>>, vector<16xi32>,
        %get3A_623 = arith.index_cast %add3A_617 : i32 to index
        %get3A_624 = arith.constant 0 : index
        %get3A_625 = tpu.vector_load %arg9[%get3A_623, %get3A_624] {strides = array<i32>} : memref<4x128xi32, #tpu.memory_space<vmem>>, vector<16xi32>,
        %swap3A_626 = arith.constant 0 : index
        %swap3A_627 = tpu.vector_load %arg18[%swap3A_626] {strides = array<i32>} : memref<128xi32, #tpu.memory_space<vmem>>, vector<16xi32>,
        tpu.vector_store %arg18[%swap3A_626], %get3A_625 {strides = array<i32>} : memref<128xi32, #tpu.memory_space<vmem>>, vector<16xi32>,
        %get3A_628 = arith.index_cast %add3A_617 : i32 to index
        %get3A_629 = arith.constant 0 : index
        %get3A_630 = tpu.vector_load %arg10[%get3A_628, %get3A_629] {strides = array<i32>} : memref<4x128xi32, #tpu.memory_space<vmem>>, vector<16xi32>,
        %swap3A_631 = arith.constant 0 : index
        %swap3A_632 = tpu.vector_load %arg19[%swap3A_631] {strides = array<i32>} : memref<128xi32, #tpu.memory_space<vmem>>, vector<16xi32>,
        tpu.vector_store %arg19[%swap3A_631], %get3A_630 {strides = array<i32>} : memref<128xi32, #tpu.memory_space<vmem>>, vector<16xi32>,
        %get3A_633 = arith.index_cast %add3A_617 : i32 to index
        %get3A_634 = arith.constant 16 : index
        %get3A_635 = tpu.vector_load %arg8[%get3A_633, %get3A_634] {strides = array<i32>} : memref<4x128xi32, #tpu.memory_space<vmem>>, vector<16xi32>,
        %swap3A_636 = arith.constant 16 : index
        %swap3A_637 = tpu.vector_load %arg17[%swap3A_636] {strides = array<i32>} : memref<128xi32, #tpu.memory_space<vmem>>, vector<16xi32>,
        tpu.vector_store %arg17[%swap3A_636], %get3A_635 {strides = array<i32>} : memref<128xi32, #tpu.memory_space<vmem>>, vector<16xi32>,
        %get3A_638 = arith.index_cast %add3A_617 : i32 to index
        %get3A_639 = arith.constant 16 : index
        %get3A_640 = tpu.vector_load %arg9[%get3A_638, %get3A_639] {strides = array<i32>} : memref<4x128xi32, #tpu.memory_space<vmem>>, vector<16xi32>,
        %swap3A_641 = arith.constant 16 : index
        %swap3A_642 = tpu.vector_load %arg18[%swap3A_641] {strides = array<i32>} : memref<128xi32, #tpu.memory_space<vmem>>, vector<16xi32>,
        tpu.vector_store %arg18[%swap3A_641], %get3A_640 {strides = array<i32>} : memref<128xi32, #tpu.memory_space<vmem>>, vector<16xi32>,
        %get3A_643 = arith.index_cast %add3A_617 : i32 to index
        %get3A_644 = arith.constant 16 : index
        %get3A_645 = tpu.vector_load %arg10[%get3A_643, %get3A_644] {strides = array<i32>} : memref<4x128xi32, #tpu.memory_space<vmem>>, vector<16xi32>,
        %swap3A_646 = arith.constant 16 : index
        %swap3A_647 = tpu.vector_load %arg19[%swap3A_646] {strides = array<i32>} : memref<128xi32, #tpu.memory_space<vmem>>, vector<16xi32>,
        tpu.vector_store %arg19[%swap3A_646], %get3A_645 {strides = array<i32>} : memref<128xi32, #tpu.memory_space<vmem>>, vector<16xi32>,
        %get3A_648 = arith.index_cast %add3A_617 : i32 to index
        %get3A_649 = arith.constant 32 : index
        %get3A_650 = tpu.vector_load %arg8[%get3A_648, %get3A_649] {strides = array<i32>} : memref<4x128xi32, #tpu.memory_space<vmem>>, vector<16xi32>,
        %swap3A_651 = arith.constant 32 : index
        %swap3A_652 = tpu.vector_load %arg17[%swap3A_651] {strides = array<i32>} : memref<128xi32, #tpu.memory_space<vmem>>, vector<16xi32>,
        tpu.vector_store %arg17[%swap3A_651], %get3A_650 {strides = array<i32>} : memref<128xi32, #tpu.memory_space<vmem>>, vector<16xi32>,
        %get3A_653 = arith.index_cast %add3A_617 : i32 to index
        %get3A_654 = arith.constant 32 : index
        %get3A_655 = tpu.vector_load %arg9[%get3A_653, %get3A_654] {strides = array<i32>} : memref<4x128xi32, #tpu.memory_space<vmem>>, vector<16xi32>,
        %swap3A_656 = arith.constant 32 : index
        %swap3A_657 = tpu.vector_load %arg18[%swap3A_656] {strides = array<i32>} : memref<128xi32, #tpu.memory_space<vmem>>, vector<16xi32>,
        tpu.vector_store %arg18[%swap3A_656], %get3A_655 {strides = array<i32>} : memref<128xi32, #tpu.memory_space<vmem>>, vector<16xi32>,
        %get3A_658 = arith.index_cast %add3A_617 : i32 to index
        %get3A_659 = arith.constant 32 : index
        %get3A_660 = tpu.vector_load %arg10[%get3A_658, %get3A_659] {strides = array<i32>} : memref<4x128xi32, #tpu.memory_space<vmem>>, vector<16xi32>,
        %swap3A_661 = arith.constant 32 : index
        %swap3A_662 = tpu.vector_load %arg19[%swap3A_661] {strides = array<i32>} : memref<128xi32, #tpu.memory_space<vmem>>, vector<16xi32>,
        tpu.vector_store %arg19[%swap3A_661], %get3A_660 {strides = array<i32>} : memref<128xi32, #tpu.memory_space<vmem>>, vector<16xi32>,
        %get3A_663 = arith.index_cast %add3A_617 : i32 to index
        %get3A_664 = arith.constant 48 : index
        %get3A_665 = tpu.vector_load %arg8[%get3A_663, %get3A_664] {strides = array<i32>} : memref<4x128xi32, #tpu.memory_space<vmem>>, vector<16xi32>,
        %swap3A_666 = arith.constant 48 : index
        %swap3A_667 = tpu.vector_load %arg17[%swap3A_666] {strides = array<i32>} : memref<128xi32, #tpu.memory_space<vmem>>, vector<16xi32>,
        tpu.vector_store %arg17[%swap3A_666], %get3A_665 {strides = array<i32>} : memref<128xi32, #tpu.memory_space<vmem>>, vector<16xi32>,
        %get3A_668 = arith.index_cast %add3A_617 : i32 to index
        %get3A_669 = arith.constant 48 : index
        %get3A_670 = tpu.vector_load %arg9[%get3A_668, %get3A_669] {strides = array<i32>} : memref<4x128xi32, #tpu.memory_space<vmem>>, vector<16xi32>,
        %swap3A_671 = arith.constant 48 : index
        %swap3A_672 = tpu.vector_load %arg18[%swap3A_671] {strides = array<i32>} : memref<128xi32, #tpu.memory_space<vmem>>, vector<16xi32>,
        tpu.vector_store %arg18[%swap3A_671], %get3A_670 {strides = array<i32>} : memref<128xi32, #tpu.memory_space<vmem>>, vector<16xi32>,
        %get3A_673 = arith.index_cast %add3A_617 : i32 to index
        %get3A_674 = arith.constant 48 : index
        %get3A_675 = tpu.vector_load %arg10[%get3A_673, %get3A_674] {strides = array<i32>} : memref<4x128xi32, #tpu.memory_space<vmem>>, vector<16xi32>,
        %swap3A_676 = arith.constant 48 : index
        %swap3A_677 = tpu.vector_load %arg19[%swap3A_676] {strides = array<i32>} : memref<128xi32, #tpu.memory_space<vmem>>, vector<16xi32>,
        tpu.vector_store %arg19[%swap3A_676], %get3A_675 {strides = array<i32>} : memref<128xi32, #tpu.memory_space<vmem>>, vector<16xi32>,
        %get3A_678 = arith.index_cast %add3A_617 : i32 to index
        %get3A_679 = arith.constant 64 : index
        %get3A_680 = tpu.vector_load %arg8[%get3A_678, %get3A_679] {strides = array<i32>} : memref<4x128xi32, #tpu.memory_space<vmem>>, vector<16xi32>,
        %swap3A_681 = arith.constant 64 : index
        %swap3A_682 = tpu.vector_load %arg17[%swap3A_681] {strides = array<i32>} : memref<128xi32, #tpu.memory_space<vmem>>, vector<16xi32>,
        tpu.vector_store %arg17[%swap3A_681], %get3A_680 {strides = array<i32>} : memref<128xi32, #tpu.memory_space<vmem>>, vector<16xi32>,
        %get3A_683 = arith.index_cast %add3A_617 : i32 to index
        %get3A_684 = arith.constant 64 : index
        %get3A_685 = tpu.vector_load %arg9[%get3A_683, %get3A_684] {strides = array<i32>} : memref<4x128xi32, #tpu.memory_space<vmem>>, vector<16xi32>,
        %swap3A_686 = arith.constant 64 : index
        %swap3A_687 = tpu.vector_load %arg18[%swap3A_686] {strides = array<i32>} : memref<128xi32, #tpu.memory_space<vmem>>, vector<16xi32>,
        tpu.vector_store %arg18[%swap3A_686], %get3A_685 {strides = array<i32>} : memref<128xi32, #tpu.memory_space<vmem>>, vector<16xi32>,
        %get3A_688 = arith.index_cast %add3A_617 : i32 to index
        %get3A_689 = arith.constant 64 : index
        %get3A_690 = tpu.vector_load %arg10[%get3A_688, %get3A_689] {strides = array<i32>} : memref<4x128xi32, #tpu.memory_space<vmem>>, vector<16xi32>,
        %swap3A_691 = arith.constant 64 : index
        %swap3A_692 = tpu.vector_load %arg19[%swap3A_691] {strides = array<i32>} : memref<128xi32, #tpu.memory_space<vmem>>, vector<16xi32>,
        tpu.vector_store %arg19[%swap3A_691], %get3A_690 {strides = array<i32>} : memref<128xi32, #tpu.memory_space<vmem>>, vector<16xi32>,
        %get3A_693 = arith.index_cast %add3A_617 : i32 to index
        %get3A_694 = arith.constant 80 : index
        %get3A_695 = tpu.vector_load %arg8[%get3A_693, %get3A_694] {strides = array<i32>} : memref<4x128xi32, #tpu.memory_space<vmem>>, vector<16xi32>,
        %swap3A_696 = arith.constant 80 : index
        %swap3A_697 = tpu.vector_load %arg17[%swap3A_696] {strides = array<i32>} : memref<128xi32, #tpu.memory_space<vmem>>, vector<16xi32>,
        tpu.vector_store %arg17[%swap3A_696], %get3A_695 {strides = array<i32>} : memref<128xi32, #tpu.memory_space<vmem>>, vector<16xi32>,
        %get3A_698 = arith.index_cast %add3A_617 : i32 to index
        %get3A_699 = arith.constant 80 : index
        %get3A_700 = tpu.vector_load %arg9[%get3A_698, %get3A_699] {strides = array<i32>} : memref<4x128xi32, #tpu.memory_space<vmem>>, vector<16xi32>,
        %swap3A_701 = arith.constant 80 : index
        %swap3A_702 = tpu.vector_load %arg18[%swap3A_701] {strides = array<i32>} : memref<128xi32, #tpu.memory_space<vmem>>, vector<16xi32>,
        tpu.vector_store %arg18[%swap3A_701], %get3A_700 {strides = array<i32>} : memref<128xi32, #tpu.memory_space<vmem>>, vector<16xi32>,
        %get3A_703 = arith.index_cast %add3A_617 : i32 to index
        %get3A_704 = arith.constant 80 : index
        %get3A_705 = tpu.vector_load %arg10[%get3A_703, %get3A_704] {strides = array<i32>} : memref<4x128xi32, #tpu.memory_space<vmem>>, vector<16xi32>,
        %swap3A_706 = arith.constant 80 : index
        %swap3A_707 = tpu.vector_load %arg19[%swap3A_706] {strides = array<i32>} : memref<128xi32, #tpu.memory_space<vmem>>, vector<16xi32>,
        tpu.vector_store %arg19[%swap3A_706], %get3A_705 {strides = array<i32>} : memref<128xi32, #tpu.memory_space<vmem>>, vector<16xi32>,
        %get3A_708 = arith.index_cast %add3A_617 : i32 to index
        %get3A_709 = arith.constant 96 : index
        %get3A_710 = tpu.vector_load %arg8[%get3A_708, %get3A_709] {strides = array<i32>} : memref<4x128xi32, #tpu.memory_space<vmem>>, vector<16xi32>,
        %swap3A_711 = arith.constant 96 : index
        %swap3A_712 = tpu.vector_load %arg17[%swap3A_711] {strides = array<i32>} : memref<128xi32, #tpu.memory_space<vmem>>, vector<16xi32>,
        tpu.vector_store %arg17[%swap3A_711], %get3A_710 {strides = array<i32>} : memref<128xi32, #tpu.memory_space<vmem>>, vector<16xi32>,
        %get3A_713 = arith.index_cast %add3A_617 : i32 to index
        %get3A_714 = arith.constant 96 : index
        %get3A_715 = tpu.vector_load %arg9[%get3A_713, %get3A_714] {strides = array<i32>} : memref<4x128xi32, #tpu.memory_space<vmem>>, vector<16xi32>,
        %swap3A_716 = arith.constant 96 : index
        %swap3A_717 = tpu.vector_load %arg18[%swap3A_716] {strides = array<i32>} : memref<128xi32, #tpu.memory_space<vmem>>, vector<16xi32>,
        tpu.vector_store %arg18[%swap3A_716], %get3A_715 {strides = array<i32>} : memref<128xi32, #tpu.memory_space<vmem>>, vector<16xi32>,
        %get3A_718 = arith.index_cast %add3A_617 : i32 to index
        %get3A_719 = arith.constant 96 : index
        %get3A_720 = tpu.vector_load %arg10[%get3A_718, %get3A_719] {strides = array<i32>} : memref<4x128xi32, #tpu.memory_space<vmem>>, vector<16xi32>,
        %swap3A_721 = arith.constant 96 : index
        %swap3A_722 = tpu.vector_load %arg19[%swap3A_721] {strides = array<i32>} : memref<128xi32, #tpu.memory_space<vmem>>, vector<16xi32>,
        tpu.vector_store %arg19[%swap3A_721], %get3A_720 {strides = array<i32>} : memref<128xi32, #tpu.memory_space<vmem>>, vector<16xi32>,
        %get3A_723 = arith.index_cast %add3A_617 : i32 to index
        %get3A_724 = arith.constant 112 : index
        %get3A_725 = tpu.vector_load %arg8[%get3A_723, %get3A_724] {strides = array<i32>} : memref<4x128xi32, #tpu.memory_space<vmem>>, vector<16xi32>,
        %swap3A_726 = arith.constant 112 : index
        %swap3A_727 = tpu.vector_load %arg17[%swap3A_726] {strides = array<i32>} : memref<128xi32, #tpu.memory_space<vmem>>, vector<16xi32>,
        tpu.vector_store %arg17[%swap3A_726], %get3A_725 {strides = array<i32>} : memref<128xi32, #tpu.memory_space<vmem>>, vector<16xi32>,
        %get3A_728 = arith.index_cast %add3A_617 : i32 to index
        %get3A_729 = arith.constant 112 : index
        %get3A_730 = tpu.vector_load %arg9[%get3A_728, %get3A_729] {strides = array<i32>} : memref<4x128xi32, #tpu.memory_space<vmem>>, vector<16xi32>,
        %swap3A_731 = arith.constant 112 : index
        %swap3A_732 = tpu.vector_load %arg18[%swap3A_731] {strides = array<i32>} : memref<128xi32, #tpu.memory_space<vmem>>, vector<16xi32>,
        tpu.vector_store %arg18[%swap3A_731], %get3A_730 {strides = array<i32>} : memref<128xi32, #tpu.memory_space<vmem>>, vector<16xi32>,
        %get3A_733 = arith.index_cast %add3A_617 : i32 to index
        %get3A_734 = arith.constant 112 : index
        %get3A_735 = tpu.vector_load %arg10[%get3A_733, %get3A_734] {strides = array<i32>} : memref<4x128xi32, #tpu.memory_space<vmem>>, vector<16xi32>,
        %swap3A_736 = arith.constant 112 : index
        %swap3A_737 = tpu.vector_load %arg19[%swap3A_736] {strides = array<i32>} : memref<128xi32, #tpu.memory_space<vmem>>, vector<16xi32>,
        tpu.vector_store %arg19[%swap3A_736], %get3A_735 {strides = array<i32>} : memref<128xi32, #tpu.memory_space<vmem>>, vector<16xi32>,
        %dma_start3A_738 = arith.constant 0 : i32
        %dma_start3A_739 = arith.constant 0 : i32
        %dma_start3A_740 = tpu.memref_slice %arg5[%dma_start3A_738, %dma_start3A_739] : memref<100000x128xf32, #tpu.memory_space<hbm>> -> memref<100000x128xf32, #tpu.memory_space<hbm>>
        tpu.enqueue_indirect_dma source(%dma_start3A_740 : memref<100000x128xf32, #tpu.memory_space<hbm>>) target(%arg11 : memref<128x128xf32, #tpu.memory_space<vmem>>) offsets(%arg17 : memref<128xi32, #tpu.memory_space<vmem>>) semaphore(%arg25 : memref<!tpu.dma_semaphore, #tpu.memory_space<semaphore_mem>>)
        %dma_start3A_741 = arith.constant 0 : i32
        %dma_start3A_742 = arith.constant 0 : i32
        %dma_start3A_743 = tpu.memref_slice %arg6[%dma_start3A_741, %dma_start3A_742] : memref<1000x128xf32, #tpu.memory_space<hbm>> -> memref<1000x128xf32, #tpu.memory_space<hbm>>
        tpu.enqueue_indirect_dma source(%dma_start3A_743 : memref<1000x128xf32, #tpu.memory_space<hbm>>) target(%arg12 : memref<128x128xf32, #tpu.memory_space<vmem>>) offsets(%arg18 : memref<128xi32, #tpu.memory_space<vmem>>) semaphore(%arg25 : memref<!tpu.dma_semaphore, #tpu.memory_space<semaphore_mem>>)
        %dma_start3A_744 = arith.constant 0 : i32
        %dma_start3A_745 = arith.constant 0 : i32
        %dma_start3A_746 = tpu.memref_slice %arg5[%dma_start3A_744, %dma_start3A_745] : memref<100000x128xf32, #tpu.memory_space<hbm>> -> memref<100000x128xf32, #tpu.memory_space<hbm>>
        tpu.enqueue_indirect_dma source(%dma_start3A_746 : memref<100000x128xf32, #tpu.memory_space<hbm>>) target(%arg13 : memref<128x128xf32, #tpu.memory_space<vmem>>) offsets(%arg19 : memref<128xi32, #tpu.memory_space<vmem>>) semaphore(%arg25 : memref<!tpu.dma_semaphore, #tpu.memory_space<semaphore_mem>>)
      } else {
      }
      %dma_wait3A_576 = arith.constant 0 : i32
      %dma_wait3A_577 = arith.constant 0 : i32
      %dma_wait3A_578 = tpu.memref_slice %arg8[%dma_wait3A_576, %dma_wait3A_577] : memref<4x128xi32, #tpu.memory_space<vmem>> -> memref<1x128xi32, #tpu.memory_space<vmem>>
      %dma_wait3A_579 = tpu.memref_squeeze %dma_wait3A_578 : memref<1x128xi32, #tpu.memory_space<vmem>> -> memref<128xi32, #tpu.memory_space<vmem>>
      %dma_wait3A_580 = arith.constant 0 : i32
      %dma_wait3A_581 = arith.constant 0 : i32
      %dma_wait3A_582 = tpu.memref_slice %arg5[%dma_wait3A_580, %dma_wait3A_581] : memref<100000x128xf32, #tpu.memory_space<hbm>> -> memref<100000x128xf32, #tpu.memory_space<hbm>>
      tpu.wait_indirect_dma semaphore(%arg26 : memref<!tpu.dma_semaphore, #tpu.memory_space<semaphore_mem>>) src(%dma_wait3A_582 : memref<100000x128xf32, #tpu.memory_space<hbm>>) dst(%arg14 : memref<128x128xf32, #tpu.memory_space<vmem>>)
      %dma_wait3A_583 = arith.constant 0 : i32
      %dma_wait3A_584 = arith.constant 0 : i32
      %dma_wait3A_585 = tpu.memref_slice %arg9[%dma_wait3A_583, %dma_wait3A_584] : memref<4x128xi32, #tpu.memory_space<vmem>> -> memref<1x128xi32, #tpu.memory_space<vmem>>
      %dma_wait3A_586 = tpu.memref_squeeze %dma_wait3A_585 : memref<1x128xi32, #tpu.memory_space<vmem>> -> memref<128xi32, #tpu.memory_space<vmem>>
      %dma_wait3A_587 = arith.constant 0 : i32
      %dma_wait3A_588 = arith.constant 0 : i32
      %dma_wait3A_589 = tpu.memref_slice %arg6[%dma_wait3A_587, %dma_wait3A_588] : memref<1000x128xf32, #tpu.memory_space<hbm>> -> memref<1000x128xf32, #tpu.memory_space<hbm>>
      tpu.wait_indirect_dma semaphore(%arg26 : memref<!tpu.dma_semaphore, #tpu.memory_space<semaphore_mem>>) src(%dma_wait3A_589 : memref<1000x128xf32, #tpu.memory_space<hbm>>) dst(%arg15 : memref<128x128xf32, #tpu.memory_space<vmem>>)
      %dma_wait3A_590 = arith.constant 0 : i32
      %dma_wait3A_591 = arith.constant 0 : i32
      %dma_wait3A_592 = tpu.memref_slice %arg10[%dma_wait3A_590, %dma_wait3A_591] : memref<4x128xi32, #tpu.memory_space<vmem>> -> memref<1x128xi32, #tpu.memory_space<vmem>>
      %dma_wait3A_593 = tpu.memref_squeeze %dma_wait3A_592 : memref<1x128xi32, #tpu.memory_space<vmem>> -> memref<128xi32, #tpu.memory_space<vmem>>
      %dma_wait3A_594 = arith.constant 0 : i32
      %dma_wait3A_595 = arith.constant 0 : i32
      %dma_wait3A_596 = tpu.memref_slice %arg5[%dma_wait3A_594, %dma_wait3A_595] : memref<100000x128xf32, #tpu.memory_space<hbm>> -> memref<100000x128xf32, #tpu.memory_space<hbm>>
      tpu.wait_indirect_dma semaphore(%arg26 : memref<!tpu.dma_semaphore, #tpu.memory_space<semaphore_mem>>) src(%dma_wait3A_596 : memref<100000x128xf32, #tpu.memory_space<hbm>>) dst(%arg16 : memref<128x128xf32, #tpu.memory_space<vmem>>)
      %add3A_597 = arith.constant 1 : i32
      %add3A_598 = arith.addi %mul3A_541, %add3A_597 : i32
      %mul3A_599 = arith.constant 128 : i32
      %mul3A_600 = arith.muli %add3A_598, %mul3A_599 : i32
      %scan3A_601 = arith.constant 0 : i32
      %scan3A_602 = arith.constant 0 : i32
      %scan3A_603 = arith.constant 8 : i32
      %scan3A_604 = arith.addi %scan3A_602, %scan3A_603 : i32
      %scan3A_605 = arith.constant 1 : i32
      %scan3A_606 = scf.for %scan3A_616 = %scan3A_602 to %scan3A_604 step %scan3A_605 iter_args(%scan3A_617 = %scan3A_601) -> (i32)  : i32 {
        %mul3A_618 = arith.constant 16 : i32
        %mul3A_619 = arith.muli %scan3A_616, %mul3A_618 : i32
        %add3A_620 = arith.constant 0 : i32
        %add3A_621 = arith.addi %mul3A_619, %add3A_620 : i32
        %get3A_622 = arith.index_cast %add3A_621 : i32 to index
        %get3A_623 = arith.constant 0 : index
        %get3A_624 = tpu.vector_load %arg14[%get3A_622, %get3A_623] {strides = array<i32>} : memref<128x128xf32, #tpu.memory_space<vmem>>, vector<16xf32>,
        %get3A_625 = arith.index_cast %add3A_621 : i32 to index
        %get3A_626 = arith.constant 0 : index
        %get3A_627 = tpu.vector_load %arg15[%get3A_625, %get3A_626] {strides = array<i32>} : memref<128x128xf32, #tpu.memory_space<vmem>>, vector<16xf32>,
        %mul3A_628 = arith.mulf %get3A_624, %get3A_627 : vector<16xf32>
        %get3A_629 = arith.index_cast %add3A_621 : i32 to index
        %get3A_630 = arith.constant 0 : index
        %get3A_631 = tpu.vector_load %arg16[%get3A_629, %get3A_630] {strides = array<i32>} : memref<128x128xf32, #tpu.memory_space<vmem>>, vector<16xf32>,
        %mul3A_632 = arith.mulf %mul3A_628, %get3A_631 : vector<16xf32>
        %get3A_633 = arith.index_cast %add3A_621 : i32 to index
        %get3A_634 = arith.constant 16 : index
        %get3A_635 = tpu.vector_load %arg14[%get3A_633, %get3A_634] {strides = array<i32>} : memref<128x128xf32, #tpu.memory_space<vmem>>, vector<16xf32>,
        %get3A_636 = arith.index_cast %add3A_621 : i32 to index
        %get3A_637 = arith.constant 16 : index
        %get3A_638 = tpu.vector_load %arg15[%get3A_636, %get3A_637] {strides = array<i32>} : memref<128x128xf32, #tpu.memory_space<vmem>>, vector<16xf32>,
        %mul3A_639 = arith.mulf %get3A_635, %get3A_638 : vector<16xf32>
        %get3A_640 = arith.index_cast %add3A_621 : i32 to index
        %get3A_641 = arith.constant 16 : index
        %get3A_642 = tpu.vector_load %arg16[%get3A_640, %get3A_641] {strides = array<i32>} : memref<128x128xf32, #tpu.memory_space<vmem>>, vector<16xf32>,
        %mul3A_643 = arith.mulf %mul3A_639, %get3A_642 : vector<16xf32>
        %get3A_644 = arith.index_cast %add3A_621 : i32 to index
        %get3A_645 = arith.constant 32 : index
        %get3A_646 = tpu.vector_load %arg14[%get3A_644, %get3A_645] {strides = array<i32>} : memref<128x128xf32, #tpu.memory_space<vmem>>, vector<16xf32>,
        %get3A_647 = arith.index_cast %add3A_621 : i32 to index
        %get3A_648 = arith.constant 32 : index
        %get3A_649 = tpu.vector_load %arg15[%get3A_647, %get3A_648] {strides = array<i32>} : memref<128x128xf32, #tpu.memory_space<vmem>>, vector<16xf32>,
        %mul3A_650 = arith.mulf %get3A_646, %get3A_649 : vector<16xf32>
        %get3A_651 = arith.index_cast %add3A_621 : i32 to index
        %get3A_652 = arith.constant 32 : index
        %get3A_653 = tpu.vector_load %arg16[%get3A_651, %get3A_652] {strides = array<i32>} : memref<128x128xf32, #tpu.memory_space<vmem>>, vector<16xf32>,
        %mul3A_654 = arith.mulf %mul3A_650, %get3A_653 : vector<16xf32>
        %get3A_655 = arith.index_cast %add3A_621 : i32 to index
        %get3A_656 = arith.constant 48 : index
        %get3A_657 = tpu.vector_load %arg14[%get3A_655, %get3A_656] {strides = array<i32>} : memref<128x128xf32, #tpu.memory_space<vmem>>, vector<16xf32>,
        %get3A_658 = arith.index_cast %add3A_621 : i32 to index
        %get3A_659 = arith.constant 48 : index
        %get3A_660 = tpu.vector_load %arg15[%get3A_658, %get3A_659] {strides = array<i32>} : memref<128x128xf32, #tpu.memory_space<vmem>>, vector<16xf32>,
        %mul3A_661 = arith.mulf %get3A_657, %get3A_660 : vector<16xf32>
        %get3A_662 = arith.index_cast %add3A_621 : i32 to index
        %get3A_663 = arith.constant 48 : index
        %get3A_664 = tpu.vector_load %arg16[%get3A_662, %get3A_663] {strides = array<i32>} : memref<128x128xf32, #tpu.memory_space<vmem>>, vector<16xf32>,
        %mul3A_665 = arith.mulf %mul3A_661, %get3A_664 : vector<16xf32>
        %get3A_666 = arith.index_cast %add3A_621 : i32 to index
        %get3A_667 = arith.constant 64 : index
        %get3A_668 = tpu.vector_load %arg14[%get3A_666, %get3A_667] {strides = array<i32>} : memref<128x128xf32, #tpu.memory_space<vmem>>, vector<16xf32>,
        %get3A_669 = arith.index_cast %add3A_621 : i32 to index
        %get3A_670 = arith.constant 64 : index
        %get3A_671 = tpu.vector_load %arg15[%get3A_669, %get3A_670] {strides = array<i32>} : memref<128x128xf32, #tpu.memory_space<vmem>>, vector<16xf32>,
        %mul3A_672 = arith.mulf %get3A_668, %get3A_671 : vector<16xf32>
        %get3A_673 = arith.index_cast %add3A_621 : i32 to index
        %get3A_674 = arith.constant 64 : index
        %get3A_675 = tpu.vector_load %arg16[%get3A_673, %get3A_674] {strides = array<i32>} : memref<128x128xf32, #tpu.memory_space<vmem>>, vector<16xf32>,
        %mul3A_676 = arith.mulf %mul3A_672, %get3A_675 : vector<16xf32>
        %get3A_677 = arith.index_cast %add3A_621 : i32 to index
        %get3A_678 = arith.constant 80 : index
        %get3A_679 = tpu.vector_load %arg14[%get3A_677, %get3A_678] {strides = array<i32>} : memref<128x128xf32, #tpu.memory_space<vmem>>, vector<16xf32>,
        %get3A_680 = arith.index_cast %add3A_621 : i32 to index
        %get3A_681 = arith.constant 80 : index
        %get3A_682 = tpu.vector_load %arg15[%get3A_680, %get3A_681] {strides = array<i32>} : memref<128x128xf32, #tpu.memory_space<vmem>>, vector<16xf32>,
        %mul3A_683 = arith.mulf %get3A_679, %get3A_682 : vector<16xf32>
        %get3A_684 = arith.index_cast %add3A_621 : i32 to index
        %get3A_685 = arith.constant 80 : index
        %get3A_686 = tpu.vector_load %arg16[%get3A_684, %get3A_685] {strides = array<i32>} : memref<128x128xf32, #tpu.memory_space<vmem>>, vector<16xf32>,
        %mul3A_687 = arith.mulf %mul3A_683, %get3A_686 : vector<16xf32>
        %get3A_688 = arith.index_cast %add3A_621 : i32 to index
        %get3A_689 = arith.constant 96 : index
        %get3A_690 = tpu.vector_load %arg14[%get3A_688, %get3A_689] {strides = array<i32>} : memref<128x128xf32, #tpu.memory_space<vmem>>, vector<16xf32>,
        %get3A_691 = arith.index_cast %add3A_621 : i32 to index
        %get3A_692 = arith.constant 96 : index
        %get3A_693 = tpu.vector_load %arg15[%get3A_691, %get3A_692] {strides = array<i32>} : memref<128x128xf32, #tpu.memory_space<vmem>>, vector<16xf32>,
        %mul3A_694 = arith.mulf %get3A_690, %get3A_693 : vector<16xf32>
        %get3A_695 = arith.index_cast %add3A_621 : i32 to index
        %get3A_696 = arith.constant 96 : index
        %get3A_697 = tpu.vector_load %arg16[%get3A_695, %get3A_696] {strides = array<i32>} : memref<128x128xf32, #tpu.memory_space<vmem>>, vector<16xf32>,
        %mul3A_698 = arith.mulf %mul3A_694, %get3A_697 : vector<16xf32>
        %get3A_699 = arith.index_cast %add3A_621 : i32 to index
        %get3A_700 = arith.constant 112 : index
        %get3A_701 = tpu.vector_load %arg14[%get3A_699, %get3A_700] {strides = array<i32>} : memref<128x128xf32, #tpu.memory_space<vmem>>, vector<16xf32>,
        %get3A_702 = arith.index_cast %add3A_621 : i32 to index
        %get3A_703 = arith.constant 112 : index
        %get3A_704 = tpu.vector_load %arg15[%get3A_702, %get3A_703] {strides = array<i32>} : memref<128x128xf32, #tpu.memory_space<vmem>>, vector<16xf32>,
        %mul3A_705 = arith.mulf %get3A_701, %get3A_704 : vector<16xf32>
        %get3A_706 = arith.index_cast %add3A_621 : i32 to index
        %get3A_707 = arith.constant 112 : index
        %get3A_708 = tpu.vector_load %arg16[%get3A_706, %get3A_707] {strides = array<i32>} : memref<128x128xf32, #tpu.memory_space<vmem>>, vector<16xf32>,
        %mul3A_709 = arith.mulf %mul3A_705, %get3A_708 : vector<16xf32>
        %add3A_710 = arith.addf %mul3A_632, %mul3A_643 : vector<16xf32>
        %add3A_711 = arith.addf %mul3A_654, %mul3A_665 : vector<16xf32>
        %add3A_712 = arith.addf %mul3A_676, %mul3A_687 : vector<16xf32>
        %add3A_713 = arith.addf %mul3A_698, %mul3A_709 : vector<16xf32>
        %add3A_714 = arith.addf %add3A_710, %add3A_711 : vector<16xf32>
        %add3A_715 = arith.addf %add3A_712, %add3A_713 : vector<16xf32>
        %add3A_716 = arith.addf %add3A_714, %add3A_715 : vector<16xf32>
        %swap3A_717 = arith.constant 0 : index
        %swap3A_718 = tpu.vector_load %arg23[%swap3A_717] {strides = array<i32>} : memref<256xf32, #tpu.memory_space<vmem>>, vector<16xf32>,
        tpu.vector_store %arg23[%swap3A_717], %add3A_716 {strides = array<i32>} : memref<256xf32, #tpu.memory_space<vmem>>, vector<16xf32>,
        %add3A_719 = arith.constant 1 : i32
        %add3A_720 = arith.addi %mul3A_619, %add3A_719 : i32
        %get3A_721 = arith.index_cast %add3A_720 : i32 to index
        %get3A_722 = arith.constant 0 : index
        %get3A_723 = tpu.vector_load %arg14[%get3A_721, %get3A_722] {strides = array<i32>} : memref<128x128xf32, #tpu.memory_space<vmem>>, vector<16xf32>,
        %get3A_724 = arith.index_cast %add3A_720 : i32 to index
        %get3A_725 = arith.constant 0 : index
        %get3A_726 = tpu.vector_load %arg15[%get3A_724, %get3A_725] {strides = array<i32>} : memref<128x128xf32, #tpu.memory_space<vmem>>, vector<16xf32>,
        %mul3A_727 = arith.mulf %get3A_723, %get3A_726 : vector<16xf32>
        %get3A_728 = arith.index_cast %add3A_720 : i32 to index
        %get3A_729 = arith.constant 0 : index
        %get3A_730 = tpu.vector_load %arg16[%get3A_728, %get3A_729] {strides = array<i32>} : memref<128x128xf32, #tpu.memory_space<vmem>>, vector<16xf32>,
        %mul3A_731 = arith.mulf %mul3A_727, %get3A_730 : vector<16xf32>
        %get3A_732 = arith.index_cast %add3A_720 : i32 to index
        %get3A_733 = arith.constant 16 : index
        %get3A_734 = tpu.vector_load %arg14[%get3A_732, %get3A_733] {strides = array<i32>} : memref<128x128xf32, #tpu.memory_space<vmem>>, vector<16xf32>,
        %get3A_735 = arith.index_cast %add3A_720 : i32 to index
        %get3A_736 = arith.constant 16 : index
        %get3A_737 = tpu.vector_load %arg15[%get3A_735, %get3A_736] {strides = array<i32>} : memref<128x128xf32, #tpu.memory_space<vmem>>, vector<16xf32>,
        %mul3A_738 = arith.mulf %get3A_734, %get3A_737 : vector<16xf32>
        %get3A_739 = arith.index_cast %add3A_720 : i32 to index
        %get3A_740 = arith.constant 16 : index
        %get3A_741 = tpu.vector_load %arg16[%get3A_739, %get3A_740] {strides = array<i32>} : memref<128x128xf32, #tpu.memory_space<vmem>>, vector<16xf32>,
        %mul3A_742 = arith.mulf %mul3A_738, %get3A_741 : vector<16xf32>
        %get3A_743 = arith.index_cast %add3A_720 : i32 to index
        %get3A_744 = arith.constant 32 : index
        %get3A_745 = tpu.vector_load %arg14[%get3A_743, %get3A_744] {strides = array<i32>} : memref<128x128xf32, #tpu.memory_space<vmem>>, vector<16xf32>,
        %get3A_746 = arith.index_cast %add3A_720 : i32 to index
        %get3A_747 = arith.constant 32 : index
        %get3A_748 = tpu.vector_load %arg15[%get3A_746, %get3A_747] {strides = array<i32>} : memref<128x128xf32, #tpu.memory_space<vmem>>, vector<16xf32>,
        %mul3A_749 = arith.mulf %get3A_745, %get3A_748 : vector<16xf32>
        %get3A_750 = arith.index_cast %add3A_720 : i32 to index
        %get3A_751 = arith.constant 32 : index
        %get3A_752 = tpu.vector_load %arg16[%get3A_750, %get3A_751] {strides = array<i32>} : memref<128x128xf32, #tpu.memory_space<vmem>>, vector<16xf32>,
        %mul3A_753 = arith.mulf %mul3A_749, %get3A_752 : vector<16xf32>
        %get3A_754 = arith.index_cast %add3A_720 : i32 to index
        %get3A_755 = arith.constant 48 : index
        %get3A_756 = tpu.vector_load %arg14[%get3A_754, %get3A_755] {strides = array<i32>} : memref<128x128xf32, #tpu.memory_space<vmem>>, vector<16xf32>,
        %get3A_757 = arith.index_cast %add3A_720 : i32 to index
        %get3A_758 = arith.constant 48 : index
        %get3A_759 = tpu.vector_load %arg15[%get3A_757, %get3A_758] {strides = array<i32>} : memref<128x128xf32, #tpu.memory_space<vmem>>, vector<16xf32>,
        %mul3A_760 = arith.mulf %get3A_756, %get3A_759 : vector<16xf32>
        %get3A_761 = arith.index_cast %add3A_720 : i32 to index
        %get3A_762 = arith.constant 48 : index
        %get3A_763 = tpu.vector_load %arg16[%get3A_761, %get3A_762] {strides = array<i32>} : memref<128x128xf32, #tpu.memory_space<vmem>>, vector<16xf32>,
        %mul3A_764 = arith.mulf %mul3A_760, %get3A_763 : vector<16xf32>
        %get3A_765 = arith.index_cast %add3A_720 : i32 to index
        %get3A_766 = arith.constant 64 : index
        %get3A_767 = tpu.vector_load %arg14[%get3A_765, %get3A_766] {strides = array<i32>} : memref<128x128xf32, #tpu.memory_space<vmem>>, vector<16xf32>,
        %get3A_768 = arith.index_cast %add3A_720 : i32 to index
        %get3A_769 = arith.constant 64 : index
        %get3A_770 = tpu.vector_load %arg15[%get3A_768, %get3A_769] {strides = array<i32>} : memref<128x128xf32, #tpu.memory_space<vmem>>, vector<16xf32>,
        %mul3A_771 = arith.mulf %get3A_767, %get3A_770 : vector<16xf32>
        %get3A_772 = arith.index_cast %add3A_720 : i32 to index
        %get3A_773 = arith.constant 64 : index
        %get3A_774 = tpu.vector_load %arg16[%get3A_772, %get3A_773] {strides = array<i32>} : memref<128x128xf32, #tpu.memory_space<vmem>>, vector<16xf32>,
        %mul3A_775 = arith.mulf %mul3A_771, %get3A_774 : vector<16xf32>
        %get3A_776 = arith.index_cast %add3A_720 : i32 to index
        %get3A_777 = arith.constant 80 : index
        %get3A_778 = tpu.vector_load %arg14[%get3A_776, %get3A_777] {strides = array<i32>} : memref<128x128xf32, #tpu.memory_space<vmem>>, vector<16xf32>,
        %get3A_779 = arith.index_cast %add3A_720 : i32 to index
        %get3A_780 = arith.constant 80 : index
        %get3A_781 = tpu.vector_load %arg15[%get3A_779, %get3A_780] {strides = array<i32>} : memref<128x128xf32, #tpu.memory_space<vmem>>, vector<16xf32>,
        %mul3A_782 = arith.mulf %get3A_778, %get3A_781 : vector<16xf32>
        %get3A_783 = arith.index_cast %add3A_720 : i32 to index
        %get3A_784 = arith.constant 80 : index
        %get3A_785 = tpu.vector_load %arg16[%get3A_783, %get3A_784] {strides = array<i32>} : memref<128x128xf32, #tpu.memory_space<vmem>>, vector<16xf32>,
        %mul3A_786 = arith.mulf %mul3A_782, %get3A_785 : vector<16xf32>
        %get3A_787 = arith.index_cast %add3A_720 : i32 to index
        %get3A_788 = arith.constant 96 : index
        %get3A_789 = tpu.vector_load %arg14[%get3A_787, %get3A_788] {strides = array<i32>} : memref<128x128xf32, #tpu.memory_space<vmem>>, vector<16xf32>,
        %get3A_790 = arith.index_cast %add3A_720 : i32 to index
        %get3A_791 = arith.constant 96 : index
        %get3A_792 = tpu.vector_load %arg15[%get3A_790, %get3A_791] {strides = array<i32>} : memref<128x128xf32, #tpu.memory_space<vmem>>, vector<16xf32>,
        %mul3A_793 = arith.mulf %get3A_789, %get3A_792 : vector<16xf32>
        %get3A_794 = arith.index_cast %add3A_720 : i32 to index
        %get3A_795 = arith.constant 96 : index
        %get3A_796 = tpu.vector_load %arg16[%get3A_794, %get3A_795] {strides = array<i32>} : memref<128x128xf32, #tpu.memory_space<vmem>>, vector<16xf32>,
        %mul3A_797 = arith.mulf %mul3A_793, %get3A_796 : vector<16xf32>
        %get3A_798 = arith.index_cast %add3A_720 : i32 to index
        %get3A_799 = arith.constant 112 : index
        %get3A_800 = tpu.vector_load %arg14[%get3A_798, %get3A_799] {strides = array<i32>} : memref<128x128xf32, #tpu.memory_space<vmem>>, vector<16xf32>,
        %get3A_801 = arith.index_cast %add3A_720 : i32 to index
        %get3A_802 = arith.constant 112 : index
        %get3A_803 = tpu.vector_load %arg15[%get3A_801, %get3A_802] {strides = array<i32>} : memref<128x128xf32, #tpu.memory_space<vmem>>, vector<16xf32>,
        %mul3A_804 = arith.mulf %get3A_800, %get3A_803 : vector<16xf32>
        %get3A_805 = arith.index_cast %add3A_720 : i32 to index
        %get3A_806 = arith.constant 112 : index
        %get3A_807 = tpu.vector_load %arg16[%get3A_805, %get3A_806] {strides = array<i32>} : memref<128x128xf32, #tpu.memory_space<vmem>>, vector<16xf32>,
        %mul3A_808 = arith.mulf %mul3A_804, %get3A_807 : vector<16xf32>
        %add3A_809 = arith.addf %mul3A_731, %mul3A_742 : vector<16xf32>
        %add3A_810 = arith.addf %mul3A_753, %mul3A_764 : vector<16xf32>
        %add3A_811 = arith.addf %mul3A_775, %mul3A_786 : vector<16xf32>
        %add3A_812 = arith.addf %mul3A_797, %mul3A_808 : vector<16xf32>
        %add3A_813 = arith.addf %add3A_809, %add3A_810 : vector<16xf32>
        %add3A_814 = arith.addf %add3A_811, %add3A_812 : vector<16xf32>
        %add3A_815 = arith.addf %add3A_813, %add3A_814 : vector<16xf32>
        %swap3A_816 = arith.constant 16 : index
        %swap3A_817 = tpu.vector_load %arg23[%swap3A_816] {strides = array<i32>} : memref<256xf32, #tpu.memory_space<vmem>>, vector<16xf32>,
        tpu.vector_store %arg23[%swap3A_816], %add3A_815 {strides = array<i32>} : memref<256xf32, #tpu.memory_space<vmem>>, vector<16xf32>,
        %add3A_818 = arith.constant 2 : i32
        %add3A_819 = arith.addi %mul3A_619, %add3A_818 : i32
        %get3A_820 = arith.index_cast %add3A_819 : i32 to index
        %get3A_821 = arith.constant 0 : index
        %get3A_822 = tpu.vector_load %arg14[%get3A_820, %get3A_821] {strides = array<i32>} : memref<128x128xf32, #tpu.memory_space<vmem>>, vector<16xf32>,
        %get3A_823 = arith.index_cast %add3A_819 : i32 to index
        %get3A_824 = arith.constant 0 : index
        %get3A_825 = tpu.vector_load %arg15[%get3A_823, %get3A_824] {strides = array<i32>} : memref<128x128xf32, #tpu.memory_space<vmem>>, vector<16xf32>,
        %mul3A_826 = arith.mulf %get3A_822, %get3A_825 : vector<16xf32>
        %get3A_827 = arith.index_cast %add3A_819 : i32 to index
        %get3A_828 = arith.constant 0 : index
        %get3A_829 = tpu.vector_load %arg16[%get3A_827, %get3A_828] {strides = array<i32>} : memref<128x128xf32, #tpu.memory_space<vmem>>, vector<16xf32>,
        %mul3A_830 = arith.mulf %mul3A_826, %get3A_829 : vector<16xf32>
        %get3A_831 = arith.index_cast %add3A_819 : i32 to index
        %get3A_832 = arith.constant 16 : index
        %get3A_833 = tpu.vector_load %arg14[%get3A_831, %get3A_832] {strides = array<i32>} : memref<128x128xf32, #tpu.memory_space<vmem>>, vector<16xf32>,
        %get3A_834 = arith.index_cast %add3A_819 : i32 to index
        %get3A_835 = arith.constant 16 : index
        %get3A_836 = tpu.vector_load %arg15[%get3A_834, %get3A_835] {strides = array<i32>} : memref<128x128xf32, #tpu.memory_space<vmem>>, vector<16xf32>,
        %mul3A_837 = arith.mulf %get3A_833, %get3A_836 : vector<16xf32>
        %get3A_838 = arith.index_cast %add3A_819 : i32 to index
        %get3A_839 = arith.constant 16 : index
        %get3A_840 = tpu.vector_load %arg16[%get3A_838, %get3A_839] {strides = array<i32>} : memref<128x128xf32, #tpu.memory_space<vmem>>, vector<16xf32>,
        %mul3A_841 = arith.mulf %mul3A_837, %get3A_840 : vector<16xf32>
        %get3A_842 = arith.index_cast %add3A_819 : i32 to index
        %get3A_843 = arith.constant 32 : index
        %get3A_844 = tpu.vector_load %arg14[%get3A_842, %get3A_843] {strides = array<i32>} : memref<128x128xf32, #tpu.memory_space<vmem>>, vector<16xf32>,
        %get3A_845 = arith.index_cast %add3A_819 : i32 to index
        %get3A_846 = arith.constant 32 : index
        %get3A_847 = tpu.vector_load %arg15[%get3A_845, %get3A_846] {strides = array<i32>} : memref<128x128xf32, #tpu.memory_space<vmem>>, vector<16xf32>,
        %mul3A_848 = arith.mulf %get3A_844, %get3A_847 : vector<16xf32>
        %get3A_849 = arith.index_cast %add3A_819 : i32 to index
        %get3A_850 = arith.constant 32 : index
        %get3A_851 = tpu.vector_load %arg16[%get3A_849, %get3A_850] {strides = array<i32>} : memref<128x128xf32, #tpu.memory_space<vmem>>, vector<16xf32>,
        %mul3A_852 = arith.mulf %mul3A_848, %get3A_851 : vector<16xf32>
        %get3A_853 = arith.index_cast %add3A_819 : i32 to index
        %get3A_854 = arith.constant 48 : index
        %get3A_855 = tpu.vector_load %arg14[%get3A_853, %get3A_854] {strides = array<i32>} : memref<128x128xf32, #tpu.memory_space<vmem>>, vector<16xf32>,
        %get3A_856 = arith.index_cast %add3A_819 : i32 to index
        %get3A_857 = arith.constant 48 : index
        %get3A_858 = tpu.vector_load %arg15[%get3A_856, %get3A_857] {strides = array<i32>} : memref<128x128xf32, #tpu.memory_space<vmem>>, vector<16xf32>,
        %mul3A_859 = arith.mulf %get3A_855, %get3A_858 : vector<16xf32>
        %get3A_860 = arith.index_cast %add3A_819 : i32 to index
        %get3A_861 = arith.constant 48 : index
        %get3A_862 = tpu.vector_load %arg16[%get3A_860, %get3A_861] {strides = array<i32>} : memref<128x128xf32, #tpu.memory_space<vmem>>, vector<16xf32>,
        %mul3A_863 = arith.mulf %mul3A_859, %get3A_862 : vector<16xf32>
        %get3A_864 = arith.index_cast %add3A_819 : i32 to index
        %get3A_865 = arith.constant 64 : index
        %get3A_866 = tpu.vector_load %arg14[%get3A_864, %get3A_865] {strides = array<i32>} : memref<128x128xf32, #tpu.memory_space<vmem>>, vector<16xf32>,
        %get3A_867 = arith.index_cast %add3A_819 : i32 to index
        %get3A_868 = arith.constant 64 : index
        %get3A_869 = tpu.vector_load %arg15[%get3A_867, %get3A_868] {strides = array<i32>} : memref<128x128xf32, #tpu.memory_space<vmem>>, vector<16xf32>,
        %mul3A_870 = arith.mulf %get3A_866, %get3A_869 : vector<16xf32>
        %get3A_871 = arith.index_cast %add3A_819 : i32 to index
        %get3A_872 = arith.constant 64 : index
        %get3A_873 = tpu.vector_load %arg16[%get3A_871, %get3A_872] {strides = array<i32>} : memref<128x128xf32, #tpu.memory_space<vmem>>, vector<16xf32>,
        %mul3A_874 = arith.mulf %mul3A_870, %get3A_873 : vector<16xf32>
        %get3A_875 = arith.index_cast %add3A_819 : i32 to index
        %get3A_876 = arith.constant 80 : index
        %get3A_877 = tpu.vector_load %arg14[%get3A_875, %get3A_876] {strides = array<i32>} : memref<128x128xf32, #tpu.memory_space<vmem>>, vector<16xf32>,
        %get3A_878 = arith.index_cast %add3A_819 : i32 to index
        %get3A_879 = arith.constant 80 : index
        %get3A_880 = tpu.vector_load %arg15[%get3A_878, %get3A_879] {strides = array<i32>} : memref<128x128xf32, #tpu.memory_space<vmem>>, vector<16xf32>,
        %mul3A_881 = arith.mulf %get3A_877, %get3A_880 : vector<16xf32>
        %get3A_882 = arith.index_cast %add3A_819 : i32 to index
        %get3A_883 = arith.constant 80 : index
        %get3A_884 = tpu.vector_load %arg16[%get3A_882, %get3A_883] {strides = array<i32>} : memref<128x128xf32, #tpu.memory_space<vmem>>, vector<16xf32>,
        %mul3A_885 = arith.mulf %mul3A_881, %get3A_884 : vector<16xf32>
        %get3A_886 = arith.index_cast %add3A_819 : i32 to index
        %get3A_887 = arith.constant 96 : index
        %get3A_888 = tpu.vector_load %arg14[%get3A_886, %get3A_887] {strides = array<i32>} : memref<128x128xf32, #tpu.memory_space<vmem>>, vector<16xf32>,
        %get3A_889 = arith.index_cast %add3A_819 : i32 to index
        %get3A_890 = arith.constant 96 : index
        %get3A_891 = tpu.vector_load %arg15[%get3A_889, %get3A_890] {strides = array<i32>} : memref<128x128xf32, #tpu.memory_space<vmem>>, vector<16xf32>,
        %mul3A_892 = arith.mulf %get3A_888, %get3A_891 : vector<16xf32>
        %get3A_893 = arith.index_cast %add3A_819 : i32 to index
        %get3A_894 = arith.constant 96 : index
        %get3A_895 = tpu.vector_load %arg16[%get3A_893, %get3A_894] {strides = array<i32>} : memref<128x128xf32, #tpu.memory_space<vmem>>, vector<16xf32>,
        %mul3A_896 = arith.mulf %mul3A_892, %get3A_895 : vector<16xf32>
        %get3A_897 = arith.index_cast %add3A_819 : i32 to index
        %get3A_898 = arith.constant 112 : index
        %get3A_899 = tpu.vector_load %arg14[%get3A_897, %get3A_898] {strides = array<i32>} : memref<128x128xf32, #tpu.memory_space<vmem>>, vector<16xf32>,
        %get3A_900 = arith.index_cast %add3A_819 : i32 to index
        %get3A_901 = arith.constant 112 : index
        %get3A_902 = tpu.vector_load %arg15[%get3A_900, %get3A_901] {strides = array<i32>} : memref<128x128xf32, #tpu.memory_space<vmem>>, vector<16xf32>,
        %mul3A_903 = arith.mulf %get3A_899, %get3A_902 : vector<16xf32>
        %get3A_904 = arith.index_cast %add3A_819 : i32 to index
        %get3A_905 = arith.constant 112 : index
        %get3A_906 = tpu.vector_load %arg16[%get3A_904, %get3A_905] {strides = array<i32>} : memref<128x128xf32, #tpu.memory_space<vmem>>, vector<16xf32>,
        %mul3A_907 = arith.mulf %mul3A_903, %get3A_906 : vector<16xf32>
        %add3A_908 = arith.addf %mul3A_830, %mul3A_841 : vector<16xf32>
        %add3A_909 = arith.addf %mul3A_852, %mul3A_863 : vector<16xf32>
        %add3A_910 = arith.addf %mul3A_874, %mul3A_885 : vector<16xf32>
        %add3A_911 = arith.addf %mul3A_896, %mul3A_907 : vector<16xf32>
        %add3A_912 = arith.addf %add3A_908, %add3A_909 : vector<16xf32>
        %add3A_913 = arith.addf %add3A_910, %add3A_911 : vector<16xf32>
        %add3A_914 = arith.addf %add3A_912, %add3A_913 : vector<16xf32>
        %swap3A_915 = arith.constant 32 : index
        %swap3A_916 = tpu.vector_load %arg23[%swap3A_915] {strides = array<i32>} : memref<256xf32, #tpu.memory_space<vmem>>, vector<16xf32>,
        tpu.vector_store %arg23[%swap3A_915], %add3A_914 {strides = array<i32>} : memref<256xf32, #tpu.memory_space<vmem>>, vector<16xf32>,
        %add3A_917 = arith.constant 3 : i32
        %add3A_918 = arith.addi %mul3A_619, %add3A_917 : i32
        %get3A_919 = arith.index_cast %add3A_918 : i32 to index
        %get3A_920 = arith.constant 0 : index
        %get3A_921 = tpu.vector_load %arg14[%get3A_919, %get3A_920] {strides = array<i32>} : memref<128x128xf32, #tpu.memory_space<vmem>>, vector<16xf32>,
        %get3A_922 = arith.index_cast %add3A_918 : i32 to index
        %get3A_923 = arith.constant 0 : index
        %get3A_924 = tpu.vector_load %arg15[%get3A_922, %get3A_923] {strides = array<i32>} : memref<128x128xf32, #tpu.memory_space<vmem>>, vector<16xf32>,
        %mul3A_925 = arith.mulf %get3A_921, %get3A_924 : vector<16xf32>
        %get3A_926 = arith.index_cast %add3A_918 : i32 to index
        %get3A_927 = arith.constant 0 : index
        %get3A_928 = tpu.vector_load %arg16[%get3A_926, %get3A_927] {strides = array<i32>} : memref<128x128xf32, #tpu.memory_space<vmem>>, vector<16xf32>,
        %mul3A_929 = arith.mulf %mul3A_925, %get3A_928 : vector<16xf32>
        %get3A_930 = arith.index_cast %add3A_918 : i32 to index
        %get3A_931 = arith.constant 16 : index
        %get3A_932 = tpu.vector_load %arg14[%get3A_930, %get3A_931] {strides = array<i32>} : memref<128x128xf32, #tpu.memory_space<vmem>>, vector<16xf32>,
        %get3A_933 = arith.index_cast %add3A_918 : i32 to index
        %get3A_934 = arith.constant 16 : index
        %get3A_935 = tpu.vector_load %arg15[%get3A_933, %get3A_934] {strides = array<i32>} : memref<128x128xf32, #tpu.memory_space<vmem>>, vector<16xf32>,
        %mul3A_936 = arith.mulf %get3A_932, %get3A_935 : vector<16xf32>
        %get3A_937 = arith.index_cast %add3A_918 : i32 to index
        %get3A_938 = arith.constant 16 : index
        %get3A_939 = tpu.vector_load %arg16[%get3A_937, %get3A_938] {strides = array<i32>} : memref<128x128xf32, #tpu.memory_space<vmem>>, vector<16xf32>,
        %mul3A_940 = arith.mulf %mul3A_936, %get3A_939 : vector<16xf32>
        %get3A_941 = arith.index_cast %add3A_918 : i32 to index
        %get3A_942 = arith.constant 32 : index
        %get3A_943 = tpu.vector_load %arg14[%get3A_941, %get3A_942] {strides = array<i32>} : memref<128x128xf32, #tpu.memory_space<vmem>>, vector<16xf32>,
        %get3A_944 = arith.index_cast %add3A_918 : i32 to index
        %get3A_945 = arith.constant 32 : index
        %get3A_946 = tpu.vector_load %arg15[%get3A_944, %get3A_945] {strides = array<i32>} : memref<128x128xf32, #tpu.memory_space<vmem>>, vector<16xf32>,
        %mul3A_947 = arith.mulf %get3A_943, %get3A_946 : vector<16xf32>
        %get3A_948 = arith.index_cast %add3A_918 : i32 to index
        %get3A_949 = arith.constant 32 : index
        %get3A_950 = tpu.vector_load %arg16[%get3A_948, %get3A_949] {strides = array<i32>} : memref<128x128xf32, #tpu.memory_space<vmem>>, vector<16xf32>,
        %mul3A_951 = arith.mulf %mul3A_947, %get3A_950 : vector<16xf32>
        %get3A_952 = arith.index_cast %add3A_918 : i32 to index
        %get3A_953 = arith.constant 48 : index
        %get3A_954 = tpu.vector_load %arg14[%get3A_952, %get3A_953] {strides = array<i32>} : memref<128x128xf32, #tpu.memory_space<vmem>>, vector<16xf32>,
        %get3A_955 = arith.index_cast %add3A_918 : i32 to index
        %get3A_956 = arith.constant 48 : index
        %get3A_957 = tpu.vector_load %arg15[%get3A_955, %get3A_956] {strides = array<i32>} : memref<128x128xf32, #tpu.memory_space<vmem>>, vector<16xf32>,
        %mul3A_958 = arith.mulf %get3A_954, %get3A_957 : vector<16xf32>
        %get3A_959 = arith.index_cast %add3A_918 : i32 to index
        %get3A_960 = arith.constant 48 : index
        %get3A_961 = tpu.vector_load %arg16[%get3A_959, %get3A_960] {strides = array<i32>} : memref<128x128xf32, #tpu.memory_space<vmem>>, vector<16xf32>,
        %mul3A_962 = arith.mulf %mul3A_958, %get3A_961 : vector<16xf32>
        %get3A_963 = arith.index_cast %add3A_918 : i32 to index
        %get3A_964 = arith.constant 64 : index
        %get3A_965 = tpu.vector_load %arg14[%get3A_963, %get3A_964] {strides = array<i32>} : memref<128x128xf32, #tpu.memory_space<vmem>>, vector<16xf32>,
        %get3A_966 = arith.index_cast %add3A_918 : i32 to index
        %get3A_967 = arith.constant 64 : index
        %get3A_968 = tpu.vector_load %arg15[%get3A_966, %get3A_967] {strides = array<i32>} : memref<128x128xf32, #tpu.memory_space<vmem>>, vector<16xf32>,
        %mul3A_969 = arith.mulf %get3A_965, %get3A_968 : vector<16xf32>
        %get3A_970 = arith.index_cast %add3A_918 : i32 to index
        %get3A_971 = arith.constant 64 : index
        %get3A_972 = tpu.vector_load %arg16[%get3A_970, %get3A_971] {strides = array<i32>} : memref<128x128xf32, #tpu.memory_space<vmem>>, vector<16xf32>,
        %mul3A_973 = arith.mulf %mul3A_969, %get3A_972 : vector<16xf32>
        %get3A_974 = arith.index_cast %add3A_918 : i32 to index
        %get3A_975 = arith.constant 80 : index
        %get3A_976 = tpu.vector_load %arg14[%get3A_974, %get3A_975] {strides = array<i32>} : memref<128x128xf32, #tpu.memory_space<vmem>>, vector<16xf32>,
        %get3A_977 = arith.index_cast %add3A_918 : i32 to index
        %get3A_978 = arith.constant 80 : index
        %get3A_979 = tpu.vector_load %arg15[%get3A_977, %get3A_978] {strides = array<i32>} : memref<128x128xf32, #tpu.memory_space<vmem>>, vector<16xf32>,
        %mul3A_980 = arith.mulf %get3A_976, %get3A_979 : vector<16xf32>
        %get3A_981 = arith.index_cast %add3A_918 : i32 to index
        %get3A_982 = arith.constant 80 : index
        %get3A_983 = tpu.vector_load %arg16[%get3A_981, %get3A_982] {strides = array<i32>} : memref<128x128xf32, #tpu.memory_space<vmem>>, vector<16xf32>,
        %mul3A_984 = arith.mulf %mul3A_980, %get3A_983 : vector<16xf32>
        %get3A_985 = arith.index_cast %add3A_918 : i32 to index
        %get3A_986 = arith.constant 96 : index
        %get3A_987 = tpu.vector_load %arg14[%get3A_985, %get3A_986] {strides = array<i32>} : memref<128x128xf32, #tpu.memory_space<vmem>>, vector<16xf32>,
        %get3A_988 = arith.index_cast %add3A_918 : i32 to index
        %get3A_989 = arith.constant 96 : index
        %get3A_990 = tpu.vector_load %arg15[%get3A_988, %get3A_989] {strides = array<i32>} : memref<128x128xf32, #tpu.memory_space<vmem>>, vector<16xf32>,
        %mul3A_991 = arith.mulf %get3A_987, %get3A_990 : vector<16xf32>
        %get3A_992 = arith.index_cast %add3A_918 : i32 to index
        %get3A_993 = arith.constant 96 : index
        %get3A_994 = tpu.vector_load %arg16[%get3A_992, %get3A_993] {strides = array<i32>} : memref<128x128xf32, #tpu.memory_space<vmem>>, vector<16xf32>,
        %mul3A_995 = arith.mulf %mul3A_991, %get3A_994 : vector<16xf32>
        %get3A_996 = arith.index_cast %add3A_918 : i32 to index
        %get3A_997 = arith.constant 112 : index
        %get3A_998 = tpu.vector_load %arg14[%get3A_996, %get3A_997] {strides = array<i32>} : memref<128x128xf32, #tpu.memory_space<vmem>>, vector<16xf32>,
        %get3A_999 = arith.index_cast %add3A_918 : i32 to index
        %get3A_1000 = arith.constant 112 : index
        %get3A_1001 = tpu.vector_load %arg15[%get3A_999, %get3A_1000] {strides = array<i32>} : memref<128x128xf32, #tpu.memory_space<vmem>>, vector<16xf32>,
        %mul3A_1002 = arith.mulf %get3A_998, %get3A_1001 : vector<16xf32>
        %get3A_1003 = arith.index_cast %add3A_918 : i32 to index
        %get3A_1004 = arith.constant 112 : index
        %get3A_1005 = tpu.vector_load %arg16[%get3A_1003, %get3A_1004] {strides = array<i32>} : memref<128x128xf32, #tpu.memory_space<vmem>>, vector<16xf32>,
        %mul3A_1006 = arith.mulf %mul3A_1002, %get3A_1005 : vector<16xf32>
        %add3A_1007 = arith.addf %mul3A_929, %mul3A_940 : vector<16xf32>
        %add3A_1008 = arith.addf %mul3A_951, %mul3A_962 : vector<16xf32>
        %add3A_1009 = arith.addf %mul3A_973, %mul3A_984 : vector<16xf32>
        %add3A_1010 = arith.addf %mul3A_995, %mul3A_1006 : vector<16xf32>
        %add3A_1011 = arith.addf %add3A_1007, %add3A_1008 : vector<16xf32>
        %add3A_1012 = arith.addf %add3A_1009, %add3A_1010 : vector<16xf32>
        %add3A_1013 = arith.addf %add3A_1011, %add3A_1012 : vector<16xf32>
        %swap3A_1014 = arith.constant 48 : index
        %swap3A_1015 = tpu.vector_load %arg23[%swap3A_1014] {strides = array<i32>} : memref<256xf32, #tpu.memory_space<vmem>>, vector<16xf32>,
        tpu.vector_store %arg23[%swap3A_1014], %add3A_1013 {strides = array<i32>} : memref<256xf32, #tpu.memory_space<vmem>>, vector<16xf32>,
        %add3A_1016 = arith.constant 4 : i32
        %add3A_1017 = arith.addi %mul3A_619, %add3A_1016 : i32
        %get3A_1018 = arith.index_cast %add3A_1017 : i32 to index
        %get3A_1019 = arith.constant 0 : index
        %get3A_1020 = tpu.vector_load %arg14[%get3A_1018, %get3A_1019] {strides = array<i32>} : memref<128x128xf32, #tpu.memory_space<vmem>>, vector<16xf32>,
        %get3A_1021 = arith.index_cast %add3A_1017 : i32 to index
        %get3A_1022 = arith.constant 0 : index
        %get3A_1023 = tpu.vector_load %arg15[%get3A_1021, %get3A_1022] {strides = array<i32>} : memref<128x128xf32, #tpu.memory_space<vmem>>, vector<16xf32>,
        %mul3A_1024 = arith.mulf %get3A_1020, %get3A_1023 : vector<16xf32>
        %get3A_1025 = arith.index_cast %add3A_1017 : i32 to index
        %get3A_1026 = arith.constant 0 : index
        %get3A_1027 = tpu.vector_load %arg16[%get3A_1025, %get3A_1026] {strides = array<i32>} : memref<128x128xf32, #tpu.memory_space<vmem>>, vector<16xf32>,
        %mul3A_1028 = arith.mulf %mul3A_1024, %get3A_1027 : vector<16xf32>
        %get3A_1029 = arith.index_cast %add3A_1017 : i32 to index
        %get3A_1030 = arith.constant 16 : index
        %get3A_1031 = tpu.vector_load %arg14[%get3A_1029, %get3A_1030] {strides = array<i32>} : memref<128x128xf32, #tpu.memory_space<vmem>>, vector<16xf32>,
        %get3A_1032 = arith.index_cast %add3A_1017 : i32 to index
        %get3A_1033 = arith.constant 16 : index
        %get3A_1034 = tpu.vector_load %arg15[%get3A_1032, %get3A_1033] {strides = array<i32>} : memref<128x128xf32, #tpu.memory_space<vmem>>, vector<16xf32>,
        %mul3A_1035 = arith.mulf %get3A_1031, %get3A_1034 : vector<16xf32>
        %get3A_1036 = arith.index_cast %add3A_1017 : i32 to index
        %get3A_1037 = arith.constant 16 : index
        %get3A_1038 = tpu.vector_load %arg16[%get3A_1036, %get3A_1037] {strides = array<i32>} : memref<128x128xf32, #tpu.memory_space<vmem>>, vector<16xf32>,
        %mul3A_1039 = arith.mulf %mul3A_1035, %get3A_1038 : vector<16xf32>
        %get3A_1040 = arith.index_cast %add3A_1017 : i32 to index
        %get3A_1041 = arith.constant 32 : index
        %get3A_1042 = tpu.vector_load %arg14[%get3A_1040, %get3A_1041] {strides = array<i32>} : memref<128x128xf32, #tpu.memory_space<vmem>>, vector<16xf32>,
        %get3A_1043 = arith.index_cast %add3A_1017 : i32 to index
        %get3A_1044 = arith.constant 32 : index
        %get3A_1045 = tpu.vector_load %arg15[%get3A_1043, %get3A_1044] {strides = array<i32>} : memref<128x128xf32, #tpu.memory_space<vmem>>, vector<16xf32>,
        %mul3A_1046 = arith.mulf %get3A_1042, %get3A_1045 : vector<16xf32>
        %get3A_1047 = arith.index_cast %add3A_1017 : i32 to index
        %get3A_1048 = arith.constant 32 : index
        %get3A_1049 = tpu.vector_load %arg16[%get3A_1047, %get3A_1048] {strides = array<i32>} : memref<128x128xf32, #tpu.memory_space<vmem>>, vector<16xf32>,
        %mul3A_1050 = arith.mulf %mul3A_1046, %get3A_1049 : vector<16xf32>
        %get3A_1051 = arith.index_cast %add3A_1017 : i32 to index
        %get3A_1052 = arith.constant 48 : index
        %get3A_1053 = tpu.vector_load %arg14[%get3A_1051, %get3A_1052] {strides = array<i32>} : memref<128x128xf32, #tpu.memory_space<vmem>>, vector<16xf32>,
        %get3A_1054 = arith.index_cast %add3A_1017 : i32 to index
        %get3A_1055 = arith.constant 48 : index
        %get3A_1056 = tpu.vector_load %arg15[%get3A_1054, %get3A_1055] {strides = array<i32>} : memref<128x128xf32, #tpu.memory_space<vmem>>, vector<16xf32>,
        %mul3A_1057 = arith.mulf %get3A_1053, %get3A_1056 : vector<16xf32>
        %get3A_1058 = arith.index_cast %add3A_1017 : i32 to index
        %get3A_1059 = arith.constant 48 : index
        %get3A_1060 = tpu.vector_load %arg16[%get3A_1058, %get3A_1059] {strides = array<i32>} : memref<128x128xf32, #tpu.memory_space<vmem>>, vector<16xf32>,
        %mul3A_1061 = arith.mulf %mul3A_1057, %get3A_1060 : vector<16xf32>
        %get3A_1062 = arith.index_cast %add3A_1017 : i32 to index
        %get3A_1063 = arith.constant 64 : index
        %get3A_1064 = tpu.vector_load %arg14[%get3A_1062, %get3A_1063] {strides = array<i32>} : memref<128x128xf32, #tpu.memory_space<vmem>>, vector<16xf32>,
        %get3A_1065 = arith.index_cast %add3A_1017 : i32 to index
        %get3A_1066 = arith.constant 64 : index
        %get3A_1067 = tpu.vector_load %arg15[%get3A_1065, %get3A_1066] {strides = array<i32>} : memref<128x128xf32, #tpu.memory_space<vmem>>, vector<16xf32>,
        %mul3A_1068 = arith.mulf %get3A_1064, %get3A_1067 : vector<16xf32>
        %get3A_1069 = arith.index_cast %add3A_1017 : i32 to index
        %get3A_1070 = arith.constant 64 : index
        %get3A_1071 = tpu.vector_load %arg16[%get3A_1069, %get3A_1070] {strides = array<i32>} : memref<128x128xf32, #tpu.memory_space<vmem>>, vector<16xf32>,
        %mul3A_1072 = arith.mulf %mul3A_1068, %get3A_1071 : vector<16xf32>
        %get3A_1073 = arith.index_cast %add3A_1017 : i32 to index
        %get3A_1074 = arith.constant 80 : index
        %get3A_1075 = tpu.vector_load %arg14[%get3A_1073, %get3A_1074] {strides = array<i32>} : memref<128x128xf32, #tpu.memory_space<vmem>>, vector<16xf32>,
        %get3A_1076 = arith.index_cast %add3A_1017 : i32 to index
        %get3A_1077 = arith.constant 80 : index
        %get3A_1078 = tpu.vector_load %arg15[%get3A_1076, %get3A_1077] {strides = array<i32>} : memref<128x128xf32, #tpu.memory_space<vmem>>, vector<16xf32>,
        %mul3A_1079 = arith.mulf %get3A_1075, %get3A_1078 : vector<16xf32>
        %get3A_1080 = arith.index_cast %add3A_1017 : i32 to index
        %get3A_1081 = arith.constant 80 : index
        %get3A_1082 = tpu.vector_load %arg16[%get3A_1080, %get3A_1081] {strides = array<i32>} : memref<128x128xf32, #tpu.memory_space<vmem>>, vector<16xf32>,
        %mul3A_1083 = arith.mulf %mul3A_1079, %get3A_1082 : vector<16xf32>
        %get3A_1084 = arith.index_cast %add3A_1017 : i32 to index
        %get3A_1085 = arith.constant 96 : index
        %get3A_1086 = tpu.vector_load %arg14[%get3A_1084, %get3A_1085] {strides = array<i32>} : memref<128x128xf32, #tpu.memory_space<vmem>>, vector<16xf32>,
        %get3A_1087 = arith.index_cast %add3A_1017 : i32 to index
        %get3A_1088 = arith.constant 96 : index
        %get3A_1089 = tpu.vector_load %arg15[%get3A_1087, %get3A_1088] {strides = array<i32>} : memref<128x128xf32, #tpu.memory_space<vmem>>, vector<16xf32>,
        %mul3A_1090 = arith.mulf %get3A_1086, %get3A_1089 : vector<16xf32>
        %get3A_1091 = arith.index_cast %add3A_1017 : i32 to index
        %get3A_1092 = arith.constant 96 : index
        %get3A_1093 = tpu.vector_load %arg16[%get3A_1091, %get3A_1092] {strides = array<i32>} : memref<128x128xf32, #tpu.memory_space<vmem>>, vector<16xf32>,
        %mul3A_1094 = arith.mulf %mul3A_1090, %get3A_1093 : vector<16xf32>
        %get3A_1095 = arith.index_cast %add3A_1017 : i32 to index
        %get3A_1096 = arith.constant 112 : index
        %get3A_1097 = tpu.vector_load %arg14[%get3A_1095, %get3A_1096] {strides = array<i32>} : memref<128x128xf32, #tpu.memory_space<vmem>>, vector<16xf32>,
        %get3A_1098 = arith.index_cast %add3A_1017 : i32 to index
        %get3A_1099 = arith.constant 112 : index
        %get3A_1100 = tpu.vector_load %arg15[%get3A_1098, %get3A_1099] {strides = array<i32>} : memref<128x128xf32, #tpu.memory_space<vmem>>, vector<16xf32>,
        %mul3A_1101 = arith.mulf %get3A_1097, %get3A_1100 : vector<16xf32>
        %get3A_1102 = arith.index_cast %add3A_1017 : i32 to index
        %get3A_1103 = arith.constant 112 : index
        %get3A_1104 = tpu.vector_load %arg16[%get3A_1102, %get3A_1103] {strides = array<i32>} : memref<128x128xf32, #tpu.memory_space<vmem>>, vector<16xf32>,
        %mul3A_1105 = arith.mulf %mul3A_1101, %get3A_1104 : vector<16xf32>
        %add3A_1106 = arith.addf %mul3A_1028, %mul3A_1039 : vector<16xf32>
        %add3A_1107 = arith.addf %mul3A_1050, %mul3A_1061 : vector<16xf32>
        %add3A_1108 = arith.addf %mul3A_1072, %mul3A_1083 : vector<16xf32>
        %add3A_1109 = arith.addf %mul3A_1094, %mul3A_1105 : vector<16xf32>
        %add3A_1110 = arith.addf %add3A_1106, %add3A_1107 : vector<16xf32>
        %add3A_1111 = arith.addf %add3A_1108, %add3A_1109 : vector<16xf32>
        %add3A_1112 = arith.addf %add3A_1110, %add3A_1111 : vector<16xf32>
        %swap3A_1113 = arith.constant 64 : index
        %swap3A_1114 = tpu.vector_load %arg23[%swap3A_1113] {strides = array<i32>} : memref<256xf32, #tpu.memory_space<vmem>>, vector<16xf32>,
        tpu.vector_store %arg23[%swap3A_1113], %add3A_1112 {strides = array<i32>} : memref<256xf32, #tpu.memory_space<vmem>>, vector<16xf32>,
        %add3A_1115 = arith.constant 5 : i32
        %add3A_1116 = arith.addi %mul3A_619, %add3A_1115 : i32
        %get3A_1117 = arith.index_cast %add3A_1116 : i32 to index
        %get3A_1118 = arith.constant 0 : index
        %get3A_1119 = tpu.vector_load %arg14[%get3A_1117, %get3A_1118] {strides = array<i32>} : memref<128x128xf32, #tpu.memory_space<vmem>>, vector<16xf32>,
        %get3A_1120 = arith.index_cast %add3A_1116 : i32 to index
        %get3A_1121 = arith.constant 0 : index
        %get3A_1122 = tpu.vector_load %arg15[%get3A_1120, %get3A_1121] {strides = array<i32>} : memref<128x128xf32, #tpu.memory_space<vmem>>, vector<16xf32>,
        %mul3A_1123 = arith.mulf %get3A_1119, %get3A_1122 : vector<16xf32>
        %get3A_1124 = arith.index_cast %add3A_1116 : i32 to index
        %get3A_1125 = arith.constant 0 : index
        %get3A_1126 = tpu.vector_load %arg16[%get3A_1124, %get3A_1125] {strides = array<i32>} : memref<128x128xf32, #tpu.memory_space<vmem>>, vector<16xf32>,
        %mul3A_1127 = arith.mulf %mul3A_1123, %get3A_1126 : vector<16xf32>
        %get3A_1128 = arith.index_cast %add3A_1116 : i32 to index
        %get3A_1129 = arith.constant 16 : index
        %get3A_1130 = tpu.vector_load %arg14[%get3A_1128, %get3A_1129] {strides = array<i32>} : memref<128x128xf32, #tpu.memory_space<vmem>>, vector<16xf32>,
        %get3A_1131 = arith.index_cast %add3A_1116 : i32 to index
        %get3A_1132 = arith.constant 16 : index
        %get3A_1133 = tpu.vector_load %arg15[%get3A_1131, %get3A_1132] {strides = array<i32>} : memref<128x128xf32, #tpu.memory_space<vmem>>, vector<16xf32>,
        %mul3A_1134 = arith.mulf %get3A_1130, %get3A_1133 : vector<16xf32>
        %get3A_1135 = arith.index_cast %add3A_1116 : i32 to index
        %get3A_1136 = arith.constant 16 : index
        %get3A_1137 = tpu.vector_load %arg16[%get3A_1135, %get3A_1136] {strides = array<i32>} : memref<128x128xf32, #tpu.memory_space<vmem>>, vector<16xf32>,
        %mul3A_1138 = arith.mulf %mul3A_1134, %get3A_1137 : vector<16xf32>
        %get3A_1139 = arith.index_cast %add3A_1116 : i32 to index
        %get3A_1140 = arith.constant 32 : index
        %get3A_1141 = tpu.vector_load %arg14[%get3A_1139, %get3A_1140] {strides = array<i32>} : memref<128x128xf32, #tpu.memory_space<vmem>>, vector<16xf32>,
        %get3A_1142 = arith.index_cast %add3A_1116 : i32 to index
        %get3A_1143 = arith.constant 32 : index
        %get3A_1144 = tpu.vector_load %arg15[%get3A_1142, %get3A_1143] {strides = array<i32>} : memref<128x128xf32, #tpu.memory_space<vmem>>, vector<16xf32>,
        %mul3A_1145 = arith.mulf %get3A_1141, %get3A_1144 : vector<16xf32>
        %get3A_1146 = arith.index_cast %add3A_1116 : i32 to index
        %get3A_1147 = arith.constant 32 : index
        %get3A_1148 = tpu.vector_load %arg16[%get3A_1146, %get3A_1147] {strides = array<i32>} : memref<128x128xf32, #tpu.memory_space<vmem>>, vector<16xf32>,
        %mul3A_1149 = arith.mulf %mul3A_1145, %get3A_1148 : vector<16xf32>
        %get3A_1150 = arith.index_cast %add3A_1116 : i32 to index
        %get3A_1151 = arith.constant 48 : index
        %get3A_1152 = tpu.vector_load %arg14[%get3A_1150, %get3A_1151] {strides = array<i32>} : memref<128x128xf32, #tpu.memory_space<vmem>>, vector<16xf32>,
        %get3A_1153 = arith.index_cast %add3A_1116 : i32 to index
        %get3A_1154 = arith.constant 48 : index
        %get3A_1155 = tpu.vector_load %arg15[%get3A_1153, %get3A_1154] {strides = array<i32>} : memref<128x128xf32, #tpu.memory_space<vmem>>, vector<16xf32>,
        %mul3A_1156 = arith.mulf %get3A_1152, %get3A_1155 : vector<16xf32>
        %get3A_1157 = arith.index_cast %add3A_1116 : i32 to index
        %get3A_1158 = arith.constant 48 : index
        %get3A_1159 = tpu.vector_load %arg16[%get3A_1157, %get3A_1158] {strides = array<i32>} : memref<128x128xf32, #tpu.memory_space<vmem>>, vector<16xf32>,
        %mul3A_1160 = arith.mulf %mul3A_1156, %get3A_1159 : vector<16xf32>
        %get3A_1161 = arith.index_cast %add3A_1116 : i32 to index
        %get3A_1162 = arith.constant 64 : index
        %get3A_1163 = tpu.vector_load %arg14[%get3A_1161, %get3A_1162] {strides = array<i32>} : memref<128x128xf32, #tpu.memory_space<vmem>>, vector<16xf32>,
        %get3A_1164 = arith.index_cast %add3A_1116 : i32 to index
        %get3A_1165 = arith.constant 64 : index
        %get3A_1166 = tpu.vector_load %arg15[%get3A_1164, %get3A_1165] {strides = array<i32>} : memref<128x128xf32, #tpu.memory_space<vmem>>, vector<16xf32>,
        %mul3A_1167 = arith.mulf %get3A_1163, %get3A_1166 : vector<16xf32>
        %get3A_1168 = arith.index_cast %add3A_1116 : i32 to index
        %get3A_1169 = arith.constant 64 : index
        %get3A_1170 = tpu.vector_load %arg16[%get3A_1168, %get3A_1169] {strides = array<i32>} : memref<128x128xf32, #tpu.memory_space<vmem>>, vector<16xf32>,
        %mul3A_1171 = arith.mulf %mul3A_1167, %get3A_1170 : vector<16xf32>
        %get3A_1172 = arith.index_cast %add3A_1116 : i32 to index
        %get3A_1173 = arith.constant 80 : index
        %get3A_1174 = tpu.vector_load %arg14[%get3A_1172, %get3A_1173] {strides = array<i32>} : memref<128x128xf32, #tpu.memory_space<vmem>>, vector<16xf32>,
        %get3A_1175 = arith.index_cast %add3A_1116 : i32 to index
        %get3A_1176 = arith.constant 80 : index
        %get3A_1177 = tpu.vector_load %arg15[%get3A_1175, %get3A_1176] {strides = array<i32>} : memref<128x128xf32, #tpu.memory_space<vmem>>, vector<16xf32>,
        %mul3A_1178 = arith.mulf %get3A_1174, %get3A_1177 : vector<16xf32>
        %get3A_1179 = arith.index_cast %add3A_1116 : i32 to index
        %get3A_1180 = arith.constant 80 : index
        %get3A_1181 = tpu.vector_load %arg16[%get3A_1179, %get3A_1180] {strides = array<i32>} : memref<128x128xf32, #tpu.memory_space<vmem>>, vector<16xf32>,
        %mul3A_1182 = arith.mulf %mul3A_1178, %get3A_1181 : vector<16xf32>
        %get3A_1183 = arith.index_cast %add3A_1116 : i32 to index
        %get3A_1184 = arith.constant 96 : index
        %get3A_1185 = tpu.vector_load %arg14[%get3A_1183, %get3A_1184] {strides = array<i32>} : memref<128x128xf32, #tpu.memory_space<vmem>>, vector<16xf32>,
        %get3A_1186 = arith.index_cast %add3A_1116 : i32 to index
        %get3A_1187 = arith.constant 96 : index
        %get3A_1188 = tpu.vector_load %arg15[%get3A_1186, %get3A_1187] {strides = array<i32>} : memref<128x128xf32, #tpu.memory_space<vmem>>, vector<16xf32>,
        %mul3A_1189 = arith.mulf %get3A_1185, %get3A_1188 : vector<16xf32>
        %get3A_1190 = arith.index_cast %add3A_1116 : i32 to index
        %get3A_1191 = arith.constant 96 : index
        %get3A_1192 = tpu.vector_load %arg16[%get3A_1190, %get3A_1191] {strides = array<i32>} : memref<128x128xf32, #tpu.memory_space<vmem>>, vector<16xf32>,
        %mul3A_1193 = arith.mulf %mul3A_1189, %get3A_1192 : vector<16xf32>
        %get3A_1194 = arith.index_cast %add3A_1116 : i32 to index
        %get3A_1195 = arith.constant 112 : index
        %get3A_1196 = tpu.vector_load %arg14[%get3A_1194, %get3A_1195] {strides = array<i32>} : memref<128x128xf32, #tpu.memory_space<vmem>>, vector<16xf32>,
        %get3A_1197 = arith.index_cast %add3A_1116 : i32 to index
        %get3A_1198 = arith.constant 112 : index
        %get3A_1199 = tpu.vector_load %arg15[%get3A_1197, %get3A_1198] {strides = array<i32>} : memref<128x128xf32, #tpu.memory_space<vmem>>, vector<16xf32>,
        %mul3A_1200 = arith.mulf %get3A_1196, %get3A_1199 : vector<16xf32>
        %get3A_1201 = arith.index_cast %add3A_1116 : i32 to index
        %get3A_1202 = arith.constant 112 : index
        %get3A_1203 = tpu.vector_load %arg16[%get3A_1201, %get3A_1202] {strides = array<i32>} : memref<128x128xf32, #tpu.memory_space<vmem>>, vector<16xf32>,
        %mul3A_1204 = arith.mulf %mul3A_1200, %get3A_1203 : vector<16xf32>
        %add3A_1205 = arith.addf %mul3A_1127, %mul3A_1138 : vector<16xf32>
        %add3A_1206 = arith.addf %mul3A_1149, %mul3A_1160 : vector<16xf32>
        %add3A_1207 = arith.addf %mul3A_1171, %mul3A_1182 : vector<16xf32>
        %add3A_1208 = arith.addf %mul3A_1193, %mul3A_1204 : vector<16xf32>
        %add3A_1209 = arith.addf %add3A_1205, %add3A_1206 : vector<16xf32>
        %add3A_1210 = arith.addf %add3A_1207, %add3A_1208 : vector<16xf32>
        %add3A_1211 = arith.addf %add3A_1209, %add3A_1210 : vector<16xf32>
        %swap3A_1212 = arith.constant 80 : index
        %swap3A_1213 = tpu.vector_load %arg23[%swap3A_1212] {strides = array<i32>} : memref<256xf32, #tpu.memory_space<vmem>>, vector<16xf32>,
        tpu.vector_store %arg23[%swap3A_1212], %add3A_1211 {strides = array<i32>} : memref<256xf32, #tpu.memory_space<vmem>>, vector<16xf32>,
        %add3A_1214 = arith.constant 6 : i32
        %add3A_1215 = arith.addi %mul3A_619, %add3A_1214 : i32
        %get3A_1216 = arith.index_cast %add3A_1215 : i32 to index
        %get3A_1217 = arith.constant 0 : index
        %get3A_1218 = tpu.vector_load %arg14[%get3A_1216, %get3A_1217] {strides = array<i32>} : memref<128x128xf32, #tpu.memory_space<vmem>>, vector<16xf32>,
        %get3A_1219 = arith.index_cast %add3A_1215 : i32 to index
        %get3A_1220 = arith.constant 0 : index
        %get3A_1221 = tpu.vector_load %arg15[%get3A_1219, %get3A_1220] {strides = array<i32>} : memref<128x128xf32, #tpu.memory_space<vmem>>, vector<16xf32>,
        %mul3A_1222 = arith.mulf %get3A_1218, %get3A_1221 : vector<16xf32>
        %get3A_1223 = arith.index_cast %add3A_1215 : i32 to index
        %get3A_1224 = arith.constant 0 : index
        %get3A_1225 = tpu.vector_load %arg16[%get3A_1223, %get3A_1224] {strides = array<i32>} : memref<128x128xf32, #tpu.memory_space<vmem>>, vector<16xf32>,
        %mul3A_1226 = arith.mulf %mul3A_1222, %get3A_1225 : vector<16xf32>
        %get3A_1227 = arith.index_cast %add3A_1215 : i32 to index
        %get3A_1228 = arith.constant 16 : index
        %get3A_1229 = tpu.vector_load %arg14[%get3A_1227, %get3A_1228] {strides = array<i32>} : memref<128x128xf32, #tpu.memory_space<vmem>>, vector<16xf32>,
        %get3A_1230 = arith.index_cast %add3A_1215 : i32 to index
        %get3A_1231 = arith.constant 16 : index
        %get3A_1232 = tpu.vector_load %arg15[%get3A_1230, %get3A_1231] {strides = array<i32>} : memref<128x128xf32, #tpu.memory_space<vmem>>, vector<16xf32>,
        %mul3A_1233 = arith.mulf %get3A_1229, %get3A_1232 : vector<16xf32>
        %get3A_1234 = arith.index_cast %add3A_1215 : i32 to index
        %get3A_1235 = arith.constant 16 : index
        %get3A_1236 = tpu.vector_load %arg16[%get3A_1234, %get3A_1235] {strides = array<i32>} : memref<128x128xf32, #tpu.memory_space<vmem>>, vector<16xf32>,
        %mul3A_1237 = arith.mulf %mul3A_1233, %get3A_1236 : vector<16xf32>
        %get3A_1238 = arith.index_cast %add3A_1215 : i32 to index
        %get3A_1239 = arith.constant 32 : index
        %get3A_1240 = tpu.vector_load %arg14[%get3A_1238, %get3A_1239] {strides = array<i32>} : memref<128x128xf32, #tpu.memory_space<vmem>>, vector<16xf32>,
        %get3A_1241 = arith.index_cast %add3A_1215 : i32 to index
        %get3A_1242 = arith.constant 32 : index
        %get3A_1243 = tpu.vector_load %arg15[%get3A_1241, %get3A_1242] {strides = array<i32>} : memref<128x128xf32, #tpu.memory_space<vmem>>, vector<16xf32>,
        %mul3A_1244 = arith.mulf %get3A_1240, %get3A_1243 : vector<16xf32>
        %get3A_1245 = arith.index_cast %add3A_1215 : i32 to index
        %get3A_1246 = arith.constant 32 : index
        %get3A_1247 = tpu.vector_load %arg16[%get3A_1245, %get3A_1246] {strides = array<i32>} : memref<128x128xf32, #tpu.memory_space<vmem>>, vector<16xf32>,
        %mul3A_1248 = arith.mulf %mul3A_1244, %get3A_1247 : vector<16xf32>
        %get3A_1249 = arith.index_cast %add3A_1215 : i32 to index
        %get3A_1250 = arith.constant 48 : index
        %get3A_1251 = tpu.vector_load %arg14[%get3A_1249, %get3A_1250] {strides = array<i32>} : memref<128x128xf32, #tpu.memory_space<vmem>>, vector<16xf32>,
        %get3A_1252 = arith.index_cast %add3A_1215 : i32 to index
        %get3A_1253 = arith.constant 48 : index
        %get3A_1254 = tpu.vector_load %arg15[%get3A_1252, %get3A_1253] {strides = array<i32>} : memref<128x128xf32, #tpu.memory_space<vmem>>, vector<16xf32>,
        %mul3A_1255 = arith.mulf %get3A_1251, %get3A_1254 : vector<16xf32>
        %get3A_1256 = arith.index_cast %add3A_1215 : i32 to index
        %get3A_1257 = arith.constant 48 : index
        %get3A_1258 = tpu.vector_load %arg16[%get3A_1256, %get3A_1257] {strides = array<i32>} : memref<128x128xf32, #tpu.memory_space<vmem>>, vector<16xf32>,
        %mul3A_1259 = arith.mulf %mul3A_1255, %get3A_1258 : vector<16xf32>
        %get3A_1260 = arith.index_cast %add3A_1215 : i32 to index
        %get3A_1261 = arith.constant 64 : index
        %get3A_1262 = tpu.vector_load %arg14[%get3A_1260, %get3A_1261] {strides = array<i32>} : memref<128x128xf32, #tpu.memory_space<vmem>>, vector<16xf32>,
        %get3A_1263 = arith.index_cast %add3A_1215 : i32 to index
        %get3A_1264 = arith.constant 64 : index
        %get3A_1265 = tpu.vector_load %arg15[%get3A_1263, %get3A_1264] {strides = array<i32>} : memref<128x128xf32, #tpu.memory_space<vmem>>, vector<16xf32>,
        %mul3A_1266 = arith.mulf %get3A_1262, %get3A_1265 : vector<16xf32>
        %get3A_1267 = arith.index_cast %add3A_1215 : i32 to index
        %get3A_1268 = arith.constant 64 : index
        %get3A_1269 = tpu.vector_load %arg16[%get3A_1267, %get3A_1268] {strides = array<i32>} : memref<128x128xf32, #tpu.memory_space<vmem>>, vector<16xf32>,
        %mul3A_1270 = arith.mulf %mul3A_1266, %get3A_1269 : vector<16xf32>
        %get3A_1271 = arith.index_cast %add3A_1215 : i32 to index
        %get3A_1272 = arith.constant 80 : index
        %get3A_1273 = tpu.vector_load %arg14[%get3A_1271, %get3A_1272] {strides = array<i32>} : memref<128x128xf32, #tpu.memory_space<vmem>>, vector<16xf32>,
        %get3A_1274 = arith.index_cast %add3A_1215 : i32 to index
        %get3A_1275 = arith.constant 80 : index
        %get3A_1276 = tpu.vector_load %arg15[%get3A_1274, %get3A_1275] {strides = array<i32>} : memref<128x128xf32, #tpu.memory_space<vmem>>, vector<16xf32>,
        %mul3A_1277 = arith.mulf %get3A_1273, %get3A_1276 : vector<16xf32>
        %get3A_1278 = arith.index_cast %add3A_1215 : i32 to index
        %get3A_1279 = arith.constant 80 : index
        %get3A_1280 = tpu.vector_load %arg16[%get3A_1278, %get3A_1279] {strides = array<i32>} : memref<128x128xf32, #tpu.memory_space<vmem>>, vector<16xf32>,
        %mul3A_1281 = arith.mulf %mul3A_1277, %get3A_1280 : vector<16xf32>
        %get3A_1282 = arith.index_cast %add3A_1215 : i32 to index
        %get3A_1283 = arith.constant 96 : index
        %get3A_1284 = tpu.vector_load %arg14[%get3A_1282, %get3A_1283] {strides = array<i32>} : memref<128x128xf32, #tpu.memory_space<vmem>>, vector<16xf32>,
        %get3A_1285 = arith.index_cast %add3A_1215 : i32 to index
        %get3A_1286 = arith.constant 96 : index
        %get3A_1287 = tpu.vector_load %arg15[%get3A_1285, %get3A_1286] {strides = array<i32>} : memref<128x128xf32, #tpu.memory_space<vmem>>, vector<16xf32>,
        %mul3A_1288 = arith.mulf %get3A_1284, %get3A_1287 : vector<16xf32>
        %get3A_1289 = arith.index_cast %add3A_1215 : i32 to index
        %get3A_1290 = arith.constant 96 : index
        %get3A_1291 = tpu.vector_load %arg16[%get3A_1289, %get3A_1290] {strides = array<i32>} : memref<128x128xf32, #tpu.memory_space<vmem>>, vector<16xf32>,
        %mul3A_1292 = arith.mulf %mul3A_1288, %get3A_1291 : vector<16xf32>
        %get3A_1293 = arith.index_cast %add3A_1215 : i32 to index
        %get3A_1294 = arith.constant 112 : index
        %get3A_1295 = tpu.vector_load %arg14[%get3A_1293, %get3A_1294] {strides = array<i32>} : memref<128x128xf32, #tpu.memory_space<vmem>>, vector<16xf32>,
        %get3A_1296 = arith.index_cast %add3A_1215 : i32 to index
        %get3A_1297 = arith.constant 112 : index
        %get3A_1298 = tpu.vector_load %arg15[%get3A_1296, %get3A_1297] {strides = array<i32>} : memref<128x128xf32, #tpu.memory_space<vmem>>, vector<16xf32>,
        %mul3A_1299 = arith.mulf %get3A_1295, %get3A_1298 : vector<16xf32>
        %get3A_1300 = arith.index_cast %add3A_1215 : i32 to index
        %get3A_1301 = arith.constant 112 : index
        %get3A_1302 = tpu.vector_load %arg16[%get3A_1300, %get3A_1301] {strides = array<i32>} : memref<128x128xf32, #tpu.memory_space<vmem>>, vector<16xf32>,
        %mul3A_1303 = arith.mulf %mul3A_1299, %get3A_1302 : vector<16xf32>
        %add3A_1304 = arith.addf %mul3A_1226, %mul3A_1237 : vector<16xf32>
        %add3A_1305 = arith.addf %mul3A_1248, %mul3A_1259 : vector<16xf32>
        %add3A_1306 = arith.addf %mul3A_1270, %mul3A_1281 : vector<16xf32>
        %add3A_1307 = arith.addf %mul3A_1292, %mul3A_1303 : vector<16xf32>
        %add3A_1308 = arith.addf %add3A_1304, %add3A_1305 : vector<16xf32>
        %add3A_1309 = arith.addf %add3A_1306, %add3A_1307 : vector<16xf32>
        %add3A_1310 = arith.addf %add3A_1308, %add3A_1309 : vector<16xf32>
        %swap3A_1311 = arith.constant 96 : index
        %swap3A_1312 = tpu.vector_load %arg23[%swap3A_1311] {strides = array<i32>} : memref<256xf32, #tpu.memory_space<vmem>>, vector<16xf32>,
        tpu.vector_store %arg23[%swap3A_1311], %add3A_1310 {strides = array<i32>} : memref<256xf32, #tpu.memory_space<vmem>>, vector<16xf32>,
        %add3A_1313 = arith.constant 7 : i32
        %add3A_1314 = arith.addi %mul3A_619, %add3A_1313 : i32
        %get3A_1315 = arith.index_cast %add3A_1314 : i32 to index
        %get3A_1316 = arith.constant 0 : index
        %get3A_1317 = tpu.vector_load %arg14[%get3A_1315, %get3A_1316] {strides = array<i32>} : memref<128x128xf32, #tpu.memory_space<vmem>>, vector<16xf32>,
        %get3A_1318 = arith.index_cast %add3A_1314 : i32 to index
        %get3A_1319 = arith.constant 0 : index
        %get3A_1320 = tpu.vector_load %arg15[%get3A_1318, %get3A_1319] {strides = array<i32>} : memref<128x128xf32, #tpu.memory_space<vmem>>, vector<16xf32>,
        %mul3A_1321 = arith.mulf %get3A_1317, %get3A_1320 : vector<16xf32>
        %get3A_1322 = arith.index_cast %add3A_1314 : i32 to index
        %get3A_1323 = arith.constant 0 : index
        %get3A_1324 = tpu.vector_load %arg16[%get3A_1322, %get3A_1323] {strides = array<i32>} : memref<128x128xf32, #tpu.memory_space<vmem>>, vector<16xf32>,
        %mul3A_1325 = arith.mulf %mul3A_1321, %get3A_1324 : vector<16xf32>
        %get3A_1326 = arith.index_cast %add3A_1314 : i32 to index
        %get3A_1327 = arith.constant 16 : index
        %get3A_1328 = tpu.vector_load %arg14[%get3A_1326, %get3A_1327] {strides = array<i32>} : memref<128x128xf32, #tpu.memory_space<vmem>>, vector<16xf32>,
        %get3A_1329 = arith.index_cast %add3A_1314 : i32 to index
        %get3A_1330 = arith.constant 16 : index
        %get3A_1331 = tpu.vector_load %arg15[%get3A_1329, %get3A_1330] {strides = array<i32>} : memref<128x128xf32, #tpu.memory_space<vmem>>, vector<16xf32>,
        %mul3A_1332 = arith.mulf %get3A_1328, %get3A_1331 : vector<16xf32>
        %get3A_1333 = arith.index_cast %add3A_1314 : i32 to index
        %get3A_1334 = arith.constant 16 : index
        %get3A_1335 = tpu.vector_load %arg16[%get3A_1333, %get3A_1334] {strides = array<i32>} : memref<128x128xf32, #tpu.memory_space<vmem>>, vector<16xf32>,
        %mul3A_1336 = arith.mulf %mul3A_1332, %get3A_1335 : vector<16xf32>
        %get3A_1337 = arith.index_cast %add3A_1314 : i32 to index
        %get3A_1338 = arith.constant 32 : index
        %get3A_1339 = tpu.vector_load %arg14[%get3A_1337, %get3A_1338] {strides = array<i32>} : memref<128x128xf32, #tpu.memory_space<vmem>>, vector<16xf32>,
        %get3A_1340 = arith.index_cast %add3A_1314 : i32 to index
        %get3A_1341 = arith.constant 32 : index
        %get3A_1342 = tpu.vector_load %arg15[%get3A_1340, %get3A_1341] {strides = array<i32>} : memref<128x128xf32, #tpu.memory_space<vmem>>, vector<16xf32>,
        %mul3A_1343 = arith.mulf %get3A_1339, %get3A_1342 : vector<16xf32>
        %get3A_1344 = arith.index_cast %add3A_1314 : i32 to index
        %get3A_1345 = arith.constant 32 : index
        %get3A_1346 = tpu.vector_load %arg16[%get3A_1344, %get3A_1345] {strides = array<i32>} : memref<128x128xf32, #tpu.memory_space<vmem>>, vector<16xf32>,
        %mul3A_1347 = arith.mulf %mul3A_1343, %get3A_1346 : vector<16xf32>
        %get3A_1348 = arith.index_cast %add3A_1314 : i32 to index
        %get3A_1349 = arith.constant 48 : index
        %get3A_1350 = tpu.vector_load %arg14[%get3A_1348, %get3A_1349] {strides = array<i32>} : memref<128x128xf32, #tpu.memory_space<vmem>>, vector<16xf32>,
        %get3A_1351 = arith.index_cast %add3A_1314 : i32 to index
        %get3A_1352 = arith.constant 48 : index
        %get3A_1353 = tpu.vector_load %arg15[%get3A_1351, %get3A_1352] {strides = array<i32>} : memref<128x128xf32, #tpu.memory_space<vmem>>, vector<16xf32>,
        %mul3A_1354 = arith.mulf %get3A_1350, %get3A_1353 : vector<16xf32>
        %get3A_1355 = arith.index_cast %add3A_1314 : i32 to index
        %get3A_1356 = arith.constant 48 : index
        %get3A_1357 = tpu.vector_load %arg16[%get3A_1355, %get3A_1356] {strides = array<i32>} : memref<128x128xf32, #tpu.memory_space<vmem>>, vector<16xf32>,
        %mul3A_1358 = arith.mulf %mul3A_1354, %get3A_1357 : vector<16xf32>
        %get3A_1359 = arith.index_cast %add3A_1314 : i32 to index
        %get3A_1360 = arith.constant 64 : index
        %get3A_1361 = tpu.vector_load %arg14[%get3A_1359, %get3A_1360] {strides = array<i32>} : memref<128x128xf32, #tpu.memory_space<vmem>>, vector<16xf32>,
        %get3A_1362 = arith.index_cast %add3A_1314 : i32 to index
        %get3A_1363 = arith.constant 64 : index
        %get3A_1364 = tpu.vector_load %arg15[%get3A_1362, %get3A_1363] {strides = array<i32>} : memref<128x128xf32, #tpu.memory_space<vmem>>, vector<16xf32>,
        %mul3A_1365 = arith.mulf %get3A_1361, %get3A_1364 : vector<16xf32>
        %get3A_1366 = arith.index_cast %add3A_1314 : i32 to index
        %get3A_1367 = arith.constant 64 : index
        %get3A_1368 = tpu.vector_load %arg16[%get3A_1366, %get3A_1367] {strides = array<i32>} : memref<128x128xf32, #tpu.memory_space<vmem>>, vector<16xf32>,
        %mul3A_1369 = arith.mulf %mul3A_1365, %get3A_1368 : vector<16xf32>
        %get3A_1370 = arith.index_cast %add3A_1314 : i32 to index
        %get3A_1371 = arith.constant 80 : index
        %get3A_1372 = tpu.vector_load %arg14[%get3A_1370, %get3A_1371] {strides = array<i32>} : memref<128x128xf32, #tpu.memory_space<vmem>>, vector<16xf32>,
        %get3A_1373 = arith.index_cast %add3A_1314 : i32 to index
        %get3A_1374 = arith.constant 80 : index
        %get3A_1375 = tpu.vector_load %arg15[%get3A_1373, %get3A_1374] {strides = array<i32>} : memref<128x128xf32, #tpu.memory_space<vmem>>, vector<16xf32>,
        %mul3A_1376 = arith.mulf %get3A_1372, %get3A_1375 : vector<16xf32>
        %get3A_1377 = arith.index_cast %add3A_1314 : i32 to index
        %get3A_1378 = arith.constant 80 : index
        %get3A_1379 = tpu.vector_load %arg16[%get3A_1377, %get3A_1378] {strides = array<i32>} : memref<128x128xf32, #tpu.memory_space<vmem>>, vector<16xf32>,
        %mul3A_1380 = arith.mulf %mul3A_1376, %get3A_1379 : vector<16xf32>
        %get3A_1381 = arith.index_cast %add3A_1314 : i32 to index
        %get3A_1382 = arith.constant 96 : index
        %get3A_1383 = tpu.vector_load %arg14[%get3A_1381, %get3A_1382] {strides = array<i32>} : memref<128x128xf32, #tpu.memory_space<vmem>>, vector<16xf32>,
        %get3A_1384 = arith.index_cast %add3A_1314 : i32 to index
        %get3A_1385 = arith.constant 96 : index
        %get3A_1386 = tpu.vector_load %arg15[%get3A_1384, %get3A_1385] {strides = array<i32>} : memref<128x128xf32, #tpu.memory_space<vmem>>, vector<16xf32>,
        %mul3A_1387 = arith.mulf %get3A_1383, %get3A_1386 : vector<16xf32>
        %get3A_1388 = arith.index_cast %add3A_1314 : i32 to index
        %get3A_1389 = arith.constant 96 : index
        %get3A_1390 = tpu.vector_load %arg16[%get3A_1388, %get3A_1389] {strides = array<i32>} : memref<128x128xf32, #tpu.memory_space<vmem>>, vector<16xf32>,
        %mul3A_1391 = arith.mulf %mul3A_1387, %get3A_1390 : vector<16xf32>
        %get3A_1392 = arith.index_cast %add3A_1314 : i32 to index
        %get3A_1393 = arith.constant 112 : index
        %get3A_1394 = tpu.vector_load %arg14[%get3A_1392, %get3A_1393] {strides = array<i32>} : memref<128x128xf32, #tpu.memory_space<vmem>>, vector<16xf32>,
        %get3A_1395 = arith.index_cast %add3A_1314 : i32 to index
        %get3A_1396 = arith.constant 112 : index
        %get3A_1397 = tpu.vector_load %arg15[%get3A_1395, %get3A_1396] {strides = array<i32>} : memref<128x128xf32, #tpu.memory_space<vmem>>, vector<16xf32>,
        %mul3A_1398 = arith.mulf %get3A_1394, %get3A_1397 : vector<16xf32>
        %get3A_1399 = arith.index_cast %add3A_1314 : i32 to index
        %get3A_1400 = arith.constant 112 : index
        %get3A_1401 = tpu.vector_load %arg16[%get3A_1399, %get3A_1400] {strides = array<i32>} : memref<128x128xf32, #tpu.memory_space<vmem>>, vector<16xf32>,
        %mul3A_1402 = arith.mulf %mul3A_1398, %get3A_1401 : vector<16xf32>
        %add3A_1403 = arith.addf %mul3A_1325, %mul3A_1336 : vector<16xf32>
        %add3A_1404 = arith.addf %mul3A_1347, %mul3A_1358 : vector<16xf32>
        %add3A_1405 = arith.addf %mul3A_1369, %mul3A_1380 : vector<16xf32>
        %add3A_1406 = arith.addf %mul3A_1391, %mul3A_1402 : vector<16xf32>
        %add3A_1407 = arith.addf %add3A_1403, %add3A_1404 : vector<16xf32>
        %add3A_1408 = arith.addf %add3A_1405, %add3A_1406 : vector<16xf32>
        %add3A_1409 = arith.addf %add3A_1407, %add3A_1408 : vector<16xf32>
        %swap3A_1410 = arith.constant 112 : index
        %swap3A_1411 = tpu.vector_load %arg23[%swap3A_1410] {strides = array<i32>} : memref<256xf32, #tpu.memory_space<vmem>>, vector<16xf32>,
        tpu.vector_store %arg23[%swap3A_1410], %add3A_1409 {strides = array<i32>} : memref<256xf32, #tpu.memory_space<vmem>>, vector<16xf32>,
        %add3A_1412 = arith.constant 8 : i32
        %add3A_1413 = arith.addi %mul3A_619, %add3A_1412 : i32
        %get3A_1414 = arith.index_cast %add3A_1413 : i32 to index
        %get3A_1415 = arith.constant 0 : index
        %get3A_1416 = tpu.vector_load %arg14[%get3A_1414, %get3A_1415] {strides = array<i32>} : memref<128x128xf32, #tpu.memory_space<vmem>>, vector<16xf32>,
        %get3A_1417 = arith.index_cast %add3A_1413 : i32 to index
        %get3A_1418 = arith.constant 0 : index
        %get3A_1419 = tpu.vector_load %arg15[%get3A_1417, %get3A_1418] {strides = array<i32>} : memref<128x128xf32, #tpu.memory_space<vmem>>, vector<16xf32>,
        %mul3A_1420 = arith.mulf %get3A_1416, %get3A_1419 : vector<16xf32>
        %get3A_1421 = arith.index_cast %add3A_1413 : i32 to index
        %get3A_1422 = arith.constant 0 : index
        %get3A_1423 = tpu.vector_load %arg16[%get3A_1421, %get3A_1422] {strides = array<i32>} : memref<128x128xf32, #tpu.memory_space<vmem>>, vector<16xf32>,
        %mul3A_1424 = arith.mulf %mul3A_1420, %get3A_1423 : vector<16xf32>
        %get3A_1425 = arith.index_cast %add3A_1413 : i32 to index
        %get3A_1426 = arith.constant 16 : index
        %get3A_1427 = tpu.vector_load %arg14[%get3A_1425, %get3A_1426] {strides = array<i32>} : memref<128x128xf32, #tpu.memory_space<vmem>>, vector<16xf32>,
        %get3A_1428 = arith.index_cast %add3A_1413 : i32 to index
        %get3A_1429 = arith.constant 16 : index
        %get3A_1430 = tpu.vector_load %arg15[%get3A_1428, %get3A_1429] {strides = array<i32>} : memref<128x128xf32, #tpu.memory_space<vmem>>, vector<16xf32>,
        %mul3A_1431 = arith.mulf %get3A_1427, %get3A_1430 : vector<16xf32>
        %get3A_1432 = arith.index_cast %add3A_1413 : i32 to index
        %get3A_1433 = arith.constant 16 : index
        %get3A_1434 = tpu.vector_load %arg16[%get3A_1432, %get3A_1433] {strides = array<i32>} : memref<128x128xf32, #tpu.memory_space<vmem>>, vector<16xf32>,
        %mul3A_1435 = arith.mulf %mul3A_1431, %get3A_1434 : vector<16xf32>
        %get3A_1436 = arith.index_cast %add3A_1413 : i32 to index
        %get3A_1437 = arith.constant 32 : index
        %get3A_1438 = tpu.vector_load %arg14[%get3A_1436, %get3A_1437] {strides = array<i32>} : memref<128x128xf32, #tpu.memory_space<vmem>>, vector<16xf32>,
        %get3A_1439 = arith.index_cast %add3A_1413 : i32 to index
        %get3A_1440 = arith.constant 32 : index
        %get3A_1441 = tpu.vector_load %arg15[%get3A_1439, %get3A_1440] {strides = array<i32>} : memref<128x128xf32, #tpu.memory_space<vmem>>, vector<16xf32>,
        %mul3A_1442 = arith.mulf %get3A_1438, %get3A_1441 : vector<16xf32>
        %get3A_1443 = arith.index_cast %add3A_1413 : i32 to index
        %get3A_1444 = arith.constant 32 : index
        %get3A_1445 = tpu.vector_load %arg16[%get3A_1443, %get3A_1444] {strides = array<i32>} : memref<128x128xf32, #tpu.memory_space<vmem>>, vector<16xf32>,
        %mul3A_1446 = arith.mulf %mul3A_1442, %get3A_1445 : vector<16xf32>
        %get3A_1447 = arith.index_cast %add3A_1413 : i32 to index
        %get3A_1448 = arith.constant 48 : index
        %get3A_1449 = tpu.vector_load %arg14[%get3A_1447, %get3A_1448] {strides = array<i32>} : memref<128x128xf32, #tpu.memory_space<vmem>>, vector<16xf32>,
        %get3A_1450 = arith.index_cast %add3A_1413 : i32 to index
        %get3A_1451 = arith.constant 48 : index
        %get3A_1452 = tpu.vector_load %arg15[%get3A_1450, %get3A_1451] {strides = array<i32>} : memref<128x128xf32, #tpu.memory_space<vmem>>, vector<16xf32>,
        %mul3A_1453 = arith.mulf %get3A_1449, %get3A_1452 : vector<16xf32>
        %get3A_1454 = arith.index_cast %add3A_1413 : i32 to index
        %get3A_1455 = arith.constant 48 : index
        %get3A_1456 = tpu.vector_load %arg16[%get3A_1454, %get3A_1455] {strides = array<i32>} : memref<128x128xf32, #tpu.memory_space<vmem>>, vector<16xf32>,
        %mul3A_1457 = arith.mulf %mul3A_1453, %get3A_1456 : vector<16xf32>
        %get3A_1458 = arith.index_cast %add3A_1413 : i32 to index
        %get3A_1459 = arith.constant 64 : index
        %get3A_1460 = tpu.vector_load %arg14[%get3A_1458, %get3A_1459] {strides = array<i32>} : memref<128x128xf32, #tpu.memory_space<vmem>>, vector<16xf32>,
        %get3A_1461 = arith.index_cast %add3A_1413 : i32 to index
        %get3A_1462 = arith.constant 64 : index
        %get3A_1463 = tpu.vector_load %arg15[%get3A_1461, %get3A_1462] {strides = array<i32>} : memref<128x128xf32, #tpu.memory_space<vmem>>, vector<16xf32>,
        %mul3A_1464 = arith.mulf %get3A_1460, %get3A_1463 : vector<16xf32>
        %get3A_1465 = arith.index_cast %add3A_1413 : i32 to index
        %get3A_1466 = arith.constant 64 : index
        %get3A_1467 = tpu.vector_load %arg16[%get3A_1465, %get3A_1466] {strides = array<i32>} : memref<128x128xf32, #tpu.memory_space<vmem>>, vector<16xf32>,
        %mul3A_1468 = arith.mulf %mul3A_1464, %get3A_1467 : vector<16xf32>
        %get3A_1469 = arith.index_cast %add3A_1413 : i32 to index
        %get3A_1470 = arith.constant 80 : index
        %get3A_1471 = tpu.vector_load %arg14[%get3A_1469, %get3A_1470] {strides = array<i32>} : memref<128x128xf32, #tpu.memory_space<vmem>>, vector<16xf32>,
        %get3A_1472 = arith.index_cast %add3A_1413 : i32 to index
        %get3A_1473 = arith.constant 80 : index
        %get3A_1474 = tpu.vector_load %arg15[%get3A_1472, %get3A_1473] {strides = array<i32>} : memref<128x128xf32, #tpu.memory_space<vmem>>, vector<16xf32>,
        %mul3A_1475 = arith.mulf %get3A_1471, %get3A_1474 : vector<16xf32>
        %get3A_1476 = arith.index_cast %add3A_1413 : i32 to index
        %get3A_1477 = arith.constant 80 : index
        %get3A_1478 = tpu.vector_load %arg16[%get3A_1476, %get3A_1477] {strides = array<i32>} : memref<128x128xf32, #tpu.memory_space<vmem>>, vector<16xf32>,
        %mul3A_1479 = arith.mulf %mul3A_1475, %get3A_1478 : vector<16xf32>
        %get3A_1480 = arith.index_cast %add3A_1413 : i32 to index
        %get3A_1481 = arith.constant 96 : index
        %get3A_1482 = tpu.vector_load %arg14[%get3A_1480, %get3A_1481] {strides = array<i32>} : memref<128x128xf32, #tpu.memory_space<vmem>>, vector<16xf32>,
        %get3A_1483 = arith.index_cast %add3A_1413 : i32 to index
        %get3A_1484 = arith.constant 96 : index
        %get3A_1485 = tpu.vector_load %arg15[%get3A_1483, %get3A_1484] {strides = array<i32>} : memref<128x128xf32, #tpu.memory_space<vmem>>, vector<16xf32>,
        %mul3A_1486 = arith.mulf %get3A_1482, %get3A_1485 : vector<16xf32>
        %get3A_1487 = arith.index_cast %add3A_1413 : i32 to index
        %get3A_1488 = arith.constant 96 : index
        %get3A_1489 = tpu.vector_load %arg16[%get3A_1487, %get3A_1488] {strides = array<i32>} : memref<128x128xf32, #tpu.memory_space<vmem>>, vector<16xf32>,
        %mul3A_1490 = arith.mulf %mul3A_1486, %get3A_1489 : vector<16xf32>
        %get3A_1491 = arith.index_cast %add3A_1413 : i32 to index
        %get3A_1492 = arith.constant 112 : index
        %get3A_1493 = tpu.vector_load %arg14[%get3A_1491, %get3A_1492] {strides = array<i32>} : memref<128x128xf32, #tpu.memory_space<vmem>>, vector<16xf32>,
        %get3A_1494 = arith.index_cast %add3A_1413 : i32 to index
        %get3A_1495 = arith.constant 112 : index
        %get3A_1496 = tpu.vector_load %arg15[%get3A_1494, %get3A_1495] {strides = array<i32>} : memref<128x128xf32, #tpu.memory_space<vmem>>, vector<16xf32>,
        %mul3A_1497 = arith.mulf %get3A_1493, %get3A_1496 : vector<16xf32>
        %get3A_1498 = arith.index_cast %add3A_1413 : i32 to index
        %get3A_1499 = arith.constant 112 : index
        %get3A_1500 = tpu.vector_load %arg16[%get3A_1498, %get3A_1499] {strides = array<i32>} : memref<128x128xf32, #tpu.memory_space<vmem>>, vector<16xf32>,
        %mul3A_1501 = arith.mulf %mul3A_1497, %get3A_1500 : vector<16xf32>
        %add3A_1502 = arith.addf %mul3A_1424, %mul3A_1435 : vector<16xf32>
        %add3A_1503 = arith.addf %mul3A_1446, %mul3A_1457 : vector<16xf32>
        %add3A_1504 = arith.addf %mul3A_1468, %mul3A_1479 : vector<16xf32>
        %add3A_1505 = arith.addf %mul3A_1490, %mul3A_1501 : vector<16xf32>
        %add3A_1506 = arith.addf %add3A_1502, %add3A_1503 : vector<16xf32>
        %add3A_1507 = arith.addf %add3A_1504, %add3A_1505 : vector<16xf32>
        %add3A_1508 = arith.addf %add3A_1506, %add3A_1507 : vector<16xf32>
        %swap3A_1509 = arith.constant 128 : index
        %swap3A_1510 = tpu.vector_load %arg23[%swap3A_1509] {strides = array<i32>} : memref<256xf32, #tpu.memory_space<vmem>>, vector<16xf32>,
        tpu.vector_store %arg23[%swap3A_1509], %add3A_1508 {strides = array<i32>} : memref<256xf32, #tpu.memory_space<vmem>>, vector<16xf32>,
        %add3A_1511 = arith.constant 9 : i32
        %add3A_1512 = arith.addi %mul3A_619, %add3A_1511 : i32
        %get3A_1513 = arith.index_cast %add3A_1512 : i32 to index
        %get3A_1514 = arith.constant 0 : index
        %get3A_1515 = tpu.vector_load %arg14[%get3A_1513, %get3A_1514] {strides = array<i32>} : memref<128x128xf32, #tpu.memory_space<vmem>>, vector<16xf32>,
        %get3A_1516 = arith.index_cast %add3A_1512 : i32 to index
        %get3A_1517 = arith.constant 0 : index
        %get3A_1518 = tpu.vector_load %arg15[%get3A_1516, %get3A_1517] {strides = array<i32>} : memref<128x128xf32, #tpu.memory_space<vmem>>, vector<16xf32>,
        %mul3A_1519 = arith.mulf %get3A_1515, %get3A_1518 : vector<16xf32>
        %get3A_1520 = arith.index_cast %add3A_1512 : i32 to index
        %get3A_1521 = arith.constant 0 : index
        %get3A_1522 = tpu.vector_load %arg16[%get3A_1520, %get3A_1521] {strides = array<i32>} : memref<128x128xf32, #tpu.memory_space<vmem>>, vector<16xf32>,
        %mul3A_1523 = arith.mulf %mul3A_1519, %get3A_1522 : vector<16xf32>
        %get3A_1524 = arith.index_cast %add3A_1512 : i32 to index
        %get3A_1525 = arith.constant 16 : index
        %get3A_1526 = tpu.vector_load %arg14[%get3A_1524, %get3A_1525] {strides = array<i32>} : memref<128x128xf32, #tpu.memory_space<vmem>>, vector<16xf32>,
        %get3A_1527 = arith.index_cast %add3A_1512 : i32 to index
        %get3A_1528 = arith.constant 16 : index
        %get3A_1529 = tpu.vector_load %arg15[%get3A_1527, %get3A_1528] {strides = array<i32>} : memref<128x128xf32, #tpu.memory_space<vmem>>, vector<16xf32>,
        %mul3A_1530 = arith.mulf %get3A_1526, %get3A_1529 : vector<16xf32>
        %get3A_1531 = arith.index_cast %add3A_1512 : i32 to index
        %get3A_1532 = arith.constant 16 : index
        %get3A_1533 = tpu.vector_load %arg16[%get3A_1531, %get3A_1532] {strides = array<i32>} : memref<128x128xf32, #tpu.memory_space<vmem>>, vector<16xf32>,
        %mul3A_1534 = arith.mulf %mul3A_1530, %get3A_1533 : vector<16xf32>
        %get3A_1535 = arith.index_cast %add3A_1512 : i32 to index
        %get3A_1536 = arith.constant 32 : index
        %get3A_1537 = tpu.vector_load %arg14[%get3A_1535, %get3A_1536] {strides = array<i32>} : memref<128x128xf32, #tpu.memory_space<vmem>>, vector<16xf32>,
        %get3A_1538 = arith.index_cast %add3A_1512 : i32 to index
        %get3A_1539 = arith.constant 32 : index
        %get3A_1540 = tpu.vector_load %arg15[%get3A_1538, %get3A_1539] {strides = array<i32>} : memref<128x128xf32, #tpu.memory_space<vmem>>, vector<16xf32>,
        %mul3A_1541 = arith.mulf %get3A_1537, %get3A_1540 : vector<16xf32>
        %get3A_1542 = arith.index_cast %add3A_1512 : i32 to index
        %get3A_1543 = arith.constant 32 : index
        %get3A_1544 = tpu.vector_load %arg16[%get3A_1542, %get3A_1543] {strides = array<i32>} : memref<128x128xf32, #tpu.memory_space<vmem>>, vector<16xf32>,
        %mul3A_1545 = arith.mulf %mul3A_1541, %get3A_1544 : vector<16xf32>
        %get3A_1546 = arith.index_cast %add3A_1512 : i32 to index
        %get3A_1547 = arith.constant 48 : index
        %get3A_1548 = tpu.vector_load %arg14[%get3A_1546, %get3A_1547] {strides = array<i32>} : memref<128x128xf32, #tpu.memory_space<vmem>>, vector<16xf32>,
        %get3A_1549 = arith.index_cast %add3A_1512 : i32 to index
        %get3A_1550 = arith.constant 48 : index
        %get3A_1551 = tpu.vector_load %arg15[%get3A_1549, %get3A_1550] {strides = array<i32>} : memref<128x128xf32, #tpu.memory_space<vmem>>, vector<16xf32>,
        %mul3A_1552 = arith.mulf %get3A_1548, %get3A_1551 : vector<16xf32>
        %get3A_1553 = arith.index_cast %add3A_1512 : i32 to index
        %get3A_1554 = arith.constant 48 : index
        %get3A_1555 = tpu.vector_load %arg16[%get3A_1553, %get3A_1554] {strides = array<i32>} : memref<128x128xf32, #tpu.memory_space<vmem>>, vector<16xf32>,
        %mul3A_1556 = arith.mulf %mul3A_1552, %get3A_1555 : vector<16xf32>
        %get3A_1557 = arith.index_cast %add3A_1512 : i32 to index
        %get3A_1558 = arith.constant 64 : index
        %get3A_1559 = tpu.vector_load %arg14[%get3A_1557, %get3A_1558] {strides = array<i32>} : memref<128x128xf32, #tpu.memory_space<vmem>>, vector<16xf32>,
        %get3A_1560 = arith.index_cast %add3A_1512 : i32 to index
        %get3A_1561 = arith.constant 64 : index
        %get3A_1562 = tpu.vector_load %arg15[%get3A_1560, %get3A_1561] {strides = array<i32>} : memref<128x128xf32, #tpu.memory_space<vmem>>, vector<16xf32>,
        %mul3A_1563 = arith.mulf %get3A_1559, %get3A_1562 : vector<16xf32>
        %get3A_1564 = arith.index_cast %add3A_1512 : i32 to index
        %get3A_1565 = arith.constant 64 : index
        %get3A_1566 = tpu.vector_load %arg16[%get3A_1564, %get3A_1565] {strides = array<i32>} : memref<128x128xf32, #tpu.memory_space<vmem>>, vector<16xf32>,
        %mul3A_1567 = arith.mulf %mul3A_1563, %get3A_1566 : vector<16xf32>
        %get3A_1568 = arith.index_cast %add3A_1512 : i32 to index
        %get3A_1569 = arith.constant 80 : index
        %get3A_1570 = tpu.vector_load %arg14[%get3A_1568, %get3A_1569] {strides = array<i32>} : memref<128x128xf32, #tpu.memory_space<vmem>>, vector<16xf32>,
        %get3A_1571 = arith.index_cast %add3A_1512 : i32 to index
        %get3A_1572 = arith.constant 80 : index
        %get3A_1573 = tpu.vector_load %arg15[%get3A_1571, %get3A_1572] {strides = array<i32>} : memref<128x128xf32, #tpu.memory_space<vmem>>, vector<16xf32>,
        %mul3A_1574 = arith.mulf %get3A_1570, %get3A_1573 : vector<16xf32>
        %get3A_1575 = arith.index_cast %add3A_1512 : i32 to index
        %get3A_1576 = arith.constant 80 : index
        %get3A_1577 = tpu.vector_load %arg16[%get3A_1575, %get3A_1576] {strides = array<i32>} : memref<128x128xf32, #tpu.memory_space<vmem>>, vector<16xf32>,
        %mul3A_1578 = arith.mulf %mul3A_1574, %get3A_1577 : vector<16xf32>
        %get3A_1579 = arith.index_cast %add3A_1512 : i32 to index
        %get3A_1580 = arith.constant 96 : index
        %get3A_1581 = tpu.vector_load %arg14[%get3A_1579, %get3A_1580] {strides = array<i32>} : memref<128x128xf32, #tpu.memory_space<vmem>>, vector<16xf32>,
        %get3A_1582 = arith.index_cast %add3A_1512 : i32 to index
        %get3A_1583 = arith.constant 96 : index
        %get3A_1584 = tpu.vector_load %arg15[%get3A_1582, %get3A_1583] {strides = array<i32>} : memref<128x128xf32, #tpu.memory_space<vmem>>, vector<16xf32>,
        %mul3A_1585 = arith.mulf %get3A_1581, %get3A_1584 : vector<16xf32>
        %get3A_1586 = arith.index_cast %add3A_1512 : i32 to index
        %get3A_1587 = arith.constant 96 : index
        %get3A_1588 = tpu.vector_load %arg16[%get3A_1586, %get3A_1587] {strides = array<i32>} : memref<128x128xf32, #tpu.memory_space<vmem>>, vector<16xf32>,
        %mul3A_1589 = arith.mulf %mul3A_1585, %get3A_1588 : vector<16xf32>
        %get3A_1590 = arith.index_cast %add3A_1512 : i32 to index
        %get3A_1591 = arith.constant 112 : index
        %get3A_1592 = tpu.vector_load %arg14[%get3A_1590, %get3A_1591] {strides = array<i32>} : memref<128x128xf32, #tpu.memory_space<vmem>>, vector<16xf32>,
        %get3A_1593 = arith.index_cast %add3A_1512 : i32 to index
        %get3A_1594 = arith.constant 112 : index
        %get3A_1595 = tpu.vector_load %arg15[%get3A_1593, %get3A_1594] {strides = array<i32>} : memref<128x128xf32, #tpu.memory_space<vmem>>, vector<16xf32>,
        %mul3A_1596 = arith.mulf %get3A_1592, %get3A_1595 : vector<16xf32>
        %get3A_1597 = arith.index_cast %add3A_1512 : i32 to index
        %get3A_1598 = arith.constant 112 : index
        %get3A_1599 = tpu.vector_load %arg16[%get3A_1597, %get3A_1598] {strides = array<i32>} : memref<128x128xf32, #tpu.memory_space<vmem>>, vector<16xf32>,
        %mul3A_1600 = arith.mulf %mul3A_1596, %get3A_1599 : vector<16xf32>
        %add3A_1601 = arith.addf %mul3A_1523, %mul3A_1534 : vector<16xf32>
        %add3A_1602 = arith.addf %mul3A_1545, %mul3A_1556 : vector<16xf32>
        %add3A_1603 = arith.addf %mul3A_1567, %mul3A_1578 : vector<16xf32>
        %add3A_1604 = arith.addf %mul3A_1589, %mul3A_1600 : vector<16xf32>
        %add3A_1605 = arith.addf %add3A_1601, %add3A_1602 : vector<16xf32>
        %add3A_1606 = arith.addf %add3A_1603, %add3A_1604 : vector<16xf32>
        %add3A_1607 = arith.addf %add3A_1605, %add3A_1606 : vector<16xf32>
        %swap3A_1608 = arith.constant 144 : index
        %swap3A_1609 = tpu.vector_load %arg23[%swap3A_1608] {strides = array<i32>} : memref<256xf32, #tpu.memory_space<vmem>>, vector<16xf32>,
        tpu.vector_store %arg23[%swap3A_1608], %add3A_1607 {strides = array<i32>} : memref<256xf32, #tpu.memory_space<vmem>>, vector<16xf32>,
        %add3A_1610 = arith.constant 10 : i32
        %add3A_1611 = arith.addi %mul3A_619, %add3A_1610 : i32
        %get3A_1612 = arith.index_cast %add3A_1611 : i32 to index
        %get3A_1613 = arith.constant 0 : index
        %get3A_1614 = tpu.vector_load %arg14[%get3A_1612, %get3A_1613] {strides = array<i32>} : memref<128x128xf32, #tpu.memory_space<vmem>>, vector<16xf32>,
        %get3A_1615 = arith.index_cast %add3A_1611 : i32 to index
        %get3A_1616 = arith.constant 0 : index
        %get3A_1617 = tpu.vector_load %arg15[%get3A_1615, %get3A_1616] {strides = array<i32>} : memref<128x128xf32, #tpu.memory_space<vmem>>, vector<16xf32>,
        %mul3A_1618 = arith.mulf %get3A_1614, %get3A_1617 : vector<16xf32>
        %get3A_1619 = arith.index_cast %add3A_1611 : i32 to index
        %get3A_1620 = arith.constant 0 : index
        %get3A_1621 = tpu.vector_load %arg16[%get3A_1619, %get3A_1620] {strides = array<i32>} : memref<128x128xf32, #tpu.memory_space<vmem>>, vector<16xf32>,
        %mul3A_1622 = arith.mulf %mul3A_1618, %get3A_1621 : vector<16xf32>
        %get3A_1623 = arith.index_cast %add3A_1611 : i32 to index
        %get3A_1624 = arith.constant 16 : index
        %get3A_1625 = tpu.vector_load %arg14[%get3A_1623, %get3A_1624] {strides = array<i32>} : memref<128x128xf32, #tpu.memory_space<vmem>>, vector<16xf32>,
        %get3A_1626 = arith.index_cast %add3A_1611 : i32 to index
        %get3A_1627 = arith.constant 16 : index
        %get3A_1628 = tpu.vector_load %arg15[%get3A_1626, %get3A_1627] {strides = array<i32>} : memref<128x128xf32, #tpu.memory_space<vmem>>, vector<16xf32>,
        %mul3A_1629 = arith.mulf %get3A_1625, %get3A_1628 : vector<16xf32>
        %get3A_1630 = arith.index_cast %add3A_1611 : i32 to index
        %get3A_1631 = arith.constant 16 : index
        %get3A_1632 = tpu.vector_load %arg16[%get3A_1630, %get3A_1631] {strides = array<i32>} : memref<128x128xf32, #tpu.memory_space<vmem>>, vector<16xf32>,
        %mul3A_1633 = arith.mulf %mul3A_1629, %get3A_1632 : vector<16xf32>
        %get3A_1634 = arith.index_cast %add3A_1611 : i32 to index
        %get3A_1635 = arith.constant 32 : index
        %get3A_1636 = tpu.vector_load %arg14[%get3A_1634, %get3A_1635] {strides = array<i32>} : memref<128x128xf32, #tpu.memory_space<vmem>>, vector<16xf32>,
        %get3A_1637 = arith.index_cast %add3A_1611 : i32 to index
        %get3A_1638 = arith.constant 32 : index
        %get3A_1639 = tpu.vector_load %arg15[%get3A_1637, %get3A_1638] {strides = array<i32>} : memref<128x128xf32, #tpu.memory_space<vmem>>, vector<16xf32>,
        %mul3A_1640 = arith.mulf %get3A_1636, %get3A_1639 : vector<16xf32>
        %get3A_1641 = arith.index_cast %add3A_1611 : i32 to index
        %get3A_1642 = arith.constant 32 : index
        %get3A_1643 = tpu.vector_load %arg16[%get3A_1641, %get3A_1642] {strides = array<i32>} : memref<128x128xf32, #tpu.memory_space<vmem>>, vector<16xf32>,
        %mul3A_1644 = arith.mulf %mul3A_1640, %get3A_1643 : vector<16xf32>
        %get3A_1645 = arith.index_cast %add3A_1611 : i32 to index
        %get3A_1646 = arith.constant 48 : index
        %get3A_1647 = tpu.vector_load %arg14[%get3A_1645, %get3A_1646] {strides = array<i32>} : memref<128x128xf32, #tpu.memory_space<vmem>>, vector<16xf32>,
        %get3A_1648 = arith.index_cast %add3A_1611 : i32 to index
        %get3A_1649 = arith.constant 48 : index
        %get3A_1650 = tpu.vector_load %arg15[%get3A_1648, %get3A_1649] {strides = array<i32>} : memref<128x128xf32, #tpu.memory_space<vmem>>, vector<16xf32>,
        %mul3A_1651 = arith.mulf %get3A_1647, %get3A_1650 : vector<16xf32>
        %get3A_1652 = arith.index_cast %add3A_1611 : i32 to index
        %get3A_1653 = arith.constant 48 : index
        %get3A_1654 = tpu.vector_load %arg16[%get3A_1652, %get3A_1653] {strides = array<i32>} : memref<128x128xf32, #tpu.memory_space<vmem>>, vector<16xf32>,
        %mul3A_1655 = arith.mulf %mul3A_1651, %get3A_1654 : vector<16xf32>
        %get3A_1656 = arith.index_cast %add3A_1611 : i32 to index
        %get3A_1657 = arith.constant 64 : index
        %get3A_1658 = tpu.vector_load %arg14[%get3A_1656, %get3A_1657] {strides = array<i32>} : memref<128x128xf32, #tpu.memory_space<vmem>>, vector<16xf32>,
        %get3A_1659 = arith.index_cast %add3A_1611 : i32 to index
        %get3A_1660 = arith.constant 64 : index
        %get3A_1661 = tpu.vector_load %arg15[%get3A_1659, %get3A_1660] {strides = array<i32>} : memref<128x128xf32, #tpu.memory_space<vmem>>, vector<16xf32>,
        %mul3A_1662 = arith.mulf %get3A_1658, %get3A_1661 : vector<16xf32>
        %get3A_1663 = arith.index_cast %add3A_1611 : i32 to index
        %get3A_1664 = arith.constant 64 : index
        %get3A_1665 = tpu.vector_load %arg16[%get3A_1663, %get3A_1664] {strides = array<i32>} : memref<128x128xf32, #tpu.memory_space<vmem>>, vector<16xf32>,
        %mul3A_1666 = arith.mulf %mul3A_1662, %get3A_1665 : vector<16xf32>
        %get3A_1667 = arith.index_cast %add3A_1611 : i32 to index
        %get3A_1668 = arith.constant 80 : index
        %get3A_1669 = tpu.vector_load %arg14[%get3A_1667, %get3A_1668] {strides = array<i32>} : memref<128x128xf32, #tpu.memory_space<vmem>>, vector<16xf32>,
        %get3A_1670 = arith.index_cast %add3A_1611 : i32 to index
        %get3A_1671 = arith.constant 80 : index
        %get3A_1672 = tpu.vector_load %arg15[%get3A_1670, %get3A_1671] {strides = array<i32>} : memref<128x128xf32, #tpu.memory_space<vmem>>, vector<16xf32>,
        %mul3A_1673 = arith.mulf %get3A_1669, %get3A_1672 : vector<16xf32>
        %get3A_1674 = arith.index_cast %add3A_1611 : i32 to index
        %get3A_1675 = arith.constant 80 : index
        %get3A_1676 = tpu.vector_load %arg16[%get3A_1674, %get3A_1675] {strides = array<i32>} : memref<128x128xf32, #tpu.memory_space<vmem>>, vector<16xf32>,
        %mul3A_1677 = arith.mulf %mul3A_1673, %get3A_1676 : vector<16xf32>
        %get3A_1678 = arith.index_cast %add3A_1611 : i32 to index
        %get3A_1679 = arith.constant 96 : index
        %get3A_1680 = tpu.vector_load %arg14[%get3A_1678, %get3A_1679] {strides = array<i32>} : memref<128x128xf32, #tpu.memory_space<vmem>>, vector<16xf32>,
        %get3A_1681 = arith.index_cast %add3A_1611 : i32 to index
        %get3A_1682 = arith.constant 96 : index
        %get3A_1683 = tpu.vector_load %arg15[%get3A_1681, %get3A_1682] {strides = array<i32>} : memref<128x128xf32, #tpu.memory_space<vmem>>, vector<16xf32>,
        %mul3A_1684 = arith.mulf %get3A_1680, %get3A_1683 : vector<16xf32>
        %get3A_1685 = arith.index_cast %add3A_1611 : i32 to index
        %get3A_1686 = arith.constant 96 : index
        %get3A_1687 = tpu.vector_load %arg16[%get3A_1685, %get3A_1686] {strides = array<i32>} : memref<128x128xf32, #tpu.memory_space<vmem>>, vector<16xf32>,
        %mul3A_1688 = arith.mulf %mul3A_1684, %get3A_1687 : vector<16xf32>
        %get3A_1689 = arith.index_cast %add3A_1611 : i32 to index
        %get3A_1690 = arith.constant 112 : index
        %get3A_1691 = tpu.vector_load %arg14[%get3A_1689, %get3A_1690] {strides = array<i32>} : memref<128x128xf32, #tpu.memory_space<vmem>>, vector<16xf32>,
        %get3A_1692 = arith.index_cast %add3A_1611 : i32 to index
        %get3A_1693 = arith.constant 112 : index
        %get3A_1694 = tpu.vector_load %arg15[%get3A_1692, %get3A_1693] {strides = array<i32>} : memref<128x128xf32, #tpu.memory_space<vmem>>, vector<16xf32>,
        %mul3A_1695 = arith.mulf %get3A_1691, %get3A_1694 : vector<16xf32>
        %get3A_1696 = arith.index_cast %add3A_1611 : i32 to index
        %get3A_1697 = arith.constant 112 : index
        %get3A_1698 = tpu.vector_load %arg16[%get3A_1696, %get3A_1697] {strides = array<i32>} : memref<128x128xf32, #tpu.memory_space<vmem>>, vector<16xf32>,
        %mul3A_1699 = arith.mulf %mul3A_1695, %get3A_1698 : vector<16xf32>
        %add3A_1700 = arith.addf %mul3A_1622, %mul3A_1633 : vector<16xf32>
        %add3A_1701 = arith.addf %mul3A_1644, %mul3A_1655 : vector<16xf32>
        %add3A_1702 = arith.addf %mul3A_1666, %mul3A_1677 : vector<16xf32>
        %add3A_1703 = arith.addf %mul3A_1688, %mul3A_1699 : vector<16xf32>
        %add3A_1704 = arith.addf %add3A_1700, %add3A_1701 : vector<16xf32>
        %add3A_1705 = arith.addf %add3A_1702, %add3A_1703 : vector<16xf32>
        %add3A_1706 = arith.addf %add3A_1704, %add3A_1705 : vector<16xf32>
        %swap3A_1707 = arith.constant 160 : index
        %swap3A_1708 = tpu.vector_load %arg23[%swap3A_1707] {strides = array<i32>} : memref<256xf32, #tpu.memory_space<vmem>>, vector<16xf32>,
        tpu.vector_store %arg23[%swap3A_1707], %add3A_1706 {strides = array<i32>} : memref<256xf32, #tpu.memory_space<vmem>>, vector<16xf32>,
        %add3A_1709 = arith.constant 11 : i32
        %add3A_1710 = arith.addi %mul3A_619, %add3A_1709 : i32
        %get3A_1711 = arith.index_cast %add3A_1710 : i32 to index
        %get3A_1712 = arith.constant 0 : index
        %get3A_1713 = tpu.vector_load %arg14[%get3A_1711, %get3A_1712] {strides = array<i32>} : memref<128x128xf32, #tpu.memory_space<vmem>>, vector<16xf32>,
        %get3A_1714 = arith.index_cast %add3A_1710 : i32 to index
        %get3A_1715 = arith.constant 0 : index
        %get3A_1716 = tpu.vector_load %arg15[%get3A_1714, %get3A_1715] {strides = array<i32>} : memref<128x128xf32, #tpu.memory_space<vmem>>, vector<16xf32>,
        %mul3A_1717 = arith.mulf %get3A_1713, %get3A_1716 : vector<16xf32>
        %get3A_1718 = arith.index_cast %add3A_1710 : i32 to index
        %get3A_1719 = arith.constant 0 : index
        %get3A_1720 = tpu.vector_load %arg16[%get3A_1718, %get3A_1719] {strides = array<i32>} : memref<128x128xf32, #tpu.memory_space<vmem>>, vector<16xf32>,
        %mul3A_1721 = arith.mulf %mul3A_1717, %get3A_1720 : vector<16xf32>
        %get3A_1722 = arith.index_cast %add3A_1710 : i32 to index
        %get3A_1723 = arith.constant 16 : index
        %get3A_1724 = tpu.vector_load %arg14[%get3A_1722, %get3A_1723] {strides = array<i32>} : memref<128x128xf32, #tpu.memory_space<vmem>>, vector<16xf32>,
        %get3A_1725 = arith.index_cast %add3A_1710 : i32 to index
        %get3A_1726 = arith.constant 16 : index
        %get3A_1727 = tpu.vector_load %arg15[%get3A_1725, %get3A_1726] {strides = array<i32>} : memref<128x128xf32, #tpu.memory_space<vmem>>, vector<16xf32>,
        %mul3A_1728 = arith.mulf %get3A_1724, %get3A_1727 : vector<16xf32>
        %get3A_1729 = arith.index_cast %add3A_1710 : i32 to index
        %get3A_1730 = arith.constant 16 : index
        %get3A_1731 = tpu.vector_load %arg16[%get3A_1729, %get3A_1730] {strides = array<i32>} : memref<128x128xf32, #tpu.memory_space<vmem>>, vector<16xf32>,
        %mul3A_1732 = arith.mulf %mul3A_1728, %get3A_1731 : vector<16xf32>
        %get3A_1733 = arith.index_cast %add3A_1710 : i32 to index
        %get3A_1734 = arith.constant 32 : index
        %get3A_1735 = tpu.vector_load %arg14[%get3A_1733, %get3A_1734] {strides = array<i32>} : memref<128x128xf32, #tpu.memory_space<vmem>>, vector<16xf32>,
        %get3A_1736 = arith.index_cast %add3A_1710 : i32 to index
        %get3A_1737 = arith.constant 32 : index
        %get3A_1738 = tpu.vector_load %arg15[%get3A_1736, %get3A_1737] {strides = array<i32>} : memref<128x128xf32, #tpu.memory_space<vmem>>, vector<16xf32>,
        %mul3A_1739 = arith.mulf %get3A_1735, %get3A_1738 : vector<16xf32>
        %get3A_1740 = arith.index_cast %add3A_1710 : i32 to index
        %get3A_1741 = arith.constant 32 : index
        %get3A_1742 = tpu.vector_load %arg16[%get3A_1740, %get3A_1741] {strides = array<i32>} : memref<128x128xf32, #tpu.memory_space<vmem>>, vector<16xf32>,
        %mul3A_1743 = arith.mulf %mul3A_1739, %get3A_1742 : vector<16xf32>
        %get3A_1744 = arith.index_cast %add3A_1710 : i32 to index
        %get3A_1745 = arith.constant 48 : index
        %get3A_1746 = tpu.vector_load %arg14[%get3A_1744, %get3A_1745] {strides = array<i32>} : memref<128x128xf32, #tpu.memory_space<vmem>>, vector<16xf32>,
        %get3A_1747 = arith.index_cast %add3A_1710 : i32 to index
        %get3A_1748 = arith.constant 48 : index
        %get3A_1749 = tpu.vector_load %arg15[%get3A_1747, %get3A_1748] {strides = array<i32>} : memref<128x128xf32, #tpu.memory_space<vmem>>, vector<16xf32>,
        %mul3A_1750 = arith.mulf %get3A_1746, %get3A_1749 : vector<16xf32>
        %get3A_1751 = arith.index_cast %add3A_1710 : i32 to index
        %get3A_1752 = arith.constant 48 : index
        %get3A_1753 = tpu.vector_load %arg16[%get3A_1751, %get3A_1752] {strides = array<i32>} : memref<128x128xf32, #tpu.memory_space<vmem>>, vector<16xf32>,
        %mul3A_1754 = arith.mulf %mul3A_1750, %get3A_1753 : vector<16xf32>
        %get3A_1755 = arith.index_cast %add3A_1710 : i32 to index
        %get3A_1756 = arith.constant 64 : index
        %get3A_1757 = tpu.vector_load %arg14[%get3A_1755, %get3A_1756] {strides = array<i32>} : memref<128x128xf32, #tpu.memory_space<vmem>>, vector<16xf32>,
        %get3A_1758 = arith.index_cast %add3A_1710 : i32 to index
        %get3A_1759 = arith.constant 64 : index
        %get3A_1760 = tpu.vector_load %arg15[%get3A_1758, %get3A_1759] {strides = array<i32>} : memref<128x128xf32, #tpu.memory_space<vmem>>, vector<16xf32>,
        %mul3A_1761 = arith.mulf %get3A_1757, %get3A_1760 : vector<16xf32>
        %get3A_1762 = arith.index_cast %add3A_1710 : i32 to index
        %get3A_1763 = arith.constant 64 : index
        %get3A_1764 = tpu.vector_load %arg16[%get3A_1762, %get3A_1763] {strides = array<i32>} : memref<128x128xf32, #tpu.memory_space<vmem>>, vector<16xf32>,
        %mul3A_1765 = arith.mulf %mul3A_1761, %get3A_1764 : vector<16xf32>
        %get3A_1766 = arith.index_cast %add3A_1710 : i32 to index
        %get3A_1767 = arith.constant 80 : index
        %get3A_1768 = tpu.vector_load %arg14[%get3A_1766, %get3A_1767] {strides = array<i32>} : memref<128x128xf32, #tpu.memory_space<vmem>>, vector<16xf32>,
        %get3A_1769 = arith.index_cast %add3A_1710 : i32 to index
        %get3A_1770 = arith.constant 80 : index
        %get3A_1771 = tpu.vector_load %arg15[%get3A_1769, %get3A_1770] {strides = array<i32>} : memref<128x128xf32, #tpu.memory_space<vmem>>, vector<16xf32>,
        %mul3A_1772 = arith.mulf %get3A_1768, %get3A_1771 : vector<16xf32>
        %get3A_1773 = arith.index_cast %add3A_1710 : i32 to index
        %get3A_1774 = arith.constant 80 : index
        %get3A_1775 = tpu.vector_load %arg16[%get3A_1773, %get3A_1774] {strides = array<i32>} : memref<128x128xf32, #tpu.memory_space<vmem>>, vector<16xf32>,
        %mul3A_1776 = arith.mulf %mul3A_1772, %get3A_1775 : vector<16xf32>
        %get3A_1777 = arith.index_cast %add3A_1710 : i32 to index
        %get3A_1778 = arith.constant 96 : index
        %get3A_1779 = tpu.vector_load %arg14[%get3A_1777, %get3A_1778] {strides = array<i32>} : memref<128x128xf32, #tpu.memory_space<vmem>>, vector<16xf32>,
        %get3A_1780 = arith.index_cast %add3A_1710 : i32 to index
        %get3A_1781 = arith.constant 96 : index
        %get3A_1782 = tpu.vector_load %arg15[%get3A_1780, %get3A_1781] {strides = array<i32>} : memref<128x128xf32, #tpu.memory_space<vmem>>, vector<16xf32>,
        %mul3A_1783 = arith.mulf %get3A_1779, %get3A_1782 : vector<16xf32>
        %get3A_1784 = arith.index_cast %add3A_1710 : i32 to index
        %get3A_1785 = arith.constant 96 : index
        %get3A_1786 = tpu.vector_load %arg16[%get3A_1784, %get3A_1785] {strides = array<i32>} : memref<128x128xf32, #tpu.memory_space<vmem>>, vector<16xf32>,
        %mul3A_1787 = arith.mulf %mul3A_1783, %get3A_1786 : vector<16xf32>
        %get3A_1788 = arith.index_cast %add3A_1710 : i32 to index
        %get3A_1789 = arith.constant 112 : index
        %get3A_1790 = tpu.vector_load %arg14[%get3A_1788, %get3A_1789] {strides = array<i32>} : memref<128x128xf32, #tpu.memory_space<vmem>>, vector<16xf32>,
        %get3A_1791 = arith.index_cast %add3A_1710 : i32 to index
        %get3A_1792 = arith.constant 112 : index
        %get3A_1793 = tpu.vector_load %arg15[%get3A_1791, %get3A_1792] {strides = array<i32>} : memref<128x128xf32, #tpu.memory_space<vmem>>, vector<16xf32>,
        %mul3A_1794 = arith.mulf %get3A_1790, %get3A_1793 : vector<16xf32>
        %get3A_1795 = arith.index_cast %add3A_1710 : i32 to index
        %get3A_1796 = arith.constant 112 : index
        %get3A_1797 = tpu.vector_load %arg16[%get3A_1795, %get3A_1796] {strides = array<i32>} : memref<128x128xf32, #tpu.memory_space<vmem>>, vector<16xf32>,
        %mul3A_1798 = arith.mulf %mul3A_1794, %get3A_1797 : vector<16xf32>
        %add3A_1799 = arith.addf %mul3A_1721, %mul3A_1732 : vector<16xf32>
        %add3A_1800 = arith.addf %mul3A_1743, %mul3A_1754 : vector<16xf32>
        %add3A_1801 = arith.addf %mul3A_1765, %mul3A_1776 : vector<16xf32>
        %add3A_1802 = arith.addf %mul3A_1787, %mul3A_1798 : vector<16xf32>
        %add3A_1803 = arith.addf %add3A_1799, %add3A_1800 : vector<16xf32>
        %add3A_1804 = arith.addf %add3A_1801, %add3A_1802 : vector<16xf32>
        %add3A_1805 = arith.addf %add3A_1803, %add3A_1804 : vector<16xf32>
        %swap3A_1806 = arith.constant 176 : index
        %swap3A_1807 = tpu.vector_load %arg23[%swap3A_1806] {strides = array<i32>} : memref<256xf32, #tpu.memory_space<vmem>>, vector<16xf32>,
        tpu.vector_store %arg23[%swap3A_1806], %add3A_1805 {strides = array<i32>} : memref<256xf32, #tpu.memory_space<vmem>>, vector<16xf32>,
        %add3A_1808 = arith.constant 12 : i32
        %add3A_1809 = arith.addi %mul3A_619, %add3A_1808 : i32
        %get3A_1810 = arith.index_cast %add3A_1809 : i32 to index
        %get3A_1811 = arith.constant 0 : index
        %get3A_1812 = tpu.vector_load %arg14[%get3A_1810, %get3A_1811] {strides = array<i32>} : memref<128x128xf32, #tpu.memory_space<vmem>>, vector<16xf32>,
        %get3A_1813 = arith.index_cast %add3A_1809 : i32 to index
        %get3A_1814 = arith.constant 0 : index
        %get3A_1815 = tpu.vector_load %arg15[%get3A_1813, %get3A_1814] {strides = array<i32>} : memref<128x128xf32, #tpu.memory_space<vmem>>, vector<16xf32>,
        %mul3A_1816 = arith.mulf %get3A_1812, %get3A_1815 : vector<16xf32>
        %get3A_1817 = arith.index_cast %add3A_1809 : i32 to index
        %get3A_1818 = arith.constant 0 : index
        %get3A_1819 = tpu.vector_load %arg16[%get3A_1817, %get3A_1818] {strides = array<i32>} : memref<128x128xf32, #tpu.memory_space<vmem>>, vector<16xf32>,
        %mul3A_1820 = arith.mulf %mul3A_1816, %get3A_1819 : vector<16xf32>
        %get3A_1821 = arith.index_cast %add3A_1809 : i32 to index
        %get3A_1822 = arith.constant 16 : index
        %get3A_1823 = tpu.vector_load %arg14[%get3A_1821, %get3A_1822] {strides = array<i32>} : memref<128x128xf32, #tpu.memory_space<vmem>>, vector<16xf32>,
        %get3A_1824 = arith.index_cast %add3A_1809 : i32 to index
        %get3A_1825 = arith.constant 16 : index
        %get3A_1826 = tpu.vector_load %arg15[%get3A_1824, %get3A_1825] {strides = array<i32>} : memref<128x128xf32, #tpu.memory_space<vmem>>, vector<16xf32>,
        %mul3A_1827 = arith.mulf %get3A_1823, %get3A_1826 : vector<16xf32>
        %get3A_1828 = arith.index_cast %add3A_1809 : i32 to index
        %get3A_1829 = arith.constant 16 : index
        %get3A_1830 = tpu.vector_load %arg16[%get3A_1828, %get3A_1829] {strides = array<i32>} : memref<128x128xf32, #tpu.memory_space<vmem>>, vector<16xf32>,
        %mul3A_1831 = arith.mulf %mul3A_1827, %get3A_1830 : vector<16xf32>
        %get3A_1832 = arith.index_cast %add3A_1809 : i32 to index
        %get3A_1833 = arith.constant 32 : index
        %get3A_1834 = tpu.vector_load %arg14[%get3A_1832, %get3A_1833] {strides = array<i32>} : memref<128x128xf32, #tpu.memory_space<vmem>>, vector<16xf32>,
        %get3A_1835 = arith.index_cast %add3A_1809 : i32 to index
        %get3A_1836 = arith.constant 32 : index
        %get3A_1837 = tpu.vector_load %arg15[%get3A_1835, %get3A_1836] {strides = array<i32>} : memref<128x128xf32, #tpu.memory_space<vmem>>, vector<16xf32>,
        %mul3A_1838 = arith.mulf %get3A_1834, %get3A_1837 : vector<16xf32>
        %get3A_1839 = arith.index_cast %add3A_1809 : i32 to index
        %get3A_1840 = arith.constant 32 : index
        %get3A_1841 = tpu.vector_load %arg16[%get3A_1839, %get3A_1840] {strides = array<i32>} : memref<128x128xf32, #tpu.memory_space<vmem>>, vector<16xf32>,
        %mul3A_1842 = arith.mulf %mul3A_1838, %get3A_1841 : vector<16xf32>
        %get3A_1843 = arith.index_cast %add3A_1809 : i32 to index
        %get3A_1844 = arith.constant 48 : index
        %get3A_1845 = tpu.vector_load %arg14[%get3A_1843, %get3A_1844] {strides = array<i32>} : memref<128x128xf32, #tpu.memory_space<vmem>>, vector<16xf32>,
        %get3A_1846 = arith.index_cast %add3A_1809 : i32 to index
        %get3A_1847 = arith.constant 48 : index
        %get3A_1848 = tpu.vector_load %arg15[%get3A_1846, %get3A_1847] {strides = array<i32>} : memref<128x128xf32, #tpu.memory_space<vmem>>, vector<16xf32>,
        %mul3A_1849 = arith.mulf %get3A_1845, %get3A_1848 : vector<16xf32>
        %get3A_1850 = arith.index_cast %add3A_1809 : i32 to index
        %get3A_1851 = arith.constant 48 : index
        %get3A_1852 = tpu.vector_load %arg16[%get3A_1850, %get3A_1851] {strides = array<i32>} : memref<128x128xf32, #tpu.memory_space<vmem>>, vector<16xf32>,
        %mul3A_1853 = arith.mulf %mul3A_1849, %get3A_1852 : vector<16xf32>
        %get3A_1854 = arith.index_cast %add3A_1809 : i32 to index
        %get3A_1855 = arith.constant 64 : index
        %get3A_1856 = tpu.vector_load %arg14[%get3A_1854, %get3A_1855] {strides = array<i32>} : memref<128x128xf32, #tpu.memory_space<vmem>>, vector<16xf32>,
        %get3A_1857 = arith.index_cast %add3A_1809 : i32 to index
        %get3A_1858 = arith.constant 64 : index
        %get3A_1859 = tpu.vector_load %arg15[%get3A_1857, %get3A_1858] {strides = array<i32>} : memref<128x128xf32, #tpu.memory_space<vmem>>, vector<16xf32>,
        %mul3A_1860 = arith.mulf %get3A_1856, %get3A_1859 : vector<16xf32>
        %get3A_1861 = arith.index_cast %add3A_1809 : i32 to index
        %get3A_1862 = arith.constant 64 : index
        %get3A_1863 = tpu.vector_load %arg16[%get3A_1861, %get3A_1862] {strides = array<i32>} : memref<128x128xf32, #tpu.memory_space<vmem>>, vector<16xf32>,
        %mul3A_1864 = arith.mulf %mul3A_1860, %get3A_1863 : vector<16xf32>
        %get3A_1865 = arith.index_cast %add3A_1809 : i32 to index
        %get3A_1866 = arith.constant 80 : index
        %get3A_1867 = tpu.vector_load %arg14[%get3A_1865, %get3A_1866] {strides = array<i32>} : memref<128x128xf32, #tpu.memory_space<vmem>>, vector<16xf32>,
        %get3A_1868 = arith.index_cast %add3A_1809 : i32 to index
        %get3A_1869 = arith.constant 80 : index
        %get3A_1870 = tpu.vector_load %arg15[%get3A_1868, %get3A_1869] {strides = array<i32>} : memref<128x128xf32, #tpu.memory_space<vmem>>, vector<16xf32>,
        %mul3A_1871 = arith.mulf %get3A_1867, %get3A_1870 : vector<16xf32>
        %get3A_1872 = arith.index_cast %add3A_1809 : i32 to index
        %get3A_1873 = arith.constant 80 : index
        %get3A_1874 = tpu.vector_load %arg16[%get3A_1872, %get3A_1873] {strides = array<i32>} : memref<128x128xf32, #tpu.memory_space<vmem>>, vector<16xf32>,
        %mul3A_1875 = arith.mulf %mul3A_1871, %get3A_1874 : vector<16xf32>
        %get3A_1876 = arith.index_cast %add3A_1809 : i32 to index
        %get3A_1877 = arith.constant 96 : index
        %get3A_1878 = tpu.vector_load %arg14[%get3A_1876, %get3A_1877] {strides = array<i32>} : memref<128x128xf32, #tpu.memory_space<vmem>>, vector<16xf32>,
        %get3A_1879 = arith.index_cast %add3A_1809 : i32 to index
        %get3A_1880 = arith.constant 96 : index
        %get3A_1881 = tpu.vector_load %arg15[%get3A_1879, %get3A_1880] {strides = array<i32>} : memref<128x128xf32, #tpu.memory_space<vmem>>, vector<16xf32>,
        %mul3A_1882 = arith.mulf %get3A_1878, %get3A_1881 : vector<16xf32>
        %get3A_1883 = arith.index_cast %add3A_1809 : i32 to index
        %get3A_1884 = arith.constant 96 : index
        %get3A_1885 = tpu.vector_load %arg16[%get3A_1883, %get3A_1884] {strides = array<i32>} : memref<128x128xf32, #tpu.memory_space<vmem>>, vector<16xf32>,
        %mul3A_1886 = arith.mulf %mul3A_1882, %get3A_1885 : vector<16xf32>
        %get3A_1887 = arith.index_cast %add3A_1809 : i32 to index
        %get3A_1888 = arith.constant 112 : index
        %get3A_1889 = tpu.vector_load %arg14[%get3A_1887, %get3A_1888] {strides = array<i32>} : memref<128x128xf32, #tpu.memory_space<vmem>>, vector<16xf32>,
        %get3A_1890 = arith.index_cast %add3A_1809 : i32 to index
        %get3A_1891 = arith.constant 112 : index
        %get3A_1892 = tpu.vector_load %arg15[%get3A_1890, %get3A_1891] {strides = array<i32>} : memref<128x128xf32, #tpu.memory_space<vmem>>, vector<16xf32>,
        %mul3A_1893 = arith.mulf %get3A_1889, %get3A_1892 : vector<16xf32>
        %get3A_1894 = arith.index_cast %add3A_1809 : i32 to index
        %get3A_1895 = arith.constant 112 : index
        %get3A_1896 = tpu.vector_load %arg16[%get3A_1894, %get3A_1895] {strides = array<i32>} : memref<128x128xf32, #tpu.memory_space<vmem>>, vector<16xf32>,
        %mul3A_1897 = arith.mulf %mul3A_1893, %get3A_1896 : vector<16xf32>
        %add3A_1898 = arith.addf %mul3A_1820, %mul3A_1831 : vector<16xf32>
        %add3A_1899 = arith.addf %mul3A_1842, %mul3A_1853 : vector<16xf32>
        %add3A_1900 = arith.addf %mul3A_1864, %mul3A_1875 : vector<16xf32>
        %add3A_1901 = arith.addf %mul3A_1886, %mul3A_1897 : vector<16xf32>
        %add3A_1902 = arith.addf %add3A_1898, %add3A_1899 : vector<16xf32>
        %add3A_1903 = arith.addf %add3A_1900, %add3A_1901 : vector<16xf32>
        %add3A_1904 = arith.addf %add3A_1902, %add3A_1903 : vector<16xf32>
        %swap3A_1905 = arith.constant 192 : index
        %swap3A_1906 = tpu.vector_load %arg23[%swap3A_1905] {strides = array<i32>} : memref<256xf32, #tpu.memory_space<vmem>>, vector<16xf32>,
        tpu.vector_store %arg23[%swap3A_1905], %add3A_1904 {strides = array<i32>} : memref<256xf32, #tpu.memory_space<vmem>>, vector<16xf32>,
        %add3A_1907 = arith.constant 13 : i32
        %add3A_1908 = arith.addi %mul3A_619, %add3A_1907 : i32
        %get3A_1909 = arith.index_cast %add3A_1908 : i32 to index
        %get3A_1910 = arith.constant 0 : index
        %get3A_1911 = tpu.vector_load %arg14[%get3A_1909, %get3A_1910] {strides = array<i32>} : memref<128x128xf32, #tpu.memory_space<vmem>>, vector<16xf32>,
        %get3A_1912 = arith.index_cast %add3A_1908 : i32 to index
        %get3A_1913 = arith.constant 0 : index
        %get3A_1914 = tpu.vector_load %arg15[%get3A_1912, %get3A_1913] {strides = array<i32>} : memref<128x128xf32, #tpu.memory_space<vmem>>, vector<16xf32>,
        %mul3A_1915 = arith.mulf %get3A_1911, %get3A_1914 : vector<16xf32>
        %get3A_1916 = arith.index_cast %add3A_1908 : i32 to index
        %get3A_1917 = arith.constant 0 : index
        %get3A_1918 = tpu.vector_load %arg16[%get3A_1916, %get3A_1917] {strides = array<i32>} : memref<128x128xf32, #tpu.memory_space<vmem>>, vector<16xf32>,
        %mul3A_1919 = arith.mulf %mul3A_1915, %get3A_1918 : vector<16xf32>
        %get3A_1920 = arith.index_cast %add3A_1908 : i32 to index
        %get3A_1921 = arith.constant 16 : index
        %get3A_1922 = tpu.vector_load %arg14[%get3A_1920, %get3A_1921] {strides = array<i32>} : memref<128x128xf32, #tpu.memory_space<vmem>>, vector<16xf32>,
        %get3A_1923 = arith.index_cast %add3A_1908 : i32 to index
        %get3A_1924 = arith.constant 16 : index
        %get3A_1925 = tpu.vector_load %arg15[%get3A_1923, %get3A_1924] {strides = array<i32>} : memref<128x128xf32, #tpu.memory_space<vmem>>, vector<16xf32>,
        %mul3A_1926 = arith.mulf %get3A_1922, %get3A_1925 : vector<16xf32>
        %get3A_1927 = arith.index_cast %add3A_1908 : i32 to index
        %get3A_1928 = arith.constant 16 : index
        %get3A_1929 = tpu.vector_load %arg16[%get3A_1927, %get3A_1928] {strides = array<i32>} : memref<128x128xf32, #tpu.memory_space<vmem>>, vector<16xf32>,
        %mul3A_1930 = arith.mulf %mul3A_1926, %get3A_1929 : vector<16xf32>
        %get3A_1931 = arith.index_cast %add3A_1908 : i32 to index
        %get3A_1932 = arith.constant 32 : index
        %get3A_1933 = tpu.vector_load %arg14[%get3A_1931, %get3A_1932] {strides = array<i32>} : memref<128x128xf32, #tpu.memory_space<vmem>>, vector<16xf32>,
        %get3A_1934 = arith.index_cast %add3A_1908 : i32 to index
        %get3A_1935 = arith.constant 32 : index
        %get3A_1936 = tpu.vector_load %arg15[%get3A_1934, %get3A_1935] {strides = array<i32>} : memref<128x128xf32, #tpu.memory_space<vmem>>, vector<16xf32>,
        %mul3A_1937 = arith.mulf %get3A_1933, %get3A_1936 : vector<16xf32>
        %get3A_1938 = arith.index_cast %add3A_1908 : i32 to index
        %get3A_1939 = arith.constant 32 : index
        %get3A_1940 = tpu.vector_load %arg16[%get3A_1938, %get3A_1939] {strides = array<i32>} : memref<128x128xf32, #tpu.memory_space<vmem>>, vector<16xf32>,
        %mul3A_1941 = arith.mulf %mul3A_1937, %get3A_1940 : vector<16xf32>
        %get3A_1942 = arith.index_cast %add3A_1908 : i32 to index
        %get3A_1943 = arith.constant 48 : index
        %get3A_1944 = tpu.vector_load %arg14[%get3A_1942, %get3A_1943] {strides = array<i32>} : memref<128x128xf32, #tpu.memory_space<vmem>>, vector<16xf32>,
        %get3A_1945 = arith.index_cast %add3A_1908 : i32 to index
        %get3A_1946 = arith.constant 48 : index
        %get3A_1947 = tpu.vector_load %arg15[%get3A_1945, %get3A_1946] {strides = array<i32>} : memref<128x128xf32, #tpu.memory_space<vmem>>, vector<16xf32>,
        %mul3A_1948 = arith.mulf %get3A_1944, %get3A_1947 : vector<16xf32>
        %get3A_1949 = arith.index_cast %add3A_1908 : i32 to index
        %get3A_1950 = arith.constant 48 : index
        %get3A_1951 = tpu.vector_load %arg16[%get3A_1949, %get3A_1950] {strides = array<i32>} : memref<128x128xf32, #tpu.memory_space<vmem>>, vector<16xf32>,
        %mul3A_1952 = arith.mulf %mul3A_1948, %get3A_1951 : vector<16xf32>
        %get3A_1953 = arith.index_cast %add3A_1908 : i32 to index
        %get3A_1954 = arith.constant 64 : index
        %get3A_1955 = tpu.vector_load %arg14[%get3A_1953, %get3A_1954] {strides = array<i32>} : memref<128x128xf32, #tpu.memory_space<vmem>>, vector<16xf32>,
        %get3A_1956 = arith.index_cast %add3A_1908 : i32 to index
        %get3A_1957 = arith.constant 64 : index
        %get3A_1958 = tpu.vector_load %arg15[%get3A_1956, %get3A_1957] {strides = array<i32>} : memref<128x128xf32, #tpu.memory_space<vmem>>, vector<16xf32>,
        %mul3A_1959 = arith.mulf %get3A_1955, %get3A_1958 : vector<16xf32>
        %get3A_1960 = arith.index_cast %add3A_1908 : i32 to index
        %get3A_1961 = arith.constant 64 : index
        %get3A_1962 = tpu.vector_load %arg16[%get3A_1960, %get3A_1961] {strides = array<i32>} : memref<128x128xf32, #tpu.memory_space<vmem>>, vector<16xf32>,
        %mul3A_1963 = arith.mulf %mul3A_1959, %get3A_1962 : vector<16xf32>
        %get3A_1964 = arith.index_cast %add3A_1908 : i32 to index
        %get3A_1965 = arith.constant 80 : index
        %get3A_1966 = tpu.vector_load %arg14[%get3A_1964, %get3A_1965] {strides = array<i32>} : memref<128x128xf32, #tpu.memory_space<vmem>>, vector<16xf32>,
        %get3A_1967 = arith.index_cast %add3A_1908 : i32 to index
        %get3A_1968 = arith.constant 80 : index
        %get3A_1969 = tpu.vector_load %arg15[%get3A_1967, %get3A_1968] {strides = array<i32>} : memref<128x128xf32, #tpu.memory_space<vmem>>, vector<16xf32>,
        %mul3A_1970 = arith.mulf %get3A_1966, %get3A_1969 : vector<16xf32>
        %get3A_1971 = arith.index_cast %add3A_1908 : i32 to index
        %get3A_1972 = arith.constant 80 : index
        %get3A_1973 = tpu.vector_load %arg16[%get3A_1971, %get3A_1972] {strides = array<i32>} : memref<128x128xf32, #tpu.memory_space<vmem>>, vector<16xf32>,
        %mul3A_1974 = arith.mulf %mul3A_1970, %get3A_1973 : vector<16xf32>
        %get3A_1975 = arith.index_cast %add3A_1908 : i32 to index
        %get3A_1976 = arith.constant 96 : index
        %get3A_1977 = tpu.vector_load %arg14[%get3A_1975, %get3A_1976] {strides = array<i32>} : memref<128x128xf32, #tpu.memory_space<vmem>>, vector<16xf32>,
        %get3A_1978 = arith.index_cast %add3A_1908 : i32 to index
        %get3A_1979 = arith.constant 96 : index
        %get3A_1980 = tpu.vector_load %arg15[%get3A_1978, %get3A_1979] {strides = array<i32>} : memref<128x128xf32, #tpu.memory_space<vmem>>, vector<16xf32>,
        %mul3A_1981 = arith.mulf %get3A_1977, %get3A_1980 : vector<16xf32>
        %get3A_1982 = arith.index_cast %add3A_1908 : i32 to index
        %get3A_1983 = arith.constant 96 : index
        %get3A_1984 = tpu.vector_load %arg16[%get3A_1982, %get3A_1983] {strides = array<i32>} : memref<128x128xf32, #tpu.memory_space<vmem>>, vector<16xf32>,
        %mul3A_1985 = arith.mulf %mul3A_1981, %get3A_1984 : vector<16xf32>
        %get3A_1986 = arith.index_cast %add3A_1908 : i32 to index
        %get3A_1987 = arith.constant 112 : index
        %get3A_1988 = tpu.vector_load %arg14[%get3A_1986, %get3A_1987] {strides = array<i32>} : memref<128x128xf32, #tpu.memory_space<vmem>>, vector<16xf32>,
        %get3A_1989 = arith.index_cast %add3A_1908 : i32 to index
        %get3A_1990 = arith.constant 112 : index
        %get3A_1991 = tpu.vector_load %arg15[%get3A_1989, %get3A_1990] {strides = array<i32>} : memref<128x128xf32, #tpu.memory_space<vmem>>, vector<16xf32>,
        %mul3A_1992 = arith.mulf %get3A_1988, %get3A_1991 : vector<16xf32>
        %get3A_1993 = arith.index_cast %add3A_1908 : i32 to index
        %get3A_1994 = arith.constant 112 : index
        %get3A_1995 = tpu.vector_load %arg16[%get3A_1993, %get3A_1994] {strides = array<i32>} : memref<128x128xf32, #tpu.memory_space<vmem>>, vector<16xf32>,
        %mul3A_1996 = arith.mulf %mul3A_1992, %get3A_1995 : vector<16xf32>
        %add3A_1997 = arith.addf %mul3A_1919, %mul3A_1930 : vector<16xf32>
        %add3A_1998 = arith.addf %mul3A_1941, %mul3A_1952 : vector<16xf32>
        %add3A_1999 = arith.addf %mul3A_1963, %mul3A_1974 : vector<16xf32>
        %add3A_2000 = arith.addf %mul3A_1985, %mul3A_1996 : vector<16xf32>
        %add3A_2001 = arith.addf %add3A_1997, %add3A_1998 : vector<16xf32>
        %add3A_2002 = arith.addf %add3A_1999, %add3A_2000 : vector<16xf32>
        %add3A_2003 = arith.addf %add3A_2001, %add3A_2002 : vector<16xf32>
        %swap3A_2004 = arith.constant 208 : index
        %swap3A_2005 = tpu.vector_load %arg23[%swap3A_2004] {strides = array<i32>} : memref<256xf32, #tpu.memory_space<vmem>>, vector<16xf32>,
        tpu.vector_store %arg23[%swap3A_2004], %add3A_2003 {strides = array<i32>} : memref<256xf32, #tpu.memory_space<vmem>>, vector<16xf32>,
        %add3A_2006 = arith.constant 14 : i32
        %add3A_2007 = arith.addi %mul3A_619, %add3A_2006 : i32
        %get3A_2008 = arith.index_cast %add3A_2007 : i32 to index
        %get3A_2009 = arith.constant 0 : index
        %get3A_2010 = tpu.vector_load %arg14[%get3A_2008, %get3A_2009] {strides = array<i32>} : memref<128x128xf32, #tpu.memory_space<vmem>>, vector<16xf32>,
        %get3A_2011 = arith.index_cast %add3A_2007 : i32 to index
        %get3A_2012 = arith.constant 0 : index
        %get3A_2013 = tpu.vector_load %arg15[%get3A_2011, %get3A_2012] {strides = array<i32>} : memref<128x128xf32, #tpu.memory_space<vmem>>, vector<16xf32>,
        %mul3A_2014 = arith.mulf %get3A_2010, %get3A_2013 : vector<16xf32>
        %get3A_2015 = arith.index_cast %add3A_2007 : i32 to index
        %get3A_2016 = arith.constant 0 : index
        %get3A_2017 = tpu.vector_load %arg16[%get3A_2015, %get3A_2016] {strides = array<i32>} : memref<128x128xf32, #tpu.memory_space<vmem>>, vector<16xf32>,
        %mul3A_2018 = arith.mulf %mul3A_2014, %get3A_2017 : vector<16xf32>
        %get3A_2019 = arith.index_cast %add3A_2007 : i32 to index
        %get3A_2020 = arith.constant 16 : index
        %get3A_2021 = tpu.vector_load %arg14[%get3A_2019, %get3A_2020] {strides = array<i32>} : memref<128x128xf32, #tpu.memory_space<vmem>>, vector<16xf32>,
        %get3A_2022 = arith.index_cast %add3A_2007 : i32 to index
        %get3A_2023 = arith.constant 16 : index
        %get3A_2024 = tpu.vector_load %arg15[%get3A_2022, %get3A_2023] {strides = array<i32>} : memref<128x128xf32, #tpu.memory_space<vmem>>, vector<16xf32>,
        %mul3A_2025 = arith.mulf %get3A_2021, %get3A_2024 : vector<16xf32>
        %get3A_2026 = arith.index_cast %add3A_2007 : i32 to index
        %get3A_2027 = arith.constant 16 : index
        %get3A_2028 = tpu.vector_load %arg16[%get3A_2026, %get3A_2027] {strides = array<i32>} : memref<128x128xf32, #tpu.memory_space<vmem>>, vector<16xf32>,
        %mul3A_2029 = arith.mulf %mul3A_2025, %get3A_2028 : vector<16xf32>
        %get3A_2030 = arith.index_cast %add3A_2007 : i32 to index
        %get3A_2031 = arith.constant 32 : index
        %get3A_2032 = tpu.vector_load %arg14[%get3A_2030, %get3A_2031] {strides = array<i32>} : memref<128x128xf32, #tpu.memory_space<vmem>>, vector<16xf32>,
        %get3A_2033 = arith.index_cast %add3A_2007 : i32 to index
        %get3A_2034 = arith.constant 32 : index
        %get3A_2035 = tpu.vector_load %arg15[%get3A_2033, %get3A_2034] {strides = array<i32>} : memref<128x128xf32, #tpu.memory_space<vmem>>, vector<16xf32>,
        %mul3A_2036 = arith.mulf %get3A_2032, %get3A_2035 : vector<16xf32>
        %get3A_2037 = arith.index_cast %add3A_2007 : i32 to index
        %get3A_2038 = arith.constant 32 : index
        %get3A_2039 = tpu.vector_load %arg16[%get3A_2037, %get3A_2038] {strides = array<i32>} : memref<128x128xf32, #tpu.memory_space<vmem>>, vector<16xf32>,
        %mul3A_2040 = arith.mulf %mul3A_2036, %get3A_2039 : vector<16xf32>
        %get3A_2041 = arith.index_cast %add3A_2007 : i32 to index
        %get3A_2042 = arith.constant 48 : index
        %get3A_2043 = tpu.vector_load %arg14[%get3A_2041, %get3A_2042] {strides = array<i32>} : memref<128x128xf32, #tpu.memory_space<vmem>>, vector<16xf32>,
        %get3A_2044 = arith.index_cast %add3A_2007 : i32 to index
        %get3A_2045 = arith.constant 48 : index
        %get3A_2046 = tpu.vector_load %arg15[%get3A_2044, %get3A_2045] {strides = array<i32>} : memref<128x128xf32, #tpu.memory_space<vmem>>, vector<16xf32>,
        %mul3A_2047 = arith.mulf %get3A_2043, %get3A_2046 : vector<16xf32>
        %get3A_2048 = arith.index_cast %add3A_2007 : i32 to index
        %get3A_2049 = arith.constant 48 : index
        %get3A_2050 = tpu.vector_load %arg16[%get3A_2048, %get3A_2049] {strides = array<i32>} : memref<128x128xf32, #tpu.memory_space<vmem>>, vector<16xf32>,
        %mul3A_2051 = arith.mulf %mul3A_2047, %get3A_2050 : vector<16xf32>
        %get3A_2052 = arith.index_cast %add3A_2007 : i32 to index
        %get3A_2053 = arith.constant 64 : index
        %get3A_2054 = tpu.vector_load %arg14[%get3A_2052, %get3A_2053] {strides = array<i32>} : memref<128x128xf32, #tpu.memory_space<vmem>>, vector<16xf32>,
        %get3A_2055 = arith.index_cast %add3A_2007 : i32 to index
        %get3A_2056 = arith.constant 64 : index
        %get3A_2057 = tpu.vector_load %arg15[%get3A_2055, %get3A_2056] {strides = array<i32>} : memref<128x128xf32, #tpu.memory_space<vmem>>, vector<16xf32>,
        %mul3A_2058 = arith.mulf %get3A_2054, %get3A_2057 : vector<16xf32>
        %get3A_2059 = arith.index_cast %add3A_2007 : i32 to index
        %get3A_2060 = arith.constant 64 : index
        %get3A_2061 = tpu.vector_load %arg16[%get3A_2059, %get3A_2060] {strides = array<i32>} : memref<128x128xf32, #tpu.memory_space<vmem>>, vector<16xf32>,
        %mul3A_2062 = arith.mulf %mul3A_2058, %get3A_2061 : vector<16xf32>
        %get3A_2063 = arith.index_cast %add3A_2007 : i32 to index
        %get3A_2064 = arith.constant 80 : index
        %get3A_2065 = tpu.vector_load %arg14[%get3A_2063, %get3A_2064] {strides = array<i32>} : memref<128x128xf32, #tpu.memory_space<vmem>>, vector<16xf32>,
        %get3A_2066 = arith.index_cast %add3A_2007 : i32 to index
        %get3A_2067 = arith.constant 80 : index
        %get3A_2068 = tpu.vector_load %arg15[%get3A_2066, %get3A_2067] {strides = array<i32>} : memref<128x128xf32, #tpu.memory_space<vmem>>, vector<16xf32>,
        %mul3A_2069 = arith.mulf %get3A_2065, %get3A_2068 : vector<16xf32>
        %get3A_2070 = arith.index_cast %add3A_2007 : i32 to index
        %get3A_2071 = arith.constant 80 : index
        %get3A_2072 = tpu.vector_load %arg16[%get3A_2070, %get3A_2071] {strides = array<i32>} : memref<128x128xf32, #tpu.memory_space<vmem>>, vector<16xf32>,
        %mul3A_2073 = arith.mulf %mul3A_2069, %get3A_2072 : vector<16xf32>
        %get3A_2074 = arith.index_cast %add3A_2007 : i32 to index
        %get3A_2075 = arith.constant 96 : index
        %get3A_2076 = tpu.vector_load %arg14[%get3A_2074, %get3A_2075] {strides = array<i32>} : memref<128x128xf32, #tpu.memory_space<vmem>>, vector<16xf32>,
        %get3A_2077 = arith.index_cast %add3A_2007 : i32 to index
        %get3A_2078 = arith.constant 96 : index
        %get3A_2079 = tpu.vector_load %arg15[%get3A_2077, %get3A_2078] {strides = array<i32>} : memref<128x128xf32, #tpu.memory_space<vmem>>, vector<16xf32>,
        %mul3A_2080 = arith.mulf %get3A_2076, %get3A_2079 : vector<16xf32>
        %get3A_2081 = arith.index_cast %add3A_2007 : i32 to index
        %get3A_2082 = arith.constant 96 : index
        %get3A_2083 = tpu.vector_load %arg16[%get3A_2081, %get3A_2082] {strides = array<i32>} : memref<128x128xf32, #tpu.memory_space<vmem>>, vector<16xf32>,
        %mul3A_2084 = arith.mulf %mul3A_2080, %get3A_2083 : vector<16xf32>
        %get3A_2085 = arith.index_cast %add3A_2007 : i32 to index
        %get3A_2086 = arith.constant 112 : index
        %get3A_2087 = tpu.vector_load %arg14[%get3A_2085, %get3A_2086] {strides = array<i32>} : memref<128x128xf32, #tpu.memory_space<vmem>>, vector<16xf32>,
        %get3A_2088 = arith.index_cast %add3A_2007 : i32 to index
        %get3A_2089 = arith.constant 112 : index
        %get3A_2090 = tpu.vector_load %arg15[%get3A_2088, %get3A_2089] {strides = array<i32>} : memref<128x128xf32, #tpu.memory_space<vmem>>, vector<16xf32>,
        %mul3A_2091 = arith.mulf %get3A_2087, %get3A_2090 : vector<16xf32>
        %get3A_2092 = arith.index_cast %add3A_2007 : i32 to index
        %get3A_2093 = arith.constant 112 : index
        %get3A_2094 = tpu.vector_load %arg16[%get3A_2092, %get3A_2093] {strides = array<i32>} : memref<128x128xf32, #tpu.memory_space<vmem>>, vector<16xf32>,
        %mul3A_2095 = arith.mulf %mul3A_2091, %get3A_2094 : vector<16xf32>
        %add3A_2096 = arith.addf %mul3A_2018, %mul3A_2029 : vector<16xf32>
        %add3A_2097 = arith.addf %mul3A_2040, %mul3A_2051 : vector<16xf32>
        %add3A_2098 = arith.addf %mul3A_2062, %mul3A_2073 : vector<16xf32>
        %add3A_2099 = arith.addf %mul3A_2084, %mul3A_2095 : vector<16xf32>
        %add3A_2100 = arith.addf %add3A_2096, %add3A_2097 : vector<16xf32>
        %add3A_2101 = arith.addf %add3A_2098, %add3A_2099 : vector<16xf32>
        %add3A_2102 = arith.addf %add3A_2100, %add3A_2101 : vector<16xf32>
        %swap3A_2103 = arith.constant 224 : index
        %swap3A_2104 = tpu.vector_load %arg23[%swap3A_2103] {strides = array<i32>} : memref<256xf32, #tpu.memory_space<vmem>>, vector<16xf32>,
        tpu.vector_store %arg23[%swap3A_2103], %add3A_2102 {strides = array<i32>} : memref<256xf32, #tpu.memory_space<vmem>>, vector<16xf32>,
        %add3A_2105 = arith.constant 15 : i32
        %add3A_2106 = arith.addi %mul3A_619, %add3A_2105 : i32
        %get3A_2107 = arith.index_cast %add3A_2106 : i32 to index
        %get3A_2108 = arith.constant 0 : index
        %get3A_2109 = tpu.vector_load %arg14[%get3A_2107, %get3A_2108] {strides = array<i32>} : memref<128x128xf32, #tpu.memory_space<vmem>>, vector<16xf32>,
        %get3A_2110 = arith.index_cast %add3A_2106 : i32 to index
        %get3A_2111 = arith.constant 0 : index
        %get3A_2112 = tpu.vector_load %arg15[%get3A_2110, %get3A_2111] {strides = array<i32>} : memref<128x128xf32, #tpu.memory_space<vmem>>, vector<16xf32>,
        %mul3A_2113 = arith.mulf %get3A_2109, %get3A_2112 : vector<16xf32>
        %get3A_2114 = arith.index_cast %add3A_2106 : i32 to index
        %get3A_2115 = arith.constant 0 : index
        %get3A_2116 = tpu.vector_load %arg16[%get3A_2114, %get3A_2115] {strides = array<i32>} : memref<128x128xf32, #tpu.memory_space<vmem>>, vector<16xf32>,
        %mul3A_2117 = arith.mulf %mul3A_2113, %get3A_2116 : vector<16xf32>
        %get3A_2118 = arith.index_cast %add3A_2106 : i32 to index
        %get3A_2119 = arith.constant 16 : index
        %get3A_2120 = tpu.vector_load %arg14[%get3A_2118, %get3A_2119] {strides = array<i32>} : memref<128x128xf32, #tpu.memory_space<vmem>>, vector<16xf32>,
        %get3A_2121 = arith.index_cast %add3A_2106 : i32 to index
        %get3A_2122 = arith.constant 16 : index
        %get3A_2123 = tpu.vector_load %arg15[%get3A_2121, %get3A_2122] {strides = array<i32>} : memref<128x128xf32, #tpu.memory_space<vmem>>, vector<16xf32>,
        %mul3A_2124 = arith.mulf %get3A_2120, %get3A_2123 : vector<16xf32>
        %get3A_2125 = arith.index_cast %add3A_2106 : i32 to index
        %get3A_2126 = arith.constant 16 : index
        %get3A_2127 = tpu.vector_load %arg16[%get3A_2125, %get3A_2126] {strides = array<i32>} : memref<128x128xf32, #tpu.memory_space<vmem>>, vector<16xf32>,
        %mul3A_2128 = arith.mulf %mul3A_2124, %get3A_2127 : vector<16xf32>
        %get3A_2129 = arith.index_cast %add3A_2106 : i32 to index
        %get3A_2130 = arith.constant 32 : index
        %get3A_2131 = tpu.vector_load %arg14[%get3A_2129, %get3A_2130] {strides = array<i32>} : memref<128x128xf32, #tpu.memory_space<vmem>>, vector<16xf32>,
        %get3A_2132 = arith.index_cast %add3A_2106 : i32 to index
        %get3A_2133 = arith.constant 32 : index
        %get3A_2134 = tpu.vector_load %arg15[%get3A_2132, %get3A_2133] {strides = array<i32>} : memref<128x128xf32, #tpu.memory_space<vmem>>, vector<16xf32>,
        %mul3A_2135 = arith.mulf %get3A_2131, %get3A_2134 : vector<16xf32>
        %get3A_2136 = arith.index_cast %add3A_2106 : i32 to index
        %get3A_2137 = arith.constant 32 : index
        %get3A_2138 = tpu.vector_load %arg16[%get3A_2136, %get3A_2137] {strides = array<i32>} : memref<128x128xf32, #tpu.memory_space<vmem>>, vector<16xf32>,
        %mul3A_2139 = arith.mulf %mul3A_2135, %get3A_2138 : vector<16xf32>
        %get3A_2140 = arith.index_cast %add3A_2106 : i32 to index
        %get3A_2141 = arith.constant 48 : index
        %get3A_2142 = tpu.vector_load %arg14[%get3A_2140, %get3A_2141] {strides = array<i32>} : memref<128x128xf32, #tpu.memory_space<vmem>>, vector<16xf32>,
        %get3A_2143 = arith.index_cast %add3A_2106 : i32 to index
        %get3A_2144 = arith.constant 48 : index
        %get3A_2145 = tpu.vector_load %arg15[%get3A_2143, %get3A_2144] {strides = array<i32>} : memref<128x128xf32, #tpu.memory_space<vmem>>, vector<16xf32>,
        %mul3A_2146 = arith.mulf %get3A_2142, %get3A_2145 : vector<16xf32>
        %get3A_2147 = arith.index_cast %add3A_2106 : i32 to index
        %get3A_2148 = arith.constant 48 : index
        %get3A_2149 = tpu.vector_load %arg16[%get3A_2147, %get3A_2148] {strides = array<i32>} : memref<128x128xf32, #tpu.memory_space<vmem>>, vector<16xf32>,
        %mul3A_2150 = arith.mulf %mul3A_2146, %get3A_2149 : vector<16xf32>
        %get3A_2151 = arith.index_cast %add3A_2106 : i32 to index
        %get3A_2152 = arith.constant 64 : index
        %get3A_2153 = tpu.vector_load %arg14[%get3A_2151, %get3A_2152] {strides = array<i32>} : memref<128x128xf32, #tpu.memory_space<vmem>>, vector<16xf32>,
        %get3A_2154 = arith.index_cast %add3A_2106 : i32 to index
        %get3A_2155 = arith.constant 64 : index
        %get3A_2156 = tpu.vector_load %arg15[%get3A_2154, %get3A_2155] {strides = array<i32>} : memref<128x128xf32, #tpu.memory_space<vmem>>, vector<16xf32>,
        %mul3A_2157 = arith.mulf %get3A_2153, %get3A_2156 : vector<16xf32>
        %get3A_2158 = arith.index_cast %add3A_2106 : i32 to index
        %get3A_2159 = arith.constant 64 : index
        %get3A_2160 = tpu.vector_load %arg16[%get3A_2158, %get3A_2159] {strides = array<i32>} : memref<128x128xf32, #tpu.memory_space<vmem>>, vector<16xf32>,
        %mul3A_2161 = arith.mulf %mul3A_2157, %get3A_2160 : vector<16xf32>
        %get3A_2162 = arith.index_cast %add3A_2106 : i32 to index
        %get3A_2163 = arith.constant 80 : index
        %get3A_2164 = tpu.vector_load %arg14[%get3A_2162, %get3A_2163] {strides = array<i32>} : memref<128x128xf32, #tpu.memory_space<vmem>>, vector<16xf32>,
        %get3A_2165 = arith.index_cast %add3A_2106 : i32 to index
        %get3A_2166 = arith.constant 80 : index
        %get3A_2167 = tpu.vector_load %arg15[%get3A_2165, %get3A_2166] {strides = array<i32>} : memref<128x128xf32, #tpu.memory_space<vmem>>, vector<16xf32>,
        %mul3A_2168 = arith.mulf %get3A_2164, %get3A_2167 : vector<16xf32>
        %get3A_2169 = arith.index_cast %add3A_2106 : i32 to index
        %get3A_2170 = arith.constant 80 : index
        %get3A_2171 = tpu.vector_load %arg16[%get3A_2169, %get3A_2170] {strides = array<i32>} : memref<128x128xf32, #tpu.memory_space<vmem>>, vector<16xf32>,
        %mul3A_2172 = arith.mulf %mul3A_2168, %get3A_2171 : vector<16xf32>
        %get3A_2173 = arith.index_cast %add3A_2106 : i32 to index
        %get3A_2174 = arith.constant 96 : index
        %get3A_2175 = tpu.vector_load %arg14[%get3A_2173, %get3A_2174] {strides = array<i32>} : memref<128x128xf32, #tpu.memory_space<vmem>>, vector<16xf32>,
        %get3A_2176 = arith.index_cast %add3A_2106 : i32 to index
        %get3A_2177 = arith.constant 96 : index
        %get3A_2178 = tpu.vector_load %arg15[%get3A_2176, %get3A_2177] {strides = array<i32>} : memref<128x128xf32, #tpu.memory_space<vmem>>, vector<16xf32>,
        %mul3A_2179 = arith.mulf %get3A_2175, %get3A_2178 : vector<16xf32>
        %get3A_2180 = arith.index_cast %add3A_2106 : i32 to index
        %get3A_2181 = arith.constant 96 : index
        %get3A_2182 = tpu.vector_load %arg16[%get3A_2180, %get3A_2181] {strides = array<i32>} : memref<128x128xf32, #tpu.memory_space<vmem>>, vector<16xf32>,
        %mul3A_2183 = arith.mulf %mul3A_2179, %get3A_2182 : vector<16xf32>
        %get3A_2184 = arith.index_cast %add3A_2106 : i32 to index
        %get3A_2185 = arith.constant 112 : index
        %get3A_2186 = tpu.vector_load %arg14[%get3A_2184, %get3A_2185] {strides = array<i32>} : memref<128x128xf32, #tpu.memory_space<vmem>>, vector<16xf32>,
        %get3A_2187 = arith.index_cast %add3A_2106 : i32 to index
        %get3A_2188 = arith.constant 112 : index
        %get3A_2189 = tpu.vector_load %arg15[%get3A_2187, %get3A_2188] {strides = array<i32>} : memref<128x128xf32, #tpu.memory_space<vmem>>, vector<16xf32>,
        %mul3A_2190 = arith.mulf %get3A_2186, %get3A_2189 : vector<16xf32>
        %get3A_2191 = arith.index_cast %add3A_2106 : i32 to index
        %get3A_2192 = arith.constant 112 : index
        %get3A_2193 = tpu.vector_load %arg16[%get3A_2191, %get3A_2192] {strides = array<i32>} : memref<128x128xf32, #tpu.memory_space<vmem>>, vector<16xf32>,
        %mul3A_2194 = arith.mulf %mul3A_2190, %get3A_2193 : vector<16xf32>
        %add3A_2195 = arith.addf %mul3A_2117, %mul3A_2128 : vector<16xf32>
        %add3A_2196 = arith.addf %mul3A_2139, %mul3A_2150 : vector<16xf32>
        %add3A_2197 = arith.addf %mul3A_2161, %mul3A_2172 : vector<16xf32>
        %add3A_2198 = arith.addf %mul3A_2183, %mul3A_2194 : vector<16xf32>
        %add3A_2199 = arith.addf %add3A_2195, %add3A_2196 : vector<16xf32>
        %add3A_2200 = arith.addf %add3A_2197, %add3A_2198 : vector<16xf32>
        %add3A_2201 = arith.addf %add3A_2199, %add3A_2200 : vector<16xf32>
        %swap3A_2202 = arith.constant 240 : index
        %swap3A_2203 = tpu.vector_load %arg23[%swap3A_2202] {strides = array<i32>} : memref<256xf32, #tpu.memory_space<vmem>>, vector<16xf32>,
        tpu.vector_store %arg23[%swap3A_2202], %add3A_2201 {strides = array<i32>} : memref<256xf32, #tpu.memory_space<vmem>>, vector<16xf32>,
        %gather3A = tpu.vector_load_idx %arg23[%mul3A_5] : memref<256xf32, #tpu.memory_space<vmem>>[vector<16xi32>], vector<16xf32>,
        %add3A_2204 = arith.constant 1 : i32
        %add3A_2205 = vector.broadcast %add3A_2204 : i32 to vector<16xi32>
        %add3A_2206 = arith.addi %mul3A_5, %add3A_2205 : vector<16xi32>
        %gather3A_2207 = tpu.vector_load_idx %arg23[%add3A_2206] : memref<256xf32, #tpu.memory_space<vmem>>[vector<16xi32>], vector<16xf32>,
        %add3A_2208 = arith.addf %gather3A, %gather3A_2207 : vector<16xf32>
        %add3A_2209 = arith.constant 2 : i32
        %add3A_2210 = vector.broadcast %add3A_2209 : i32 to vector<16xi32>
        %add3A_2211 = arith.addi %mul3A_5, %add3A_2210 : vector<16xi32>
        %gather3A_2212 = tpu.vector_load_idx %arg23[%add3A_2211] : memref<256xf32, #tpu.memory_space<vmem>>[vector<16xi32>], vector<16xf32>,
        %add3A_2213 = arith.addf %add3A_2208, %gather3A_2212 : vector<16xf32>
        %add3A_2214 = arith.constant 3 : i32
        %add3A_2215 = vector.broadcast %add3A_2214 : i32 to vector<16xi32>
        %add3A_2216 = arith.addi %mul3A_5, %add3A_2215 : vector<16xi32>
        %gather3A_2217 = tpu.vector_load_idx %arg23[%add3A_2216] : memref<256xf32, #tpu.memory_space<vmem>>[vector<16xi32>], vector<16xf32>,
        %add3A_2218 = arith.addf %add3A_2213, %gather3A_2217 : vector<16xf32>
        %add3A_2219 = arith.constant 4 : i32
        %add3A_2220 = vector.broadcast %add3A_2219 : i32 to vector<16xi32>
        %add3A_2221 = arith.addi %mul3A_5, %add3A_2220 : vector<16xi32>
        %gather3A_2222 = tpu.vector_load_idx %arg23[%add3A_2221] : memref<256xf32, #tpu.memory_space<vmem>>[vector<16xi32>], vector<16xf32>,
        %add3A_2223 = arith.addf %add3A_2218, %gather3A_2222 : vector<16xf32>
        %add3A_2224 = arith.constant 5 : i32
        %add3A_2225 = vector.broadcast %add3A_2224 : i32 to vector<16xi32>
        %add3A_2226 = arith.addi %mul3A_5, %add3A_2225 : vector<16xi32>
        %gather3A_2227 = tpu.vector_load_idx %arg23[%add3A_2226] : memref<256xf32, #tpu.memory_space<vmem>>[vector<16xi32>], vector<16xf32>,
        %add3A_2228 = arith.addf %add3A_2223, %gather3A_2227 : vector<16xf32>
        %add3A_2229 = arith.constant 6 : i32
        %add3A_2230 = vector.broadcast %add3A_2229 : i32 to vector<16xi32>
        %add3A_2231 = arith.addi %mul3A_5, %add3A_2230 : vector<16xi32>
        %gather3A_2232 = tpu.vector_load_idx %arg23[%add3A_2231] : memref<256xf32, #tpu.memory_space<vmem>>[vector<16xi32>], vector<16xf32>,
        %add3A_2233 = arith.addf %add3A_2228, %gather3A_2232 : vector<16xf32>
        %add3A_2234 = arith.constant 7 : i32
        %add3A_2235 = vector.broadcast %add3A_2234 : i32 to vector<16xi32>
        %add3A_2236 = arith.addi %mul3A_5, %add3A_2235 : vector<16xi32>
        %gather3A_2237 = tpu.vector_load_idx %arg23[%add3A_2236] : memref<256xf32, #tpu.memory_space<vmem>>[vector<16xi32>], vector<16xf32>,
        %add3A_2238 = arith.addf %add3A_2233, %gather3A_2237 : vector<16xf32>
        %add3A_2239 = arith.constant 8 : i32
        %add3A_2240 = vector.broadcast %add3A_2239 : i32 to vector<16xi32>
        %add3A_2241 = arith.addi %mul3A_5, %add3A_2240 : vector<16xi32>
        %gather3A_2242 = tpu.vector_load_idx %arg23[%add3A_2241] : memref<256xf32, #tpu.memory_space<vmem>>[vector<16xi32>], vector<16xf32>,
        %add3A_2243 = arith.addf %add3A_2238, %gather3A_2242 : vector<16xf32>
        %add3A_2244 = arith.constant 9 : i32
        %add3A_2245 = vector.broadcast %add3A_2244 : i32 to vector<16xi32>
        %add3A_2246 = arith.addi %mul3A_5, %add3A_2245 : vector<16xi32>
        %gather3A_2247 = tpu.vector_load_idx %arg23[%add3A_2246] : memref<256xf32, #tpu.memory_space<vmem>>[vector<16xi32>], vector<16xf32>,
        %add3A_2248 = arith.addf %add3A_2243, %gather3A_2247 : vector<16xf32>
        %add3A_2249 = arith.constant 10 : i32
        %add3A_2250 = vector.broadcast %add3A_2249 : i32 to vector<16xi32>
        %add3A_2251 = arith.addi %mul3A_5, %add3A_2250 : vector<16xi32>
        %gather3A_2252 = tpu.vector_load_idx %arg23[%add3A_2251] : memref<256xf32, #tpu.memory_space<vmem>>[vector<16xi32>], vector<16xf32>,
        %add3A_2253 = arith.addf %add3A_2248, %gather3A_2252 : vector<16xf32>
        %add3A_2254 = arith.constant 11 : i32
        %add3A_2255 = vector.broadcast %add3A_2254 : i32 to vector<16xi32>
        %add3A_2256 = arith.addi %mul3A_5, %add3A_2255 : vector<16xi32>
        %gather3A_2257 = tpu.vector_load_idx %arg23[%add3A_2256] : memref<256xf32, #tpu.memory_space<vmem>>[vector<16xi32>], vector<16xf32>,
        %add3A_2258 = arith.addf %add3A_2253, %gather3A_2257 : vector<16xf32>
        %add3A_2259 = arith.constant 12 : i32
        %add3A_2260 = vector.broadcast %add3A_2259 : i32 to vector<16xi32>
        %add3A_2261 = arith.addi %mul3A_5, %add3A_2260 : vector<16xi32>
        %gather3A_2262 = tpu.vector_load_idx %arg23[%add3A_2261] : memref<256xf32, #tpu.memory_space<vmem>>[vector<16xi32>], vector<16xf32>,
        %add3A_2263 = arith.addf %add3A_2258, %gather3A_2262 : vector<16xf32>
        %add3A_2264 = arith.constant 13 : i32
        %add3A_2265 = vector.broadcast %add3A_2264 : i32 to vector<16xi32>
        %add3A_2266 = arith.addi %mul3A_5, %add3A_2265 : vector<16xi32>
        %gather3A_2267 = tpu.vector_load_idx %arg23[%add3A_2266] : memref<256xf32, #tpu.memory_space<vmem>>[vector<16xi32>], vector<16xf32>,
        %add3A_2268 = arith.addf %add3A_2263, %gather3A_2267 : vector<16xf32>
        %add3A_2269 = arith.constant 14 : i32
        %add3A_2270 = vector.broadcast %add3A_2269 : i32 to vector<16xi32>
        %add3A_2271 = arith.addi %mul3A_5, %add3A_2270 : vector<16xi32>
        %gather3A_2272 = tpu.vector_load_idx %arg23[%add3A_2271] : memref<256xf32, #tpu.memory_space<vmem>>[vector<16xi32>], vector<16xf32>,
        %add3A_2273 = arith.addf %add3A_2268, %gather3A_2272 : vector<16xf32>
        %add3A_2274 = arith.constant 15 : i32
        %add3A_2275 = vector.broadcast %add3A_2274 : i32 to vector<16xi32>
        %add3A_2276 = arith.addi %mul3A_5, %add3A_2275 : vector<16xi32>
        %gather3A_2277 = tpu.vector_load_idx %arg23[%add3A_2276] : memref<256xf32, #tpu.memory_space<vmem>>[vector<16xi32>], vector<16xf32>,
        %add3A_2278 = arith.addf %add3A_2273, %gather3A_2277 : vector<16xf32>
        %add3A_2279 = arith.addi %mul3A_600, %mul3A_619 : i32
        %swap3A_2280 = arith.index_cast %add3A_2279 : i32 to index
        %swap3A_2281 = tpu.vector_load %arg24[%swap3A_2280] {strides = array<i32>} : memref<512xf32, #tpu.memory_space<vmem>>, vector<16xf32>,
        tpu.vector_store %arg24[%swap3A_2280], %add3A_2278 {strides = array<i32>} : memref<512xf32, #tpu.memory_space<vmem>>, vector<16xf32>,
        %scan3A_2282 = arith.constant 0 : i32
        scf.yield %scan3A_2282 : i32
      }
      %scan3A_607 = arith.constant 8 : i32
      %add3A_608 = arith.constant 3 : i32
      %add3A_609 = arith.addi %mul3A_541, %add3A_608 : i32
      %lt3A_610 = arith.constant 4 : i32
      %lt3A_611 = arith.cmpi slt, %add3A_609, %lt3A_610 : i32
      %convert_element_type3A_612 = arith.extui %lt3A_611 : i1 to i32
      %cond3A_613 = arith.constant 0 : i32
      %cond3A_614 = arith.cmpi ne, %convert_element_type3A_612, %cond3A_613 : i32
      scf.if %cond3A_614 {
        %add3A_616 = arith.constant 3 : i32
        %add3A_617 = arith.addi %mul3A_541, %add3A_616 : i32
        %get3A_618 = arith.index_cast %add3A_617 : i32 to index
        %get3A_619 = arith.constant 0 : index
        %get3A_620 = tpu.vector_load %arg8[%get3A_618, %get3A_619] {strides = array<i32>} : memref<4x128xi32, #tpu.memory_space<vmem>>, vector<16xi32>,
        %swap3A_621 = arith.constant 0 : index
        %swap3A_622 = tpu.vector_load %arg20[%swap3A_621] {strides = array<i32>} : memref<128xi32, #tpu.memory_space<vmem>>, vector<16xi32>,
        tpu.vector_store %arg20[%swap3A_621], %get3A_620 {strides = array<i32>} : memref<128xi32, #tpu.memory_space<vmem>>, vector<16xi32>,
        %get3A_623 = arith.index_cast %add3A_617 : i32 to index
        %get3A_624 = arith.constant 0 : index
        %get3A_625 = tpu.vector_load %arg9[%get3A_623, %get3A_624] {strides = array<i32>} : memref<4x128xi32, #tpu.memory_space<vmem>>, vector<16xi32>,
        %swap3A_626 = arith.constant 0 : index
        %swap3A_627 = tpu.vector_load %arg21[%swap3A_626] {strides = array<i32>} : memref<128xi32, #tpu.memory_space<vmem>>, vector<16xi32>,
        tpu.vector_store %arg21[%swap3A_626], %get3A_625 {strides = array<i32>} : memref<128xi32, #tpu.memory_space<vmem>>, vector<16xi32>,
        %get3A_628 = arith.index_cast %add3A_617 : i32 to index
        %get3A_629 = arith.constant 0 : index
        %get3A_630 = tpu.vector_load %arg10[%get3A_628, %get3A_629] {strides = array<i32>} : memref<4x128xi32, #tpu.memory_space<vmem>>, vector<16xi32>,
        %swap3A_631 = arith.constant 0 : index
        %swap3A_632 = tpu.vector_load %arg22[%swap3A_631] {strides = array<i32>} : memref<128xi32, #tpu.memory_space<vmem>>, vector<16xi32>,
        tpu.vector_store %arg22[%swap3A_631], %get3A_630 {strides = array<i32>} : memref<128xi32, #tpu.memory_space<vmem>>, vector<16xi32>,
        %get3A_633 = arith.index_cast %add3A_617 : i32 to index
        %get3A_634 = arith.constant 16 : index
        %get3A_635 = tpu.vector_load %arg8[%get3A_633, %get3A_634] {strides = array<i32>} : memref<4x128xi32, #tpu.memory_space<vmem>>, vector<16xi32>,
        %swap3A_636 = arith.constant 16 : index
        %swap3A_637 = tpu.vector_load %arg20[%swap3A_636] {strides = array<i32>} : memref<128xi32, #tpu.memory_space<vmem>>, vector<16xi32>,
        tpu.vector_store %arg20[%swap3A_636], %get3A_635 {strides = array<i32>} : memref<128xi32, #tpu.memory_space<vmem>>, vector<16xi32>,
        %get3A_638 = arith.index_cast %add3A_617 : i32 to index
        %get3A_639 = arith.constant 16 : index
        %get3A_640 = tpu.vector_load %arg9[%get3A_638, %get3A_639] {strides = array<i32>} : memref<4x128xi32, #tpu.memory_space<vmem>>, vector<16xi32>,
        %swap3A_641 = arith.constant 16 : index
        %swap3A_642 = tpu.vector_load %arg21[%swap3A_641] {strides = array<i32>} : memref<128xi32, #tpu.memory_space<vmem>>, vector<16xi32>,
        tpu.vector_store %arg21[%swap3A_641], %get3A_640 {strides = array<i32>} : memref<128xi32, #tpu.memory_space<vmem>>, vector<16xi32>,
        %get3A_643 = arith.index_cast %add3A_617 : i32 to index
        %get3A_644 = arith.constant 16 : index
        %get3A_645 = tpu.vector_load %arg10[%get3A_643, %get3A_644] {strides = array<i32>} : memref<4x128xi32, #tpu.memory_space<vmem>>, vector<16xi32>,
        %swap3A_646 = arith.constant 16 : index
        %swap3A_647 = tpu.vector_load %arg22[%swap3A_646] {strides = array<i32>} : memref<128xi32, #tpu.memory_space<vmem>>, vector<16xi32>,
        tpu.vector_store %arg22[%swap3A_646], %get3A_645 {strides = array<i32>} : memref<128xi32, #tpu.memory_space<vmem>>, vector<16xi32>,
        %get3A_648 = arith.index_cast %add3A_617 : i32 to index
        %get3A_649 = arith.constant 32 : index
        %get3A_650 = tpu.vector_load %arg8[%get3A_648, %get3A_649] {strides = array<i32>} : memref<4x128xi32, #tpu.memory_space<vmem>>, vector<16xi32>,
        %swap3A_651 = arith.constant 32 : index
        %swap3A_652 = tpu.vector_load %arg20[%swap3A_651] {strides = array<i32>} : memref<128xi32, #tpu.memory_space<vmem>>, vector<16xi32>,
        tpu.vector_store %arg20[%swap3A_651], %get3A_650 {strides = array<i32>} : memref<128xi32, #tpu.memory_space<vmem>>, vector<16xi32>,
        %get3A_653 = arith.index_cast %add3A_617 : i32 to index
        %get3A_654 = arith.constant 32 : index
        %get3A_655 = tpu.vector_load %arg9[%get3A_653, %get3A_654] {strides = array<i32>} : memref<4x128xi32, #tpu.memory_space<vmem>>, vector<16xi32>,
        %swap3A_656 = arith.constant 32 : index
        %swap3A_657 = tpu.vector_load %arg21[%swap3A_656] {strides = array<i32>} : memref<128xi32, #tpu.memory_space<vmem>>, vector<16xi32>,
        tpu.vector_store %arg21[%swap3A_656], %get3A_655 {strides = array<i32>} : memref<128xi32, #tpu.memory_space<vmem>>, vector<16xi32>,
        %get3A_658 = arith.index_cast %add3A_617 : i32 to index
        %get3A_659 = arith.constant 32 : index
        %get3A_660 = tpu.vector_load %arg10[%get3A_658, %get3A_659] {strides = array<i32>} : memref<4x128xi32, #tpu.memory_space<vmem>>, vector<16xi32>,
        %swap3A_661 = arith.constant 32 : index
        %swap3A_662 = tpu.vector_load %arg22[%swap3A_661] {strides = array<i32>} : memref<128xi32, #tpu.memory_space<vmem>>, vector<16xi32>,
        tpu.vector_store %arg22[%swap3A_661], %get3A_660 {strides = array<i32>} : memref<128xi32, #tpu.memory_space<vmem>>, vector<16xi32>,
        %get3A_663 = arith.index_cast %add3A_617 : i32 to index
        %get3A_664 = arith.constant 48 : index
        %get3A_665 = tpu.vector_load %arg8[%get3A_663, %get3A_664] {strides = array<i32>} : memref<4x128xi32, #tpu.memory_space<vmem>>, vector<16xi32>,
        %swap3A_666 = arith.constant 48 : index
        %swap3A_667 = tpu.vector_load %arg20[%swap3A_666] {strides = array<i32>} : memref<128xi32, #tpu.memory_space<vmem>>, vector<16xi32>,
        tpu.vector_store %arg20[%swap3A_666], %get3A_665 {strides = array<i32>} : memref<128xi32, #tpu.memory_space<vmem>>, vector<16xi32>,
        %get3A_668 = arith.index_cast %add3A_617 : i32 to index
        %get3A_669 = arith.constant 48 : index
        %get3A_670 = tpu.vector_load %arg9[%get3A_668, %get3A_669] {strides = array<i32>} : memref<4x128xi32, #tpu.memory_space<vmem>>, vector<16xi32>,
        %swap3A_671 = arith.constant 48 : index
        %swap3A_672 = tpu.vector_load %arg21[%swap3A_671] {strides = array<i32>} : memref<128xi32, #tpu.memory_space<vmem>>, vector<16xi32>,
        tpu.vector_store %arg21[%swap3A_671], %get3A_670 {strides = array<i32>} : memref<128xi32, #tpu.memory_space<vmem>>, vector<16xi32>,
        %get3A_673 = arith.index_cast %add3A_617 : i32 to index
        %get3A_674 = arith.constant 48 : index
        %get3A_675 = tpu.vector_load %arg10[%get3A_673, %get3A_674] {strides = array<i32>} : memref<4x128xi32, #tpu.memory_space<vmem>>, vector<16xi32>,
        %swap3A_676 = arith.constant 48 : index
        %swap3A_677 = tpu.vector_load %arg22[%swap3A_676] {strides = array<i32>} : memref<128xi32, #tpu.memory_space<vmem>>, vector<16xi32>,
        tpu.vector_store %arg22[%swap3A_676], %get3A_675 {strides = array<i32>} : memref<128xi32, #tpu.memory_space<vmem>>, vector<16xi32>,
        %get3A_678 = arith.index_cast %add3A_617 : i32 to index
        %get3A_679 = arith.constant 64 : index
        %get3A_680 = tpu.vector_load %arg8[%get3A_678, %get3A_679] {strides = array<i32>} : memref<4x128xi32, #tpu.memory_space<vmem>>, vector<16xi32>,
        %swap3A_681 = arith.constant 64 : index
        %swap3A_682 = tpu.vector_load %arg20[%swap3A_681] {strides = array<i32>} : memref<128xi32, #tpu.memory_space<vmem>>, vector<16xi32>,
        tpu.vector_store %arg20[%swap3A_681], %get3A_680 {strides = array<i32>} : memref<128xi32, #tpu.memory_space<vmem>>, vector<16xi32>,
        %get3A_683 = arith.index_cast %add3A_617 : i32 to index
        %get3A_684 = arith.constant 64 : index
        %get3A_685 = tpu.vector_load %arg9[%get3A_683, %get3A_684] {strides = array<i32>} : memref<4x128xi32, #tpu.memory_space<vmem>>, vector<16xi32>,
        %swap3A_686 = arith.constant 64 : index
        %swap3A_687 = tpu.vector_load %arg21[%swap3A_686] {strides = array<i32>} : memref<128xi32, #tpu.memory_space<vmem>>, vector<16xi32>,
        tpu.vector_store %arg21[%swap3A_686], %get3A_685 {strides = array<i32>} : memref<128xi32, #tpu.memory_space<vmem>>, vector<16xi32>,
        %get3A_688 = arith.index_cast %add3A_617 : i32 to index
        %get3A_689 = arith.constant 64 : index
        %get3A_690 = tpu.vector_load %arg10[%get3A_688, %get3A_689] {strides = array<i32>} : memref<4x128xi32, #tpu.memory_space<vmem>>, vector<16xi32>,
        %swap3A_691 = arith.constant 64 : index
        %swap3A_692 = tpu.vector_load %arg22[%swap3A_691] {strides = array<i32>} : memref<128xi32, #tpu.memory_space<vmem>>, vector<16xi32>,
        tpu.vector_store %arg22[%swap3A_691], %get3A_690 {strides = array<i32>} : memref<128xi32, #tpu.memory_space<vmem>>, vector<16xi32>,
        %get3A_693 = arith.index_cast %add3A_617 : i32 to index
        %get3A_694 = arith.constant 80 : index
        %get3A_695 = tpu.vector_load %arg8[%get3A_693, %get3A_694] {strides = array<i32>} : memref<4x128xi32, #tpu.memory_space<vmem>>, vector<16xi32>,
        %swap3A_696 = arith.constant 80 : index
        %swap3A_697 = tpu.vector_load %arg20[%swap3A_696] {strides = array<i32>} : memref<128xi32, #tpu.memory_space<vmem>>, vector<16xi32>,
        tpu.vector_store %arg20[%swap3A_696], %get3A_695 {strides = array<i32>} : memref<128xi32, #tpu.memory_space<vmem>>, vector<16xi32>,
        %get3A_698 = arith.index_cast %add3A_617 : i32 to index
        %get3A_699 = arith.constant 80 : index
        %get3A_700 = tpu.vector_load %arg9[%get3A_698, %get3A_699] {strides = array<i32>} : memref<4x128xi32, #tpu.memory_space<vmem>>, vector<16xi32>,
        %swap3A_701 = arith.constant 80 : index
        %swap3A_702 = tpu.vector_load %arg21[%swap3A_701] {strides = array<i32>} : memref<128xi32, #tpu.memory_space<vmem>>, vector<16xi32>,
        tpu.vector_store %arg21[%swap3A_701], %get3A_700 {strides = array<i32>} : memref<128xi32, #tpu.memory_space<vmem>>, vector<16xi32>,
        %get3A_703 = arith.index_cast %add3A_617 : i32 to index
        %get3A_704 = arith.constant 80 : index
        %get3A_705 = tpu.vector_load %arg10[%get3A_703, %get3A_704] {strides = array<i32>} : memref<4x128xi32, #tpu.memory_space<vmem>>, vector<16xi32>,
        %swap3A_706 = arith.constant 80 : index
        %swap3A_707 = tpu.vector_load %arg22[%swap3A_706] {strides = array<i32>} : memref<128xi32, #tpu.memory_space<vmem>>, vector<16xi32>,
        tpu.vector_store %arg22[%swap3A_706], %get3A_705 {strides = array<i32>} : memref<128xi32, #tpu.memory_space<vmem>>, vector<16xi32>,
        %get3A_708 = arith.index_cast %add3A_617 : i32 to index
        %get3A_709 = arith.constant 96 : index
        %get3A_710 = tpu.vector_load %arg8[%get3A_708, %get3A_709] {strides = array<i32>} : memref<4x128xi32, #tpu.memory_space<vmem>>, vector<16xi32>,
        %swap3A_711 = arith.constant 96 : index
        %swap3A_712 = tpu.vector_load %arg20[%swap3A_711] {strides = array<i32>} : memref<128xi32, #tpu.memory_space<vmem>>, vector<16xi32>,
        tpu.vector_store %arg20[%swap3A_711], %get3A_710 {strides = array<i32>} : memref<128xi32, #tpu.memory_space<vmem>>, vector<16xi32>,
        %get3A_713 = arith.index_cast %add3A_617 : i32 to index
        %get3A_714 = arith.constant 96 : index
        %get3A_715 = tpu.vector_load %arg9[%get3A_713, %get3A_714] {strides = array<i32>} : memref<4x128xi32, #tpu.memory_space<vmem>>, vector<16xi32>,
        %swap3A_716 = arith.constant 96 : index
        %swap3A_717 = tpu.vector_load %arg21[%swap3A_716] {strides = array<i32>} : memref<128xi32, #tpu.memory_space<vmem>>, vector<16xi32>,
        tpu.vector_store %arg21[%swap3A_716], %get3A_715 {strides = array<i32>} : memref<128xi32, #tpu.memory_space<vmem>>, vector<16xi32>,
        %get3A_718 = arith.index_cast %add3A_617 : i32 to index
        %get3A_719 = arith.constant 96 : index
        %get3A_720 = tpu.vector_load %arg10[%get3A_718, %get3A_719] {strides = array<i32>} : memref<4x128xi32, #tpu.memory_space<vmem>>, vector<16xi32>,
        %swap3A_721 = arith.constant 96 : index
        %swap3A_722 = tpu.vector_load %arg22[%swap3A_721] {strides = array<i32>} : memref<128xi32, #tpu.memory_space<vmem>>, vector<16xi32>,
        tpu.vector_store %arg22[%swap3A_721], %get3A_720 {strides = array<i32>} : memref<128xi32, #tpu.memory_space<vmem>>, vector<16xi32>,
        %get3A_723 = arith.index_cast %add3A_617 : i32 to index
        %get3A_724 = arith.constant 112 : index
        %get3A_725 = tpu.vector_load %arg8[%get3A_723, %get3A_724] {strides = array<i32>} : memref<4x128xi32, #tpu.memory_space<vmem>>, vector<16xi32>,
        %swap3A_726 = arith.constant 112 : index
        %swap3A_727 = tpu.vector_load %arg20[%swap3A_726] {strides = array<i32>} : memref<128xi32, #tpu.memory_space<vmem>>, vector<16xi32>,
        tpu.vector_store %arg20[%swap3A_726], %get3A_725 {strides = array<i32>} : memref<128xi32, #tpu.memory_space<vmem>>, vector<16xi32>,
        %get3A_728 = arith.index_cast %add3A_617 : i32 to index
        %get3A_729 = arith.constant 112 : index
        %get3A_730 = tpu.vector_load %arg9[%get3A_728, %get3A_729] {strides = array<i32>} : memref<4x128xi32, #tpu.memory_space<vmem>>, vector<16xi32>,
        %swap3A_731 = arith.constant 112 : index
        %swap3A_732 = tpu.vector_load %arg21[%swap3A_731] {strides = array<i32>} : memref<128xi32, #tpu.memory_space<vmem>>, vector<16xi32>,
        tpu.vector_store %arg21[%swap3A_731], %get3A_730 {strides = array<i32>} : memref<128xi32, #tpu.memory_space<vmem>>, vector<16xi32>,
        %get3A_733 = arith.index_cast %add3A_617 : i32 to index
        %get3A_734 = arith.constant 112 : index
        %get3A_735 = tpu.vector_load %arg10[%get3A_733, %get3A_734] {strides = array<i32>} : memref<4x128xi32, #tpu.memory_space<vmem>>, vector<16xi32>,
        %swap3A_736 = arith.constant 112 : index
        %swap3A_737 = tpu.vector_load %arg22[%swap3A_736] {strides = array<i32>} : memref<128xi32, #tpu.memory_space<vmem>>, vector<16xi32>,
        tpu.vector_store %arg22[%swap3A_736], %get3A_735 {strides = array<i32>} : memref<128xi32, #tpu.memory_space<vmem>>, vector<16xi32>,
        %dma_start3A_738 = arith.constant 0 : i32
        %dma_start3A_739 = arith.constant 0 : i32
        %dma_start3A_740 = tpu.memref_slice %arg5[%dma_start3A_738, %dma_start3A_739] : memref<100000x128xf32, #tpu.memory_space<hbm>> -> memref<100000x128xf32, #tpu.memory_space<hbm>>
        tpu.enqueue_indirect_dma source(%dma_start3A_740 : memref<100000x128xf32, #tpu.memory_space<hbm>>) target(%arg14 : memref<128x128xf32, #tpu.memory_space<vmem>>) offsets(%arg20 : memref<128xi32, #tpu.memory_space<vmem>>) semaphore(%arg26 : memref<!tpu.dma_semaphore, #tpu.memory_space<semaphore_mem>>)
        %dma_start3A_741 = arith.constant 0 : i32
        %dma_start3A_742 = arith.constant 0 : i32
        %dma_start3A_743 = tpu.memref_slice %arg6[%dma_start3A_741, %dma_start3A_742] : memref<1000x128xf32, #tpu.memory_space<hbm>> -> memref<1000x128xf32, #tpu.memory_space<hbm>>
        tpu.enqueue_indirect_dma source(%dma_start3A_743 : memref<1000x128xf32, #tpu.memory_space<hbm>>) target(%arg15 : memref<128x128xf32, #tpu.memory_space<vmem>>) offsets(%arg21 : memref<128xi32, #tpu.memory_space<vmem>>) semaphore(%arg26 : memref<!tpu.dma_semaphore, #tpu.memory_space<semaphore_mem>>)
        %dma_start3A_744 = arith.constant 0 : i32
        %dma_start3A_745 = arith.constant 0 : i32
        %dma_start3A_746 = tpu.memref_slice %arg5[%dma_start3A_744, %dma_start3A_745] : memref<100000x128xf32, #tpu.memory_space<hbm>> -> memref<100000x128xf32, #tpu.memory_space<hbm>>
        tpu.enqueue_indirect_dma source(%dma_start3A_746 : memref<100000x128xf32, #tpu.memory_space<hbm>>) target(%arg16 : memref<128x128xf32, #tpu.memory_space<vmem>>) offsets(%arg22 : memref<128xi32, #tpu.memory_space<vmem>>) semaphore(%arg26 : memref<!tpu.dma_semaphore, #tpu.memory_space<semaphore_mem>>)
      } else {
      }
      %scan3A_615 = arith.constant 0 : i32
      scf.yield %scan3A_615 : i32
    }
    %scan3A_537 = arith.constant 2 : i32
    "tpu.region"() ({
      %run_scoped3A = tpu.sem_alloc : memref<!tpu.dma_semaphore, #tpu.memory_space<semaphore_mem>>
      %dma_start3A_538 = tpu.memref_slice %arg7[%mul3A_2] : memref<16384xf32, #tpu.memory_space<hbm>> -> memref<512xf32, #tpu.memory_space<hbm>>
      %dma_start3A_539 = tpu.memref_slice %arg7[%mul3A_2] : memref<16384xf32, #tpu.memory_space<hbm>> -> memref<512xf32, #tpu.memory_space<hbm>>
      tpu.enqueue_dma source(%arg24 : memref<512xf32, #tpu.memory_space<vmem>>) target(%dma_start3A_539 : memref<512xf32, #tpu.memory_space<hbm>>) target_semaphore(%run_scoped3A : memref<!tpu.dma_semaphore, #tpu.memory_space<semaphore_mem>>)
      %dma_wait3A_540 = tpu.memref_slice %arg7[%mul3A_2] : memref<16384xf32, #tpu.memory_space<hbm>> -> memref<512xf32, #tpu.memory_space<hbm>>
      %dma_wait3A_541 = tpu.memref_slice %arg7[%mul3A_2] : memref<16384xf32, #tpu.memory_space<hbm>> -> memref<512xf32, #tpu.memory_space<hbm>>
      tpu.wait_dma2 semaphore(%run_scoped3A : memref<!tpu.dma_semaphore, #tpu.memory_space<semaphore_mem>>) src(%arg24 : memref<512xf32, #tpu.memory_space<vmem>>) dst(%dma_wait3A_541 : memref<512xf32, #tpu.memory_space<hbm>>)
      tpu.yield
    }) : () -> ()
    return
  }
}

</mosaic_0001>

<sc_bundles>
// kernel: kernel.3.cloned.1.call-start
scs
__scs_entry_jumppad:
0x0: {  	(pc) =	sbr.rel $0x88, $3  }
0x1: {  	(tag) =	ssettag $0x0;
	lr =	simm.s32 $0x1  }
0x2: {  	[smem:$0x3F9C] =	sst lr;
	_ =	strace $0xD0000000  }
0x3: {  	_ = 	snop  }
0x4: {  	_ = 	snop  }
0x5: {  	_ = 	snop  }
0x6: {  	_ = 	snop  }
0x7: {  	_ = 	snop  }
__scs_overlays_trampoline_lowered:
0x8: {  	[smem:$0x3FAB] =	sst s0  }
0x9: {  	[smem:$0x3FAC] =	sst s1  }
0xa: {  	[smem:$0x3FAD] =	sst s2  }
0xb: {  	[smem:$0x3FAE] =	sst s3  }
0xc: {  	[smem:$0x3FAF] =	sst s4  }
0xd: {  	[smem:$0x3FB0] =	sst s5  }
0xe: {  	[smem:$0x3FB1] =	sst s6  }
0xf: {  	[smem:$0x3FB2] =	sst s7  }
0x10: {  	[smem:$0x3FB3] =	sst s8  }
0x11: {  	[smem:$0x3FB4] =	sst s9;
	s0 =	simm.s32 @!p0 $0x0  }
0x12: {  	s1 =	sld [smem:$0x3F9A];
	s0 =	simm.s32 @p0 $0x1  }
0x13: {  	[smem:$0x3FB5] =	sst s0;
	s0 =	simm.s32 @!p1 $0x0  }
0x14: {  	s2 =	sld [smem:$0x3F99];
	s0 =	simm.s32 @p1 $0x1  }
0x15: {  	[smem:$0x3FB6] =	sst s0;
	s0 =	simm.s32 @!p2 $0x0  }
0x16: {  	s3 =	sld [smem:$0x3FDB];
	s0 =	simm.s32 @p2 $0x1  }
0x17: {  	s4 =	simm.s32 $0x1BF5;
	[smem:$0x3FB8] =	sst s0  }
0x18: {  	s0 =	sld [smem:$0x3F9B];
	_ =	swait.ge [sflag:s4], $0x0  }
0x19: {  	s7 =	sld [smem:$0x3F9C]  }
0x1a: {  	s8 =	sadd.s32 $0xFFFFE003, lr  }
0x1b: {  	s9 =	sadd.s32 $0xFFFFFEF7, lr;
	s5 =	simm.s32 $0xFFFFFFFF;
	p2 =	slt.u32 s8, $0xFFFFF086  }
0x1c: {  	p1 =	slt.u32 s9, $0xF7A;
	s5 =	simm.s32 @!p2 $0x0  }
0x1d: {  	s5 =	simm.s32 @p1 $0x1;
	p0 =	seq.s32 s7, s2  }
0x1e: {  	s7 =	smul.u32 @!p0 $0xF7A, s2;
	p2 =	seq.s32 @!p0 s5, $0x0  }
0x1f: {  	s9 =	smul.u32 $0xF7A, s1;
	s8 =	simm.s32 @!p0 $0x1BF5;
	p2 =	por !p2, p0  }
0x20: {  	[sflag:s8] =	ssyncset.s32 @!p0 $0xFFFFF086;
	s6 =	sadd.s32 @!p0 s3, s7;
	s7 =	simm.s32 @!p0 $0x108  }
0x21: {  	s3 =	sadd.s32 s3, s9;
	s6 =	sadd.s32 @!p0 $0x88, s6;
	s7 =	simm.s32 @p2 $0x1082  }
0x22: {  	[simem:s7], [sflag:s8] =	dma.local @!p0 [hbm:s6], $0xF7A  }
0x23: {  	s9 =	sor.u32 $0xD0000000, s2;
	s6 =	simm.s32 $0x108;
	_ =	swait.ge @!p0 [sflag:s8], $0x0  }
0x24: {  	s3 =	sadd.s32 $0x88, s3;
	s6 =	simm.s32 @!p1 $0x1082;
	[sflag:s4] =	ssyncset.s32 $0xFFFFF086  }
0x25: {  	[simem:s6], [sflag:s4] =	dma.local [hbm:s3], $0xF7A  }
0x26: {  	[smem:$0x3F9C] =	sst s1;
	(tag) =	ssettag s2;
	_ =	strace s9  }
0x27: {  	s1 =	sld [smem:$0x3FAC]  }
0x28: {  	s2 =	sld [smem:$0x3FAD]  }
0x29: {  	s4 =	sld [smem:$0x3FAF]  }
0x2a: {  	p0 =	seq.s32 s5, $0x0;
	s5 =	sld [smem:$0x3FB0]  }
0x2b: {  	s6 =	sld [smem:$0x3FB1]  }
0x2c: {  	s7 =	sld [smem:$0x3FB2]  }
0x2d: {  	s3 =	simm.s32 $0x108;
	s8 =	sld [smem:$0x3FB3]  }
0x2e: {  	s3 =	simm.s32 @!p0 $0x1082;
	s9 =	sld [smem:$0x3FB4]  }
0x2f: {  	lr =	sadd.s32 s0, s3;
	s0 =	sld [smem:$0x3FAB]  }
0x30: {  	s3 =	sld [smem:$0x3FAE]  }
0x31: {  	[smem:$0x3FB7] =	sst s10  }
0x32: {  	s10 =	sld [smem:$0x3FB5];
	_ =	sdelay $0x3  }
0x33: {  	p0 =	seq.s32 s10, $0x1;
	s10 =	sld [smem:$0x3FB7];
	_ =	sdelay $0x3  }
0x34: {  	[smem:$0x3FB7] =	sst s10  }
0x35: {  	s10 =	sld [smem:$0x3FB6];
	_ =	sdelay $0x3  }
0x36: {  	p1 =	seq.s32 s10, $0x1;
	s10 =	sld [smem:$0x3FB7];
	_ =	sdelay $0x3  }
0x37: {  	[smem:$0x3FB7] =	sst s10  }
0x38: {  	s10 =	sld [smem:$0x3FB8]  }
0x39: {  	_ = 	snop;
	(pc) =	sbr.ind lr, $3  }
0x3a: {  	_ = 	snop  }
0x3b: {  	_ = 	snop  }
0x3c: {  	p2 =	seq.s32 s10, $0x1;
	s10 =	sld [smem:$0x3FB7]  }
0x3d: {  	_ =	shalt  }
0x3e: {  	_ =	shalt  }
0x3f: {  	_ =	shalt  }
0x40: {  	_ =	shalt  }
0x41: {  	_ =	shalt  }
0x42: {  	_ =	shalt  }
0x43: {  	_ =	shalt  }
0x44: {  	_ =	shalt  }
0x45: {  	_ =	shalt  }
0x46: {  	_ =	shalt  }
0x47: {  	_ =	shalt  }
0x48: {  	_ =	shalt  }
0x49: {  	_ =	shalt  }
0x4a: {  	_ =	shalt  }
0x4b: {  	_ =	shalt  }
0x4c: {  	_ =	shalt  }
0x4d: {  	_ =	shalt  }
0x4e: {  	_ =	shalt  }
0x4f: {  	_ =	shalt  }
0x50: {  	_ =	shalt  }
0x51: {  	_ =	shalt  }
0x52: {  	_ =	shalt  }
0x53: {  	_ =	shalt  }
0x54: {  	_ =	shalt  }
0x55: {  	_ =	shalt  }
0x56: {  	_ =	shalt  }
0x57: {  	_ =	shalt  }
0x58: {  	_ =	shalt  }
0x59: {  	_ =	shalt  }
0x5a: {  	_ =	shalt  }
0x5b: {  	_ =	shalt  }
0x5c: {  	_ =	shalt  }
0x5d: {  	_ =	shalt  }
0x5e: {  	_ =	shalt  }
0x5f: {  	_ =	shalt  }
0x60: {  	_ =	shalt  }
0x61: {  	_ =	shalt  }
0x62: {  	_ =	shalt  }
0x63: {  	_ =	shalt  }
0x64: {  	_ =	shalt  }
0x65: {  	_ =	shalt  }
0x66: {  	_ =	shalt  }
0x67: {  	_ =	shalt  }
0x68: {  	_ =	shalt  }
0x69: {  	_ =	shalt  }
0x6a: {  	_ =	shalt  }
0x6b: {  	_ =	shalt  }
0x6c: {  	_ =	shalt  }
0x6d: {  	_ =	shalt  }
0x6e: {  	_ =	shalt  }
0x6f: {  	_ =	shalt  }
0x70: {  	_ =	shalt  }
0x71: {  	_ =	shalt  }
0x72: {  	_ =	shalt  }
0x73: {  	_ =	shalt  }
0x74: {  	_ =	shalt  }
0x75: {  	_ =	shalt  }
0x76: {  	_ =	shalt  }
0x77: {  	_ =	shalt  }
0x78: {  	_ =	shalt  }
0x79: {  	_ =	shalt  }
0x7a: {  	_ =	shalt  }
0x7b: {  	_ =	shalt  }
0x7c: {  	_ =	shalt  }
0x7d: {  	_ =	shalt  }
0x7e: {  	_ =	shalt  }
0x7f: {  	_ =	shalt  }
0x80: {  	_ =	shalt  }
0x81: {  	_ =	shalt  }
0x82: {  	_ =	shalt  }
0x83: {  	_ =	shalt  }
0x84: {  	_ =	shalt  }
0x85: {  	_ =	shalt  }
0x86: {  	_ =	shalt  }
0x87: {  	_ =	shalt  }
.Lfunc_end0:
.L_simem_size_0:
called_computation_lowered:
.L_overlay_start_0:
0x88: {  	s2 =	sld [smem:$0x3FD9]  }
0x89: {  	s3 =	sld [smem:$0x3FFE];
	_ =	sdelay $0x1  }
0x8a: {  	s1 =	srdreg.scid  }
0x8b: {  	s0 =	sand.u32 $0x1, s1  }
0x8c: {  	s18 =	sshll.u32 s0, $0xA;
	s2 =	sadd.s32 s3, s2  }
0x8d: {  	s2 =	sadd.s32 s2, s18  }
0x8e: {  	[smem:$0x3FC3] =	sst s2  }
0x8f: {  	_ = 	snop  }
0x90: {  	s2 =	sld [smem:$0x3FC9]  }
0x91: {  	s19 =	sld [smem:$0x3FC8]  }
0x92: {  	s4 =	sld [smem:$0x3FC7]  }
0x93: {  	s5 =	sld [smem:$0x3FC6]  }
0x94: {  	s6 =	sld [smem:$0x3FC5]  }
0x95: {  	s7 =	sld [smem:$0x3FD0];
	(tm) =	ssettm $0x1  }
0x96: {  	s8 =	sld [smem:$0x3FFB];
	_ =	sdelay $0x3  }
0x97: {  	_ =	strace s8  }
0x98: {  	s8 =	sld [smem:$0x3FFC];
	_ =	sdelay $0x3  }
0x99: {  	_ =	strace s8  }
0x9a: {  	s8 =	sld [smem:$0x3FFD];
	_ =	sdelay $0x3  }
0x9b: {  	_ =	strace s8  }
0x9c: {  	_ =	strace $0x8FFFFFFF  }
0x9d: {  	s20 =	sld [smem:$0x3FDB];
	_ =	sdelay $0x1  }
0x9e: {  	s9 =	simm.s32 $_scs_section_size  }
0x9f: {  	s10 =	simm.s32 $_size__tile_overlayer_lowered;
	s11 =	simm.s32 $_tile_overlayer_lowered  }
0xa0: {  	s23 =	simm.s32 $0x1BFF;
	s22 =	sshll.u32 s11, $0x1;
	s8 =	sadd.s32 s9, s20  }
0xa1: {  	s12 =	simm.s32 $0x0;
	s21 =	sshll.u32 s10, $0x1;
	s10 =	sadd.s32 s22, s8  }
0xa2: {  	[timem:s12], [sflag:s23] =	dma.local [hbm:s10], s21  }
0xa3: {  	_ =	swait.ge [sflag:s23], s21  }
0xa4: {  	s9 =	ssub.s32 $0x0, s21;
	[sflag:s23] =	ssyncset.done $0x0  }
0xa5: {  	[sflag:s23] =	ssyncadd.s32 s9;
	_ =	sdelay $0x1  }
0xa6: {  	s24 =	simm.s32 $0x1B8B  }
0xa7: {  	_ =	swait.ge [sflag:s24], $0x1  }
0xa8: {  	[sflag:s24] =	ssyncset.done $0x0  }
0xa9: {  	s25 =	simm.s32 $0x1B8E;
	[sflag:s24] =	ssyncadd.s32 $0xFFFFFFFF  }
0xaa: {  	s26 =	simm.s32 $execute0_lowered;
	[smem:$0x3FD2] =	sst s25  }
0xab: {  	s9 =	sshll.u32 s26, $0x1;
	_ =	strace $0x80000046;
	[dreg:$0x1] =	wrdreg $0xFFFFFFFF  }
0xac: {  	s28 =	simm.s32 $_size_execute0_lowered;
	s8 =	sadd.s32 s8, s9;
	[dreg:$0x0] =	wrdreg $0x0  }
0xad: {  	s9 =	sshll.u32 s28, $0x1;
	[dreg:$0x2] =	wrdreg s8  }
0xae: {  	[dreg:$0x3] =	wrdreg s9  }
0xaf: {  	[dreg:$0x4] =	wrdreg $0xC0  }
0xb0: {  	_ =	task [dreg:s12], $0x5FFFF  }
0xb1: {  	[dreg:$0x1] =	wrdreg $0xFFFFFFFF  }
0xb2: {  	[dreg:$0x0] =	wrdreg $0x60  }
0xb3: {  	[dreg:$0x2] =	wrdreg s2  }
0xb4: {  	[dreg:$0x3] =	wrdreg s19  }
0xb5: {  	[dreg:$0x4] =	wrdreg s4  }
0xb6: {  	[dreg:$0x5] =	wrdreg s5  }
0xb7: {  	[dreg:$0x6] =	wrdreg s6  }
0xb8: {  	[dreg:$0x7] =	wrdreg s7  }
0xb9: {  	[dreg:$0x8] =	wrdreg $0x9  }
0xba: {  	_ =	task.clear_ibuf [dreg:s12], $0x9FFFF;
	_ =	strace $0x90000046  }
0xbb: {  	s29 =	simm.s32 $0x9;
	_ =	strace $0x80000048  }
0xbc: {  	_ =	swait.ge [sflag:s29], $0x1  }
0xbd: {  	[sflag:s29] =	ssyncadd.s32 $0xFFFFFFFF  }
0xbe: {  	_ =	strace $0x90000048  }
0xbf: {  	_ =	sfence  }
0xc0: {  	s30 =	sld [smem:$0x0];
	_ =	sdelay $0x2  }
0xc1: {  	s31 =	sshll.u32 s1, $0xD;
	s1 =	sshrl.u32 s1, $0x2  }
0xc2: {  	s3 =	sand.u32 $0x4000, s31;
	s1 =	sadd.s32 s1, s30  }
0xc3: {  	s0 =	sor.u32 s3, s0;
	s1 =	sshll.u32 s1, $0x11  }
0xc4: {  	s0 =	sor.u32 s1, s0  }
0xc5: {  	s0 =	sadd.s32 $0x8F2B, s0  }
0xc6: {  	[sflag:s0] =	ssyncadd.remote.s32 $0x1  }
0xc7: {  	_ =	sfence.sel $0xFFFF  }
0xc8: {  	[dreg:$0x0] =	wrdreg $0xFFFFFFFF;
	(pc) =	sbr.abs _section_cstart, $3  }
0xc9: {  	[dreg:$0x1] =	wrdreg $0xFFFFFFFF  }
0xca: {  	_ =	task.clear_ibuf [dreg:s12], $0x2FFFF;
	_ =	strace $0x9FFFFFFF  }
0xcb: {  	(tm) =	ssettm $0x7FFFFFFF  }
tec
execute0_lowered:
.L_overlay_start_1:
0x0: {  	(tag) =	ssettag $0x1  }
0x1: {  	s0 =	rddreg [dreg:$0x0]  }
0x2: {  	s3 =	rddreg [dreg:$0x1]  }
0x3: {  	s4 =	rddreg [dreg:$0x2]  }
0x4: {  	s1 =	rddreg [dreg:$0x3];
	s6 =	srdreg.scid  }
0x5: {  	s2 =	rddreg [dreg:$0x4];
	s8 =	stileid.u32;
	s6 =	sand.u32 $0x1, s6  }
0x6: {  	s8 =	sshll.u32 s8, $0x7;
	s7 =	ssub.s32 $0x2, s6;
	s6 =	sshll.u32 s6, $0x6  }
0x7: {  	s5 =	rddreg [dreg:$0x5];
	s10 =	simm.s32 $0x0;
	s6 =	sor.u32 s6, s8  }
0x8: {  	[smem:$0x7FF] =	sst s10;
	s8 =	sadd.s32 s0, s6  }
0x9: {  	_ =	strace $0x80000047;
	s16 =	sadd.s32 s3, s6;
	[dreg:$0x7] =	wrdreg s8  }
0xa: {  	s17 =	sadd.s32 s4, s6;
	[dreg:$0x8] =	wrdreg s16  }
0xb: {  	s15 =	sor.u32 $0x10, s6;
	s26 =	sadd.s32 s5, s6;
	[dreg:$0x9] =	wrdreg s17  }
0xc: {  	s18 =	sadd.s32 s0, s15;
	[dreg:$0x13] =	wrdreg s26  }
0xd: {  	s19 =	sadd.s32 s3, s15;
	[dreg:$0xa] =	wrdreg s18  }
0xe: {  	s20 =	sor.u32 $0x20, s6;
	s8 =	sadd.s32 s4, s15;
	[dreg:$0xb] =	wrdreg s19  }
0xf: {  	v0 =	vlaneseq.u32;
	s21 =	sadd.s32 s0, s20;
	[dreg:$0xc] =	wrdreg s8  }
0x10: {  	v0 =	vmul.u32 $0x10, v0;
	s23 =	sor.u32 $0x30, s6;
	s22 =	sadd.s32 s3, s20;
	[dreg:$0xd] =	wrdreg s21  }
0x11: {  	s28 =	simm.s32 $0x1;
	s0 =	sadd.s32 s0, s23;
	[dreg:$0xe] =	wrdreg s22  }
0x12: {  	s9 =	sshrl.u32 s7, $0x1;
	v1 =	vor.u32 $0x1, v0;
	v2 =	vor.u32 $0x2, v0;
	v3 =	vor.u32 $0x3, v0;
	s24 =	sadd.s32 s3, s23;
	[dreg:$0x10] =	wrdreg s0  }
0x13: {  	v4 =	vor.u32 $0x4, v0;
	v5 =	vor.u32 $0x5, v0;
	v6 =	vor.u32 $0x6, v0;
	s7 =	ssub.s32 s7, s9;
	s25 =	sadd.s32 s4, s23;
	[dreg:$0x11] =	wrdreg s24  }
0x14: {  	s29 =	simm.s32 $0x18900;
	v7 =	vor.u32 $0x7, v0;
	v8 =	vor.u32 $0x8, v0;
	v9 =	vor.u32 $0x9, v0;
	s31 =	smax.u32 s7, $0x1;
	[dreg:$0x12] =	wrdreg s25  }
0x15: {  	s30 =	simm.s32 $0x2;
	v10 =	vor.u32 $0xA, v0;
	v11 =	vor.u32 $0xB, v0;
	v12 =	vor.u32 $0xC, v0;
	s8 =	sadd.s32 s4, s20;
	[dreg:$0x14] =	wrdreg s31  }
0x16: {  	v13 =	vor.u32 $0xD, v0;
	v14 =	vor.u32 $0xE, v0;
	v15 =	vor.u32 $0xF, v0;
	s20 =	simm.s32 $0x80;
	s4 =	simm.s32 $0x0;
	[dreg:$0xf] =	wrdreg s8  }
.LBB2_1:
0x17: {  	[dreg:$0x15] =	wrdreg s4  }
0x18: {  	s0 =	rddreg [dreg:$0x7]  }
0x19: {  	[tilespmem:s10], [sflag:$0x1] =	stream.linear.gather [hbm4b:s0+s10], $0x80, $0x38;
	[tilespmem:$0x18C00] =	vst v63  }
0x1a: {  	s23 =	rddreg [dreg:$0x8];
	s3 =	simm.s32 $0x200  }
0x1b: {  	[tilespmem:s3], [sflag:$0x1] =	stream.linear.gather [hbm4b:s23+s10], $0x80, $0x38;
	[tilespmem:$0x18C00] =	vst v63  }
0x1c: {  	s24 =	rddreg [dreg:$0x9];
	s25 =	simm.s32 $0x400  }
0x1d: {  	[tilespmem:s25], [sflag:$0x1] =	stream.linear.gather [hbm4b:s24+s10], $0x80, $0x38;
	[tilespmem:$0x18C00] =	vst v63  }
0x1e: {  	s26 =	rddreg [dreg:$0xa]  }
0x1f: {  	[tilespmem:s20], [sflag:$0x1] =	stream.linear.gather [hbm4b:s26+s10], $0x80, $0x38;
	[tilespmem:$0x18C00] =	vst v63  }
0x20: {  	s19 =	simm.s32 $0x280;
	s3 =	rddreg [dreg:$0xb]  }
0x21: {  	[tilespmem:s19], [sflag:$0x1] =	stream.linear.gather [hbm4b:s3+s10], $0x80, $0x38;
	[tilespmem:$0x18C00] =	vst v63  }
0x22: {  	s5 =	simm.s32 $0x480;
	s4 =	rddreg [dreg:$0xc]  }
0x23: {  	[tilespmem:s5], [sflag:$0x1] =	stream.linear.gather [hbm4b:s4+s10], $0x80, $0x38;
	[tilespmem:$0x18C00] =	vst v63  }
0x24: {  	s6 =	rddreg [dreg:$0xd];
	s7 =	simm.s32 $0x100  }
0x25: {  	[tilespmem:s7], [sflag:$0x1] =	stream.linear.gather [hbm4b:s6+s10], $0x80, $0x38;
	[tilespmem:$0x18C00] =	vst v63  }
0x26: {  	s8 =	rddreg [dreg:$0xe];
	s9 =	simm.s32 $0x300  }
0x27: {  	[tilespmem:s9], [sflag:$0x1] =	stream.linear.gather [hbm4b:s8+s10], $0x80, $0x38;
	[tilespmem:$0x18C00] =	vst v63  }
0x28: {  	s11 =	rddreg [dreg:$0xf];
	s12 =	simm.s32 $0x500  }
0x29: {  	[tilespmem:s12], [sflag:$0x1] =	stream.linear.gather [hbm4b:s11+s10], $0x80, $0x38;
	[tilespmem:$0x18C00] =	vst v63  }
0x2a: {  	s13 =	rddreg [dreg:$0x10];
	s14 =	simm.s32 $0x180  }
0x2b: {  	[tilespmem:s14], [sflag:$0x1] =	stream.linear.gather [hbm4b:s13+s10], $0x80, $0x38;
	[tilespmem:$0x18C00] =	vst v63  }
0x2c: {  	s15 =	rddreg [dreg:$0x11];
	s16 =	simm.s32 $0x380  }
0x2d: {  	[tilespmem:s16], [sflag:$0x1] =	stream.linear.gather [hbm4b:s15+s10], $0x80, $0x38;
	[tilespmem:$0x18C00] =	vst v63  }
0x2e: {  	s17 =	rddreg [dreg:$0x12];
	s18 =	simm.s32 $0x580  }
0x2f: {  	[tilespmem:s18], [sflag:$0x1] =	stream.linear.gather [hbm4b:s17+s10], $0x80, $0x38;
	[tilespmem:$0x18C00] =	vst v63  }
0x30: {  	_ =	swait.ge [sflag:s28], $0x80  }
0x31: {  	[sflag:s28] =	ssyncset.done $0x0  }
0x32: {  	[sflag:s28] =	ssyncadd.s32 $0xFFFFFF80  }
0x33: {  	_ =	swait.ge [sflag:s28], $0x80  }
0x34: {  	[sflag:s28] =	ssyncset.done $0x0  }
0x35: {  	[sflag:s28] =	ssyncadd.s32 $0xFFFFFF80  }
0x36: {  	_ =	swait.ge [sflag:s28], $0x80  }
0x37: {  	[sflag:s28] =	ssyncset.done $0x0  }
0x38: {  	[sflag:s28] =	ssyncadd.s32 $0xFFFFFF80  }
0x39: {  	_ =	swait.ge [sflag:s28], $0x80  }
0x3a: {  	[sflag:s28] =	ssyncset.done $0x0  }
0x3b: {  	[sflag:s28] =	ssyncadd.s32 $0xFFFFFF80  }
0x3c: {  	_ =	swait.ge [sflag:s28], $0x80  }
0x3d: {  	[sflag:s28] =	ssyncset.done $0x0  }
0x3e: {  	[sflag:s28] =	ssyncadd.s32 $0xFFFFFF80  }
0x3f: {  	_ =	swait.ge [sflag:s28], $0x80  }
0x40: {  	[sflag:s28] =	ssyncset.done $0x0  }
0x41: {  	[sflag:s28] =	ssyncadd.s32 $0xFFFFFF80  }
0x42: {  	_ =	swait.ge [sflag:s28], $0x80  }
0x43: {  	[sflag:s28] =	ssyncset.done $0x0  }
0x44: {  	[sflag:s28] =	ssyncadd.s32 $0xFFFFFF80  }
0x45: {  	_ =	swait.ge [sflag:s28], $0x80  }
0x46: {  	[sflag:s28] =	ssyncset.done $0x0  }
0x47: {  	[sflag:s28] =	ssyncadd.s32 $0xFFFFFF80  }
0x48: {  	_ =	swait.ge [sflag:s28], $0x80  }
0x49: {  	[sflag:s28] =	ssyncset.done $0x0  }
0x4a: {  	[sflag:s28] =	ssyncadd.s32 $0xFFFFFF80  }
0x4b: {  	_ =	swait.ge [sflag:s28], $0x80  }
0x4c: {  	[sflag:s28] =	ssyncset.done $0x0  }
0x4d: {  	[sflag:s28] =	ssyncadd.s32 $0xFFFFFF80  }
0x4e: {  	_ =	swait.ge [sflag:s28], $0x80  }
0x4f: {  	[sflag:s28] =	ssyncset.done $0x0  }
0x50: {  	[sflag:s28] =	ssyncadd.s32 $0xFFFFFF80  }
0x51: {  	_ =	swait.ge [sflag:s28], $0x80  }
0x52: {  	[sflag:s28] =	ssyncset.done $0x0  }
0x53: {  	[sflag:s28] =	ssyncadd.s32 $0xFFFFFF80  }
0x54: {  	v16 =	vld [tilespmem:$0x0]  }
0x55: {  	v17 =	vld [tilespmem:$0x200]  }
0x56: {  	v18 =	vld [tilespmem:$0x400]  }
0x57: {  	v19 =	vld [tilespmem:$0x10]  }
0x58: {  	v20 =	vld [tilespmem:$0x210]  }
0x59: {  	v53 =	vld [tilespmem:$0x220];
	[tilespmem:$0x18600] =	vst v16  }
0x5a: {  	v54 =	vld [tilespmem:$0x420];
	[tilespmem:$0x18680] =	vst v17  }
0x5b: {  	v16 =	vld [tilespmem:$0x410];
	[tilespmem:$0x18700] =	vst v18  }
0x5c: {  	v17 =	vld [tilespmem:$0x20];
	[tilespmem:$0x18610] =	vst v19  }
0x5d: {  	v55 =	vld [tilespmem:$0x30];
	[tilespmem:$0x18690] =	vst v20  }
0x5e: {  	v56 =	vld [tilespmem:$0x40];
	[tilespmem:$0x186A0] =	vst v53  }
0x5f: {  	v57 =	vld [tilespmem:$0x240];
	[tilespmem:$0x18720] =	vst v54  }
0x60: {  	[tilespmem:$0x18710] =	vst v16;
	v16 =	vld [tilespmem:$0x230]  }
0x61: {  	[tilespmem:$0x18620] =	vst v17;
	v17 =	vld [tilespmem:$0x430]  }
0x62: {  	v58 =	vld [tilespmem:$0x440];
	[tilespmem:$0x18630] =	vst v55  }
0x63: {  	v59 =	vld [tilespmem:$0x450];
	[tilespmem:$0x18640] =	vst v56  }
0x64: {  	v60 =	vld [tilespmem:$0x60];
	[tilespmem:$0x186C0] =	vst v57  }
0x65: {  	[tilespmem:$0x186B0] =	vst v16;
	v16 =	vld [tilespmem:$0x50]  }
0x66: {  	[tilespmem:$0x18730] =	vst v17;
	v17 =	vld [tilespmem:$0x250]  }
0x67: {  	v61 =	vld [tilespmem:$0x260];
	[tilespmem:$0x18740] =	vst v58  }
0x68: {  	v62 =	vld [tilespmem:$0x270];
	[tilespmem:$0x18750] =	vst v59  }
0x69: {  	v63 =	vld [tilespmem:$0x470];
	[tilespmem:$0x18660] =	vst v60  }
0x6a: {  	s21 =	simm.s32 $0x18600;
	s22 =	simm.s32 $0x600;
	p1 =	por $0x1, $0x1;
	[tilespmem:$0x18650] =	vst v16;
	v16 =	vld [tilespmem:$0x460]  }
0x6b: {  	s31 =	simm.s32 $0x4F0;
	s0 =	simm.s32 $0x2B0;
	s23 =	simm.s32 $0x18680;
	[tilespmem:$0x186D0] =	vst v17;
	v17 =	vld [tilespmem:$0x70]  }
0x6c: {  	s24 =	simm.s32 $0x4600;
	s25 =	simm.s32 $0x18700;
	s26 =	simm.s32 $0x8600;
	[tilespmem:$0x186E0] =	vst v61  }
0x6d: {  	s3 =	simm.s32 $0x4A0;
	s4 =	simm.s32 $0xB0;
	s6 =	simm.s32 $0x2F0;
	[tilespmem:$0x186F0] =	vst v62  }
0x6e: {  	s7 =	simm.s32 $0xF0;
	s9 =	simm.s32 $0x4E0;
	s8 =	simm.s32 $0x0;
	[tilespmem:$0x18770] =	vst v63  }
0x6f: {  	s11 =	simm.s32 $0xE0;
	s12 =	simm.s32 $0x4D0;
	s13 =	simm.s32 $0x2D0;
	[tilespmem:$0x18760] =	vst v16  }
0x70: {  	s14 =	simm.s32 $0xD0;
	s15 =	simm.s32 $0x4C0;
	s16 =	simm.s32 $0x2C0;
	[tilespmem:$0x18670] =	vst v17  }
0x71: {  	[tilespmem:s22], [sflag:$0x1] =	stream.indirect.gather [hbm4b:s1+s20], $0x80, s21, s20, $0xb8;
	[tilespmem:$0x18C00] =	vst v63  }
0x72: {  	s10 =	simm.s32 $0x2E0;
	s17 =	simm.s32 $0xC0;
	s18 =	simm.s32 $0x4B0  }
0x73: {  	[tilespmem:s24], [sflag:$0x1] =	stream.indirect.gather [hbm4b:s2+s20], $0x80, s23, s20, $0xb8;
	[tilespmem:$0x18C00] =	vst v63  }
0x74: {  	s21 =	simm.s32 $0x2A0;
	s22 =	simm.s32 $0xA0;
	s23 =	simm.s32 $0x490  }
0x75: {  	[tilespmem:s26], [sflag:$0x1] =	stream.indirect.gather [hbm4b:s1+s20], $0x80, s25, s20, $0xb8;
	[tilespmem:$0x18C00] =	vst v63  }
0x76: {  	s24 =	simm.s32 $0x290;
	s25 =	simm.s32 $0x90;
	s26 =	simm.s32 $0x80  }
.LBB2_2:
0x77: {  	v16 =	vld [tilespmem:s26+$0x0];
	_ =	sdelay $0x4  }
0x78: {  	[tilespmem:$0x18780] =	vst v16  }
0x79: {  	v16 =	vld [tilespmem:s19+$0x0];
	_ =	sdelay $0x4  }
0x7a: {  	[tilespmem:$0x18800] =	vst v16  }
0x7b: {  	v16 =	vld [tilespmem:s5+$0x0];
	_ =	sdelay $0x4  }
0x7c: {  	[tilespmem:$0x18880] =	vst v16  }
0x7d: {  	v16 =	vld [tilespmem:s25+$0x0];
	_ =	sdelay $0x4  }
0x7e: {  	[tilespmem:$0x18790] =	vst v16  }
0x7f: {  	v16 =	vld [tilespmem:s24+$0x0];
	_ =	sdelay $0x4  }
0x80: {  	[tilespmem:$0x18810] =	vst v16  }
0x81: {  	v16 =	vld [tilespmem:s23+$0x0];
	_ =	sdelay $0x4  }
0x82: {  	[tilespmem:$0x18890] =	vst v16  }
0x83: {  	v16 =	vld [tilespmem:s22+$0x0];
	_ =	sdelay $0x4  }
0x84: {  	[tilespmem:$0x187A0] =	vst v16  }
0x85: {  	v16 =	vld [tilespmem:s21+$0x0];
	_ =	sdelay $0x4  }
0x86: {  	[tilespmem:$0x18820] =	vst v16  }
0x87: {  	v16 =	vld [tilespmem:s3+$0x0];
	_ =	sdelay $0x4  }
0x88: {  	[tilespmem:$0x188A0] =	vst v16  }
0x89: {  	v16 =	vld [tilespmem:s4+$0x0];
	_ =	sdelay $0x4  }
0x8a: {  	[tilespmem:$0x187B0] =	vst v16  }
0x8b: {  	v16 =	vld [tilespmem:s0+$0x0];
	_ =	sdelay $0x4  }
0x8c: {  	[tilespmem:$0x18830] =	vst v16  }
0x8d: {  	v16 =	vld [tilespmem:s18+$0x0];
	_ =	sdelay $0x4  }
0x8e: {  	[tilespmem:$0x188B0] =	vst v16  }
0x8f: {  	v16 =	vld [tilespmem:s17+$0x0];
	_ =	sdelay $0x4  }
0x90: {  	[tilespmem:$0x187C0] =	vst v16  }
0x91: {  	v16 =	vld [tilespmem:s16+$0x0];
	_ =	sdelay $0x4  }
0x92: {  	[tilespmem:$0x18840] =	vst v16  }
0x93: {  	v16 =	vld [tilespmem:s15+$0x0];
	_ =	sdelay $0x4  }
0x94: {  	[tilespmem:$0x188C0] =	vst v16  }
0x95: {  	v16 =	vld [tilespmem:s14+$0x0];
	_ =	sdelay $0x4  }
0x96: {  	[tilespmem:$0x187D0] =	vst v16  }
0x97: {  	v16 =	vld [tilespmem:s13+$0x0];
	_ =	sdelay $0x4  }
0x98: {  	[tilespmem:$0x18850] =	vst v16  }
0x99: {  	v16 =	vld [tilespmem:s12+$0x0];
	_ =	sdelay $0x4  }
0x9a: {  	[tilespmem:$0x188D0] =	vst v16  }
0x9b: {  	v16 =	vld [tilespmem:s11+$0x0];
	_ =	sdelay $0x4  }
0x9c: {  	[tilespmem:$0x187E0] =	vst v16  }
0x9d: {  	v16 =	vld [tilespmem:s10+$0x0];
	_ =	sdelay $0x4  }
0x9e: {  	[tilespmem:$0x18860] =	vst v16  }
0x9f: {  	v16 =	vld [tilespmem:s9+$0x0];
	_ =	sdelay $0x4  }
0xa0: {  	[tilespmem:$0x188E0] =	vst v16  }
0xa1: {  	v16 =	vld [tilespmem:s7+$0x0];
	_ =	sdelay $0x4  }
0xa2: {  	[tilespmem:$0x187F0] =	vst v16  }
0xa3: {  	v16 =	vld [tilespmem:s6+$0x0];
	_ =	sdelay $0x4  }
0xa4: {  	[tilespmem:$0x18870] =	vst v16  }
0xa5: {  	v16 =	vld [tilespmem:s31+$0x0];
	_ =	sdelay $0x4  }
0xa6: {  	s19 =	simm.s32 $0x18780;
	s21 =	simm.s32 $0xC600;
	[tilespmem:$0x188F0] =	vst v16  }
0xa7: {  	[tilespmem:s21], [sflag:$0x2] =	stream.indirect.gather [hbm4b:s1+s20], $0x80, s19, s20, $0xb8;
	[tilespmem:$0x18C00] =	vst v63  }
0xa8: {  	s23 =	simm.s32 $0x10600;
	s22 =	simm.s32 $0x18800  }
0xa9: {  	[tilespmem:s23], [sflag:$0x2] =	stream.indirect.gather [hbm4b:s2+s20], $0x80, s22, s20, $0xb8;
	[tilespmem:$0x18C00] =	vst v63  }
0xaa: {  	s25 =	simm.s32 $0x14600;
	s24 =	simm.s32 $0x18880  }
0xab: {  	[tilespmem:s25], [sflag:$0x2] =	stream.indirect.gather [hbm4b:s1+s20], $0x80, s24, s20, $0xb8;
	[tilespmem:$0x18C00] =	vst v63  }
0xac: {  	_ =	swait.ge [sflag:s28], $0x4000  }
0xad: {  	[sflag:s28] =	ssyncset.done $0x0  }
0xae: {  	[sflag:s28] =	ssyncadd.s32 $0xFFFFC000  }
0xaf: {  	_ =	swait.ge [sflag:s28], $0x4000  }
0xb0: {  	[sflag:s28] =	ssyncset.done $0x0  }
0xb1: {  	[sflag:s28] =	ssyncadd.s32 $0xFFFFC000  }
0xb2: {  	s19 =	sshra.s32 s8, $0x2;
	_ =	swait.ge [sflag:s28], $0x4000  }
0xb3: {  	s26 =	sadd.s32 $0x18A00, s19;
	[sflag:s28] =	ssyncset.done $0x0  }
0xb4: {  	p0 =	por p1, p1;
	s31 =	simm.s32 $0x0;
	v16 =	vmov s26;
	[sflag:s28] =	ssyncadd.s32 $0xFFFFC000  }
.LBB2_3:
0xb5: {  	s5 =	sshll.u32 s31, $0xB  }
0xb6: {  	v17 =	vld [tilespmem:s5+$0x600]  }
0xb7: {  	v18 =	vld [tilespmem:s5+$0x4600]  }
0xb8: {  	v19 =	vld [tilespmem:s5+$0x8600]  }
0xb9: {  	v20 =	vld [tilespmem:s5+$0x610]  }
0xba: {  	v21 =	vld [tilespmem:s5+$0x4610]  }
0xbb: {  	v22 =	vld [tilespmem:s5+$0x8610]  }
0xbc: {  	v23 =	vld [tilespmem:s5+$0x620]  }
0xbd: {  	v24 =	vld [tilespmem:s5+$0x4620]  }
0xbe: {  	v25 =	vld [tilespmem:s5+$0x8620]  }
0xbf: {  	v26 =	vld [tilespmem:s5+$0x630]  }
0xc0: {  	v27 =	vld [tilespmem:s5+$0x4630]  }
0xc1: {  	v28 =	vld [tilespmem:s5+$0x8630]  }
0xc2: {  	v29 =	vld [tilespmem:s5+$0x640]  }
0xc3: {  	v30 =	vld [tilespmem:s5+$0x4640]  }
0xc4: {  	v31 =	vld [tilespmem:s5+$0x8640]  }
0xc5: {  	v32 =	vld [tilespmem:s5+$0x650]  }
0xc6: {  	v33 =	vld [tilespmem:s5+$0x4650]  }
0xc7: {  	v35 =	vld [tilespmem:s5+$0x660]  }
0xc8: {  	v36 =	vld [tilespmem:s5+$0x4660]  }
0xc9: {  	v37 =	vld [tilespmem:s5+$0x670]  }
0xca: {  	v60 =	vld [tilespmem:s5+$0x4670]  }
0xcb: {  	v34 =	vld [tilespmem:s5+$0x8650];
	v17 =	vmul.f32 v18, v17;
	v18 =	vmul.f32 v21, v20  }
0xcc: {  	v63 =	vld [tilespmem:s5+$0x8660];
	v61 =	vmul.f32 v24, v23;
	v62 =	vmul.f32 v27, v26  }
0xcd: {  	v38 =	vmul.f32 v30, v29;
	v17 =	vmul.f32 v19, v17;
	v19 =	vld [tilespmem:s5+$0x8670]  }
0xce: {  	v39 =	vmul.f32 v33, v32;
	v40 =	vmul.f32 v36, v35  }
0xcf: {  	v20 =	vmul.f32 v60, v37;
	v18 =	vmul.f32 v22, v18  }
0xd0: {  	v21 =	vmul.f32 v25, v61;
	v28 =	vmul.f32 v28, v62  }
0xd1: {  	v23 =	vmul.f32 v31, v38;
	v25 =	vmul.f32 v34, v39  }
0xd2: {  	v24 =	vmul.f32 v63, v40;
	v19 =	vmul.f32 v19, v20  }
0xd3: {  	v17 =	vadd.f32 v18, v17;
	v18 =	vadd.f32 v28, v21  }
0xd4: {  	v41 =	vadd.f32 v25, v23;
	v19 =	vadd.f32 v19, v24;
	_ =	sdelay $0x1  }
0xd5: {  	v17 =	vadd.f32 v18, v17;
	v18 =	vadd.f32 v19, v41;
	_ =	sdelay $0x1  }
0xd6: {  	v17 =	vadd.f32 v18, v17;
	_ =	sdelay $0x1  }
0xd7: {  	[tilespmem:$0x18900] =	vst v17  }
0xd8: {  	v17 =	vld [tilespmem:s5+$0x680]  }
0xd9: {  	v18 =	vld [tilespmem:s5+$0x4680]  }
0xda: {  	v19 =	vld [tilespmem:s5+$0x8680]  }
0xdb: {  	v42 =	vld [tilespmem:s5+$0x690]  }
0xdc: {  	v43 =	vld [tilespmem:s5+$0x4690]  }
0xdd: {  	v44 =	vld [tilespmem:s5+$0x8690]  }
0xde: {  	v45 =	vld [tilespmem:s5+$0x6A0]  }
0xdf: {  	v46 =	vld [tilespmem:s5+$0x46A0]  }
0xe0: {  	v47 =	vld [tilespmem:s5+$0x86A0]  }
0xe1: {  	v48 =	vld [tilespmem:s5+$0x6B0]  }
0xe2: {  	v49 =	vld [tilespmem:s5+$0x46B0]  }
0xe3: {  	v50 =	vld [tilespmem:s5+$0x86B0]  }
0xe4: {  	v51 =	vld [tilespmem:s5+$0x6C0]  }
0xe5: {  	v52 =	vld [tilespmem:s5+$0x46C0]  }
0xe6: {  	v53 =	vld [tilespmem:s5+$0x86C0]  }
0xe7: {  	v54 =	vld [tilespmem:s5+$0x6D0]  }
0xe8: {  	v55 =	vld [tilespmem:s5+$0x46D0]  }
0xe9: {  	v57 =	vld [tilespmem:s5+$0x6E0]  }
0xea: {  	v58 =	vld [tilespmem:s5+$0x46E0]  }
0xeb: {  	v59 =	vld [tilespmem:s5+$0x6F0]  }
0xec: {  	v60 =	vld [tilespmem:s5+$0x46F0]  }
0xed: {  	v56 =	vld [tilespmem:s5+$0x86D0];
	v17 =	vmul.f32 v18, v17;
	v18 =	vmul.f32 v43, v42  }
0xee: {  	v63 =	vld [tilespmem:s5+$0x86E0];
	v61 =	vmul.f32 v46, v45;
	v62 =	vmul.f32 v49, v48  }
0xef: {  	v38 =	vmul.f32 v52, v51;
	v17 =	vmul.f32 v19, v17;
	v19 =	vld [tilespmem:s5+$0x86F0]  }
0xf0: {  	v39 =	vmul.f32 v55, v54;
	v40 =	vmul.f32 v58, v57  }
0xf1: {  	v20 =	vmul.f32 v60, v59;
	v18 =	vmul.f32 v44, v18  }
0xf2: {  	v21 =	vmul.f32 v47, v61;
	v28 =	vmul.f32 v50, v62  }
0xf3: {  	v23 =	vmul.f32 v53, v38;
	v25 =	vmul.f32 v56, v39  }
0xf4: {  	v24 =	vmul.f32 v63, v40;
	v19 =	vmul.f32 v19, v20  }
0xf5: {  	v17 =	vadd.f32 v18, v17;
	v18 =	vadd.f32 v28, v21  }
0xf6: {  	v41 =	vadd.f32 v25, v23;
	v19 =	vadd.f32 v19, v24;
	_ =	sdelay $0x1  }
0xf7: {  	v17 =	vadd.f32 v18, v17;
	v18 =	vadd.f32 v19, v41;
	_ =	sdelay $0x1  }
0xf8: {  	v17 =	vadd.f32 v18, v17;
	_ =	sdelay $0x1  }
0xf9: {  	[tilespmem:$0x18910] =	vst v17  }
0xfa: {  	v17 =	vld [tilespmem:s5+$0x700]  }
0xfb: {  	v18 =	vld [tilespmem:s5+$0x4700]  }
0xfc: {  	v19 =	vld [tilespmem:s5+$0x8700]  }
0xfd: {  	v42 =	vld [tilespmem:s5+$0x710]  }
0xfe: {  	v43 =	vld [tilespmem:s5+$0x4710]  }
0xff: {  	v44 =	vld [tilespmem:s5+$0x8710]  }
0x100: {  	v45 =	vld [tilespmem:s5+$0x720]  }
0x101: {  	v46 =	vld [tilespmem:s5+$0x4720]  }
0x102: {  	v47 =	vld [tilespmem:s5+$0x8720]  }
0x103: {  	v48 =	vld [tilespmem:s5+$0x730]  }
0x104: {  	v49 =	vld [tilespmem:s5+$0x4730]  }
0x105: {  	v50 =	vld [tilespmem:s5+$0x8730]  }
0x106: {  	v51 =	vld [tilespmem:s5+$0x740]  }
0x107: {  	v52 =	vld [tilespmem:s5+$0x4740]  }
0x108: {  	v53 =	vld [tilespmem:s5+$0x8740]  }
0x109: {  	v54 =	vld [tilespmem:s5+$0x750]  }
0x10a: {  	v55 =	vld [tilespmem:s5+$0x4750]  }
0x10b: {  	v57 =	vld [tilespmem:s5+$0x760]  }
0x10c: {  	v58 =	vld [tilespmem:s5+$0x4760]  }
0x10d: {  	v59 =	vld [tilespmem:s5+$0x770]  }
0x10e: {  	v60 =	vld [tilespmem:s5+$0x4770]  }
0x10f: {  	v56 =	vld [tilespmem:s5+$0x8750];
	v17 =	vmul.f32 v18, v17;
	v18 =	vmul.f32 v43, v42  }
0x110: {  	v63 =	vld [tilespmem:s5+$0x8760];
	v61 =	vmul.f32 v46, v45;
	v62 =	vmul.f32 v49, v48  }
0x111: {  	v38 =	vmul.f32 v52, v51;
	v17 =	vmul.f32 v19, v17;
	v19 =	vld [tilespmem:s5+$0x8770]  }
0x112: {  	v39 =	vmul.f32 v55, v54;
	v40 =	vmul.f32 v58, v57  }
0x113: {  	v20 =	vmul.f32 v60, v59;
	v18 =	vmul.f32 v44, v18  }
0x114: {  	v21 =	vmul.f32 v47, v61;
	v28 =	vmul.f32 v50, v62  }
0x115: {  	v23 =	vmul.f32 v53, v38;
	v25 =	vmul.f32 v56, v39  }
0x116: {  	v24 =	vmul.f32 v63, v40;
	v19 =	vmul.f32 v19, v20  }
0x117: {  	v17 =	vadd.f32 v18, v17;
	v18 =	vadd.f32 v28, v21  }
0x118: {  	v41 =	vadd.f32 v25, v23;
	v19 =	vadd.f32 v19, v24;
	_ =	sdelay $0x1  }
0x119: {  	v17 =	vadd.f32 v18, v17;
	v18 =	vadd.f32 v19, v41;
	_ =	sdelay $0x1  }
0x11a: {  	v17 =	vadd.f32 v18, v17;
	_ =	sdelay $0x1  }
0x11b: {  	[tilespmem:$0x18920] =	vst v17  }
0x11c: {  	v17 =	vld [tilespmem:s5+$0x780]  }
0x11d: {  	v18 =	vld [tilespmem:s5+$0x4780]  }
0x11e: {  	v19 =	vld [tilespmem:s5+$0x8780]  }
0x11f: {  	v42 =	vld [tilespmem:s5+$0x790]  }
0x120: {  	v43 =	vld [tilespmem:s5+$0x4790]  }
0x121: {  	v44 =	vld [tilespmem:s5+$0x8790]  }
0x122: {  	v45 =	vld [tilespmem:s5+$0x7A0]  }
0x123: {  	v46 =	vld [tilespmem:s5+$0x47A0]  }
0x124: {  	v47 =	vld [tilespmem:s5+$0x87A0]  }
0x125: {  	v48 =	vld [tilespmem:s5+$0x7B0]  }
0x126: {  	v49 =	vld [tilespmem:s5+$0x47B0]  }
0x127: {  	v50 =	vld [tilespmem:s5+$0x87B0]  }
0x128: {  	v51 =	vld [tilespmem:s5+$0x7C0]  }
0x129: {  	v52 =	vld [tilespmem:s5+$0x47C0]  }
0x12a: {  	v53 =	vld [tilespmem:s5+$0x87C0]  }
0x12b: {  	v54 =	vld [tilespmem:s5+$0x7D0]  }
0x12c: {  	v55 =	vld [tilespmem:s5+$0x47D0]  }
0x12d: {  	v57 =	vld [tilespmem:s5+$0x7E0]  }
0x12e: {  	v58 =	vld [tilespmem:s5+$0x47E0]  }
0x12f: {  	v59 =	vld [tilespmem:s5+$0x7F0]  }
0x130: {  	v60 =	vld [tilespmem:s5+$0x47F0]  }
0x131: {  	v56 =	vld [tilespmem:s5+$0x87D0];
	v17 =	vmul.f32 v18, v17;
	v18 =	vmul.f32 v43, v42  }
0x132: {  	v63 =	vld [tilespmem:s5+$0x87E0];
	v61 =	vmul.f32 v46, v45;
	v62 =	vmul.f32 v49, v48  }
0x133: {  	v38 =	vmul.f32 v52, v51;
	v17 =	vmul.f32 v19, v17;
	v19 =	vld [tilespmem:s5+$0x87F0]  }
0x134: {  	v39 =	vmul.f32 v55, v54;
	v40 =	vmul.f32 v58, v57  }
0x135: {  	v20 =	vmul.f32 v60, v59;
	v18 =	vmul.f32 v44, v18  }
0x136: {  	v21 =	vmul.f32 v47, v61;
	v28 =	vmul.f32 v50, v62  }
0x137: {  	v23 =	vmul.f32 v53, v38;
	v25 =	vmul.f32 v56, v39  }
0x138: {  	v24 =	vmul.f32 v63, v40;
	v19 =	vmul.f32 v19, v20  }
0x139: {  	v17 =	vadd.f32 v18, v17;
	v18 =	vadd.f32 v28, v21  }
0x13a: {  	v41 =	vadd.f32 v25, v23;
	v19 =	vadd.f32 v19, v24;
	_ =	sdelay $0x1  }
0x13b: {  	v17 =	vadd.f32 v18, v17;
	v18 =	vadd.f32 v19, v41;
	_ =	sdelay $0x1  }
0x13c: {  	v17 =	vadd.f32 v18, v17;
	_ =	sdelay $0x1  }
0x13d: {  	[tilespmem:$0x18930] =	vst v17  }
0x13e: {  	v17 =	vld [tilespmem:s5+$0x800]  }
0x13f: {  	v18 =	vld [tilespmem:s5+$0x4800]  }
0x140: {  	v19 =	vld [tilespmem:s5+$0x8800]  }
0x141: {  	v42 =	vld [tilespmem:s5+$0x810]  }
0x142: {  	v43 =	vld [tilespmem:s5+$0x4810]  }
0x143: {  	v44 =	vld [tilespmem:s5+$0x8810]  }
0x144: {  	v45 =	vld [tilespmem:s5+$0x820]  }
0x145: {  	v46 =	vld [tilespmem:s5+$0x4820]  }
0x146: {  	v47 =	vld [tilespmem:s5+$0x8820]  }
0x147: {  	v48 =	vld [tilespmem:s5+$0x830]  }
0x148: {  	v49 =	vld [tilespmem:s5+$0x4830]  }
0x149: {  	v50 =	vld [tilespmem:s5+$0x8830]  }
0x14a: {  	v51 =	vld [tilespmem:s5+$0x840]  }
0x14b: {  	v52 =	vld [tilespmem:s5+$0x4840]  }
0x14c: {  	v53 =	vld [tilespmem:s5+$0x8840]  }
0x14d: {  	v54 =	vld [tilespmem:s5+$0x850]  }
0x14e: {  	v55 =	vld [tilespmem:s5+$0x4850]  }
0x14f: {  	v57 =	vld [tilespmem:s5+$0x860]  }
0x150: {  	v58 =	vld [tilespmem:s5+$0x4860]  }
0x151: {  	v59 =	vld [tilespmem:s5+$0x870]  }
0x152: {  	v60 =	vld [tilespmem:s5+$0x4870]  }
0x153: {  	v56 =	vld [tilespmem:s5+$0x8850];
	v17 =	vmul.f32 v18, v17;
	v18 =	vmul.f32 v43, v42  }
0x154: {  	v63 =	vld [tilespmem:s5+$0x8860];
	v61 =	vmul.f32 v46, v45;
	v62 =	vmul.f32 v49, v48  }
0x155: {  	v38 =	vmul.f32 v52, v51;
	v17 =	vmul.f32 v19, v17;
	v19 =	vld [tilespmem:s5+$0x8870]  }
0x156: {  	v39 =	vmul.f32 v55, v54;
	v40 =	vmul.f32 v58, v57  }
0x157: {  	v20 =	vmul.f32 v60, v59;
	v18 =	vmul.f32 v44, v18  }
0x158: {  	v21 =	vmul.f32 v47, v61;
	v28 =	vmul.f32 v50, v62  }
0x159: {  	v23 =	vmul.f32 v53, v38;
	v25 =	vmul.f32 v56, v39  }
0x15a: {  	v24 =	vmul.f32 v63, v40;
	v19 =	vmul.f32 v19, v20  }
0x15b: {  	v17 =	vadd.f32 v18, v17;
	v18 =	vadd.f32 v28, v21  }
0x15c: {  	v41 =	vadd.f32 v25, v23;
	v19 =	vadd.f32 v19, v24;
	_ =	sdelay $0x1  }
0x15d: {  	v17 =	vadd.f32 v18, v17;
	v18 =	vadd.f32 v19, v41;
	_ =	sdelay $0x1  }
0x15e: {  	v17 =	vadd.f32 v18, v17;
	_ =	sdelay $0x1  }
0x15f: {  	[tilespmem:$0x18940] =	vst v17  }
0x160: {  	v17 =	vld [tilespmem:s5+$0x880]  }
0x161: {  	v18 =	vld [tilespmem:s5+$0x4880]  }
0x162: {  	v19 =	vld [tilespmem:s5+$0x8880]  }
0x163: {  	v42 =	vld [tilespmem:s5+$0x890]  }
0x164: {  	v43 =	vld [tilespmem:s5+$0x4890]  }
0x165: {  	v44 =	vld [tilespmem:s5+$0x8890]  }
0x166: {  	v45 =	vld [tilespmem:s5+$0x8A0]  }
0x167: {  	v46 =	vld [tilespmem:s5+$0x48A0]  }
0x168: {  	v47 =	vld [tilespmem:s5+$0x88A0]  }
0x169: {  	v48 =	vld [tilespmem:s5+$0x8B0]  }
0x16a: {  	v49 =	vld [tilespmem:s5+$0x48B0]  }
0x16b: {  	v50 =	vld [tilespmem:s5+$0x88B0]  }
0x16c: {  	v51 =	vld [tilespmem:s5+$0x8C0]  }
0x16d: {  	v52 =	vld [tilespmem:s5+$0x48C0]  }
0x16e: {  	v53 =	vld [tilespmem:s5+$0x88C0]  }
0x16f: {  	v54 =	vld [tilespmem:s5+$0x8D0]  }
0x170: {  	v55 =	vld [tilespmem:s5+$0x48D0]  }
0x171: {  	v57 =	vld [tilespmem:s5+$0x8E0]  }
0x172: {  	v58 =	vld [tilespmem:s5+$0x48E0]  }
0x173: {  	v59 =	vld [tilespmem:s5+$0x8F0]  }
0x174: {  	v60 =	vld [tilespmem:s5+$0x48F0]  }
0x175: {  	v56 =	vld [tilespmem:s5+$0x88D0];
	v17 =	vmul.f32 v18, v17;
	v18 =	vmul.f32 v43, v42  }
0x176: {  	v63 =	vld [tilespmem:s5+$0x88E0];
	v61 =	vmul.f32 v46, v45;
	v62 =	vmul.f32 v49, v48  }
0x177: {  	v38 =	vmul.f32 v52, v51;
	v17 =	vmul.f32 v19, v17;
	v19 =	vld [tilespmem:s5+$0x88F0]  }
0x178: {  	v39 =	vmul.f32 v55, v54;
	v40 =	vmul.f32 v58, v57  }
0x179: {  	v20 =	vmul.f32 v60, v59;
	v18 =	vmul.f32 v44, v18  }
0x17a: {  	v21 =	vmul.f32 v47, v61;
	v28 =	vmul.f32 v50, v62  }
0x17b: {  	v23 =	vmul.f32 v53, v38;
	v25 =	vmul.f32 v56, v39  }
0x17c: {  	v24 =	vmul.f32 v63, v40;
	v19 =	vmul.f32 v19, v20  }
0x17d: {  	v17 =	vadd.f32 v18, v17;
	v18 =	vadd.f32 v28, v21  }
0x17e: {  	v41 =	vadd.f32 v25, v23;
	v19 =	vadd.f32 v19, v24;
	_ =	sdelay $0x1  }
0x17f: {  	v17 =	vadd.f32 v18, v17;
	v18 =	vadd.f32 v19, v41;
	_ =	sdelay $0x1  }
0x180: {  	v17 =	vadd.f32 v18, v17;
	_ =	sdelay $0x1  }
0x181: {  	[tilespmem:$0x18950] =	vst v17  }
0x182: {  	v17 =	vld [tilespmem:s5+$0x900]  }
0x183: {  	v18 =	vld [tilespmem:s5+$0x4900]  }
0x184: {  	v19 =	vld [tilespmem:s5+$0x8900]  }
0x185: {  	v42 =	vld [tilespmem:s5+$0x910]  }
0x186: {  	v43 =	vld [tilespmem:s5+$0x4910]  }
0x187: {  	v44 =	vld [tilespmem:s5+$0x8910]  }
0x188: {  	v45 =	vld [tilespmem:s5+$0x920]  }
0x189: {  	v46 =	vld [tilespmem:s5+$0x4920]  }
0x18a: {  	v47 =	vld [tilespmem:s5+$0x8920]  }
0x18b: {  	v48 =	vld [tilespmem:s5+$0x930]  }
0x18c: {  	v49 =	vld [tilespmem:s5+$0x4930]  }
0x18d: {  	v50 =	vld [tilespmem:s5+$0x8930]  }
0x18e: {  	v51 =	vld [tilespmem:s5+$0x940]  }
0x18f: {  	v52 =	vld [tilespmem:s5+$0x4940]  }
0x190: {  	v53 =	vld [tilespmem:s5+$0x8940]  }
0x191: {  	v54 =	vld [tilespmem:s5+$0x950]  }
0x192: {  	v55 =	vld [tilespmem:s5+$0x4950]  }
0x193: {  	v57 =	vld [tilespmem:s5+$0x960]  }
0x194: {  	v58 =	vld [tilespmem:s5+$0x4960]  }
0x195: {  	v59 =	vld [tilespmem:s5+$0x970]  }
0x196: {  	v60 =	vld [tilespmem:s5+$0x4970]  }
0x197: {  	v56 =	vld [tilespmem:s5+$0x8950];
	v17 =	vmul.f32 v18, v17;
	v18 =	vmul.f32 v43, v42  }
0x198: {  	v63 =	vld [tilespmem:s5+$0x8960];
	v61 =	vmul.f32 v46, v45;
	v62 =	vmul.f32 v49, v48  }
0x199: {  	v38 =	vmul.f32 v52, v51;
	v17 =	vmul.f32 v19, v17;
	v19 =	vld [tilespmem:s5+$0x8970]  }
0x19a: {  	v39 =	vmul.f32 v55, v54;
	v40 =	vmul.f32 v58, v57  }
0x19b: {  	v20 =	vmul.f32 v60, v59;
	v18 =	vmul.f32 v44, v18  }
0x19c: {  	v21 =	vmul.f32 v47, v61;
	v28 =	vmul.f32 v50, v62  }
0x19d: {  	v23 =	vmul.f32 v53, v38;
	v25 =	vmul.f32 v56, v39  }
0x19e: {  	v24 =	vmul.f32 v63, v40;
	v19 =	vmul.f32 v19, v20  }
0x19f: {  	v17 =	vadd.f32 v18, v17;
	v18 =	vadd.f32 v28, v21  }
0x1a0: {  	v41 =	vadd.f32 v25, v23;
	v19 =	vadd.f32 v19, v24;
	_ =	sdelay $0x1  }
0x1a1: {  	v17 =	vadd.f32 v18, v17;
	v18 =	vadd.f32 v19, v41;
	_ =	sdelay $0x1  }
0x1a2: {  	v17 =	vadd.f32 v18, v17;
	_ =	sdelay $0x1  }
0x1a3: {  	[tilespmem:$0x18960] =	vst v17  }
0x1a4: {  	v17 =	vld [tilespmem:s5+$0x980]  }
0x1a5: {  	v18 =	vld [tilespmem:s5+$0x4980]  }
0x1a6: {  	v19 =	vld [tilespmem:s5+$0x8980]  }
0x1a7: {  	v42 =	vld [tilespmem:s5+$0x990]  }
0x1a8: {  	v43 =	vld [tilespmem:s5+$0x4990]  }
0x1a9: {  	v44 =	vld [tilespmem:s5+$0x8990]  }
0x1aa: {  	v45 =	vld [tilespmem:s5+$0x9A0]  }
0x1ab: {  	v46 =	vld [tilespmem:s5+$0x49A0]  }
0x1ac: {  	v47 =	vld [tilespmem:s5+$0x89A0]  }
0x1ad: {  	v48 =	vld [tilespmem:s5+$0x9B0]  }
0x1ae: {  	v49 =	vld [tilespmem:s5+$0x49B0]  }
0x1af: {  	v50 =	vld [tilespmem:s5+$0x89B0]  }
0x1b0: {  	v51 =	vld [tilespmem:s5+$0x9C0]  }
0x1b1: {  	v52 =	vld [tilespmem:s5+$0x49C0]  }
0x1b2: {  	v53 =	vld [tilespmem:s5+$0x89C0]  }
0x1b3: {  	v54 =	vld [tilespmem:s5+$0x9D0]  }
0x1b4: {  	v55 =	vld [tilespmem:s5+$0x49D0]  }
0x1b5: {  	v57 =	vld [tilespmem:s5+$0x9E0]  }
0x1b6: {  	v58 =	vld [tilespmem:s5+$0x49E0]  }
0x1b7: {  	v59 =	vld [tilespmem:s5+$0x9F0]  }
0x1b8: {  	v60 =	vld [tilespmem:s5+$0x49F0]  }
0x1b9: {  	v56 =	vld [tilespmem:s5+$0x89D0];
	v17 =	vmul.f32 v18, v17;
	v18 =	vmul.f32 v43, v42  }
0x1ba: {  	v63 =	vld [tilespmem:s5+$0x89E0];
	v61 =	vmul.f32 v46, v45;
	v62 =	vmul.f32 v49, v48  }
0x1bb: {  	v39 =	vmul.f32 v52, v51;
	v17 =	vmul.f32 v19, v17;
	v19 =	vld [tilespmem:s5+$0x89F0]  }
0x1bc: {  	v40 =	vmul.f32 v55, v54;
	v41 =	vmul.f32 v58, v57  }
0x1bd: {  	v20 =	vmul.f32 v60, v59;
	v18 =	vmul.f32 v44, v18  }
0x1be: {  	v21 =	vmul.f32 v47, v61;
	v38 =	vmul.f32 v50, v62  }
0x1bf: {  	v23 =	vmul.f32 v53, v39;
	v25 =	vmul.f32 v56, v40  }
0x1c0: {  	v24 =	vmul.f32 v63, v41;
	v19 =	vmul.f32 v19, v20  }
0x1c1: {  	v17 =	vadd.f32 v18, v17;
	v18 =	vadd.f32 v38, v21  }
0x1c2: {  	v42 =	vadd.f32 v25, v23;
	v19 =	vadd.f32 v19, v24;
	_ =	sdelay $0x1  }
0x1c3: {  	v17 =	vadd.f32 v18, v17;
	v18 =	vadd.f32 v19, v42;
	_ =	sdelay $0x1  }
0x1c4: {  	v17 =	vadd.f32 v18, v17;
	_ =	sdelay $0x1  }
0x1c5: {  	[tilespmem:$0x18970] =	vst v17  }
0x1c6: {  	v17 =	vld [tilespmem:s5+$0xA00]  }
0x1c7: {  	v18 =	vld [tilespmem:s5+$0x4A00]  }
0x1c8: {  	v19 =	vld [tilespmem:s5+$0x8A00]  }
0x1c9: {  	v43 =	vld [tilespmem:s5+$0xA10]  }
0x1ca: {  	v44 =	vld [tilespmem:s5+$0x4A10]  }
0x1cb: {  	v45 =	vld [tilespmem:s5+$0x8A10]  }
0x1cc: {  	v46 =	vld [tilespmem:s5+$0xA20]  }
0x1cd: {  	v47 =	vld [tilespmem:s5+$0x4A20]  }
0x1ce: {  	v48 =	vld [tilespmem:s5+$0x8A20]  }
0x1cf: {  	v49 =	vld [tilespmem:s5+$0xA30]  }
0x1d0: {  	v50 =	vld [tilespmem:s5+$0x4A30]  }
0x1d1: {  	v51 =	vld [tilespmem:s5+$0x8A30]  }
0x1d2: {  	v52 =	vld [tilespmem:s5+$0xA40]  }
0x1d3: {  	v53 =	vld [tilespmem:s5+$0x4A40]  }
0x1d4: {  	v54 =	vld [tilespmem:s5+$0x8A40]  }
0x1d5: {  	v55 =	vld [tilespmem:s5+$0xA50]  }
0x1d6: {  	v56 =	vld [tilespmem:s5+$0x4A50]  }
0x1d7: {  	v58 =	vld [tilespmem:s5+$0xA60]  }
0x1d8: {  	v59 =	vld [tilespmem:s5+$0x4A60]  }
0x1d9: {  	v60 =	vld [tilespmem:s5+$0xA70]  }
0x1da: {  	v61 =	vld [tilespmem:s5+$0x4A70]  }
0x1db: {  	v57 =	vld [tilespmem:s5+$0x8A50];
	v17 =	vmul.f32 v18, v17;
	v18 =	vmul.f32 v44, v43  }
0x1dc: {  	v38 =	vld [tilespmem:s5+$0x8A60];
	v62 =	vmul.f32 v47, v46;
	v63 =	vmul.f32 v50, v49  }
0x1dd: {  	v40 =	vmul.f32 v53, v52;
	v17 =	vmul.f32 v19, v17;
	v19 =	vld [tilespmem:s5+$0x8A70]  }
0x1de: {  	v41 =	vmul.f32 v56, v55;
	v42 =	vmul.f32 v59, v58  }
0x1df: {  	v20 =	vmul.f32 v61, v60;
	v18 =	vmul.f32 v45, v18  }
0x1e0: {  	v21 =	vmul.f32 v48, v62;
	v39 =	vmul.f32 v51, v63  }
0x1e1: {  	v23 =	vmul.f32 v54, v40;
	v25 =	vmul.f32 v57, v41  }
0x1e2: {  	v24 =	vmul.f32 v38, v42;
	v19 =	vmul.f32 v19, v20  }
0x1e3: {  	v17 =	vadd.f32 v18, v17;
	v18 =	vadd.f32 v39, v21  }
0x1e4: {  	v43 =	vadd.f32 v25, v23;
	v19 =	vadd.f32 v19, v24;
	_ =	sdelay $0x1  }
0x1e5: {  	v17 =	vadd.f32 v18, v17;
	v18 =	vadd.f32 v19, v43;
	_ =	sdelay $0x1  }
0x1e6: {  	v17 =	vadd.f32 v18, v17;
	_ =	sdelay $0x1  }
0x1e7: {  	[tilespmem:$0x18980] =	vst v17  }
0x1e8: {  	v17 =	vld [tilespmem:s5+$0xA80]  }
0x1e9: {  	v18 =	vld [tilespmem:s5+$0x4A80]  }
0x1ea: {  	v19 =	vld [tilespmem:s5+$0x8A80]  }
0x1eb: {  	v44 =	vld [tilespmem:s5+$0xA90]  }
0x1ec: {  	v45 =	vld [tilespmem:s5+$0x4A90]  }
0x1ed: {  	v46 =	vld [tilespmem:s5+$0x8A90]  }
0x1ee: {  	v47 =	vld [tilespmem:s5+$0xAA0]  }
0x1ef: {  	v48 =	vld [tilespmem:s5+$0x4AA0]  }
0x1f0: {  	v49 =	vld [tilespmem:s5+$0x8AA0]  }
0x1f1: {  	v50 =	vld [tilespmem:s5+$0xAB0]  }
0x1f2: {  	v51 =	vld [tilespmem:s5+$0x4AB0]  }
0x1f3: {  	v52 =	vld [tilespmem:s5+$0x8AB0]  }
0x1f4: {  	v53 =	vld [tilespmem:s5+$0xAC0]  }
0x1f5: {  	v54 =	vld [tilespmem:s5+$0x4AC0]  }
0x1f6: {  	v55 =	vld [tilespmem:s5+$0x8AC0]  }
0x1f7: {  	v56 =	vld [tilespmem:s5+$0xAD0]  }
0x1f8: {  	v57 =	vld [tilespmem:s5+$0x4AD0]  }
0x1f9: {  	v59 =	vld [tilespmem:s5+$0xAE0]  }
0x1fa: {  	v60 =	vld [tilespmem:s5+$0x4AE0]  }
0x1fb: {  	v61 =	vld [tilespmem:s5+$0xAF0]  }
0x1fc: {  	v62 =	vld [tilespmem:s5+$0x4AF0]  }
0x1fd: {  	v58 =	vld [tilespmem:s5+$0x8AD0];
	v17 =	vmul.f32 v18, v17;
	v18 =	vmul.f32 v45, v44  }
0x1fe: {  	v39 =	vld [tilespmem:s5+$0x8AE0];
	v63 =	vmul.f32 v48, v47;
	v38 =	vmul.f32 v51, v50  }
0x1ff: {  	v41 =	vmul.f32 v54, v53;
	v17 =	vmul.f32 v19, v17;
	v19 =	vld [tilespmem:s5+$0x8AF0]  }
0x200: {  	v42 =	vmul.f32 v57, v56;
	v43 =	vmul.f32 v60, v59  }
0x201: {  	v20 =	vmul.f32 v62, v61;
	v18 =	vmul.f32 v46, v18  }
0x202: {  	v21 =	vmul.f32 v49, v63;
	v40 =	vmul.f32 v52, v38  }
0x203: {  	v23 =	vmul.f32 v55, v41;
	v25 =	vmul.f32 v58, v42  }
0x204: {  	v24 =	vmul.f32 v39, v43;
	v19 =	vmul.f32 v19, v20  }
0x205: {  	v17 =	vadd.f32 v18, v17;
	v18 =	vadd.f32 v40, v21  }
0x206: {  	v44 =	vadd.f32 v25, v23;
	v19 =	vadd.f32 v19, v24;
	_ =	sdelay $0x1  }
0x207: {  	v17 =	vadd.f32 v18, v17;
	v18 =	vadd.f32 v19, v44;
	_ =	sdelay $0x1  }
0x208: {  	v17 =	vadd.f32 v18, v17;
	_ =	sdelay $0x1  }
0x209: {  	[tilespmem:$0x18990] =	vst v17  }
0x20a: {  	v17 =	vld [tilespmem:s5+$0xB00]  }
0x20b: {  	v18 =	vld [tilespmem:s5+$0x4B00]  }
0x20c: {  	v19 =	vld [tilespmem:s5+$0x8B00]  }
0x20d: {  	v45 =	vld [tilespmem:s5+$0xB10]  }
0x20e: {  	v46 =	vld [tilespmem:s5+$0x4B10]  }
0x20f: {  	v47 =	vld [tilespmem:s5+$0x8B10]  }
0x210: {  	v48 =	vld [tilespmem:s5+$0xB20]  }
0x211: {  	v49 =	vld [tilespmem:s5+$0x4B20]  }
0x212: {  	v50 =	vld [tilespmem:s5+$0x8B20]  }
0x213: {  	v51 =	vld [tilespmem:s5+$0xB30]  }
0x214: {  	v52 =	vld [tilespmem:s5+$0x4B30]  }
0x215: {  	v53 =	vld [tilespmem:s5+$0x8B30]  }
0x216: {  	v54 =	vld [tilespmem:s5+$0xB40]  }
0x217: {  	v55 =	vld [tilespmem:s5+$0x4B40]  }
0x218: {  	v56 =	vld [tilespmem:s5+$0x8B40]  }
0x219: {  	v57 =	vld [tilespmem:s5+$0xB50]  }
0x21a: {  	v58 =	vld [tilespmem:s5+$0x4B50]  }
0x21b: {  	v60 =	vld [tilespmem:s5+$0xB60]  }
0x21c: {  	v61 =	vld [tilespmem:s5+$0x4B60]  }
0x21d: {  	v62 =	vld [tilespmem:s5+$0xB70]  }
0x21e: {  	v63 =	vld [tilespmem:s5+$0x4B70]  }
0x21f: {  	v59 =	vld [tilespmem:s5+$0x8B50];
	v17 =	vmul.f32 v18, v17;
	v18 =	vmul.f32 v46, v45  }
0x220: {  	v40 =	vld [tilespmem:s5+$0x8B60];
	v38 =	vmul.f32 v49, v48;
	v39 =	vmul.f32 v52, v51  }
0x221: {  	v42 =	vmul.f32 v55, v54;
	v17 =	vmul.f32 v19, v17;
	v19 =	vld [tilespmem:s5+$0x8B70]  }
0x222: {  	v43 =	vmul.f32 v58, v57;
	v44 =	vmul.f32 v61, v60  }
0x223: {  	v20 =	vmul.f32 v63, v62;
	v18 =	vmul.f32 v47, v18  }
0x224: {  	v21 =	vmul.f32 v50, v38;
	v41 =	vmul.f32 v53, v39  }
0x225: {  	v23 =	vmul.f32 v56, v42;
	v25 =	vmul.f32 v59, v43  }
0x226: {  	v24 =	vmul.f32 v40, v44;
	v19 =	vmul.f32 v19, v20  }
0x227: {  	v17 =	vadd.f32 v18, v17;
	v18 =	vadd.f32 v41, v21  }
0x228: {  	v45 =	vadd.f32 v25, v23;
	v19 =	vadd.f32 v19, v24;
	_ =	sdelay $0x1  }
0x229: {  	v17 =	vadd.f32 v18, v17;
	v18 =	vadd.f32 v19, v45;
	_ =	sdelay $0x1  }
0x22a: {  	v17 =	vadd.f32 v18, v17;
	_ =	sdelay $0x1  }
0x22b: {  	[tilespmem:$0x189A0] =	vst v17  }
0x22c: {  	v17 =	vld [tilespmem:s5+$0xB80]  }
0x22d: {  	v18 =	vld [tilespmem:s5+$0x4B80]  }
0x22e: {  	v19 =	vld [tilespmem:s5+$0x8B80]  }
0x22f: {  	v46 =	vld [tilespmem:s5+$0xB90]  }
0x230: {  	v47 =	vld [tilespmem:s5+$0x4B90]  }
0x231: {  	v48 =	vld [tilespmem:s5+$0x8B90]  }
0x232: {  	v49 =	vld [tilespmem:s5+$0xBA0]  }
0x233: {  	v50 =	vld [tilespmem:s5+$0x4BA0]  }
0x234: {  	v51 =	vld [tilespmem:s5+$0x8BA0]  }
0x235: {  	v52 =	vld [tilespmem:s5+$0xBB0]  }
0x236: {  	v53 =	vld [tilespmem:s5+$0x4BB0]  }
0x237: {  	v54 =	vld [tilespmem:s5+$0x8BB0]  }
0x238: {  	v55 =	vld [tilespmem:s5+$0xBC0]  }
0x239: {  	v56 =	vld [tilespmem:s5+$0x4BC0]  }
0x23a: {  	v57 =	vld [tilespmem:s5+$0x8BC0]  }
0x23b: {  	v58 =	vld [tilespmem:s5+$0xBD0]  }
0x23c: {  	v59 =	vld [tilespmem:s5+$0x4BD0]  }
0x23d: {  	v61 =	vld [tilespmem:s5+$0xBE0]  }
0x23e: {  	v62 =	vld [tilespmem:s5+$0x4BE0]  }
0x23f: {  	v63 =	vld [tilespmem:s5+$0xBF0]  }
0x240: {  	v38 =	vld [tilespmem:s5+$0x4BF0]  }
0x241: {  	v60 =	vld [tilespmem:s5+$0x8BD0];
	v17 =	vmul.f32 v18, v17;
	v18 =	vmul.f32 v47, v46  }
0x242: {  	v41 =	vld [tilespmem:s5+$0x8BE0];
	v39 =	vmul.f32 v50, v49;
	v40 =	vmul.f32 v53, v52  }
0x243: {  	v43 =	vmul.f32 v56, v55;
	v17 =	vmul.f32 v19, v17;
	v19 =	vld [tilespmem:s5+$0x8BF0]  }
0x244: {  	v44 =	vmul.f32 v59, v58;
	v45 =	vmul.f32 v62, v61  }
0x245: {  	v20 =	vmul.f32 v38, v63;
	v18 =	vmul.f32 v48, v18  }
0x246: {  	v21 =	vmul.f32 v51, v39;
	v42 =	vmul.f32 v54, v40  }
0x247: {  	v23 =	vmul.f32 v57, v43;
	v25 =	vmul.f32 v60, v44  }
0x248: {  	v24 =	vmul.f32 v41, v45;
	v19 =	vmul.f32 v19, v20  }
0x249: {  	v17 =	vadd.f32 v18, v17;
	v18 =	vadd.f32 v42, v21  }
0x24a: {  	v46 =	vadd.f32 v25, v23;
	v19 =	vadd.f32 v19, v24;
	_ =	sdelay $0x1  }
0x24b: {  	v17 =	vadd.f32 v18, v17;
	v18 =	vadd.f32 v19, v46;
	_ =	sdelay $0x1  }
0x24c: {  	v17 =	vadd.f32 v18, v17;
	_ =	sdelay $0x1  }
0x24d: {  	[tilespmem:$0x189B0] =	vst v17  }
0x24e: {  	v17 =	vld [tilespmem:s5+$0xC00]  }
0x24f: {  	v18 =	vld [tilespmem:s5+$0x4C00]  }
0x250: {  	v19 =	vld [tilespmem:s5+$0x8C00]  }
0x251: {  	v47 =	vld [tilespmem:s5+$0xC10]  }
0x252: {  	v48 =	vld [tilespmem:s5+$0x4C10]  }
0x253: {  	v49 =	vld [tilespmem:s5+$0x8C10]  }
0x254: {  	v50 =	vld [tilespmem:s5+$0xC20]  }
0x255: {  	v51 =	vld [tilespmem:s5+$0x4C20]  }
0x256: {  	v52 =	vld [tilespmem:s5+$0x8C20]  }
0x257: {  	v53 =	vld [tilespmem:s5+$0xC30]  }
0x258: {  	v54 =	vld [tilespmem:s5+$0x4C30]  }
0x259: {  	v55 =	vld [tilespmem:s5+$0x8C30]  }
0x25a: {  	v56 =	vld [tilespmem:s5+$0xC40]  }
0x25b: {  	v57 =	vld [tilespmem:s5+$0x4C40]  }
0x25c: {  	v58 =	vld [tilespmem:s5+$0x8C40]  }
0x25d: {  	v59 =	vld [tilespmem:s5+$0xC50]  }
0x25e: {  	v60 =	vld [tilespmem:s5+$0x4C50]  }
0x25f: {  	v62 =	vld [tilespmem:s5+$0xC60]  }
0x260: {  	v63 =	vld [tilespmem:s5+$0x4C60]  }
0x261: {  	v40 =	vld [tilespmem:s5+$0xC70]  }
0x262: {  	v41 =	vld [tilespmem:s5+$0x4C70]  }
0x263: {  	v61 =	vld [tilespmem:s5+$0x8C50];
	v17 =	vmul.f32 v18, v17;
	v18 =	vmul.f32 v48, v47  }
0x264: {  	v44 =	vld [tilespmem:s5+$0x8C60];
	v42 =	vmul.f32 v51, v50;
	v43 =	vmul.f32 v54, v53  }
0x265: {  	v46 =	vmul.f32 v57, v56;
	v17 =	vmul.f32 v19, v17;
	v19 =	vld [tilespmem:s5+$0x8C70]  }
0x266: {  	v47 =	vmul.f32 v60, v59;
	v48 =	vmul.f32 v63, v62  }
0x267: {  	v20 =	vmul.f32 v41, v40;
	v18 =	vmul.f32 v49, v18  }
0x268: {  	v21 =	vmul.f32 v52, v42;
	v45 =	vmul.f32 v55, v43  }
0x269: {  	v23 =	vmul.f32 v58, v46;
	v25 =	vmul.f32 v61, v47  }
0x26a: {  	v24 =	vmul.f32 v44, v48;
	v19 =	vmul.f32 v19, v20  }
0x26b: {  	v17 =	vadd.f32 v18, v17;
	v18 =	vadd.f32 v45, v21  }
0x26c: {  	v49 =	vadd.f32 v25, v23;
	v19 =	vadd.f32 v19, v24;
	_ =	sdelay $0x1  }
0x26d: {  	v17 =	vadd.f32 v18, v17;
	v18 =	vadd.f32 v19, v49;
	_ =	sdelay $0x1  }
0x26e: {  	v17 =	vadd.f32 v18, v17;
	_ =	sdelay $0x1  }
0x26f: {  	[tilespmem:$0x189C0] =	vst v17  }
0x270: {  	v17 =	vld [tilespmem:s5+$0xC80]  }
0x271: {  	v18 =	vld [tilespmem:s5+$0x4C80]  }
0x272: {  	v19 =	vld [tilespmem:s5+$0x8C80]  }
0x273: {  	v50 =	vld [tilespmem:s5+$0xC90]  }
0x274: {  	v51 =	vld [tilespmem:s5+$0x4C90]  }
0x275: {  	v52 =	vld [tilespmem:s5+$0x8C90]  }
0x276: {  	v53 =	vld [tilespmem:s5+$0xCA0]  }
0x277: {  	v54 =	vld [tilespmem:s5+$0x4CA0]  }
0x278: {  	v55 =	vld [tilespmem:s5+$0x8CA0]  }
0x279: {  	v56 =	vld [tilespmem:s5+$0xCB0]  }
0x27a: {  	v57 =	vld [tilespmem:s5+$0x4CB0]  }
0x27b: {  	v58 =	vld [tilespmem:s5+$0x8CB0]  }
0x27c: {  	v59 =	vld [tilespmem:s5+$0xCC0]  }
0x27d: {  	v60 =	vld [tilespmem:s5+$0x4CC0]  }
0x27e: {  	v61 =	vld [tilespmem:s5+$0x8CC0]  }
0x27f: {  	v62 =	vld [tilespmem:s5+$0xCD0]  }
0x280: {  	v63 =	vld [tilespmem:s5+$0x4CD0]  }
0x281: {  	v41 =	vld [tilespmem:s5+$0xCE0]  }
0x282: {  	v42 =	vld [tilespmem:s5+$0x4CE0]  }
0x283: {  	v43 =	vld [tilespmem:s5+$0xCF0]  }
0x284: {  	v44 =	vld [tilespmem:s5+$0x4CF0]  }
0x285: {  	v40 =	vld [tilespmem:s5+$0x8CD0];
	v17 =	vmul.f32 v18, v17;
	v18 =	vmul.f32 v51, v50  }
0x286: {  	v47 =	vld [tilespmem:s5+$0x8CE0];
	v45 =	vmul.f32 v54, v53;
	v46 =	vmul.f32 v57, v56  }
0x287: {  	v49 =	vmul.f32 v60, v59;
	v17 =	vmul.f32 v19, v17;
	v19 =	vld [tilespmem:s5+$0x8CF0]  }
0x288: {  	v50 =	vmul.f32 v63, v62;
	v51 =	vmul.f32 v42, v41  }
0x289: {  	v20 =	vmul.f32 v44, v43;
	v18 =	vmul.f32 v52, v18  }
0x28a: {  	v21 =	vmul.f32 v55, v45;
	v48 =	vmul.f32 v58, v46  }
0x28b: {  	v23 =	vmul.f32 v61, v49;
	v25 =	vmul.f32 v40, v50  }
0x28c: {  	v24 =	vmul.f32 v47, v51;
	v19 =	vmul.f32 v19, v20  }
0x28d: {  	v17 =	vadd.f32 v18, v17;
	v18 =	vadd.f32 v48, v21  }
0x28e: {  	v52 =	vadd.f32 v25, v23;
	v19 =	vadd.f32 v19, v24;
	_ =	sdelay $0x1  }
0x28f: {  	v17 =	vadd.f32 v18, v17;
	v18 =	vadd.f32 v19, v52;
	_ =	sdelay $0x1  }
0x290: {  	v17 =	vadd.f32 v18, v17;
	_ =	sdelay $0x1  }
0x291: {  	[tilespmem:$0x189D0] =	vst v17  }
0x292: {  	v17 =	vld [tilespmem:s5+$0xD00]  }
0x293: {  	v18 =	vld [tilespmem:s5+$0x4D00]  }
0x294: {  	v19 =	vld [tilespmem:s5+$0x8D00]  }
0x295: {  	v53 =	vld [tilespmem:s5+$0xD10]  }
0x296: {  	v54 =	vld [tilespmem:s5+$0x4D10]  }
0x297: {  	v55 =	vld [tilespmem:s5+$0x8D10]  }
0x298: {  	v56 =	vld [tilespmem:s5+$0xD20]  }
0x299: {  	v57 =	vld [tilespmem:s5+$0x4D20]  }
0x29a: {  	v58 =	vld [tilespmem:s5+$0x8D20]  }
0x29b: {  	v59 =	vld [tilespmem:s5+$0xD30]  }
0x29c: {  	v60 =	vld [tilespmem:s5+$0x4D30]  }
0x29d: {  	v61 =	vld [tilespmem:s5+$0x8D30]  }
0x29e: {  	v62 =	vld [tilespmem:s5+$0xD40]  }
0x29f: {  	v63 =	vld [tilespmem:s5+$0x4D40]  }
0x2a0: {  	v40 =	vld [tilespmem:s5+$0x8D40]  }
0x2a1: {  	v41 =	vld [tilespmem:s5+$0xD50]  }
0x2a2: {  	v42 =	vld [tilespmem:s5+$0x4D50]  }
0x2a3: {  	v44 =	vld [tilespmem:s5+$0xD60]  }
0x2a4: {  	v45 =	vld [tilespmem:s5+$0x4D60]  }
0x2a5: {  	v46 =	vld [tilespmem:s5+$0xD70]  }
0x2a6: {  	v47 =	vld [tilespmem:s5+$0x4D70]  }
0x2a7: {  	v43 =	vld [tilespmem:s5+$0x8D50];
	v17 =	vmul.f32 v18, v17;
	v18 =	vmul.f32 v54, v53  }
0x2a8: {  	v50 =	vld [tilespmem:s5+$0x8D60];
	v48 =	vmul.f32 v57, v56;
	v49 =	vmul.f32 v60, v59  }
0x2a9: {  	v52 =	vmul.f32 v63, v62;
	v17 =	vmul.f32 v19, v17;
	v19 =	vld [tilespmem:s5+$0x8D70]  }
0x2aa: {  	v53 =	vmul.f32 v42, v41;
	v54 =	vmul.f32 v45, v44  }
0x2ab: {  	v20 =	vmul.f32 v47, v46;
	v18 =	vmul.f32 v55, v18  }
0x2ac: {  	v21 =	vmul.f32 v58, v48;
	v51 =	vmul.f32 v61, v49  }
0x2ad: {  	v23 =	vmul.f32 v40, v52;
	v25 =	vmul.f32 v43, v53  }
0x2ae: {  	v24 =	vmul.f32 v50, v54;
	v19 =	vmul.f32 v19, v20  }
0x2af: {  	v17 =	vadd.f32 v18, v17;
	v18 =	vadd.f32 v51, v21  }
0x2b0: {  	v55 =	vadd.f32 v25, v23;
	v19 =	vadd.f32 v19, v24;
	_ =	sdelay $0x1  }
0x2b1: {  	v17 =	vadd.f32 v18, v17;
	v18 =	vadd.f32 v19, v55;
	_ =	sdelay $0x1  }
0x2b2: {  	v17 =	vadd.f32 v18, v17;
	_ =	sdelay $0x1  }
0x2b3: {  	[tilespmem:$0x189E0] =	vst v17  }
0x2b4: {  	v17 =	vld [tilespmem:s5+$0xD80]  }
0x2b5: {  	v18 =	vld [tilespmem:s5+$0x4D80]  }
0x2b6: {  	v19 =	vld [tilespmem:s5+$0x8D80]  }
0x2b7: {  	v56 =	vld [tilespmem:s5+$0xD90]  }
0x2b8: {  	v57 =	vld [tilespmem:s5+$0x4D90]  }
0x2b9: {  	v58 =	vld [tilespmem:s5+$0x8D90]  }
0x2ba: {  	v59 =	vld [tilespmem:s5+$0xDA0]  }
0x2bb: {  	v60 =	vld [tilespmem:s5+$0x4DA0]  }
0x2bc: {  	v61 =	vld [tilespmem:s5+$0x8DA0]  }
0x2bd: {  	v62 =	vld [tilespmem:s5+$0xDB0]  }
0x2be: {  	v63 =	vld [tilespmem:s5+$0x4DB0]  }
0x2bf: {  	v40 =	vld [tilespmem:s5+$0x8DB0]  }
0x2c0: {  	v41 =	vld [tilespmem:s5+$0xDC0]  }
0x2c1: {  	v42 =	vld [tilespmem:s5+$0x4DC0]  }
0x2c2: {  	v43 =	vld [tilespmem:s5+$0x8DC0]  }
0x2c3: {  	v44 =	vld [tilespmem:s5+$0xDD0]  }
0x2c4: {  	v45 =	vld [tilespmem:s5+$0x4DD0]  }
0x2c5: {  	v47 =	vld [tilespmem:s5+$0xDE0]  }
0x2c6: {  	v48 =	vld [tilespmem:s5+$0x4DE0]  }
0x2c7: {  	v49 =	vld [tilespmem:s5+$0xDF0]  }
0x2c8: {  	v50 =	vld [tilespmem:s5+$0x4DF0]  }
0x2c9: {  	v46 =	vld [tilespmem:s5+$0x8DD0];
	v17 =	vmul.f32 v18, v17;
	v18 =	vmul.f32 v57, v56  }
0x2ca: {  	v53 =	vld [tilespmem:s5+$0x8DE0];
	v51 =	vmul.f32 v60, v59;
	v52 =	vmul.f32 v63, v62  }
0x2cb: {  	v55 =	vmul.f32 v42, v41;
	v17 =	vmul.f32 v19, v17;
	v19 =	vld [tilespmem:s5+$0x8DF0]  }
0x2cc: {  	v56 =	vmul.f32 v45, v44;
	v57 =	vmul.f32 v48, v47  }
0x2cd: {  	v20 =	vmul.f32 v50, v49;
	v18 =	vmul.f32 v58, v18  }
0x2ce: {  	v21 =	vmul.f32 v61, v51;
	v54 =	vmul.f32 v40, v52  }
0x2cf: {  	v23 =	vmul.f32 v43, v55;
	v25 =	vmul.f32 v46, v56  }
0x2d0: {  	v24 =	vmul.f32 v53, v57;
	v19 =	vmul.f32 v19, v20  }
0x2d1: {  	v17 =	vadd.f32 v18, v17;
	v18 =	vadd.f32 v54, v21  }
0x2d2: {  	v58 =	vadd.f32 v25, v23;
	v19 =	vadd.f32 v19, v24;
	_ =	sdelay $0x1  }
0x2d3: {  	v17 =	vadd.f32 v18, v17;
	v18 =	vadd.f32 v19, v58;
	_ =	sdelay $0x1  }
0x2d4: {  	v17 =	vadd.f32 v18, v17;
	_ =	sdelay $0x1  }
0x2d5: {  	[tilespmem:$0x189F0] =	vst v17  }
0x2d6: {  	v17 =	vld.idx.msk [tilespmem:v0+s29+$0x0], $0xffff  }
0x2d7: {  	v18 =	vld.idx.msk [tilespmem:v1+s29+$0x0], $0xffff;
	_ =	sdelay $0x1  }
0x2d8: {  	v19 =	vld.idx.msk [tilespmem:v2+s29+$0x0], $0xffff;
	_ =	sdelay $0x1  }
0x2d9: {  	v59 =	vld.idx.msk [tilespmem:v3+s29+$0x0], $0xffff  }
0x2da: {  	v17 =	vadd.f32 v18, v17  }
0x2db: {  	v18 =	vld.idx.msk [tilespmem:v4+s29+$0x0], $0xffff  }
0x2dc: {  	v17 =	vadd.f32 v19, v17  }
0x2dd: {  	v19 =	vld.idx.msk [tilespmem:v5+s29+$0x0], $0xffff  }
0x2de: {  	v17 =	vadd.f32 v59, v17  }
0x2df: {  	v60 =	vld.idx.msk [tilespmem:v6+s29+$0x0], $0xffff  }
0x2e0: {  	v17 =	vadd.f32 v18, v17  }
0x2e1: {  	v18 =	vld.idx.msk [tilespmem:v7+s29+$0x0], $0xffff  }
0x2e2: {  	v17 =	vadd.f32 v19, v17  }
0x2e3: {  	v19 =	vld.idx.msk [tilespmem:v8+s29+$0x0], $0xffff  }
0x2e4: {  	v17 =	vadd.f32 v60, v17  }
0x2e5: {  	v61 =	vld.idx.msk [tilespmem:v9+s29+$0x0], $0xffff  }
0x2e6: {  	v17 =	vadd.f32 v18, v17  }
0x2e7: {  	v18 =	vld.idx.msk [tilespmem:v10+s29+$0x0], $0xffff  }
0x2e8: {  	v17 =	vadd.f32 v19, v17  }
0x2e9: {  	v19 =	vld.idx.msk [tilespmem:v11+s29+$0x0], $0xffff  }
0x2ea: {  	v17 =	vadd.f32 v61, v17  }
0x2eb: {  	v62 =	vld.idx.msk [tilespmem:v12+s29+$0x0], $0xffff  }
0x2ec: {  	v17 =	vadd.f32 v18, v17  }
0x2ed: {  	v18 =	vld.idx.msk [tilespmem:v13+s29+$0x0], $0xffff  }
0x2ee: {  	v17 =	vadd.f32 v19, v17  }
0x2ef: {  	v19 =	vld.idx.msk [tilespmem:v14+s29+$0x0], $0xffff  }
0x2f0: {  	v17 =	vadd.f32 v62, v17  }
0x2f1: {  	v63 =	vld.idx.msk [tilespmem:v15+s29+$0x0], $0xffff  }
0x2f2: {  	v17 =	vadd.f32 v18, v17  }
0x2f3: {  	p1 =	sne.s32 s31, $0x7  }
.Ltmp0:
0x2f4: {  	v17 =	vadd.f32 v19, v17;
	(pc) =	sbr.rel @p1 .LBB2_3-.Ltmp0, $4  }
0x2f5: {  	_ = 	snop  }
0x2f6: {  	s0 =	sshll.u32 s31, $0x4;
	v17 =	vadd.f32 v63, v17  }
0x2f7: {  	s0 =	sand.u32 $0x3FFFFFF0, s0  }
0x2f8: {  	s31 =	sadd.s32 $0x1, s31;
	[tilespmem:v16+s0+$0x0 ss:$0x1] =	vst.idx.msk $0xffff, v17  }
0x2f9: {  	v16 =	vld @p0 [tilespmem:$0x100]  }
0x2fa: {  	v17 =	vld @p0 [tilespmem:$0x300]  }
0x2fb: {  	v18 =	vld @p0 [tilespmem:$0x500]  }
0x2fc: {  	v19 =	vld @p0 [tilespmem:$0x110]  }
0x2fd: {  	v20 =	vld @p0 [tilespmem:$0x310]  }
0x2fe: {  	[tilespmem:$0x18600] =	vst @p0 v16;
	v16 =	vld @p0 [tilespmem:$0x510]  }
0x2ff: {  	[tilespmem:$0x18680] =	vst @p0 v17;
	v17 =	vld @p0 [tilespmem:$0x120]  }
0x300: {  	[tilespmem:$0x18700] =	vst @p0 v18;
	v18 =	vld @p0 [tilespmem:$0x320]  }
0x301: {  	[tilespmem:$0x18610] =	vst @p0 v19;
	v19 =	vld @p0 [tilespmem:$0x520]  }
0x302: {  	[tilespmem:$0x18690] =	vst @p0 v20;
	v20 =	vld @p0 [tilespmem:$0x130]  }
0x303: {  	[tilespmem:$0x18710] =	vst @p0 v16;
	v16 =	vld @p0 [tilespmem:$0x330]  }
0x304: {  	[tilespmem:$0x18620] =	vst @p0 v17;
	v17 =	vld @p0 [tilespmem:$0x530]  }
0x305: {  	[tilespmem:$0x186A0] =	vst @p0 v18;
	v18 =	vld @p0 [tilespmem:$0x140]  }
0x306: {  	[tilespmem:$0x18720] =	vst @p0 v19;
	v19 =	vld @p0 [tilespmem:$0x340]  }
0x307: {  	[tilespmem:$0x18630] =	vst @p0 v20;
	v20 =	vld @p0 [tilespmem:$0x540]  }
0x308: {  	[tilespmem:$0x186B0] =	vst @p0 v16;
	v16 =	vld @p0 [tilespmem:$0x150]  }
0x309: {  	[tilespmem:$0x18730] =	vst @p0 v17;
	v17 =	vld @p0 [tilespmem:$0x350]  }
0x30a: {  	[tilespmem:$0x18640] =	vst @p0 v18;
	v18 =	vld @p0 [tilespmem:$0x550]  }
0x30b: {  	[tilespmem:$0x186C0] =	vst @p0 v19;
	v19 =	vld @p0 [tilespmem:$0x160]  }
0x30c: {  	[tilespmem:$0x18740] =	vst @p0 v20;
	v20 =	vld @p0 [tilespmem:$0x360]  }
0x30d: {  	[tilespmem:$0x18650] =	vst @p0 v16;
	v16 =	vld @p0 [tilespmem:$0x560]  }
0x30e: {  	[tilespmem:$0x186D0] =	vst @p0 v17;
	v17 =	vld @p0 [tilespmem:$0x170]  }
0x30f: {  	[tilespmem:$0x18750] =	vst @p0 v18;
	v18 =	vld @p0 [tilespmem:$0x370]  }
0x310: {  	[tilespmem:$0x18660] =	vst @p0 v19;
	v19 =	vld @p0 [tilespmem:$0x570]  }
0x311: {  	[tilespmem:$0x186E0] =	vst @p0 v20  }
0x312: {  	[tilespmem:$0x18760] =	vst @p0 v16  }
0x313: {  	[tilespmem:$0x18670] =	vst @p0 v17  }
0x314: {  	[tilespmem:$0x186F0] =	vst @p0 v18  }
0x315: {  	s0 =	simm.s32 @p0 $0x80;
	s3 =	simm.s32 @p0 $0x18600;
	s4 =	simm.s32 @p0 $0x600;
	[tilespmem:$0x18770] =	vst @p0 v19  }
0x316: {  	[tilespmem:s4], [sflag:$0x1] =	stream.indirect.gather @p0 [hbm4b:s1+s0], $0x80, s3, s0, $0xb8;
	[tilespmem:$0x18C00] =	vst v63  }
0x317: {  	s3 =	simm.s32 @p0 $0x18680;
	s4 =	simm.s32 @p0 $0x4600  }
0x318: {  	[tilespmem:s4], [sflag:$0x1] =	stream.indirect.gather @p0 [hbm4b:s2+s0], $0x80, s3, s0, $0xb8;
	[tilespmem:$0x18C00] =	vst v63  }
0x319: {  	s3 =	simm.s32 @p0 $0x18700;
	s4 =	simm.s32 @p0 $0x8600  }
0x31a: {  	[tilespmem:s4], [sflag:$0x1] =	stream.indirect.gather @p0 [hbm4b:s1+s0], $0x80, s3, s0, $0xb8;
	[tilespmem:$0x18C00] =	vst v63  }
0x31b: {  	_ =	swait.ge [sflag:s30], $0x4000  }
0x31c: {  	[sflag:s30] =	ssyncset.done $0x0  }
0x31d: {  	[sflag:s30] =	ssyncadd.s32 $0xFFFFC000  }
0x31e: {  	_ =	swait.ge [sflag:s30], $0x4000  }
0x31f: {  	[sflag:s30] =	ssyncset.done $0x0  }
0x320: {  	[sflag:s30] =	ssyncadd.s32 $0xFFFFC000  }
0x321: {  	_ =	swait.ge [sflag:s30], $0x4000  }
0x322: {  	s31 =	sadd.s32 $0x18A80, s19;
	[sflag:s30] =	ssyncset.done $0x0  }
0x323: {  	s19 =	simm.s32 $0x0;
	v16 =	vmov s31;
	[sflag:s30] =	ssyncadd.s32 $0xFFFFC000  }
.LBB2_5:
0x324: {  	s5 =	sshll.u32 s19, $0xB  }
0x325: {  	v17 =	vld [tilespmem:s5+$0xC600]  }
0x326: {  	v18 =	vld [tilespmem:s5+$0x10600]  }
0x327: {  	v19 =	vld [tilespmem:s5+$0x14600]  }
0x328: {  	v20 =	vld [tilespmem:s5+$0xC610]  }
0x329: {  	v21 =	vld [tilespmem:s5+$0x10610]  }
0x32a: {  	v22 =	vld [tilespmem:s5+$0x14610]  }
0x32b: {  	v23 =	vld [tilespmem:s5+$0xC620]  }
0x32c: {  	v24 =	vld [tilespmem:s5+$0x10620]  }
0x32d: {  	v25 =	vld [tilespmem:s5+$0x14620]  }
0x32e: {  	v26 =	vld [tilespmem:s5+$0xC630]  }
0x32f: {  	v27 =	vld [tilespmem:s5+$0x10630]  }
0x330: {  	v28 =	vld [tilespmem:s5+$0x14630]  }
0x331: {  	v29 =	vld [tilespmem:s5+$0xC640]  }
0x332: {  	v30 =	vld [tilespmem:s5+$0x10640]  }
0x333: {  	v31 =	vld [tilespmem:s5+$0x14640]  }
0x334: {  	v32 =	vld [tilespmem:s5+$0xC650]  }
0x335: {  	v33 =	vld [tilespmem:s5+$0x10650]  }
0x336: {  	v35 =	vld [tilespmem:s5+$0xC660]  }
0x337: {  	v36 =	vld [tilespmem:s5+$0x10660]  }
0x338: {  	v37 =	vld [tilespmem:s5+$0xC670]  }
0x339: {  	v60 =	vld [tilespmem:s5+$0x10670]  }
0x33a: {  	v34 =	vld [tilespmem:s5+$0x14650];
	v17 =	vmul.f32 v18, v17;
	v18 =	vmul.f32 v21, v20  }
0x33b: {  	v63 =	vld [tilespmem:s5+$0x14660];
	v61 =	vmul.f32 v24, v23;
	v62 =	vmul.f32 v27, v26  }
0x33c: {  	v38 =	vmul.f32 v30, v29;
	v17 =	vmul.f32 v19, v17;
	v19 =	vld [tilespmem:s5+$0x14670]  }
0x33d: {  	v39 =	vmul.f32 v33, v32;
	v40 =	vmul.f32 v36, v35  }
0x33e: {  	v20 =	vmul.f32 v60, v37;
	v18 =	vmul.f32 v22, v18  }
0x33f: {  	v21 =	vmul.f32 v25, v61;
	v28 =	vmul.f32 v28, v62  }
0x340: {  	v23 =	vmul.f32 v31, v38;
	v25 =	vmul.f32 v34, v39  }
0x341: {  	v24 =	vmul.f32 v63, v40;
	v19 =	vmul.f32 v19, v20  }
0x342: {  	v17 =	vadd.f32 v18, v17;
	v18 =	vadd.f32 v28, v21  }
0x343: {  	v41 =	vadd.f32 v25, v23;
	v19 =	vadd.f32 v19, v24;
	_ =	sdelay $0x1  }
0x344: {  	v17 =	vadd.f32 v18, v17;
	v18 =	vadd.f32 v19, v41;
	_ =	sdelay $0x1  }
0x345: {  	v17 =	vadd.f32 v18, v17;
	_ =	sdelay $0x1  }
0x346: {  	[tilespmem:$0x18900] =	vst v17  }
0x347: {  	v17 =	vld [tilespmem:s5+$0xC680]  }
0x348: {  	v18 =	vld [tilespmem:s5+$0x10680]  }
0x349: {  	v19 =	vld [tilespmem:s5+$0x14680]  }
0x34a: {  	v42 =	vld [tilespmem:s5+$0xC690]  }
0x34b: {  	v43 =	vld [tilespmem:s5+$0x10690]  }
0x34c: {  	v44 =	vld [tilespmem:s5+$0x14690]  }
0x34d: {  	v45 =	vld [tilespmem:s5+$0xC6A0]  }
0x34e: {  	v46 =	vld [tilespmem:s5+$0x106A0]  }
0x34f: {  	v47 =	vld [tilespmem:s5+$0x146A0]  }
0x350: {  	v48 =	vld [tilespmem:s5+$0xC6B0]  }
0x351: {  	v49 =	vld [tilespmem:s5+$0x106B0]  }
0x352: {  	v50 =	vld [tilespmem:s5+$0x146B0]  }
0x353: {  	v51 =	vld [tilespmem:s5+$0xC6C0]  }
0x354: {  	v52 =	vld [tilespmem:s5+$0x106C0]  }
0x355: {  	v53 =	vld [tilespmem:s5+$0x146C0]  }
0x356: {  	v54 =	vld [tilespmem:s5+$0xC6D0]  }
0x357: {  	v55 =	vld [tilespmem:s5+$0x106D0]  }
0x358: {  	v57 =	vld [tilespmem:s5+$0xC6E0]  }
0x359: {  	v58 =	vld [tilespmem:s5+$0x106E0]  }
0x35a: {  	v59 =	vld [tilespmem:s5+$0xC6F0]  }
0x35b: {  	v60 =	vld [tilespmem:s5+$0x106F0]  }
0x35c: {  	v56 =	vld [tilespmem:s5+$0x146D0];
	v17 =	vmul.f32 v18, v17;
	v18 =	vmul.f32 v43, v42  }
0x35d: {  	v63 =	vld [tilespmem:s5+$0x146E0];
	v61 =	vmul.f32 v46, v45;
	v62 =	vmul.f32 v49, v48  }
0x35e: {  	v38 =	vmul.f32 v52, v51;
	v17 =	vmul.f32 v19, v17;
	v19 =	vld [tilespmem:s5+$0x146F0]  }
0x35f: {  	v39 =	vmul.f32 v55, v54;
	v40 =	vmul.f32 v58, v57  }
0x360: {  	v20 =	vmul.f32 v60, v59;
	v18 =	vmul.f32 v44, v18  }
0x361: {  	v21 =	vmul.f32 v47, v61;
	v28 =	vmul.f32 v50, v62  }
0x362: {  	v23 =	vmul.f32 v53, v38;
	v25 =	vmul.f32 v56, v39  }
0x363: {  	v24 =	vmul.f32 v63, v40;
	v19 =	vmul.f32 v19, v20  }
0x364: {  	v17 =	vadd.f32 v18, v17;
	v18 =	vadd.f32 v28, v21  }
0x365: {  	v41 =	vadd.f32 v25, v23;
	v19 =	vadd.f32 v19, v24;
	_ =	sdelay $0x1  }
0x366: {  	v17 =	vadd.f32 v18, v17;
	v18 =	vadd.f32 v19, v41;
	_ =	sdelay $0x1  }
0x367: {  	v17 =	vadd.f32 v18, v17;
	_ =	sdelay $0x1  }
0x368: {  	[tilespmem:$0x18910] =	vst v17  }
0x369: {  	v17 =	vld [tilespmem:s5+$0xC700]  }
0x36a: {  	v18 =	vld [tilespmem:s5+$0x10700]  }
0x36b: {  	v19 =	vld [tilespmem:s5+$0x14700]  }
0x36c: {  	v42 =	vld [tilespmem:s5+$0xC710]  }
0x36d: {  	v43 =	vld [tilespmem:s5+$0x10710]  }
0x36e: {  	v44 =	vld [tilespmem:s5+$0x14710]  }
0x36f: {  	v45 =	vld [tilespmem:s5+$0xC720]  }
0x370: {  	v46 =	vld [tilespmem:s5+$0x10720]  }
0x371: {  	v47 =	vld [tilespmem:s5+$0x14720]  }
0x372: {  	v48 =	vld [tilespmem:s5+$0xC730]  }
0x373: {  	v49 =	vld [tilespmem:s5+$0x10730]  }
0x374: {  	v50 =	vld [tilespmem:s5+$0x14730]  }
0x375: {  	v51 =	vld [tilespmem:s5+$0xC740]  }
0x376: {  	v52 =	vld [tilespmem:s5+$0x10740]  }
0x377: {  	v53 =	vld [tilespmem:s5+$0x14740]  }
0x378: {  	v54 =	vld [tilespmem:s5+$0xC750]  }
0x379: {  	v55 =	vld [tilespmem:s5+$0x10750]  }
0x37a: {  	v57 =	vld [tilespmem:s5+$0xC760]  }
0x37b: {  	v58 =	vld [tilespmem:s5+$0x10760]  }
0x37c: {  	v59 =	vld [tilespmem:s5+$0xC770]  }
0x37d: {  	v60 =	vld [tilespmem:s5+$0x10770]  }
0x37e: {  	v56 =	vld [tilespmem:s5+$0x14750];
	v17 =	vmul.f32 v18, v17;
	v18 =	vmul.f32 v43, v42  }
0x37f: {  	v63 =	vld [tilespmem:s5+$0x14760];
	v61 =	vmul.f32 v46, v45;
	v62 =	vmul.f32 v49, v48  }
0x380: {  	v38 =	vmul.f32 v52, v51;
	v17 =	vmul.f32 v19, v17;
	v19 =	vld [tilespmem:s5+$0x14770]  }
0x381: {  	v39 =	vmul.f32 v55, v54;
	v40 =	vmul.f32 v58, v57  }
0x382: {  	v20 =	vmul.f32 v60, v59;
	v18 =	vmul.f32 v44, v18  }
0x383: {  	v21 =	vmul.f32 v47, v61;
	v28 =	vmul.f32 v50, v62  }
0x384: {  	v23 =	vmul.f32 v53, v38;
	v25 =	vmul.f32 v56, v39  }
0x385: {  	v24 =	vmul.f32 v63, v40;
	v19 =	vmul.f32 v19, v20  }
0x386: {  	v17 =	vadd.f32 v18, v17;
	v18 =	vadd.f32 v28, v21  }
0x387: {  	v41 =	vadd.f32 v25, v23;
	v19 =	vadd.f32 v19, v24;
	_ =	sdelay $0x1  }
0x388: {  	v17 =	vadd.f32 v18, v17;
	v18 =	vadd.f32 v19, v41;
	_ =	sdelay $0x1  }
0x389: {  	v17 =	vadd.f32 v18, v17;
	_ =	sdelay $0x1  }
0x38a: {  	[tilespmem:$0x18920] =	vst v17  }
0x38b: {  	v17 =	vld [tilespmem:s5+$0xC780]  }
0x38c: {  	v18 =	vld [tilespmem:s5+$0x10780]  }
0x38d: {  	v19 =	vld [tilespmem:s5+$0x14780]  }
0x38e: {  	v42 =	vld [tilespmem:s5+$0xC790]  }
0x38f: {  	v43 =	vld [tilespmem:s5+$0x10790]  }
0x390: {  	v44 =	vld [tilespmem:s5+$0x14790]  }
0x391: {  	v45 =	vld [tilespmem:s5+$0xC7A0]  }
0x392: {  	v46 =	vld [tilespmem:s5+$0x107A0]  }
0x393: {  	v47 =	vld [tilespmem:s5+$0x147A0]  }
0x394: {  	v48 =	vld [tilespmem:s5+$0xC7B0]  }
0x395: {  	v49 =	vld [tilespmem:s5+$0x107B0]  }
0x396: {  	v50 =	vld [tilespmem:s5+$0x147B0]  }
0x397: {  	v51 =	vld [tilespmem:s5+$0xC7C0]  }
0x398: {  	v52 =	vld [tilespmem:s5+$0x107C0]  }
0x399: {  	v53 =	vld [tilespmem:s5+$0x147C0]  }
0x39a: {  	v54 =	vld [tilespmem:s5+$0xC7D0]  }
0x39b: {  	v55 =	vld [tilespmem:s5+$0x107D0]  }
0x39c: {  	v57 =	vld [tilespmem:s5+$0xC7E0]  }
0x39d: {  	v58 =	vld [tilespmem:s5+$0x107E0]  }
0x39e: {  	v59 =	vld [tilespmem:s5+$0xC7F0]  }
0x39f: {  	v60 =	vld [tilespmem:s5+$0x107F0]  }
0x3a0: {  	v56 =	vld [tilespmem:s5+$0x147D0];
	v17 =	vmul.f32 v18, v17;
	v18 =	vmul.f32 v43, v42  }
0x3a1: {  	v63 =	vld [tilespmem:s5+$0x147E0];
	v61 =	vmul.f32 v46, v45;
	v62 =	vmul.f32 v49, v48  }
0x3a2: {  	v38 =	vmul.f32 v52, v51;
	v17 =	vmul.f32 v19, v17;
	v19 =	vld [tilespmem:s5+$0x147F0]  }
0x3a3: {  	v39 =	vmul.f32 v55, v54;
	v40 =	vmul.f32 v58, v57  }
0x3a4: {  	v20 =	vmul.f32 v60, v59;
	v18 =	vmul.f32 v44, v18  }
0x3a5: {  	v21 =	vmul.f32 v47, v61;
	v28 =	vmul.f32 v50, v62  }
0x3a6: {  	v23 =	vmul.f32 v53, v38;
	v25 =	vmul.f32 v56, v39  }
0x3a7: {  	v24 =	vmul.f32 v63, v40;
	v19 =	vmul.f32 v19, v20  }
0x3a8: {  	v17 =	vadd.f32 v18, v17;
	v18 =	vadd.f32 v28, v21  }
0x3a9: {  	v41 =	vadd.f32 v25, v23;
	v19 =	vadd.f32 v19, v24;
	_ =	sdelay $0x1  }
0x3aa: {  	v17 =	vadd.f32 v18, v17;
	v18 =	vadd.f32 v19, v41;
	_ =	sdelay $0x1  }
0x3ab: {  	v17 =	vadd.f32 v18, v17;
	_ =	sdelay $0x1  }
0x3ac: {  	[tilespmem:$0x18930] =	vst v17  }
0x3ad: {  	v17 =	vld [tilespmem:s5+$0xC800]  }
0x3ae: {  	v18 =	vld [tilespmem:s5+$0x10800]  }
0x3af: {  	v19 =	vld [tilespmem:s5+$0x14800]  }
0x3b0: {  	v42 =	vld [tilespmem:s5+$0xC810]  }
0x3b1: {  	v43 =	vld [tilespmem:s5+$0x10810]  }
0x3b2: {  	v44 =	vld [tilespmem:s5+$0x14810]  }
0x3b3: {  	v45 =	vld [tilespmem:s5+$0xC820]  }
0x3b4: {  	v46 =	vld [tilespmem:s5+$0x10820]  }
0x3b5: {  	v47 =	vld [tilespmem:s5+$0x14820]  }
0x3b6: {  	v48 =	vld [tilespmem:s5+$0xC830]  }
0x3b7: {  	v49 =	vld [tilespmem:s5+$0x10830]  }
0x3b8: {  	v50 =	vld [tilespmem:s5+$0x14830]  }
0x3b9: {  	v51 =	vld [tilespmem:s5+$0xC840]  }
0x3ba: {  	v52 =	vld [tilespmem:s5+$0x10840]  }
0x3bb: {  	v53 =	vld [tilespmem:s5+$0x14840]  }
0x3bc: {  	v54 =	vld [tilespmem:s5+$0xC850]  }
0x3bd: {  	v55 =	vld [tilespmem:s5+$0x10850]  }
0x3be: {  	v57 =	vld [tilespmem:s5+$0xC860]  }
0x3bf: {  	v58 =	vld [tilespmem:s5+$0x10860]  }
0x3c0: {  	v59 =	vld [tilespmem:s5+$0xC870]  }
0x3c1: {  	v60 =	vld [tilespmem:s5+$0x10870]  }
0x3c2: {  	v56 =	vld [tilespmem:s5+$0x14850];
	v17 =	vmul.f32 v18, v17;
	v18 =	vmul.f32 v43, v42  }
0x3c3: {  	v63 =	vld [tilespmem:s5+$0x14860];
	v61 =	vmul.f32 v46, v45;
	v62 =	vmul.f32 v49, v48  }
0x3c4: {  	v38 =	vmul.f32 v52, v51;
	v17 =	vmul.f32 v19, v17;
	v19 =	vld [tilespmem:s5+$0x14870]  }
0x3c5: {  	v39 =	vmul.f32 v55, v54;
	v40 =	vmul.f32 v58, v57  }
0x3c6: {  	v20 =	vmul.f32 v60, v59;
	v18 =	vmul.f32 v44, v18  }
0x3c7: {  	v21 =	vmul.f32 v47, v61;
	v28 =	vmul.f32 v50, v62  }
0x3c8: {  	v23 =	vmul.f32 v53, v38;
	v25 =	vmul.f32 v56, v39  }
0x3c9: {  	v24 =	vmul.f32 v63, v40;
	v19 =	vmul.f32 v19, v20  }
0x3ca: {  	v17 =	vadd.f32 v18, v17;
	v18 =	vadd.f32 v28, v21  }
0x3cb: {  	v41 =	vadd.f32 v25, v23;
	v19 =	vadd.f32 v19, v24;
	_ =	sdelay $0x1  }
0x3cc: {  	v17 =	vadd.f32 v18, v17;
	v18 =	vadd.f32 v19, v41;
	_ =	sdelay $0x1  }
0x3cd: {  	v17 =	vadd.f32 v18, v17;
	_ =	sdelay $0x1  }
0x3ce: {  	[tilespmem:$0x18940] =	vst v17  }
0x3cf: {  	v17 =	vld [tilespmem:s5+$0xC880]  }
0x3d0: {  	v18 =	vld [tilespmem:s5+$0x10880]  }
0x3d1: {  	v19 =	vld [tilespmem:s5+$0x14880]  }
0x3d2: {  	v42 =	vld [tilespmem:s5+$0xC890]  }
0x3d3: {  	v43 =	vld [tilespmem:s5+$0x10890]  }
0x3d4: {  	v44 =	vld [tilespmem:s5+$0x14890]  }
0x3d5: {  	v45 =	vld [tilespmem:s5+$0xC8A0]  }
0x3d6: {  	v46 =	vld [tilespmem:s5+$0x108A0]  }
0x3d7: {  	v47 =	vld [tilespmem:s5+$0x148A0]  }
0x3d8: {  	v48 =	vld [tilespmem:s5+$0xC8B0]  }
0x3d9: {  	v49 =	vld [tilespmem:s5+$0x108B0]  }
0x3da: {  	v50 =	vld [tilespmem:s5+$0x148B0]  }
0x3db: {  	v51 =	vld [tilespmem:s5+$0xC8C0]  }
0x3dc: {  	v52 =	vld [tilespmem:s5+$0x108C0]  }
0x3dd: {  	v53 =	vld [tilespmem:s5+$0x148C0]  }
0x3de: {  	v54 =	vld [tilespmem:s5+$0xC8D0]  }
0x3df: {  	v55 =	vld [tilespmem:s5+$0x108D0]  }
0x3e0: {  	v57 =	vld [tilespmem:s5+$0xC8E0]  }
0x3e1: {  	v58 =	vld [tilespmem:s5+$0x108E0]  }
0x3e2: {  	v59 =	vld [tilespmem:s5+$0xC8F0]  }
0x3e3: {  	v60 =	vld [tilespmem:s5+$0x108F0]  }
0x3e4: {  	v56 =	vld [tilespmem:s5+$0x148D0];
	v17 =	vmul.f32 v18, v17;
	v18 =	vmul.f32 v43, v42  }
0x3e5: {  	v63 =	vld [tilespmem:s5+$0x148E0];
	v61 =	vmul.f32 v46, v45;
	v62 =	vmul.f32 v49, v48  }
0x3e6: {  	v38 =	vmul.f32 v52, v51;
	v17 =	vmul.f32 v19, v17;
	v19 =	vld [tilespmem:s5+$0x148F0]  }
0x3e7: {  	v39 =	vmul.f32 v55, v54;
	v40 =	vmul.f32 v58, v57  }
0x3e8: {  	v20 =	vmul.f32 v60, v59;
	v18 =	vmul.f32 v44, v18  }
0x3e9: {  	v21 =	vmul.f32 v47, v61;
	v28 =	vmul.f32 v50, v62  }
0x3ea: {  	v23 =	vmul.f32 v53, v38;
	v25 =	vmul.f32 v56, v39  }
0x3eb: {  	v24 =	vmul.f32 v63, v40;
	v19 =	vmul.f32 v19, v20  }
0x3ec: {  	v17 =	vadd.f32 v18, v17;
	v18 =	vadd.f32 v28, v21  }
0x3ed: {  	v41 =	vadd.f32 v25, v23;
	v19 =	vadd.f32 v19, v24;
	_ =	sdelay $0x1  }
0x3ee: {  	v17 =	vadd.f32 v18, v17;
	v18 =	vadd.f32 v19, v41;
	_ =	sdelay $0x1  }
0x3ef: {  	v17 =	vadd.f32 v18, v17;
	_ =	sdelay $0x1  }
0x3f0: {  	[tilespmem:$0x18950] =	vst v17  }
0x3f1: {  	v17 =	vld [tilespmem:s5+$0xC900]  }
0x3f2: {  	v18 =	vld [tilespmem:s5+$0x10900]  }
0x3f3: {  	v19 =	vld [tilespmem:s5+$0x14900]  }
0x3f4: {  	v42 =	vld [tilespmem:s5+$0xC910]  }
0x3f5: {  	v43 =	vld [tilespmem:s5+$0x10910]  }
0x3f6: {  	v44 =	vld [tilespmem:s5+$0x14910]  }
0x3f7: {  	v45 =	vld [tilespmem:s5+$0xC920]  }
0x3f8: {  	v46 =	vld [tilespmem:s5+$0x10920]  }
0x3f9: {  	v47 =	vld [tilespmem:s5+$0x14920]  }
0x3fa: {  	v48 =	vld [tilespmem:s5+$0xC930]  }
0x3fb: {  	v49 =	vld [tilespmem:s5+$0x10930]  }
0x3fc: {  	v50 =	vld [tilespmem:s5+$0x14930]  }
0x3fd: {  	v51 =	vld [tilespmem:s5+$0xC940]  }
0x3fe: {  	v52 =	vld [tilespmem:s5+$0x10940]  }
0x3ff: {  	v53 =	vld [tilespmem:s5+$0x14940]  }
0x400: {  	v54 =	vld [tilespmem:s5+$0xC950]  }
0x401: {  	v55 =	vld [tilespmem:s5+$0x10950]  }
0x402: {  	v57 =	vld [tilespmem:s5+$0xC960]  }
0x403: {  	v58 =	vld [tilespmem:s5+$0x10960]  }
0x404: {  	v59 =	vld [tilespmem:s5+$0xC970]  }
0x405: {  	v60 =	vld [tilespmem:s5+$0x10970]  }
0x406: {  	v56 =	vld [tilespmem:s5+$0x14950];
	v17 =	vmul.f32 v18, v17;
	v18 =	vmul.f32 v43, v42  }
0x407: {  	v63 =	vld [tilespmem:s5+$0x14960];
	v61 =	vmul.f32 v46, v45;
	v62 =	vmul.f32 v49, v48  }
0x408: {  	v38 =	vmul.f32 v52, v51;
	v17 =	vmul.f32 v19, v17;
	v19 =	vld [tilespmem:s5+$0x14970]  }
0x409: {  	v39 =	vmul.f32 v55, v54;
	v40 =	vmul.f32 v58, v57  }
0x40a: {  	v20 =	vmul.f32 v60, v59;
	v18 =	vmul.f32 v44, v18  }
0x40b: {  	v21 =	vmul.f32 v47, v61;
	v28 =	vmul.f32 v50, v62  }
0x40c: {  	v23 =	vmul.f32 v53, v38;
	v25 =	vmul.f32 v56, v39  }
0x40d: {  	v24 =	vmul.f32 v63, v40;
	v19 =	vmul.f32 v19, v20  }
0x40e: {  	v17 =	vadd.f32 v18, v17;
	v18 =	vadd.f32 v28, v21  }
0x40f: {  	v41 =	vadd.f32 v25, v23;
	v19 =	vadd.f32 v19, v24;
	_ =	sdelay $0x1  }
0x410: {  	v17 =	vadd.f32 v18, v17;
	v18 =	vadd.f32 v19, v41;
	_ =	sdelay $0x1  }
0x411: {  	v17 =	vadd.f32 v18, v17;
	_ =	sdelay $0x1  }
0x412: {  	[tilespmem:$0x18960] =	vst v17  }
0x413: {  	v17 =	vld [tilespmem:s5+$0xC980]  }
0x414: {  	v18 =	vld [tilespmem:s5+$0x10980]  }
0x415: {  	v19 =	vld [tilespmem:s5+$0x14980]  }
0x416: {  	v42 =	vld [tilespmem:s5+$0xC990]  }
0x417: {  	v43 =	vld [tilespmem:s5+$0x10990]  }
0x418: {  	v44 =	vld [tilespmem:s5+$0x14990]  }
0x419: {  	v45 =	vld [tilespmem:s5+$0xC9A0]  }
0x41a: {  	v46 =	vld [tilespmem:s5+$0x109A0]  }
0x41b: {  	v47 =	vld [tilespmem:s5+$0x149A0]  }
0x41c: {  	v48 =	vld [tilespmem:s5+$0xC9B0]  }
0x41d: {  	v49 =	vld [tilespmem:s5+$0x109B0]  }
0x41e: {  	v50 =	vld [tilespmem:s5+$0x149B0]  }
0x41f: {  	v51 =	vld [tilespmem:s5+$0xC9C0]  }
0x420: {  	v52 =	vld [tilespmem:s5+$0x109C0]  }
0x421: {  	v53 =	vld [tilespmem:s5+$0x149C0]  }
0x422: {  	v54 =	vld [tilespmem:s5+$0xC9D0]  }
0x423: {  	v55 =	vld [tilespmem:s5+$0x109D0]  }
0x424: {  	v57 =	vld [tilespmem:s5+$0xC9E0]  }
0x425: {  	v58 =	vld [tilespmem:s5+$0x109E0]  }
0x426: {  	v59 =	vld [tilespmem:s5+$0xC9F0]  }
0x427: {  	v60 =	vld [tilespmem:s5+$0x109F0]  }
0x428: {  	v56 =	vld [tilespmem:s5+$0x149D0];
	v17 =	vmul.f32 v18, v17;
	v18 =	vmul.f32 v43, v42  }
0x429: {  	v63 =	vld [tilespmem:s5+$0x149E0];
	v61 =	vmul.f32 v46, v45;
	v62 =	vmul.f32 v49, v48  }
0x42a: {  	v39 =	vmul.f32 v52, v51;
	v17 =	vmul.f32 v19, v17;
	v19 =	vld [tilespmem:s5+$0x149F0]  }
0x42b: {  	v40 =	vmul.f32 v55, v54;
	v41 =	vmul.f32 v58, v57  }
0x42c: {  	v20 =	vmul.f32 v60, v59;
	v18 =	vmul.f32 v44, v18  }
0x42d: {  	v21 =	vmul.f32 v47, v61;
	v38 =	vmul.f32 v50, v62  }
0x42e: {  	v23 =	vmul.f32 v53, v39;
	v25 =	vmul.f32 v56, v40  }
0x42f: {  	v24 =	vmul.f32 v63, v41;
	v19 =	vmul.f32 v19, v20  }
0x430: {  	v17 =	vadd.f32 v18, v17;
	v18 =	vadd.f32 v38, v21  }
0x431: {  	v42 =	vadd.f32 v25, v23;
	v19 =	vadd.f32 v19, v24;
	_ =	sdelay $0x1  }
0x432: {  	v17 =	vadd.f32 v18, v17;
	v18 =	vadd.f32 v19, v42;
	_ =	sdelay $0x1  }
0x433: {  	v17 =	vadd.f32 v18, v17;
	_ =	sdelay $0x1  }
0x434: {  	[tilespmem:$0x18970] =	vst v17  }
0x435: {  	v17 =	vld [tilespmem:s5+$0xCA00]  }
0x436: {  	v18 =	vld [tilespmem:s5+$0x10A00]  }
0x437: {  	v19 =	vld [tilespmem:s5+$0x14A00]  }
0x438: {  	v43 =	vld [tilespmem:s5+$0xCA10]  }
0x439: {  	v44 =	vld [tilespmem:s5+$0x10A10]  }
0x43a: {  	v45 =	vld [tilespmem:s5+$0x14A10]  }
0x43b: {  	v46 =	vld [tilespmem:s5+$0xCA20]  }
0x43c: {  	v47 =	vld [tilespmem:s5+$0x10A20]  }
0x43d: {  	v48 =	vld [tilespmem:s5+$0x14A20]  }
0x43e: {  	v49 =	vld [tilespmem:s5+$0xCA30]  }
0x43f: {  	v50 =	vld [tilespmem:s5+$0x10A30]  }
0x440: {  	v51 =	vld [tilespmem:s5+$0x14A30]  }
0x441: {  	v52 =	vld [tilespmem:s5+$0xCA40]  }
0x442: {  	v53 =	vld [tilespmem:s5+$0x10A40]  }
0x443: {  	v54 =	vld [tilespmem:s5+$0x14A40]  }
0x444: {  	v55 =	vld [tilespmem:s5+$0xCA50]  }
0x445: {  	v56 =	vld [tilespmem:s5+$0x10A50]  }
0x446: {  	v58 =	vld [tilespmem:s5+$0xCA60]  }
0x447: {  	v59 =	vld [tilespmem:s5+$0x10A60]  }
0x448: {  	v60 =	vld [tilespmem:s5+$0xCA70]  }
0x449: {  	v61 =	vld [tilespmem:s5+$0x10A70]  }
0x44a: {  	v57 =	vld [tilespmem:s5+$0x14A50];
	v17 =	vmul.f32 v18, v17;
	v18 =	vmul.f32 v44, v43  }
0x44b: {  	v38 =	vld [tilespmem:s5+$0x14A60];
	v62 =	vmul.f32 v47, v46;
	v63 =	vmul.f32 v50, v49  }
0x44c: {  	v40 =	vmul.f32 v53, v52;
	v17 =	vmul.f32 v19, v17;
	v19 =	vld [tilespmem:s5+$0x14A70]  }
0x44d: {  	v41 =	vmul.f32 v56, v55;
	v42 =	vmul.f32 v59, v58  }
0x44e: {  	v20 =	vmul.f32 v61, v60;
	v18 =	vmul.f32 v45, v18  }
0x44f: {  	v21 =	vmul.f32 v48, v62;
	v39 =	vmul.f32 v51, v63  }
0x450: {  	v23 =	vmul.f32 v54, v40;
	v25 =	vmul.f32 v57, v41  }
0x451: {  	v24 =	vmul.f32 v38, v42;
	v19 =	vmul.f32 v19, v20  }
0x452: {  	v17 =	vadd.f32 v18, v17;
	v18 =	vadd.f32 v39, v21  }
0x453: {  	v43 =	vadd.f32 v25, v23;
	v19 =	vadd.f32 v19, v24;
	_ =	sdelay $0x1  }
0x454: {  	v17 =	vadd.f32 v18, v17;
	v18 =	vadd.f32 v19, v43;
	_ =	sdelay $0x1  }
0x455: {  	v17 =	vadd.f32 v18, v17;
	_ =	sdelay $0x1  }
0x456: {  	[tilespmem:$0x18980] =	vst v17  }
0x457: {  	v17 =	vld [tilespmem:s5+$0xCA80]  }
0x458: {  	v18 =	vld [tilespmem:s5+$0x10A80]  }
0x459: {  	v19 =	vld [tilespmem:s5+$0x14A80]  }
0x45a: {  	v44 =	vld [tilespmem:s5+$0xCA90]  }
0x45b: {  	v45 =	vld [tilespmem:s5+$0x10A90]  }
0x45c: {  	v46 =	vld [tilespmem:s5+$0x14A90]  }
0x45d: {  	v47 =	vld [tilespmem:s5+$0xCAA0]  }
0x45e: {  	v48 =	vld [tilespmem:s5+$0x10AA0]  }
0x45f: {  	v49 =	vld [tilespmem:s5+$0x14AA0]  }
0x460: {  	v50 =	vld [tilespmem:s5+$0xCAB0]  }
0x461: {  	v51 =	vld [tilespmem:s5+$0x10AB0]  }
0x462: {  	v52 =	vld [tilespmem:s5+$0x14AB0]  }
0x463: {  	v53 =	vld [tilespmem:s5+$0xCAC0]  }
0x464: {  	v54 =	vld [tilespmem:s5+$0x10AC0]  }
0x465: {  	v55 =	vld [tilespmem:s5+$0x14AC0]  }
0x466: {  	v56 =	vld [tilespmem:s5+$0xCAD0]  }
0x467: {  	v57 =	vld [tilespmem:s5+$0x10AD0]  }
0x468: {  	v59 =	vld [tilespmem:s5+$0xCAE0]  }
0x469: {  	v60 =	vld [tilespmem:s5+$0x10AE0]  }
0x46a: {  	v61 =	vld [tilespmem:s5+$0xCAF0]  }
0x46b: {  	v62 =	vld [tilespmem:s5+$0x10AF0]  }
0x46c: {  	v58 =	vld [tilespmem:s5+$0x14AD0];
	v17 =	vmul.f32 v18, v17;
	v18 =	vmul.f32 v45, v44  }
0x46d: {  	v39 =	vld [tilespmem:s5+$0x14AE0];
	v63 =	vmul.f32 v48, v47;
	v38 =	vmul.f32 v51, v50  }
0x46e: {  	v41 =	vmul.f32 v54, v53;
	v17 =	vmul.f32 v19, v17;
	v19 =	vld [tilespmem:s5+$0x14AF0]  }
0x46f: {  	v42 =	vmul.f32 v57, v56;
	v43 =	vmul.f32 v60, v59  }
0x470: {  	v20 =	vmul.f32 v62, v61;
	v18 =	vmul.f32 v46, v18  }
0x471: {  	v21 =	vmul.f32 v49, v63;
	v40 =	vmul.f32 v52, v38  }
0x472: {  	v23 =	vmul.f32 v55, v41;
	v25 =	vmul.f32 v58, v42  }
0x473: {  	v24 =	vmul.f32 v39, v43;
	v19 =	vmul.f32 v19, v20  }
0x474: {  	v17 =	vadd.f32 v18, v17;
	v18 =	vadd.f32 v40, v21  }
0x475: {  	v44 =	vadd.f32 v25, v23;
	v19 =	vadd.f32 v19, v24;
	_ =	sdelay $0x1  }
0x476: {  	v17 =	vadd.f32 v18, v17;
	v18 =	vadd.f32 v19, v44;
	_ =	sdelay $0x1  }
0x477: {  	v17 =	vadd.f32 v18, v17;
	_ =	sdelay $0x1  }
0x478: {  	[tilespmem:$0x18990] =	vst v17  }
0x479: {  	v17 =	vld [tilespmem:s5+$0xCB00]  }
0x47a: {  	v18 =	vld [tilespmem:s5+$0x10B00]  }
0x47b: {  	v19 =	vld [tilespmem:s5+$0x14B00]  }
0x47c: {  	v45 =	vld [tilespmem:s5+$0xCB10]  }
0x47d: {  	v46 =	vld [tilespmem:s5+$0x10B10]  }
0x47e: {  	v47 =	vld [tilespmem:s5+$0x14B10]  }
0x47f: {  	v48 =	vld [tilespmem:s5+$0xCB20]  }
0x480: {  	v49 =	vld [tilespmem:s5+$0x10B20]  }
0x481: {  	v50 =	vld [tilespmem:s5+$0x14B20]  }
0x482: {  	v51 =	vld [tilespmem:s5+$0xCB30]  }
0x483: {  	v52 =	vld [tilespmem:s5+$0x10B30]  }
0x484: {  	v53 =	vld [tilespmem:s5+$0x14B30]  }
0x485: {  	v54 =	vld [tilespmem:s5+$0xCB40]  }
0x486: {  	v55 =	vld [tilespmem:s5+$0x10B40]  }
0x487: {  	v56 =	vld [tilespmem:s5+$0x14B40]  }
0x488: {  	v57 =	vld [tilespmem:s5+$0xCB50]  }
0x489: {  	v58 =	vld [tilespmem:s5+$0x10B50]  }
0x48a: {  	v60 =	vld [tilespmem:s5+$0xCB60]  }
0x48b: {  	v61 =	vld [tilespmem:s5+$0x10B60]  }
0x48c: {  	v62 =	vld [tilespmem:s5+$0xCB70]  }
0x48d: {  	v63 =	vld [tilespmem:s5+$0x10B70]  }
0x48e: {  	v59 =	vld [tilespmem:s5+$0x14B50];
	v17 =	vmul.f32 v18, v17;
	v18 =	vmul.f32 v46, v45  }
0x48f: {  	v40 =	vld [tilespmem:s5+$0x14B60];
	v38 =	vmul.f32 v49, v48;
	v39 =	vmul.f32 v52, v51  }
0x490: {  	v42 =	vmul.f32 v55, v54;
	v17 =	vmul.f32 v19, v17;
	v19 =	vld [tilespmem:s5+$0x14B70]  }
0x491: {  	v43 =	vmul.f32 v58, v57;
	v44 =	vmul.f32 v61, v60  }
0x492: {  	v20 =	vmul.f32 v63, v62;
	v18 =	vmul.f32 v47, v18  }
0x493: {  	v21 =	vmul.f32 v50, v38;
	v41 =	vmul.f32 v53, v39  }
0x494: {  	v23 =	vmul.f32 v56, v42;
	v25 =	vmul.f32 v59, v43  }
0x495: {  	v24 =	vmul.f32 v40, v44;
	v19 =	vmul.f32 v19, v20  }
0x496: {  	v17 =	vadd.f32 v18, v17;
	v18 =	vadd.f32 v41, v21  }
0x497: {  	v45 =	vadd.f32 v25, v23;
	v19 =	vadd.f32 v19, v24;
	_ =	sdelay $0x1  }
0x498: {  	v17 =	vadd.f32 v18, v17;
	v18 =	vadd.f32 v19, v45;
	_ =	sdelay $0x1  }
0x499: {  	v17 =	vadd.f32 v18, v17;
	_ =	sdelay $0x1  }
0x49a: {  	[tilespmem:$0x189A0] =	vst v17  }
0x49b: {  	v17 =	vld [tilespmem:s5+$0xCB80]  }
0x49c: {  	v18 =	vld [tilespmem:s5+$0x10B80]  }
0x49d: {  	v19 =	vld [tilespmem:s5+$0x14B80]  }
0x49e: {  	v46 =	vld [tilespmem:s5+$0xCB90]  }
0x49f: {  	v47 =	vld [tilespmem:s5+$0x10B90]  }
0x4a0: {  	v48 =	vld [tilespmem:s5+$0x14B90]  }
0x4a1: {  	v49 =	vld [tilespmem:s5+$0xCBA0]  }
0x4a2: {  	v50 =	vld [tilespmem:s5+$0x10BA0]  }
0x4a3: {  	v51 =	vld [tilespmem:s5+$0x14BA0]  }
0x4a4: {  	v52 =	vld [tilespmem:s5+$0xCBB0]  }
0x4a5: {  	v53 =	vld [tilespmem:s5+$0x10BB0]  }
0x4a6: {  	v54 =	vld [tilespmem:s5+$0x14BB0]  }
0x4a7: {  	v55 =	vld [tilespmem:s5+$0xCBC0]  }
0x4a8: {  	v56 =	vld [tilespmem:s5+$0x10BC0]  }
0x4a9: {  	v57 =	vld [tilespmem:s5+$0x14BC0]  }
0x4aa: {  	v58 =	vld [tilespmem:s5+$0xCBD0]  }
0x4ab: {  	v59 =	vld [tilespmem:s5+$0x10BD0]  }
0x4ac: {  	v61 =	vld [tilespmem:s5+$0xCBE0]  }
0x4ad: {  	v62 =	vld [tilespmem:s5+$0x10BE0]  }
0x4ae: {  	v63 =	vld [tilespmem:s5+$0xCBF0]  }
0x4af: {  	v38 =	vld [tilespmem:s5+$0x10BF0]  }
0x4b0: {  	v60 =	vld [tilespmem:s5+$0x14BD0];
	v17 =	vmul.f32 v18, v17;
	v18 =	vmul.f32 v47, v46  }
0x4b1: {  	v41 =	vld [tilespmem:s5+$0x14BE0];
	v39 =	vmul.f32 v50, v49;
	v40 =	vmul.f32 v53, v52  }
0x4b2: {  	v43 =	vmul.f32 v56, v55;
	v17 =	vmul.f32 v19, v17;
	v19 =	vld [tilespmem:s5+$0x14BF0]  }
0x4b3: {  	v44 =	vmul.f32 v59, v58;
	v45 =	vmul.f32 v62, v61  }
0x4b4: {  	v20 =	vmul.f32 v38, v63;
	v18 =	vmul.f32 v48, v18  }
0x4b5: {  	v21 =	vmul.f32 v51, v39;
	v42 =	vmul.f32 v54, v40  }
0x4b6: {  	v23 =	vmul.f32 v57, v43;
	v25 =	vmul.f32 v60, v44  }
0x4b7: {  	v24 =	vmul.f32 v41, v45;
	v19 =	vmul.f32 v19, v20  }
0x4b8: {  	v17 =	vadd.f32 v18, v17;
	v18 =	vadd.f32 v42, v21  }
0x4b9: {  	v46 =	vadd.f32 v25, v23;
	v19 =	vadd.f32 v19, v24;
	_ =	sdelay $0x1  }
0x4ba: {  	v17 =	vadd.f32 v18, v17;
	v18 =	vadd.f32 v19, v46;
	_ =	sdelay $0x1  }
0x4bb: {  	v17 =	vadd.f32 v18, v17;
	_ =	sdelay $0x1  }
0x4bc: {  	[tilespmem:$0x189B0] =	vst v17  }
0x4bd: {  	v17 =	vld [tilespmem:s5+$0xCC00]  }
0x4be: {  	v18 =	vld [tilespmem:s5+$0x10C00]  }
0x4bf: {  	v19 =	vld [tilespmem:s5+$0x14C00]  }
0x4c0: {  	v47 =	vld [tilespmem:s5+$0xCC10]  }
0x4c1: {  	v48 =	vld [tilespmem:s5+$0x10C10]  }
0x4c2: {  	v49 =	vld [tilespmem:s5+$0x14C10]  }
0x4c3: {  	v50 =	vld [tilespmem:s5+$0xCC20]  }
0x4c4: {  	v51 =	vld [tilespmem:s5+$0x10C20]  }
0x4c5: {  	v52 =	vld [tilespmem:s5+$0x14C20]  }
0x4c6: {  	v53 =	vld [tilespmem:s5+$0xCC30]  }
0x4c7: {  	v54 =	vld [tilespmem:s5+$0x10C30]  }
0x4c8: {  	v55 =	vld [tilespmem:s5+$0x14C30]  }
0x4c9: {  	v56 =	vld [tilespmem:s5+$0xCC40]  }
0x4ca: {  	v57 =	vld [tilespmem:s5+$0x10C40]  }
0x4cb: {  	v58 =	vld [tilespmem:s5+$0x14C40]  }
0x4cc: {  	v59 =	vld [tilespmem:s5+$0xCC50]  }
0x4cd: {  	v60 =	vld [tilespmem:s5+$0x10C50]  }
0x4ce: {  	v62 =	vld [tilespmem:s5+$0xCC60]  }
0x4cf: {  	v63 =	vld [tilespmem:s5+$0x10C60]  }
0x4d0: {  	v40 =	vld [tilespmem:s5+$0xCC70]  }
0x4d1: {  	v41 =	vld [tilespmem:s5+$0x10C70]  }
0x4d2: {  	v61 =	vld [tilespmem:s5+$0x14C50];
	v17 =	vmul.f32 v18, v17;
	v18 =	vmul.f32 v48, v47  }
0x4d3: {  	v44 =	vld [tilespmem:s5+$0x14C60];
	v42 =	vmul.f32 v51, v50;
	v43 =	vmul.f32 v54, v53  }
0x4d4: {  	v46 =	vmul.f32 v57, v56;
	v17 =	vmul.f32 v19, v17;
	v19 =	vld [tilespmem:s5+$0x14C70]  }
0x4d5: {  	v47 =	vmul.f32 v60, v59;
	v48 =	vmul.f32 v63, v62  }
0x4d6: {  	v20 =	vmul.f32 v41, v40;
	v18 =	vmul.f32 v49, v18  }
0x4d7: {  	v21 =	vmul.f32 v52, v42;
	v45 =	vmul.f32 v55, v43  }
0x4d8: {  	v23 =	vmul.f32 v58, v46;
	v25 =	vmul.f32 v61, v47  }
0x4d9: {  	v24 =	vmul.f32 v44, v48;
	v19 =	vmul.f32 v19, v20  }
0x4da: {  	v17 =	vadd.f32 v18, v17;
	v18 =	vadd.f32 v45, v21  }
0x4db: {  	v49 =	vadd.f32 v25, v23;
	v19 =	vadd.f32 v19, v24;
	_ =	sdelay $0x1  }
0x4dc: {  	v17 =	vadd.f32 v18, v17;
	v18 =	vadd.f32 v19, v49;
	_ =	sdelay $0x1  }
0x4dd: {  	v17 =	vadd.f32 v18, v17;
	_ =	sdelay $0x1  }
0x4de: {  	[tilespmem:$0x189C0] =	vst v17  }
0x4df: {  	v17 =	vld [tilespmem:s5+$0xCC80]  }
0x4e0: {  	v18 =	vld [tilespmem:s5+$0x10C80]  }
0x4e1: {  	v19 =	vld [tilespmem:s5+$0x14C80]  }
0x4e2: {  	v50 =	vld [tilespmem:s5+$0xCC90]  }
0x4e3: {  	v51 =	vld [tilespmem:s5+$0x10C90]  }
0x4e4: {  	v52 =	vld [tilespmem:s5+$0x14C90]  }
0x4e5: {  	v53 =	vld [tilespmem:s5+$0xCCA0]  }
0x4e6: {  	v54 =	vld [tilespmem:s5+$0x10CA0]  }
0x4e7: {  	v55 =	vld [tilespmem:s5+$0x14CA0]  }
0x4e8: {  	v56 =	vld [tilespmem:s5+$0xCCB0]  }
0x4e9: {  	v57 =	vld [tilespmem:s5+$0x10CB0]  }
0x4ea: {  	v58 =	vld [tilespmem:s5+$0x14CB0]  }
0x4eb: {  	v59 =	vld [tilespmem:s5+$0xCCC0]  }
0x4ec: {  	v60 =	vld [tilespmem:s5+$0x10CC0]  }
0x4ed: {  	v61 =	vld [tilespmem:s5+$0x14CC0]  }
0x4ee: {  	v62 =	vld [tilespmem:s5+$0xCCD0]  }
0x4ef: {  	v63 =	vld [tilespmem:s5+$0x10CD0]  }
0x4f0: {  	v41 =	vld [tilespmem:s5+$0xCCE0]  }
0x4f1: {  	v42 =	vld [tilespmem:s5+$0x10CE0]  }
0x4f2: {  	v43 =	vld [tilespmem:s5+$0xCCF0]  }
0x4f3: {  	v44 =	vld [tilespmem:s5+$0x10CF0]  }
0x4f4: {  	v40 =	vld [tilespmem:s5+$0x14CD0];
	v17 =	vmul.f32 v18, v17;
	v18 =	vmul.f32 v51, v50  }
0x4f5: {  	v47 =	vld [tilespmem:s5+$0x14CE0];
	v45 =	vmul.f32 v54, v53;
	v46 =	vmul.f32 v57, v56  }
0x4f6: {  	v49 =	vmul.f32 v60, v59;
	v17 =	vmul.f32 v19, v17;
	v19 =	vld [tilespmem:s5+$0x14CF0]  }
0x4f7: {  	v50 =	vmul.f32 v63, v62;
	v51 =	vmul.f32 v42, v41  }
0x4f8: {  	v20 =	vmul.f32 v44, v43;
	v18 =	vmul.f32 v52, v18  }
0x4f9: {  	v21 =	vmul.f32 v55, v45;
	v48 =	vmul.f32 v58, v46  }
0x4fa: {  	v23 =	vmul.f32 v61, v49;
	v25 =	vmul.f32 v40, v50  }
0x4fb: {  	v24 =	vmul.f32 v47, v51;
	v19 =	vmul.f32 v19, v20  }
0x4fc: {  	v17 =	vadd.f32 v18, v17;
	v18 =	vadd.f32 v48, v21  }
0x4fd: {  	v52 =	vadd.f32 v25, v23;
	v19 =	vadd.f32 v19, v24;
	_ =	sdelay $0x1  }
0x4fe: {  	v17 =	vadd.f32 v18, v17;
	v18 =	vadd.f32 v19, v52;
	_ =	sdelay $0x1  }
0x4ff: {  	v17 =	vadd.f32 v18, v17;
	_ =	sdelay $0x1  }
0x500: {  	[tilespmem:$0x189D0] =	vst v17  }
0x501: {  	v17 =	vld [tilespmem:s5+$0xCD00]  }
0x502: {  	v18 =	vld [tilespmem:s5+$0x10D00]  }
0x503: {  	v19 =	vld [tilespmem:s5+$0x14D00]  }
0x504: {  	v53 =	vld [tilespmem:s5+$0xCD10]  }
0x505: {  	v54 =	vld [tilespmem:s5+$0x10D10]  }
0x506: {  	v55 =	vld [tilespmem:s5+$0x14D10]  }
0x507: {  	v56 =	vld [tilespmem:s5+$0xCD20]  }
0x508: {  	v57 =	vld [tilespmem:s5+$0x10D20]  }
0x509: {  	v58 =	vld [tilespmem:s5+$0x14D20]  }
0x50a: {  	v59 =	vld [tilespmem:s5+$0xCD30]  }
0x50b: {  	v60 =	vld [tilespmem:s5+$0x10D30]  }
0x50c: {  	v61 =	vld [tilespmem:s5+$0x14D30]  }
0x50d: {  	v62 =	vld [tilespmem:s5+$0xCD40]  }
0x50e: {  	v63 =	vld [tilespmem:s5+$0x10D40]  }
0x50f: {  	v40 =	vld [tilespmem:s5+$0x14D40]  }
0x510: {  	v41 =	vld [tilespmem:s5+$0xCD50]  }
0x511: {  	v42 =	vld [tilespmem:s5+$0x10D50]  }
0x512: {  	v44 =	vld [tilespmem:s5+$0xCD60]  }
0x513: {  	v45 =	vld [tilespmem:s5+$0x10D60]  }
0x514: {  	v46 =	vld [tilespmem:s5+$0xCD70]  }
0x515: {  	v47 =	vld [tilespmem:s5+$0x10D70]  }
0x516: {  	v43 =	vld [tilespmem:s5+$0x14D50];
	v17 =	vmul.f32 v18, v17;
	v18 =	vmul.f32 v54, v53  }
0x517: {  	v50 =	vld [tilespmem:s5+$0x14D60];
	v48 =	vmul.f32 v57, v56;
	v49 =	vmul.f32 v60, v59  }
0x518: {  	v52 =	vmul.f32 v63, v62;
	v17 =	vmul.f32 v19, v17;
	v19 =	vld [tilespmem:s5+$0x14D70]  }
0x519: {  	v53 =	vmul.f32 v42, v41;
	v54 =	vmul.f32 v45, v44  }
0x51a: {  	v20 =	vmul.f32 v47, v46;
	v18 =	vmul.f32 v55, v18  }
0x51b: {  	v21 =	vmul.f32 v58, v48;
	v51 =	vmul.f32 v61, v49  }
0x51c: {  	v23 =	vmul.f32 v40, v52;
	v25 =	vmul.f32 v43, v53  }
0x51d: {  	v24 =	vmul.f32 v50, v54;
	v19 =	vmul.f32 v19, v20  }
0x51e: {  	v17 =	vadd.f32 v18, v17;
	v18 =	vadd.f32 v51, v21  }
0x51f: {  	v55 =	vadd.f32 v25, v23;
	v19 =	vadd.f32 v19, v24;
	_ =	sdelay $0x1  }
0x520: {  	v17 =	vadd.f32 v18, v17;
	v18 =	vadd.f32 v19, v55;
	_ =	sdelay $0x1  }
0x521: {  	v17 =	vadd.f32 v18, v17;
	_ =	sdelay $0x1  }
0x522: {  	[tilespmem:$0x189E0] =	vst v17  }
0x523: {  	v17 =	vld [tilespmem:s5+$0xCD80]  }
0x524: {  	v18 =	vld [tilespmem:s5+$0x10D80]  }
0x525: {  	v19 =	vld [tilespmem:s5+$0x14D80]  }
0x526: {  	v56 =	vld [tilespmem:s5+$0xCD90]  }
0x527: {  	v57 =	vld [tilespmem:s5+$0x10D90]  }
0x528: {  	v58 =	vld [tilespmem:s5+$0x14D90]  }
0x529: {  	v59 =	vld [tilespmem:s5+$0xCDA0]  }
0x52a: {  	v60 =	vld [tilespmem:s5+$0x10DA0]  }
0x52b: {  	v61 =	vld [tilespmem:s5+$0x14DA0]  }
0x52c: {  	v62 =	vld [tilespmem:s5+$0xCDB0]  }
0x52d: {  	v63 =	vld [tilespmem:s5+$0x10DB0]  }
0x52e: {  	v40 =	vld [tilespmem:s5+$0x14DB0]  }
0x52f: {  	v41 =	vld [tilespmem:s5+$0xCDC0]  }
0x530: {  	v42 =	vld [tilespmem:s5+$0x10DC0]  }
0x531: {  	v43 =	vld [tilespmem:s5+$0x14DC0]  }
0x532: {  	v44 =	vld [tilespmem:s5+$0xCDD0]  }
0x533: {  	v45 =	vld [tilespmem:s5+$0x10DD0]  }
0x534: {  	v47 =	vld [tilespmem:s5+$0xCDE0]  }
0x535: {  	v48 =	vld [tilespmem:s5+$0x10DE0]  }
0x536: {  	v49 =	vld [tilespmem:s5+$0xCDF0]  }
0x537: {  	v50 =	vld [tilespmem:s5+$0x10DF0]  }
0x538: {  	v46 =	vld [tilespmem:s5+$0x14DD0];
	v17 =	vmul.f32 v18, v17;
	v18 =	vmul.f32 v57, v56  }
0x539: {  	v53 =	vld [tilespmem:s5+$0x14DE0];
	v51 =	vmul.f32 v60, v59;
	v52 =	vmul.f32 v63, v62  }
0x53a: {  	v55 =	vmul.f32 v42, v41;
	v17 =	vmul.f32 v19, v17;
	v19 =	vld [tilespmem:s5+$0x14DF0]  }
0x53b: {  	v56 =	vmul.f32 v45, v44;
	v57 =	vmul.f32 v48, v47  }
0x53c: {  	v20 =	vmul.f32 v50, v49;
	v18 =	vmul.f32 v58, v18  }
0x53d: {  	v21 =	vmul.f32 v61, v51;
	v54 =	vmul.f32 v40, v52  }
0x53e: {  	v23 =	vmul.f32 v43, v55;
	v25 =	vmul.f32 v46, v56  }
0x53f: {  	v24 =	vmul.f32 v53, v57;
	v19 =	vmul.f32 v19, v20  }
0x540: {  	v17 =	vadd.f32 v18, v17;
	v18 =	vadd.f32 v54, v21  }
0x541: {  	v58 =	vadd.f32 v25, v23;
	v19 =	vadd.f32 v19, v24;
	_ =	sdelay $0x1  }
0x542: {  	v17 =	vadd.f32 v18, v17;
	v18 =	vadd.f32 v19, v58;
	_ =	sdelay $0x1  }
0x543: {  	v17 =	vadd.f32 v18, v17;
	_ =	sdelay $0x1  }
0x544: {  	[tilespmem:$0x189F0] =	vst v17  }
0x545: {  	v17 =	vld.idx.msk [tilespmem:v0+s29+$0x0], $0xffff  }
0x546: {  	v18 =	vld.idx.msk [tilespmem:v1+s29+$0x0], $0xffff;
	_ =	sdelay $0x1  }
0x547: {  	v19 =	vld.idx.msk [tilespmem:v2+s29+$0x0], $0xffff;
	_ =	sdelay $0x1  }
0x548: {  	v59 =	vld.idx.msk [tilespmem:v3+s29+$0x0], $0xffff  }
0x549: {  	v17 =	vadd.f32 v18, v17  }
0x54a: {  	v18 =	vld.idx.msk [tilespmem:v4+s29+$0x0], $0xffff  }
0x54b: {  	v17 =	vadd.f32 v19, v17  }
0x54c: {  	v19 =	vld.idx.msk [tilespmem:v5+s29+$0x0], $0xffff  }
0x54d: {  	v17 =	vadd.f32 v59, v17  }
0x54e: {  	v60 =	vld.idx.msk [tilespmem:v6+s29+$0x0], $0xffff  }
0x54f: {  	v17 =	vadd.f32 v18, v17  }
0x550: {  	v18 =	vld.idx.msk [tilespmem:v7+s29+$0x0], $0xffff  }
0x551: {  	v17 =	vadd.f32 v19, v17  }
0x552: {  	v19 =	vld.idx.msk [tilespmem:v8+s29+$0x0], $0xffff  }
0x553: {  	v17 =	vadd.f32 v60, v17  }
0x554: {  	v61 =	vld.idx.msk [tilespmem:v9+s29+$0x0], $0xffff  }
0x555: {  	v17 =	vadd.f32 v18, v17  }
0x556: {  	v18 =	vld.idx.msk [tilespmem:v10+s29+$0x0], $0xffff  }
0x557: {  	v17 =	vadd.f32 v19, v17  }
0x558: {  	v19 =	vld.idx.msk [tilespmem:v11+s29+$0x0], $0xffff  }
0x559: {  	v17 =	vadd.f32 v61, v17  }
0x55a: {  	v62 =	vld.idx.msk [tilespmem:v12+s29+$0x0], $0xffff  }
0x55b: {  	v17 =	vadd.f32 v18, v17  }
0x55c: {  	v18 =	vld.idx.msk [tilespmem:v13+s29+$0x0], $0xffff  }
0x55d: {  	v17 =	vadd.f32 v19, v17  }
0x55e: {  	v19 =	vld.idx.msk [tilespmem:v14+s29+$0x0], $0xffff  }
0x55f: {  	v17 =	vadd.f32 v62, v17  }
0x560: {  	v63 =	vld.idx.msk [tilespmem:v15+s29+$0x0], $0xffff  }
0x561: {  	v17 =	vadd.f32 v18, v17  }
0x562: {  	p1 =	sne.s32 s19, $0x7  }
.Ltmp1:
0x563: {  	v17 =	vadd.f32 v19, v17;
	(pc) =	sbr.rel @p1 .LBB2_5-.Ltmp1, $4  }
0x564: {  	_ = 	snop  }
0x565: {  	s0 =	sshll.u32 s19, $0x4;
	v17 =	vadd.f32 v63, v17  }
0x566: {  	s0 =	sand.u32 $0x3FFFFFF0, s0  }
0x567: {  	s19 =	sadd.s32 $0x1, s19;
	[tilespmem:v16+s0+$0x0 ss:$0x1] =	vst.idx.msk $0xffff, v17  }
0x568: {  	s8 =	simm.s32 $0x400;
	p1 =	por $0x0, $0x0;
	s31 =	simm.s32 $0x5F0  }
0x569: {  	s6 =	simm.s32 $0x3F0;
	s7 =	simm.s32 $0x1F0;
	s9 =	simm.s32 $0x5E0  }
0x56a: {  	s10 =	simm.s32 $0x3E0;
	s11 =	simm.s32 $0x1E0;
	s12 =	simm.s32 $0x5D0  }
0x56b: {  	s13 =	simm.s32 $0x3D0;
	s14 =	simm.s32 $0x1D0;
	s15 =	simm.s32 $0x5C0  }
.Ltmp2:
0x56c: {  	s16 =	simm.s32 $0x3C0;
	s17 =	simm.s32 $0x1C0;
	(pc) =	sbr.rel @p0 .LBB2_2-.Ltmp2, $4  }
0x56d: {  	s18 =	simm.s32 $0x5B0;
	s0 =	simm.s32 $0x3B0;
	s4 =	simm.s32 $0x1B0  }
0x56e: {  	s3 =	simm.s32 $0x5A0;
	s21 =	simm.s32 $0x3A0;
	s22 =	simm.s32 $0x1A0  }
0x56f: {  	s23 =	simm.s32 $0x590;
	s24 =	simm.s32 $0x390;
	s25 =	simm.s32 $0x190  }
0x570: {  	s5 =	simm.s32 $0x580;
	s19 =	simm.s32 $0x380;
	s26 =	simm.s32 $0x180  }
0x571: {  	s10 =	simm.s32 $0x0  }
0x572: {  	s0 =	rddreg [dreg:$0x13];
	s3 =	simm.s32 $0x18A00;
	s26 =	simm.s32 $0x3  }
0x573: {  	[hbm4b:s0+s10] =	stream.linear.scatter [tilespmem:s3], [sflag:$0x3], $0x200, $0x38;
	[tilespmem:$0x18C00] =	vst v63  }
0x574: {  	_ =	swait.ge [sflag:s26], $0x200  }
0x575: {  	s4 =	rddreg [dreg:$0x15]  }
0x576: {  	s31 =	rddreg [dreg:$0x14];
	s4 =	sadd.s32 $0x1, s4  }
0x577: {  	p0 =	sne.s32 s4, s31  }
.Ltmp3:
0x578: {  	_ = 	snop;
	(pc) =	sbr.rel @p0 .LBB2_1-.Ltmp3, $3  }
0x579: {  	_ =	sdelay $0x1  }
0x57a: {  	[sflag:s26] =	ssyncset.done $0x0  }
0x57b: {  	[sflag:s26] =	ssyncadd.s32 $0xFFFFFE00  }
0x57c: {  	_ =	sfence.sel $0x180000  }
0x57d: {  	[bflag:$0x0] =	sbarrier.arrive $0xFFFF  }
0x57e: {  	_ =	strace $0x90000047  }
0x57f: {  	s0 =	stileid.u32;
	[bflag:$0x2] =	sbarrier.arrive $0xFFFF  }
0x580: {  	p0 =	sne.s32 s0, $0x0;
	s0 =	rddreg [dreg:$0x6]  }
0x581: {  	s0 =	sadd.s32 @!p0 $0x100000, s0  }
0x582: {  	[sflag:s0] =	ssyncadd.tile.s32 @!p0 $0x1;
	_ =	shalt  }
.Lfunc_end2:
_tile_overlayer_lowered:
.L_overlay_start_2:
0x583: {  	(tag) =	ssettag $0x2  }
0x584: {  	s0 =	rddreg [dreg:$0x0];
	s2 =	stileid.u32  }
0x585: {  	s1 =	rddreg [dreg:$0x1];
	p0 =	sne.s32 s2, $0x0  }
0x586: {  	s3 =	rddreg [dreg:$0x2];
	[bflag:$0x3] =	sbarrier.arrive $0xFFFF;
	s2 =	simm.s32 @!p0 $0x1C03  }
0x587: {  	[timem:s3], [sflag:s2] =	dma.local @!p0 [hbm:s0], s1  }
0x588: {  	s0 =	simm.s32 @!p0 $0x3  }
0x589: {  	_ =	swait.ge @!p0 [sflag:s0], s1  }
0x58a: {  	s1 =	ssub.s32 @!p0 $0x0, s1;
	[sflag:s0] =	ssyncset.done @!p0 $0x0  }
0x58b: {  	[sflag:s0] =	ssyncadd.s32 @!p0 s1  }
0x58c: {  	[bflag:$0x3] =	sbarrier.arrive $0xFFFF  }
0x58d: {  	_ =	shalt  }

</sc_bundles>
